<compile_context>
chip_gen: v7x
topology: tpu7x:2x2x1
jax: 0.10.2.dev20260603
libtpu: 0.0.44.dev20260713+nightly
codegen_flags: <defaults>
</compile_context>

<pallas_src>
import functools

import jax
import jax.numpy as jnp
from jax import lax
from jax.experimental import pallas as pl
from jax.experimental.pallas import tpu as pltpu
from jax.experimental.pallas import tpu_sc as plsc

N = 10000
E = 320000
D = 128

NC = 2
NS = 16
NW = NC * NS

EPW = E // NW
CHK = 128
NCH = 82
EPW_PAD = NCH * CHK
PAIRS = 40
SH_ROWS = 10240
RPS = SH_ROWS // NS
ZB = 64


def _build_sc_agg():
  mesh = plsc.VectorSubcoreMesh(core_axis_name="c", subcore_axis_name="s")

  @functools.partial(
      pl.kernel,
      out_type=jax.ShapeDtypeStruct((NC * SH_ROWS, D), jnp.float32),
      mesh=mesh,
      scratch_types=[
          pltpu.VMEM((EPW_PAD,), jnp.int32),
          pltpu.VMEM((2, CHK), jnp.int32),
          pltpu.VMEM((CHK, D), jnp.float32),
          pltpu.VMEM((CHK, D), jnp.float32),
          pltpu.VMEM_SHARED((SH_ROWS, D), jnp.float32),
          pltpu.SemaphoreType.DMA,
          pltpu.SemaphoreType.DMA,
          pltpu.SemaphoreType.DMA,
          pltpu.SemaphoreType.DMA,
      ],
  )
  def sc_agg(g_hbm, src_hbm, dst_hbm, out_hbm,
             src_v, dstb, rows0, rows1, acc_sh, semg0, semg1, semi0, semi1):
    c = lax.axis_index("c")
    s = lax.axis_index("s")
    wid = c * NS + s

    pltpu.sync_copy(src_hbm.at[wid], src_v)

    zvec = jnp.zeros((16,), jnp.float32)

    def zrow(i, carry):
      for k in range(D // 16):
        rows0[i, pl.ds(k * 16, 16)] = zvec
      return carry

    lax.fori_loop(jnp.int32(0), jnp.int32(ZB), zrow, jnp.int32(0))
    for r in range(RPS // ZB):
      pltpu.sync_copy(rows0.at[pl.ds(0, ZB)],
                      acc_sh.at[pl.ds(s * RPS + r * ZB, ZB)])
    plsc.subcore_barrier()

    def gidx(j):
      return src_v.at[pl.ds(j * CHK, CHK)]

    def didx(j):
      return dst_hbm.at[wid, pl.ds(j * CHK, CHK)]

    i0 = jnp.int32(0)
    i1 = jnp.int32(1)
    pltpu.async_copy(g_hbm.at[gidx(i0)], rows0, semg0)
    pltpu.async_copy(g_hbm.at[gidx(i1)], rows1, semg1)
    pltpu.async_copy(didx(i0), dstb.at[i0], semi0)
    pltpu.async_copy(didx(i1), dstb.at[i1], semi1)

    def half(j, rows, semg, semi, slot):
      pltpu.make_async_copy(g_hbm.at[gidx(j)], rows, semg).wait()
      pltpu.make_async_copy(didx(j), dstb.at[slot], semi).wait()
      pltpu.sync_copy(rows, acc_sh.at[dstb.at[slot]], add=True)
      pltpu.async_copy(didx(j + 2), dstb.at[slot], semi)
      pltpu.async_copy(g_hbm.at[gidx(j + 2)], rows, semg)

    def step(jj, carry):
      j0 = jnp.int32(2) * jj
      half(j0, rows0, semg0, semi0, i0)
      half(j0 + 1, rows1, semg1, semi1, i1)
      return carry

    lax.fori_loop(jnp.int32(0), jnp.int32(PAIRS), step, jnp.int32(0))
    jl0 = jnp.int32(NCH - 2)
    jl1 = jnp.int32(NCH - 1)
    pltpu.make_async_copy(g_hbm.at[gidx(jl0)], rows0, semg0).wait()
    pltpu.make_async_copy(g_hbm.at[gidx(jl1)], rows1, semg1).wait()
    pltpu.make_async_copy(didx(jl0), dstb.at[i0], semi0).wait()
    pltpu.make_async_copy(didx(jl1), dstb.at[i1], semi1).wait()
    plsc.subcore_barrier()

    base = c * SH_ROWS + s * RPS
    for r in range(RPS // CHK):
      pltpu.sync_copy(acc_sh.at[pl.ds(s * RPS + r * CHK, CHK)],
                      out_hbm.at[pl.ds(base + r * CHK, CHK)])

  return sc_agg


def _build_sc_deg():
  mesh = plsc.VectorSubcoreMesh(core_axis_name="c", subcore_axis_name="s")

  @functools.partial(
      pl.kernel,
      out_type=jax.ShapeDtypeStruct((NC * SH_ROWS, D), jnp.float32),
      mesh=mesh,
      scratch_types=[
          pltpu.VMEM((NCH, CHK), jnp.int32),
          pltpu.VMEM((CHK, D), jnp.float32),
          pltpu.VMEM((ZB, D), jnp.float32),
          pltpu.VMEM_SHARED((SH_ROWS, D), jnp.float32),
      ],
  )
  def sc_deg(dst_hbm, out_hbm, dst_v, ones2, z2, deg_sh):
    c = lax.axis_index("c")
    s = lax.axis_index("s")
    wid = c * NS + s

    pltpu.sync_copy(dst_hbm.at[wid], dst_v)

    zvec = jnp.zeros((16,), jnp.float32)
    ovec = jnp.full((16,), 1.0, jnp.float32)

    def fill(i, carry):
      for k in range(D // 16):
        ones2[i, pl.ds(k * 16, 16)] = ovec
      return carry

    lax.fori_loop(jnp.int32(0), jnp.int32(CHK), fill, jnp.int32(0))

    def zfill(i, carry):
      for k in range(D // 16):
        z2[i, pl.ds(k * 16, 16)] = zvec
      return carry

    lax.fori_loop(jnp.int32(0), jnp.int32(ZB), zfill, jnp.int32(0))
    for r in range(RPS // ZB):
      pltpu.sync_copy(z2, deg_sh.at[pl.ds(s * RPS + r * ZB, ZB)])
    plsc.subcore_barrier()

    def count(j, carry):
      pltpu.sync_copy(ones2, deg_sh.at[dst_v.at[j]], add=True)
      return carry

    lax.fori_loop(jnp.int32(0), jnp.int32(NCH), count, jnp.int32(0))
    plsc.subcore_barrier()

    base = c * SH_ROWS + s * RPS
    for r in range(RPS // 128):
      pltpu.sync_copy(deg_sh.at[pl.ds(s * RPS + r * 128, 128)],
                      out_hbm.at[pl.ds(base + r * 128, 128)])

  return sc_deg


_TC_BR = 2000


def _tc_entry_body(x_ref, w_ref, dinv_ref, o_ref):
  o_ref[...] = jnp.dot(x_ref[...], w_ref[...],
                       preferred_element_type=jnp.float32) * dinv_ref[...]


def _tc_mid_body(agg_ref, g_ref, dinv_ref, b_ref, w_ref, o_ref):
  a = agg_ref[0] + agg_ref[1] + g_ref[...]
  h = jnp.maximum(a * dinv_ref[...] + b_ref[...], 0.0)
  o_ref[...] = jnp.dot(h, w_ref[...],
                       preferred_element_type=jnp.float32) * dinv_ref[...]


def _tc_exit_body(agg_ref, g_ref, dinv_ref, b_ref, o_ref):
  a = agg_ref[0] + agg_ref[1] + g_ref[...]
  o_ref[...] = a * dinv_ref[...] + b_ref[...]


def _tc_specs():
  full_w = pl.BlockSpec((D, D), lambda i: (jnp.int32(0), jnp.int32(0)))
  rows = pl.BlockSpec((_TC_BR, D), lambda i: (i, jnp.int32(0)))
  dinv = pl.BlockSpec((_TC_BR, 1), lambda i: (i, jnp.int32(0)))
  bias = pl.BlockSpec((1, D), lambda i: (jnp.int32(0), jnp.int32(0)))
  agg = pl.BlockSpec((NC, _TC_BR, D),
                     lambda i: (jnp.int32(0), i, jnp.int32(0)))
  return full_w, rows, dinv, bias, agg


def _tc_entry(x, w, dinv_col):
  full_w, rows, dinv, _, _ = _tc_specs()
  return pl.pallas_call(
      _tc_entry_body,
      grid=(N // _TC_BR,),
      in_specs=[rows, full_w, dinv],
      out_specs=rows,
      out_shape=jax.ShapeDtypeStruct((N, D), jnp.float32),
  )(x, w, dinv_col)


def _tc_mid(agg, g, dinv_col, b2d, w):
  full_w, rows, dinv, bias, aggs = _tc_specs()
  return pl.pallas_call(
      _tc_mid_body,
      grid=(N // _TC_BR,),
      in_specs=[aggs, rows, dinv, bias, full_w],
      out_specs=rows,
      out_shape=jax.ShapeDtypeStruct((N, D), jnp.float32),
  )(agg, g, dinv_col, b2d, w)


def _tc_exit(agg, g, dinv_col, b2d):
  _, rows, dinv, bias, aggs = _tc_specs()
  return pl.pallas_call(
      _tc_exit_body,
      grid=(N // _TC_BR,),
      in_specs=[aggs, rows, dinv, bias],
      out_specs=rows,
      out_shape=jax.ShapeDtypeStruct((N, D), jnp.float32),
  )(agg, g, dinv_col, b2d)


def kernel(x, edge_index, W1, b1, W2, b2, W3, b3):
  out_dtype = jnp.result_type(x.dtype, b3.dtype)
  x = x.astype(jnp.float32)
  W1, b1 = W1.astype(jnp.float32), b1.astype(jnp.float32)
  W2, b2 = W2.astype(jnp.float32), b2.astype(jnp.float32)
  W3, b3 = W3.astype(jnp.float32), b3.astype(jnp.float32)
  src = edge_index[0].astype(jnp.int32).reshape(NW, EPW)
  dst = edge_index[1].astype(jnp.int32).reshape(NW, EPW)
  pad = EPW_PAD - EPW
  srcw = jnp.pad(src, ((0, 0), (0, pad)))
  dstw = jnp.pad(dst, ((0, 0), (0, pad)), constant_values=N)
  dstw3 = dstw.reshape(NW, NCH, CHK)
  sc_deg = _build_sc_deg()
  sc_agg = _build_sc_agg()

  degp = sc_deg(dstw3).reshape(NC, SH_ROWS, D)
  deg = degp[0, :N, 0] + degp[1, :N, 0] + 1.0
  dinv_col = lax.rsqrt(deg)[:, None]

  b1_2d = b1.reshape(1, D)
  b2_2d = b2.reshape(1, D)
  b3_2d = b3.reshape(1, D)

  g1 = _tc_entry(x, W1, dinv_col)
  agg1 = sc_agg(g1, srcw, dstw).reshape(NC, SH_ROWS, D)
  g2 = _tc_mid(agg1, g1, dinv_col, b1_2d, W2)
  agg2 = sc_agg(g2, srcw, dstw).reshape(NC, SH_ROWS, D)
  g3 = _tc_mid(agg2, g2, dinv_col, b2_2d, W3)
  agg3 = sc_agg(g3, srcw, dstw).reshape(NC, SH_ROWS, D)
  return _tc_exit(agg3, g3, dinv_col, b3_2d).astype(out_dtype)

# --- scband reference (transcript-rebuilt; emitter-appended) ---
"""Pipeline reference for scband-asa-38611755991794 (READ-ONLY COPY).

The authoritative reference and input builder live on the scoring server;
editing this copy changes nothing except your own understanding.
"""

import jax
jax.config.update('jax_enable_x64', True)
import jax.numpy as jnp
import numpy as np

N = 10000
E = 320000
D_IN = 128
D_HID = 128
D_OUT = 128


def setup_inputs(seed: int = 0):
    key = jax.random.key(seed)
    ks = jax.random.split(key, 9)
    x = jax.random.normal(ks[0], (N, D_IN), dtype=jnp.float32)
    edge_index = jax.random.randint(ks[1], (2, E), 0, N, dtype=jnp.int64)
    W1 = jax.random.normal(ks[2], (D_IN, D_HID), dtype=jnp.float32) * (1.0 / np.sqrt(D_IN))
    b1 = jnp.zeros((D_HID,), dtype=jnp.float32)
    W2 = jax.random.normal(ks[3], (D_HID, D_HID), dtype=jnp.float32) * (1.0 / np.sqrt(D_HID))
    b2 = jnp.zeros((D_HID,), dtype=jnp.float32)
    W3 = jax.random.normal(ks[4], (D_HID, D_OUT), dtype=jnp.float32) * (1.0 / np.sqrt(D_HID))
    b3 = jnp.zeros((D_OUT,), dtype=jnp.float32)
    return {"x": x, "edge_index": edge_index, "W1": W1, "b1": b1, "W2": W2, "b2": b2, "W3": W3, "b3": b3}


def _gcn_conv(x, src, dst, W, b):
    # GCNConv with added self-loops and symmetric normalization
    loop = jnp.arange(N, dtype=src.dtype)
    s = jnp.concatenate([src, loop])
    d = jnp.concatenate([dst, loop])
    deg = jnp.zeros((N,), dtype=x.dtype).at[d].add(1.0)
    dinv = jnp.where(deg > 0, 1.0 / jnp.sqrt(deg), 0.0)
    norm = dinv[s] * dinv[d]
    h = x @ W
    msg = h[s] * norm[:, None]
    out = jnp.zeros((N, W.shape[1]), dtype=x.dtype).at[d].add(msg)
    return out + b


def reference(x, edge_index, W1, b1, W2, b2, W3, b3):
    # eval mode: dropout_adj is skipped
    src = edge_index[0]
    dst = edge_index[1]
    h = _gcn_conv(x, src, dst, W1, b1)
    h = jax.nn.relu(h)
    h = _gcn_conv(h, src, dst, W2, b2)
    h = jax.nn.relu(h)
    h = _gcn_conv(h, src, dst, W3, b3)
    return h

if __name__ == "__main__":
    import jax
    _d = setup_inputs()
    print(jax.jit(kernel)(*tuple(_d.values())))

</pallas_src>

<mosaic_0001>
#map = affine_map<(d0, d1) -> (0, 0)>
module attributes {stable_mosaic.version = 14 : i64} {
  func.func @sc_agg(%arg0: i32, %arg1: i32, %arg2: memref<10000x128xf32, #tpu.memory_space<hbm>>, %arg3: memref<32x10496xi32, #tpu.memory_space<hbm>>, %arg4: memref<32x10496xi32, #tpu.memory_space<hbm>>, %arg5: memref<20480x128xf32, #tpu.memory_space<hbm>>, %arg6: memref<10496xi32, #tpu.memory_space<vmem>>, %arg7: memref<2x128xi32, #tpu.memory_space<vmem>>, %arg8: memref<128x128xf32, #tpu.memory_space<vmem>>, %arg9: memref<128x128xf32, #tpu.memory_space<vmem>>, %arg10: memref<10240x128xf32, #tpu.memory_space<vmem_shared>>, %arg11: memref<!tpu.dma_semaphore, #tpu.memory_space<semaphore_mem>>, %arg12: memref<!tpu.dma_semaphore, #tpu.memory_space<semaphore_mem>>, %arg13: memref<!tpu.dma_semaphore, #tpu.memory_space<semaphore_mem>>, %arg14: memref<!tpu.dma_semaphore, #tpu.memory_space<semaphore_mem>>) attributes {dimension_semantics = [#tpu.dimension_semantics<core_parallel>, #tpu.dimension_semantics<subcore_parallel>], iteration_bounds = array<i64: 2, 16>, scalar_prefetch = 0 : i64, scratch_operands = 9 : i64, tpu.core_type = #tpu.core_type<sc_vector_subcore>, window_params = [{transform_indices = #map}, {transform_indices = #map}, {transform_indices = #map}, {transform_indices = #map}]} {
    %mul3A = arith.constant 16 : i32
    %mul3A_0 = arith.muli %arg0, %mul3A : i32
    %add3A = arith.addi %mul3A_0, %arg1 : i32
    "tpu.region"() ({
      %run_scoped3A = tpu.sem_alloc : memref<!tpu.dma_semaphore, #tpu.memory_space<semaphore_mem>>
      %dma_start3A_183 = arith.constant 0 : i32
      %dma_start3A_184 = tpu.memref_slice %arg3[%add3A, %dma_start3A_183] : memref<32x10496xi32, #tpu.memory_space<hbm>> -> memref<1x10496xi32, #tpu.memory_space<hbm>>
      %dma_start3A_185 = tpu.memref_squeeze %dma_start3A_184 : memref<1x10496xi32, #tpu.memory_space<hbm>> -> memref<10496xi32, #tpu.memory_space<hbm>>
      %dma_start3A_186 = arith.constant 0 : i32
      %dma_start3A_187 = tpu.memref_slice %arg3[%add3A, %dma_start3A_186] : memref<32x10496xi32, #tpu.memory_space<hbm>> -> memref<1x10496xi32, #tpu.memory_space<hbm>>
      %dma_start3A_188 = tpu.memref_squeeze %dma_start3A_187 : memref<1x10496xi32, #tpu.memory_space<hbm>> -> memref<10496xi32, #tpu.memory_space<hbm>>
      tpu.enqueue_dma source(%dma_start3A_188 : memref<10496xi32, #tpu.memory_space<hbm>>) target(%arg6 : memref<10496xi32, #tpu.memory_space<vmem>>) target_semaphore(%run_scoped3A : memref<!tpu.dma_semaphore, #tpu.memory_space<semaphore_mem>>)
      %dma_wait3A_189 = arith.constant 0 : i32
      %dma_wait3A_190 = tpu.memref_slice %arg3[%add3A, %dma_wait3A_189] : memref<32x10496xi32, #tpu.memory_space<hbm>> -> memref<1x10496xi32, #tpu.memory_space<hbm>>
      %dma_wait3A_191 = tpu.memref_squeeze %dma_wait3A_190 : memref<1x10496xi32, #tpu.memory_space<hbm>> -> memref<10496xi32, #tpu.memory_space<hbm>>
      %dma_wait3A_192 = arith.constant 0 : i32
      %dma_wait3A_193 = tpu.memref_slice %arg3[%add3A, %dma_wait3A_192] : memref<32x10496xi32, #tpu.memory_space<hbm>> -> memref<1x10496xi32, #tpu.memory_space<hbm>>
      %dma_wait3A_194 = tpu.memref_squeeze %dma_wait3A_193 : memref<1x10496xi32, #tpu.memory_space<hbm>> -> memref<10496xi32, #tpu.memory_space<hbm>>
      tpu.wait_dma2 semaphore(%run_scoped3A : memref<!tpu.dma_semaphore, #tpu.memory_space<semaphore_mem>>) src(%dma_wait3A_194 : memref<10496xi32, #tpu.memory_space<hbm>>) dst(%arg6 : memref<10496xi32, #tpu.memory_space<vmem>>)
      tpu.yield
    }) : () -> ()
    %broadcast_in_dim3A = arith.constant 0.000000e+00 : f32
    %broadcast_in_dim3A_1 = vector.broadcast %broadcast_in_dim3A : f32 to vector<16xf32>
    %while3A = arith.constant 0 : i32
    %while3A_2 = arith.constant 0 : i32
    %while3A_3 = arith.constant 64 : i32
    %while3A_4 = arith.subi %while3A_3, %while3A_2 : i32
    %while3A_5 = arith.addi %while3A_2, %while3A_4 : i32
    %while3A_6 = arith.constant 1 : i32
    %while3A_7 = arith.divsi %while3A_4, %while3A_6 : i32
    %while3A_8 = arith.muli %while3A_7, %while3A_6 : i32
    %while3A_9 = arith.addi %while3A_2, %while3A_8 : i32
    %while3A_10 = arith.constant 1 : i32
    scf.for %while3A_183 = %while3A_2 to %while3A_9 step %while3A_10  : i32 {
      %swap3A = arith.index_cast %while3A_183 : i32 to index
      %swap3A_184 = arith.constant 0 : index
      %swap3A_185 = tpu.vector_load %arg8[%swap3A, %swap3A_184] {strides = array<i32>} : memref<128x128xf32, #tpu.memory_space<vmem>>, vector<1x16xf32>,
      %swap3A_186 = vector.shape_cast %swap3A_185 : vector<1x16xf32> to vector<16xf32>
      %swap3A_187 = vector.shape_cast %broadcast_in_dim3A_1 : vector<16xf32> to vector<1x16xf32>
      tpu.vector_store %arg8[%swap3A, %swap3A_184], %swap3A_187 {strides = array<i32>} : memref<128x128xf32, #tpu.memory_space<vmem>>, vector<1x16xf32>,
      %swap3A_188 = arith.index_cast %while3A_183 : i32 to index
      %swap3A_189 = arith.constant 16 : index
      %swap3A_190 = tpu.vector_load %arg8[%swap3A_188, %swap3A_189] {strides = array<i32>} : memref<128x128xf32, #tpu.memory_space<vmem>>, vector<1x16xf32>,
      %swap3A_191 = vector.shape_cast %swap3A_190 : vector<1x16xf32> to vector<16xf32>
      %swap3A_192 = vector.shape_cast %broadcast_in_dim3A_1 : vector<16xf32> to vector<1x16xf32>
      tpu.vector_store %arg8[%swap3A_188, %swap3A_189], %swap3A_192 {strides = array<i32>} : memref<128x128xf32, #tpu.memory_space<vmem>>, vector<1x16xf32>,
      %swap3A_193 = arith.index_cast %while3A_183 : i32 to index
      %swap3A_194 = arith.constant 32 : index
      %swap3A_195 = tpu.vector_load %arg8[%swap3A_193, %swap3A_194] {strides = array<i32>} : memref<128x128xf32, #tpu.memory_space<vmem>>, vector<1x16xf32>,
      %swap3A_196 = vector.shape_cast %swap3A_195 : vector<1x16xf32> to vector<16xf32>
      %swap3A_197 = vector.shape_cast %broadcast_in_dim3A_1 : vector<16xf32> to vector<1x16xf32>
      tpu.vector_store %arg8[%swap3A_193, %swap3A_194], %swap3A_197 {strides = array<i32>} : memref<128x128xf32, #tpu.memory_space<vmem>>, vector<1x16xf32>,
      %swap3A_198 = arith.index_cast %while3A_183 : i32 to index
      %swap3A_199 = arith.constant 48 : index
      %swap3A_200 = tpu.vector_load %arg8[%swap3A_198, %swap3A_199] {strides = array<i32>} : memref<128x128xf32, #tpu.memory_space<vmem>>, vector<1x16xf32>,
      %swap3A_201 = vector.shape_cast %swap3A_200 : vector<1x16xf32> to vector<16xf32>
      %swap3A_202 = vector.shape_cast %broadcast_in_dim3A_1 : vector<16xf32> to vector<1x16xf32>
      tpu.vector_store %arg8[%swap3A_198, %swap3A_199], %swap3A_202 {strides = array<i32>} : memref<128x128xf32, #tpu.memory_space<vmem>>, vector<1x16xf32>,
      %swap3A_203 = arith.index_cast %while3A_183 : i32 to index
      %swap3A_204 = arith.constant 64 : index
      %swap3A_205 = tpu.vector_load %arg8[%swap3A_203, %swap3A_204] {strides = array<i32>} : memref<128x128xf32, #tpu.memory_space<vmem>>, vector<1x16xf32>,
      %swap3A_206 = vector.shape_cast %swap3A_205 : vector<1x16xf32> to vector<16xf32>
      %swap3A_207 = vector.shape_cast %broadcast_in_dim3A_1 : vector<16xf32> to vector<1x16xf32>
      tpu.vector_store %arg8[%swap3A_203, %swap3A_204], %swap3A_207 {strides = array<i32>} : memref<128x128xf32, #tpu.memory_space<vmem>>, vector<1x16xf32>,
      %swap3A_208 = arith.index_cast %while3A_183 : i32 to index
      %swap3A_209 = arith.constant 80 : index
      %swap3A_210 = tpu.vector_load %arg8[%swap3A_208, %swap3A_209] {strides = array<i32>} : memref<128x128xf32, #tpu.memory_space<vmem>>, vector<1x16xf32>,
      %swap3A_211 = vector.shape_cast %swap3A_210 : vector<1x16xf32> to vector<16xf32>
      %swap3A_212 = vector.shape_cast %broadcast_in_dim3A_1 : vector<16xf32> to vector<1x16xf32>
      tpu.vector_store %arg8[%swap3A_208, %swap3A_209], %swap3A_212 {strides = array<i32>} : memref<128x128xf32, #tpu.memory_space<vmem>>, vector<1x16xf32>,
      %swap3A_213 = arith.index_cast %while3A_183 : i32 to index
      %swap3A_214 = arith.constant 96 : index
      %swap3A_215 = tpu.vector_load %arg8[%swap3A_213, %swap3A_214] {strides = array<i32>} : memref<128x128xf32, #tpu.memory_space<vmem>>, vector<1x16xf32>,
      %swap3A_216 = vector.shape_cast %swap3A_215 : vector<1x16xf32> to vector<16xf32>
      %swap3A_217 = vector.shape_cast %broadcast_in_dim3A_1 : vector<16xf32> to vector<1x16xf32>
      tpu.vector_store %arg8[%swap3A_213, %swap3A_214], %swap3A_217 {strides = array<i32>} : memref<128x128xf32, #tpu.memory_space<vmem>>, vector<1x16xf32>,
      %swap3A_218 = arith.index_cast %while3A_183 : i32 to index
      %swap3A_219 = arith.constant 112 : index
      %swap3A_220 = tpu.vector_load %arg8[%swap3A_218, %swap3A_219] {strides = array<i32>} : memref<128x128xf32, #tpu.memory_space<vmem>>, vector<1x16xf32>,
      %swap3A_221 = vector.shape_cast %swap3A_220 : vector<1x16xf32> to vector<16xf32>
      %swap3A_222 = vector.shape_cast %broadcast_in_dim3A_1 : vector<16xf32> to vector<1x16xf32>
      tpu.vector_store %arg8[%swap3A_218, %swap3A_219], %swap3A_222 {strides = array<i32>} : memref<128x128xf32, #tpu.memory_space<vmem>>, vector<1x16xf32>,
    }
    %while3A_11 = arith.constant 1 : i32
    scf.for %while3A_183 = %while3A_9 to %while3A_5 step %while3A_11  : i32 {
      %swap3A = arith.index_cast %while3A_183 : i32 to index
      %swap3A_184 = arith.constant 0 : index
      %swap3A_185 = tpu.vector_load %arg8[%swap3A, %swap3A_184] {strides = array<i32>} : memref<128x128xf32, #tpu.memory_space<vmem>>, vector<1x16xf32>,
      %swap3A_186 = vector.shape_cast %swap3A_185 : vector<1x16xf32> to vector<16xf32>
      %swap3A_187 = vector.shape_cast %broadcast_in_dim3A_1 : vector<16xf32> to vector<1x16xf32>
      tpu.vector_store %arg8[%swap3A, %swap3A_184], %swap3A_187 {strides = array<i32>} : memref<128x128xf32, #tpu.memory_space<vmem>>, vector<1x16xf32>,
      %swap3A_188 = arith.index_cast %while3A_183 : i32 to index
      %swap3A_189 = arith.constant 16 : index
      %swap3A_190 = tpu.vector_load %arg8[%swap3A_188, %swap3A_189] {strides = array<i32>} : memref<128x128xf32, #tpu.memory_space<vmem>>, vector<1x16xf32>,
      %swap3A_191 = vector.shape_cast %swap3A_190 : vector<1x16xf32> to vector<16xf32>
      %swap3A_192 = vector.shape_cast %broadcast_in_dim3A_1 : vector<16xf32> to vector<1x16xf32>
      tpu.vector_store %arg8[%swap3A_188, %swap3A_189], %swap3A_192 {strides = array<i32>} : memref<128x128xf32, #tpu.memory_space<vmem>>, vector<1x16xf32>,
      %swap3A_193 = arith.index_cast %while3A_183 : i32 to index
      %swap3A_194 = arith.constant 32 : index
      %swap3A_195 = tpu.vector_load %arg8[%swap3A_193, %swap3A_194] {strides = array<i32>} : memref<128x128xf32, #tpu.memory_space<vmem>>, vector<1x16xf32>,
      %swap3A_196 = vector.shape_cast %swap3A_195 : vector<1x16xf32> to vector<16xf32>
      %swap3A_197 = vector.shape_cast %broadcast_in_dim3A_1 : vector<16xf32> to vector<1x16xf32>
      tpu.vector_store %arg8[%swap3A_193, %swap3A_194], %swap3A_197 {strides = array<i32>} : memref<128x128xf32, #tpu.memory_space<vmem>>, vector<1x16xf32>,
      %swap3A_198 = arith.index_cast %while3A_183 : i32 to index
      %swap3A_199 = arith.constant 48 : index
      %swap3A_200 = tpu.vector_load %arg8[%swap3A_198, %swap3A_199] {strides = array<i32>} : memref<128x128xf32, #tpu.memory_space<vmem>>, vector<1x16xf32>,
      %swap3A_201 = vector.shape_cast %swap3A_200 : vector<1x16xf32> to vector<16xf32>
      %swap3A_202 = vector.shape_cast %broadcast_in_dim3A_1 : vector<16xf32> to vector<1x16xf32>
      tpu.vector_store %arg8[%swap3A_198, %swap3A_199], %swap3A_202 {strides = array<i32>} : memref<128x128xf32, #tpu.memory_space<vmem>>, vector<1x16xf32>,
      %swap3A_203 = arith.index_cast %while3A_183 : i32 to index
      %swap3A_204 = arith.constant 64 : index
      %swap3A_205 = tpu.vector_load %arg8[%swap3A_203, %swap3A_204] {strides = array<i32>} : memref<128x128xf32, #tpu.memory_space<vmem>>, vector<1x16xf32>,
      %swap3A_206 = vector.shape_cast %swap3A_205 : vector<1x16xf32> to vector<16xf32>
      %swap3A_207 = vector.shape_cast %broadcast_in_dim3A_1 : vector<16xf32> to vector<1x16xf32>
      tpu.vector_store %arg8[%swap3A_203, %swap3A_204], %swap3A_207 {strides = array<i32>} : memref<128x128xf32, #tpu.memory_space<vmem>>, vector<1x16xf32>,
      %swap3A_208 = arith.index_cast %while3A_183 : i32 to index
      %swap3A_209 = arith.constant 80 : index
      %swap3A_210 = tpu.vector_load %arg8[%swap3A_208, %swap3A_209] {strides = array<i32>} : memref<128x128xf32, #tpu.memory_space<vmem>>, vector<1x16xf32>,
      %swap3A_211 = vector.shape_cast %swap3A_210 : vector<1x16xf32> to vector<16xf32>
      %swap3A_212 = vector.shape_cast %broadcast_in_dim3A_1 : vector<16xf32> to vector<1x16xf32>
      tpu.vector_store %arg8[%swap3A_208, %swap3A_209], %swap3A_212 {strides = array<i32>} : memref<128x128xf32, #tpu.memory_space<vmem>>, vector<1x16xf32>,
      %swap3A_213 = arith.index_cast %while3A_183 : i32 to index
      %swap3A_214 = arith.constant 96 : index
      %swap3A_215 = tpu.vector_load %arg8[%swap3A_213, %swap3A_214] {strides = array<i32>} : memref<128x128xf32, #tpu.memory_space<vmem>>, vector<1x16xf32>,
      %swap3A_216 = vector.shape_cast %swap3A_215 : vector<1x16xf32> to vector<16xf32>
      %swap3A_217 = vector.shape_cast %broadcast_in_dim3A_1 : vector<16xf32> to vector<1x16xf32>
      tpu.vector_store %arg8[%swap3A_213, %swap3A_214], %swap3A_217 {strides = array<i32>} : memref<128x128xf32, #tpu.memory_space<vmem>>, vector<1x16xf32>,
      %swap3A_218 = arith.index_cast %while3A_183 : i32 to index
      %swap3A_219 = arith.constant 112 : index
      %swap3A_220 = tpu.vector_load %arg8[%swap3A_218, %swap3A_219] {strides = array<i32>} : memref<128x128xf32, #tpu.memory_space<vmem>>, vector<1x16xf32>,
      %swap3A_221 = vector.shape_cast %swap3A_220 : vector<1x16xf32> to vector<16xf32>
      %swap3A_222 = vector.shape_cast %broadcast_in_dim3A_1 : vector<16xf32> to vector<1x16xf32>
      tpu.vector_store %arg8[%swap3A_218, %swap3A_219], %swap3A_222 {strides = array<i32>} : memref<128x128xf32, #tpu.memory_space<vmem>>, vector<1x16xf32>,
    }
    %mul3A_12 = arith.constant 640 : i32
    %mul3A_13 = arith.muli %arg1, %mul3A_12 : i32
    %add3A_14 = arith.constant 0 : i32
    %add3A_15 = arith.addi %mul3A_13, %add3A_14 : i32
    "tpu.region"() ({
      %run_scoped3A = tpu.sem_alloc : memref<!tpu.dma_semaphore, #tpu.memory_space<semaphore_mem>>
      %dma_start3A_183 = arith.constant 0 : i32
      %dma_start3A_184 = arith.constant 0 : i32
      %dma_start3A_185 = tpu.memref_slice %arg8[%dma_start3A_183, %dma_start3A_184] : memref<128x128xf32, #tpu.memory_space<vmem>> -> memref<64x128xf32, #tpu.memory_space<vmem>>
      %dma_start3A_186 = arith.constant 0 : i32
      %dma_start3A_187 = tpu.memref_slice %arg10[%add3A_15, %dma_start3A_186] : memref<10240x128xf32, #tpu.memory_space<vmem_shared>> -> memref<64x128xf32, #tpu.memory_space<vmem_shared>>
      %dma_start3A_188 = arith.constant 0 : i32
      %dma_start3A_189 = tpu.memref_slice %arg10[%add3A_15, %dma_start3A_188] : memref<10240x128xf32, #tpu.memory_space<vmem_shared>> -> memref<64x128xf32, #tpu.memory_space<vmem_shared>>
      %dma_start3A_190 = arith.constant 0 : i32
      %dma_start3A_191 = arith.constant 0 : i32
      %dma_start3A_192 = tpu.memref_slice %arg8[%dma_start3A_190, %dma_start3A_191] : memref<128x128xf32, #tpu.memory_space<vmem>> -> memref<64x128xf32, #tpu.memory_space<vmem>>
      tpu.enqueue_dma source(%dma_start3A_192 : memref<64x128xf32, #tpu.memory_space<vmem>>) target(%dma_start3A_189 : memref<64x128xf32, #tpu.memory_space<vmem_shared>>) target_semaphore(%run_scoped3A : memref<!tpu.dma_semaphore, #tpu.memory_space<semaphore_mem>>)
      %dma_wait3A_193 = arith.constant 0 : i32
      %dma_wait3A_194 = arith.constant 0 : i32
      %dma_wait3A_195 = tpu.memref_slice %arg8[%dma_wait3A_193, %dma_wait3A_194] : memref<128x128xf32, #tpu.memory_space<vmem>> -> memref<64x128xf32, #tpu.memory_space<vmem>>
      %dma_wait3A_196 = arith.constant 0 : i32
      %dma_wait3A_197 = tpu.memref_slice %arg10[%add3A_15, %dma_wait3A_196] : memref<10240x128xf32, #tpu.memory_space<vmem_shared>> -> memref<64x128xf32, #tpu.memory_space<vmem_shared>>
      %dma_wait3A_198 = arith.constant 0 : i32
      %dma_wait3A_199 = tpu.memref_slice %arg10[%add3A_15, %dma_wait3A_198] : memref<10240x128xf32, #tpu.memory_space<vmem_shared>> -> memref<64x128xf32, #tpu.memory_space<vmem_shared>>
      %dma_wait3A_200 = arith.constant 0 : i32
      %dma_wait3A_201 = arith.constant 0 : i32
      %dma_wait3A_202 = tpu.memref_slice %arg8[%dma_wait3A_200, %dma_wait3A_201] : memref<128x128xf32, #tpu.memory_space<vmem>> -> memref<64x128xf32, #tpu.memory_space<vmem>>
      tpu.wait_dma2 semaphore(%run_scoped3A : memref<!tpu.dma_semaphore, #tpu.memory_space<semaphore_mem>>) src(%dma_wait3A_202 : memref<64x128xf32, #tpu.memory_space<vmem>>) dst(%dma_wait3A_199 : memref<64x128xf32, #tpu.memory_space<vmem_shared>>)
      tpu.yield
    }) : () -> ()
    %mul3A_16 = arith.constant 640 : i32
    %mul3A_17 = arith.muli %arg1, %mul3A_16 : i32
    %add3A_18 = arith.constant 64 : i32
    %add3A_19 = arith.addi %mul3A_17, %add3A_18 : i32
    "tpu.region"() ({
      %run_scoped3A = tpu.sem_alloc : memref<!tpu.dma_semaphore, #tpu.memory_space<semaphore_mem>>
      %dma_start3A_183 = arith.constant 0 : i32
      %dma_start3A_184 = arith.constant 0 : i32
      %dma_start3A_185 = tpu.memref_slice %arg8[%dma_start3A_183, %dma_start3A_184] : memref<128x128xf32, #tpu.memory_space<vmem>> -> memref<64x128xf32, #tpu.memory_space<vmem>>
      %dma_start3A_186 = arith.constant 0 : i32
      %dma_start3A_187 = tpu.memref_slice %arg10[%add3A_19, %dma_start3A_186] : memref<10240x128xf32, #tpu.memory_space<vmem_shared>> -> memref<64x128xf32, #tpu.memory_space<vmem_shared>>
      %dma_start3A_188 = arith.constant 0 : i32
      %dma_start3A_189 = tpu.memref_slice %arg10[%add3A_19, %dma_start3A_188] : memref<10240x128xf32, #tpu.memory_space<vmem_shared>> -> memref<64x128xf32, #tpu.memory_space<vmem_shared>>
      %dma_start3A_190 = arith.constant 0 : i32
      %dma_start3A_191 = arith.constant 0 : i32
      %dma_start3A_192 = tpu.memref_slice %arg8[%dma_start3A_190, %dma_start3A_191] : memref<128x128xf32, #tpu.memory_space<vmem>> -> memref<64x128xf32, #tpu.memory_space<vmem>>
      tpu.enqueue_dma source(%dma_start3A_192 : memref<64x128xf32, #tpu.memory_space<vmem>>) target(%dma_start3A_189 : memref<64x128xf32, #tpu.memory_space<vmem_shared>>) target_semaphore(%run_scoped3A : memref<!tpu.dma_semaphore, #tpu.memory_space<semaphore_mem>>)
      %dma_wait3A_193 = arith.constant 0 : i32
      %dma_wait3A_194 = arith.constant 0 : i32
      %dma_wait3A_195 = tpu.memref_slice %arg8[%dma_wait3A_193, %dma_wait3A_194] : memref<128x128xf32, #tpu.memory_space<vmem>> -> memref<64x128xf32, #tpu.memory_space<vmem>>
      %dma_wait3A_196 = arith.constant 0 : i32
      %dma_wait3A_197 = tpu.memref_slice %arg10[%add3A_19, %dma_wait3A_196] : memref<10240x128xf32, #tpu.memory_space<vmem_shared>> -> memref<64x128xf32, #tpu.memory_space<vmem_shared>>
      %dma_wait3A_198 = arith.constant 0 : i32
      %dma_wait3A_199 = tpu.memref_slice %arg10[%add3A_19, %dma_wait3A_198] : memref<10240x128xf32, #tpu.memory_space<vmem_shared>> -> memref<64x128xf32, #tpu.memory_space<vmem_shared>>
      %dma_wait3A_200 = arith.constant 0 : i32
      %dma_wait3A_201 = arith.constant 0 : i32
      %dma_wait3A_202 = tpu.memref_slice %arg8[%dma_wait3A_200, %dma_wait3A_201] : memref<128x128xf32, #tpu.memory_space<vmem>> -> memref<64x128xf32, #tpu.memory_space<vmem>>
      tpu.wait_dma2 semaphore(%run_scoped3A : memref<!tpu.dma_semaphore, #tpu.memory_space<semaphore_mem>>) src(%dma_wait3A_202 : memref<64x128xf32, #tpu.memory_space<vmem>>) dst(%dma_wait3A_199 : memref<64x128xf32, #tpu.memory_space<vmem_shared>>)
      tpu.yield
    }) : () -> ()
    %mul3A_20 = arith.constant 640 : i32
    %mul3A_21 = arith.muli %arg1, %mul3A_20 : i32
    %add3A_22 = arith.constant 128 : i32
    %add3A_23 = arith.addi %mul3A_21, %add3A_22 : i32
    "tpu.region"() ({
      %run_scoped3A = tpu.sem_alloc : memref<!tpu.dma_semaphore, #tpu.memory_space<semaphore_mem>>
      %dma_start3A_183 = arith.constant 0 : i32
      %dma_start3A_184 = arith.constant 0 : i32
      %dma_start3A_185 = tpu.memref_slice %arg8[%dma_start3A_183, %dma_start3A_184] : memref<128x128xf32, #tpu.memory_space<vmem>> -> memref<64x128xf32, #tpu.memory_space<vmem>>
      %dma_start3A_186 = arith.constant 0 : i32
      %dma_start3A_187 = tpu.memref_slice %arg10[%add3A_23, %dma_start3A_186] : memref<10240x128xf32, #tpu.memory_space<vmem_shared>> -> memref<64x128xf32, #tpu.memory_space<vmem_shared>>
      %dma_start3A_188 = arith.constant 0 : i32
      %dma_start3A_189 = tpu.memref_slice %arg10[%add3A_23, %dma_start3A_188] : memref<10240x128xf32, #tpu.memory_space<vmem_shared>> -> memref<64x128xf32, #tpu.memory_space<vmem_shared>>
      %dma_start3A_190 = arith.constant 0 : i32
      %dma_start3A_191 = arith.constant 0 : i32
      %dma_start3A_192 = tpu.memref_slice %arg8[%dma_start3A_190, %dma_start3A_191] : memref<128x128xf32, #tpu.memory_space<vmem>> -> memref<64x128xf32, #tpu.memory_space<vmem>>
      tpu.enqueue_dma source(%dma_start3A_192 : memref<64x128xf32, #tpu.memory_space<vmem>>) target(%dma_start3A_189 : memref<64x128xf32, #tpu.memory_space<vmem_shared>>) target_semaphore(%run_scoped3A : memref<!tpu.dma_semaphore, #tpu.memory_space<semaphore_mem>>)
      %dma_wait3A_193 = arith.constant 0 : i32
      %dma_wait3A_194 = arith.constant 0 : i32
      %dma_wait3A_195 = tpu.memref_slice %arg8[%dma_wait3A_193, %dma_wait3A_194] : memref<128x128xf32, #tpu.memory_space<vmem>> -> memref<64x128xf32, #tpu.memory_space<vmem>>
      %dma_wait3A_196 = arith.constant 0 : i32
      %dma_wait3A_197 = tpu.memref_slice %arg10[%add3A_23, %dma_wait3A_196] : memref<10240x128xf32, #tpu.memory_space<vmem_shared>> -> memref<64x128xf32, #tpu.memory_space<vmem_shared>>
      %dma_wait3A_198 = arith.constant 0 : i32
      %dma_wait3A_199 = tpu.memref_slice %arg10[%add3A_23, %dma_wait3A_198] : memref<10240x128xf32, #tpu.memory_space<vmem_shared>> -> memref<64x128xf32, #tpu.memory_space<vmem_shared>>
      %dma_wait3A_200 = arith.constant 0 : i32
      %dma_wait3A_201 = arith.constant 0 : i32
      %dma_wait3A_202 = tpu.memref_slice %arg8[%dma_wait3A_200, %dma_wait3A_201] : memref<128x128xf32, #tpu.memory_space<vmem>> -> memref<64x128xf32, #tpu.memory_space<vmem>>
      tpu.wait_dma2 semaphore(%run_scoped3A : memref<!tpu.dma_semaphore, #tpu.memory_space<semaphore_mem>>) src(%dma_wait3A_202 : memref<64x128xf32, #tpu.memory_space<vmem>>) dst(%dma_wait3A_199 : memref<64x128xf32, #tpu.memory_space<vmem_shared>>)
      tpu.yield
    }) : () -> ()
    %mul3A_24 = arith.constant 640 : i32
    %mul3A_25 = arith.muli %arg1, %mul3A_24 : i32
    %add3A_26 = arith.constant 192 : i32
    %add3A_27 = arith.addi %mul3A_25, %add3A_26 : i32
    "tpu.region"() ({
      %run_scoped3A = tpu.sem_alloc : memref<!tpu.dma_semaphore, #tpu.memory_space<semaphore_mem>>
      %dma_start3A_183 = arith.constant 0 : i32
      %dma_start3A_184 = arith.constant 0 : i32
      %dma_start3A_185 = tpu.memref_slice %arg8[%dma_start3A_183, %dma_start3A_184] : memref<128x128xf32, #tpu.memory_space<vmem>> -> memref<64x128xf32, #tpu.memory_space<vmem>>
      %dma_start3A_186 = arith.constant 0 : i32
      %dma_start3A_187 = tpu.memref_slice %arg10[%add3A_27, %dma_start3A_186] : memref<10240x128xf32, #tpu.memory_space<vmem_shared>> -> memref<64x128xf32, #tpu.memory_space<vmem_shared>>
      %dma_start3A_188 = arith.constant 0 : i32
      %dma_start3A_189 = tpu.memref_slice %arg10[%add3A_27, %dma_start3A_188] : memref<10240x128xf32, #tpu.memory_space<vmem_shared>> -> memref<64x128xf32, #tpu.memory_space<vmem_shared>>
      %dma_start3A_190 = arith.constant 0 : i32
      %dma_start3A_191 = arith.constant 0 : i32
      %dma_start3A_192 = tpu.memref_slice %arg8[%dma_start3A_190, %dma_start3A_191] : memref<128x128xf32, #tpu.memory_space<vmem>> -> memref<64x128xf32, #tpu.memory_space<vmem>>
      tpu.enqueue_dma source(%dma_start3A_192 : memref<64x128xf32, #tpu.memory_space<vmem>>) target(%dma_start3A_189 : memref<64x128xf32, #tpu.memory_space<vmem_shared>>) target_semaphore(%run_scoped3A : memref<!tpu.dma_semaphore, #tpu.memory_space<semaphore_mem>>)
      %dma_wait3A_193 = arith.constant 0 : i32
      %dma_wait3A_194 = arith.constant 0 : i32
      %dma_wait3A_195 = tpu.memref_slice %arg8[%dma_wait3A_193, %dma_wait3A_194] : memref<128x128xf32, #tpu.memory_space<vmem>> -> memref<64x128xf32, #tpu.memory_space<vmem>>
      %dma_wait3A_196 = arith.constant 0 : i32
      %dma_wait3A_197 = tpu.memref_slice %arg10[%add3A_27, %dma_wait3A_196] : memref<10240x128xf32, #tpu.memory_space<vmem_shared>> -> memref<64x128xf32, #tpu.memory_space<vmem_shared>>
      %dma_wait3A_198 = arith.constant 0 : i32
      %dma_wait3A_199 = tpu.memref_slice %arg10[%add3A_27, %dma_wait3A_198] : memref<10240x128xf32, #tpu.memory_space<vmem_shared>> -> memref<64x128xf32, #tpu.memory_space<vmem_shared>>
      %dma_wait3A_200 = arith.constant 0 : i32
      %dma_wait3A_201 = arith.constant 0 : i32
      %dma_wait3A_202 = tpu.memref_slice %arg8[%dma_wait3A_200, %dma_wait3A_201] : memref<128x128xf32, #tpu.memory_space<vmem>> -> memref<64x128xf32, #tpu.memory_space<vmem>>
      tpu.wait_dma2 semaphore(%run_scoped3A : memref<!tpu.dma_semaphore, #tpu.memory_space<semaphore_mem>>) src(%dma_wait3A_202 : memref<64x128xf32, #tpu.memory_space<vmem>>) dst(%dma_wait3A_199 : memref<64x128xf32, #tpu.memory_space<vmem_shared>>)
      tpu.yield
    }) : () -> ()
    %mul3A_28 = arith.constant 640 : i32
    %mul3A_29 = arith.muli %arg1, %mul3A_28 : i32
    %add3A_30 = arith.constant 256 : i32
    %add3A_31 = arith.addi %mul3A_29, %add3A_30 : i32
    "tpu.region"() ({
      %run_scoped3A = tpu.sem_alloc : memref<!tpu.dma_semaphore, #tpu.memory_space<semaphore_mem>>
      %dma_start3A_183 = arith.constant 0 : i32
      %dma_start3A_184 = arith.constant 0 : i32
      %dma_start3A_185 = tpu.memref_slice %arg8[%dma_start3A_183, %dma_start3A_184] : memref<128x128xf32, #tpu.memory_space<vmem>> -> memref<64x128xf32, #tpu.memory_space<vmem>>
      %dma_start3A_186 = arith.constant 0 : i32
      %dma_start3A_187 = tpu.memref_slice %arg10[%add3A_31, %dma_start3A_186] : memref<10240x128xf32, #tpu.memory_space<vmem_shared>> -> memref<64x128xf32, #tpu.memory_space<vmem_shared>>
      %dma_start3A_188 = arith.constant 0 : i32
      %dma_start3A_189 = tpu.memref_slice %arg10[%add3A_31, %dma_start3A_188] : memref<10240x128xf32, #tpu.memory_space<vmem_shared>> -> memref<64x128xf32, #tpu.memory_space<vmem_shared>>
      %dma_start3A_190 = arith.constant 0 : i32
      %dma_start3A_191 = arith.constant 0 : i32
      %dma_start3A_192 = tpu.memref_slice %arg8[%dma_start3A_190, %dma_start3A_191] : memref<128x128xf32, #tpu.memory_space<vmem>> -> memref<64x128xf32, #tpu.memory_space<vmem>>
      tpu.enqueue_dma source(%dma_start3A_192 : memref<64x128xf32, #tpu.memory_space<vmem>>) target(%dma_start3A_189 : memref<64x128xf32, #tpu.memory_space<vmem_shared>>) target_semaphore(%run_scoped3A : memref<!tpu.dma_semaphore, #tpu.memory_space<semaphore_mem>>)
      %dma_wait3A_193 = arith.constant 0 : i32
      %dma_wait3A_194 = arith.constant 0 : i32
      %dma_wait3A_195 = tpu.memref_slice %arg8[%dma_wait3A_193, %dma_wait3A_194] : memref<128x128xf32, #tpu.memory_space<vmem>> -> memref<64x128xf32, #tpu.memory_space<vmem>>
      %dma_wait3A_196 = arith.constant 0 : i32
      %dma_wait3A_197 = tpu.memref_slice %arg10[%add3A_31, %dma_wait3A_196] : memref<10240x128xf32, #tpu.memory_space<vmem_shared>> -> memref<64x128xf32, #tpu.memory_space<vmem_shared>>
      %dma_wait3A_198 = arith.constant 0 : i32
      %dma_wait3A_199 = tpu.memref_slice %arg10[%add3A_31, %dma_wait3A_198] : memref<10240x128xf32, #tpu.memory_space<vmem_shared>> -> memref<64x128xf32, #tpu.memory_space<vmem_shared>>
      %dma_wait3A_200 = arith.constant 0 : i32
      %dma_wait3A_201 = arith.constant 0 : i32
      %dma_wait3A_202 = tpu.memref_slice %arg8[%dma_wait3A_200, %dma_wait3A_201] : memref<128x128xf32, #tpu.memory_space<vmem>> -> memref<64x128xf32, #tpu.memory_space<vmem>>
      tpu.wait_dma2 semaphore(%run_scoped3A : memref<!tpu.dma_semaphore, #tpu.memory_space<semaphore_mem>>) src(%dma_wait3A_202 : memref<64x128xf32, #tpu.memory_space<vmem>>) dst(%dma_wait3A_199 : memref<64x128xf32, #tpu.memory_space<vmem_shared>>)
      tpu.yield
    }) : () -> ()
    %mul3A_32 = arith.constant 640 : i32
    %mul3A_33 = arith.muli %arg1, %mul3A_32 : i32
    %add3A_34 = arith.constant 320 : i32
    %add3A_35 = arith.addi %mul3A_33, %add3A_34 : i32
    "tpu.region"() ({
      %run_scoped3A = tpu.sem_alloc : memref<!tpu.dma_semaphore, #tpu.memory_space<semaphore_mem>>
      %dma_start3A_183 = arith.constant 0 : i32
      %dma_start3A_184 = arith.constant 0 : i32
      %dma_start3A_185 = tpu.memref_slice %arg8[%dma_start3A_183, %dma_start3A_184] : memref<128x128xf32, #tpu.memory_space<vmem>> -> memref<64x128xf32, #tpu.memory_space<vmem>>
      %dma_start3A_186 = arith.constant 0 : i32
      %dma_start3A_187 = tpu.memref_slice %arg10[%add3A_35, %dma_start3A_186] : memref<10240x128xf32, #tpu.memory_space<vmem_shared>> -> memref<64x128xf32, #tpu.memory_space<vmem_shared>>
      %dma_start3A_188 = arith.constant 0 : i32
      %dma_start3A_189 = tpu.memref_slice %arg10[%add3A_35, %dma_start3A_188] : memref<10240x128xf32, #tpu.memory_space<vmem_shared>> -> memref<64x128xf32, #tpu.memory_space<vmem_shared>>
      %dma_start3A_190 = arith.constant 0 : i32
      %dma_start3A_191 = arith.constant 0 : i32
      %dma_start3A_192 = tpu.memref_slice %arg8[%dma_start3A_190, %dma_start3A_191] : memref<128x128xf32, #tpu.memory_space<vmem>> -> memref<64x128xf32, #tpu.memory_space<vmem>>
      tpu.enqueue_dma source(%dma_start3A_192 : memref<64x128xf32, #tpu.memory_space<vmem>>) target(%dma_start3A_189 : memref<64x128xf32, #tpu.memory_space<vmem_shared>>) target_semaphore(%run_scoped3A : memref<!tpu.dma_semaphore, #tpu.memory_space<semaphore_mem>>)
      %dma_wait3A_193 = arith.constant 0 : i32
      %dma_wait3A_194 = arith.constant 0 : i32
      %dma_wait3A_195 = tpu.memref_slice %arg8[%dma_wait3A_193, %dma_wait3A_194] : memref<128x128xf32, #tpu.memory_space<vmem>> -> memref<64x128xf32, #tpu.memory_space<vmem>>
      %dma_wait3A_196 = arith.constant 0 : i32
      %dma_wait3A_197 = tpu.memref_slice %arg10[%add3A_35, %dma_wait3A_196] : memref<10240x128xf32, #tpu.memory_space<vmem_shared>> -> memref<64x128xf32, #tpu.memory_space<vmem_shared>>
      %dma_wait3A_198 = arith.constant 0 : i32
      %dma_wait3A_199 = tpu.memref_slice %arg10[%add3A_35, %dma_wait3A_198] : memref<10240x128xf32, #tpu.memory_space<vmem_shared>> -> memref<64x128xf32, #tpu.memory_space<vmem_shared>>
      %dma_wait3A_200 = arith.constant 0 : i32
      %dma_wait3A_201 = arith.constant 0 : i32
      %dma_wait3A_202 = tpu.memref_slice %arg8[%dma_wait3A_200, %dma_wait3A_201] : memref<128x128xf32, #tpu.memory_space<vmem>> -> memref<64x128xf32, #tpu.memory_space<vmem>>
      tpu.wait_dma2 semaphore(%run_scoped3A : memref<!tpu.dma_semaphore, #tpu.memory_space<semaphore_mem>>) src(%dma_wait3A_202 : memref<64x128xf32, #tpu.memory_space<vmem>>) dst(%dma_wait3A_199 : memref<64x128xf32, #tpu.memory_space<vmem_shared>>)
      tpu.yield
    }) : () -> ()
    %mul3A_36 = arith.constant 640 : i32
    %mul3A_37 = arith.muli %arg1, %mul3A_36 : i32
    %add3A_38 = arith.constant 384 : i32
    %add3A_39 = arith.addi %mul3A_37, %add3A_38 : i32
    "tpu.region"() ({
      %run_scoped3A = tpu.sem_alloc : memref<!tpu.dma_semaphore, #tpu.memory_space<semaphore_mem>>
      %dma_start3A_183 = arith.constant 0 : i32
      %dma_start3A_184 = arith.constant 0 : i32
      %dma_start3A_185 = tpu.memref_slice %arg8[%dma_start3A_183, %dma_start3A_184] : memref<128x128xf32, #tpu.memory_space<vmem>> -> memref<64x128xf32, #tpu.memory_space<vmem>>
      %dma_start3A_186 = arith.constant 0 : i32
      %dma_start3A_187 = tpu.memref_slice %arg10[%add3A_39, %dma_start3A_186] : memref<10240x128xf32, #tpu.memory_space<vmem_shared>> -> memref<64x128xf32, #tpu.memory_space<vmem_shared>>
      %dma_start3A_188 = arith.constant 0 : i32
      %dma_start3A_189 = tpu.memref_slice %arg10[%add3A_39, %dma_start3A_188] : memref<10240x128xf32, #tpu.memory_space<vmem_shared>> -> memref<64x128xf32, #tpu.memory_space<vmem_shared>>
      %dma_start3A_190 = arith.constant 0 : i32
      %dma_start3A_191 = arith.constant 0 : i32
      %dma_start3A_192 = tpu.memref_slice %arg8[%dma_start3A_190, %dma_start3A_191] : memref<128x128xf32, #tpu.memory_space<vmem>> -> memref<64x128xf32, #tpu.memory_space<vmem>>
      tpu.enqueue_dma source(%dma_start3A_192 : memref<64x128xf32, #tpu.memory_space<vmem>>) target(%dma_start3A_189 : memref<64x128xf32, #tpu.memory_space<vmem_shared>>) target_semaphore(%run_scoped3A : memref<!tpu.dma_semaphore, #tpu.memory_space<semaphore_mem>>)
      %dma_wait3A_193 = arith.constant 0 : i32
      %dma_wait3A_194 = arith.constant 0 : i32
      %dma_wait3A_195 = tpu.memref_slice %arg8[%dma_wait3A_193, %dma_wait3A_194] : memref<128x128xf32, #tpu.memory_space<vmem>> -> memref<64x128xf32, #tpu.memory_space<vmem>>
      %dma_wait3A_196 = arith.constant 0 : i32
      %dma_wait3A_197 = tpu.memref_slice %arg10[%add3A_39, %dma_wait3A_196] : memref<10240x128xf32, #tpu.memory_space<vmem_shared>> -> memref<64x128xf32, #tpu.memory_space<vmem_shared>>
      %dma_wait3A_198 = arith.constant 0 : i32
      %dma_wait3A_199 = tpu.memref_slice %arg10[%add3A_39, %dma_wait3A_198] : memref<10240x128xf32, #tpu.memory_space<vmem_shared>> -> memref<64x128xf32, #tpu.memory_space<vmem_shared>>
      %dma_wait3A_200 = arith.constant 0 : i32
      %dma_wait3A_201 = arith.constant 0 : i32
      %dma_wait3A_202 = tpu.memref_slice %arg8[%dma_wait3A_200, %dma_wait3A_201] : memref<128x128xf32, #tpu.memory_space<vmem>> -> memref<64x128xf32, #tpu.memory_space<vmem>>
      tpu.wait_dma2 semaphore(%run_scoped3A : memref<!tpu.dma_semaphore, #tpu.memory_space<semaphore_mem>>) src(%dma_wait3A_202 : memref<64x128xf32, #tpu.memory_space<vmem>>) dst(%dma_wait3A_199 : memref<64x128xf32, #tpu.memory_space<vmem_shared>>)
      tpu.yield
    }) : () -> ()
    %mul3A_40 = arith.constant 640 : i32
    %mul3A_41 = arith.muli %arg1, %mul3A_40 : i32
    %add3A_42 = arith.constant 448 : i32
    %add3A_43 = arith.addi %mul3A_41, %add3A_42 : i32
    "tpu.region"() ({
      %run_scoped3A = tpu.sem_alloc : memref<!tpu.dma_semaphore, #tpu.memory_space<semaphore_mem>>
      %dma_start3A_183 = arith.constant 0 : i32
      %dma_start3A_184 = arith.constant 0 : i32
      %dma_start3A_185 = tpu.memref_slice %arg8[%dma_start3A_183, %dma_start3A_184] : memref<128x128xf32, #tpu.memory_space<vmem>> -> memref<64x128xf32, #tpu.memory_space<vmem>>
      %dma_start3A_186 = arith.constant 0 : i32
      %dma_start3A_187 = tpu.memref_slice %arg10[%add3A_43, %dma_start3A_186] : memref<10240x128xf32, #tpu.memory_space<vmem_shared>> -> memref<64x128xf32, #tpu.memory_space<vmem_shared>>
      %dma_start3A_188 = arith.constant 0 : i32
      %dma_start3A_189 = tpu.memref_slice %arg10[%add3A_43, %dma_start3A_188] : memref<10240x128xf32, #tpu.memory_space<vmem_shared>> -> memref<64x128xf32, #tpu.memory_space<vmem_shared>>
      %dma_start3A_190 = arith.constant 0 : i32
      %dma_start3A_191 = arith.constant 0 : i32
      %dma_start3A_192 = tpu.memref_slice %arg8[%dma_start3A_190, %dma_start3A_191] : memref<128x128xf32, #tpu.memory_space<vmem>> -> memref<64x128xf32, #tpu.memory_space<vmem>>
      tpu.enqueue_dma source(%dma_start3A_192 : memref<64x128xf32, #tpu.memory_space<vmem>>) target(%dma_start3A_189 : memref<64x128xf32, #tpu.memory_space<vmem_shared>>) target_semaphore(%run_scoped3A : memref<!tpu.dma_semaphore, #tpu.memory_space<semaphore_mem>>)
      %dma_wait3A_193 = arith.constant 0 : i32
      %dma_wait3A_194 = arith.constant 0 : i32
      %dma_wait3A_195 = tpu.memref_slice %arg8[%dma_wait3A_193, %dma_wait3A_194] : memref<128x128xf32, #tpu.memory_space<vmem>> -> memref<64x128xf32, #tpu.memory_space<vmem>>
      %dma_wait3A_196 = arith.constant 0 : i32
      %dma_wait3A_197 = tpu.memref_slice %arg10[%add3A_43, %dma_wait3A_196] : memref<10240x128xf32, #tpu.memory_space<vmem_shared>> -> memref<64x128xf32, #tpu.memory_space<vmem_shared>>
      %dma_wait3A_198 = arith.constant 0 : i32
      %dma_wait3A_199 = tpu.memref_slice %arg10[%add3A_43, %dma_wait3A_198] : memref<10240x128xf32, #tpu.memory_space<vmem_shared>> -> memref<64x128xf32, #tpu.memory_space<vmem_shared>>
      %dma_wait3A_200 = arith.constant 0 : i32
      %dma_wait3A_201 = arith.constant 0 : i32
      %dma_wait3A_202 = tpu.memref_slice %arg8[%dma_wait3A_200, %dma_wait3A_201] : memref<128x128xf32, #tpu.memory_space<vmem>> -> memref<64x128xf32, #tpu.memory_space<vmem>>
      tpu.wait_dma2 semaphore(%run_scoped3A : memref<!tpu.dma_semaphore, #tpu.memory_space<semaphore_mem>>) src(%dma_wait3A_202 : memref<64x128xf32, #tpu.memory_space<vmem>>) dst(%dma_wait3A_199 : memref<64x128xf32, #tpu.memory_space<vmem_shared>>)
      tpu.yield
    }) : () -> ()
    %mul3A_44 = arith.constant 640 : i32
    %mul3A_45 = arith.muli %arg1, %mul3A_44 : i32
    %add3A_46 = arith.constant 512 : i32
    %add3A_47 = arith.addi %mul3A_45, %add3A_46 : i32
    "tpu.region"() ({
      %run_scoped3A = tpu.sem_alloc : memref<!tpu.dma_semaphore, #tpu.memory_space<semaphore_mem>>
      %dma_start3A_183 = arith.constant 0 : i32
      %dma_start3A_184 = arith.constant 0 : i32
      %dma_start3A_185 = tpu.memref_slice %arg8[%dma_start3A_183, %dma_start3A_184] : memref<128x128xf32, #tpu.memory_space<vmem>> -> memref<64x128xf32, #tpu.memory_space<vmem>>
      %dma_start3A_186 = arith.constant 0 : i32
      %dma_start3A_187 = tpu.memref_slice %arg10[%add3A_47, %dma_start3A_186] : memref<10240x128xf32, #tpu.memory_space<vmem_shared>> -> memref<64x128xf32, #tpu.memory_space<vmem_shared>>
      %dma_start3A_188 = arith.constant 0 : i32
      %dma_start3A_189 = tpu.memref_slice %arg10[%add3A_47, %dma_start3A_188] : memref<10240x128xf32, #tpu.memory_space<vmem_shared>> -> memref<64x128xf32, #tpu.memory_space<vmem_shared>>
      %dma_start3A_190 = arith.constant 0 : i32
      %dma_start3A_191 = arith.constant 0 : i32
      %dma_start3A_192 = tpu.memref_slice %arg8[%dma_start3A_190, %dma_start3A_191] : memref<128x128xf32, #tpu.memory_space<vmem>> -> memref<64x128xf32, #tpu.memory_space<vmem>>
      tpu.enqueue_dma source(%dma_start3A_192 : memref<64x128xf32, #tpu.memory_space<vmem>>) target(%dma_start3A_189 : memref<64x128xf32, #tpu.memory_space<vmem_shared>>) target_semaphore(%run_scoped3A : memref<!tpu.dma_semaphore, #tpu.memory_space<semaphore_mem>>)
      %dma_wait3A_193 = arith.constant 0 : i32
      %dma_wait3A_194 = arith.constant 0 : i32
      %dma_wait3A_195 = tpu.memref_slice %arg8[%dma_wait3A_193, %dma_wait3A_194] : memref<128x128xf32, #tpu.memory_space<vmem>> -> memref<64x128xf32, #tpu.memory_space<vmem>>
      %dma_wait3A_196 = arith.constant 0 : i32
      %dma_wait3A_197 = tpu.memref_slice %arg10[%add3A_47, %dma_wait3A_196] : memref<10240x128xf32, #tpu.memory_space<vmem_shared>> -> memref<64x128xf32, #tpu.memory_space<vmem_shared>>
      %dma_wait3A_198 = arith.constant 0 : i32
      %dma_wait3A_199 = tpu.memref_slice %arg10[%add3A_47, %dma_wait3A_198] : memref<10240x128xf32, #tpu.memory_space<vmem_shared>> -> memref<64x128xf32, #tpu.memory_space<vmem_shared>>
      %dma_wait3A_200 = arith.constant 0 : i32
      %dma_wait3A_201 = arith.constant 0 : i32
      %dma_wait3A_202 = tpu.memref_slice %arg8[%dma_wait3A_200, %dma_wait3A_201] : memref<128x128xf32, #tpu.memory_space<vmem>> -> memref<64x128xf32, #tpu.memory_space<vmem>>
      tpu.wait_dma2 semaphore(%run_scoped3A : memref<!tpu.dma_semaphore, #tpu.memory_space<semaphore_mem>>) src(%dma_wait3A_202 : memref<64x128xf32, #tpu.memory_space<vmem>>) dst(%dma_wait3A_199 : memref<64x128xf32, #tpu.memory_space<vmem_shared>>)
      tpu.yield
    }) : () -> ()
    %mul3A_48 = arith.constant 640 : i32
    %mul3A_49 = arith.muli %arg1, %mul3A_48 : i32
    %add3A_50 = arith.constant 576 : i32
    %add3A_51 = arith.addi %mul3A_49, %add3A_50 : i32
    "tpu.region"() ({
      %run_scoped3A = tpu.sem_alloc : memref<!tpu.dma_semaphore, #tpu.memory_space<semaphore_mem>>
      %dma_start3A_183 = arith.constant 0 : i32
      %dma_start3A_184 = arith.constant 0 : i32
      %dma_start3A_185 = tpu.memref_slice %arg8[%dma_start3A_183, %dma_start3A_184] : memref<128x128xf32, #tpu.memory_space<vmem>> -> memref<64x128xf32, #tpu.memory_space<vmem>>
      %dma_start3A_186 = arith.constant 0 : i32
      %dma_start3A_187 = tpu.memref_slice %arg10[%add3A_51, %dma_start3A_186] : memref<10240x128xf32, #tpu.memory_space<vmem_shared>> -> memref<64x128xf32, #tpu.memory_space<vmem_shared>>
      %dma_start3A_188 = arith.constant 0 : i32
      %dma_start3A_189 = tpu.memref_slice %arg10[%add3A_51, %dma_start3A_188] : memref<10240x128xf32, #tpu.memory_space<vmem_shared>> -> memref<64x128xf32, #tpu.memory_space<vmem_shared>>
      %dma_start3A_190 = arith.constant 0 : i32
      %dma_start3A_191 = arith.constant 0 : i32
      %dma_start3A_192 = tpu.memref_slice %arg8[%dma_start3A_190, %dma_start3A_191] : memref<128x128xf32, #tpu.memory_space<vmem>> -> memref<64x128xf32, #tpu.memory_space<vmem>>
      tpu.enqueue_dma source(%dma_start3A_192 : memref<64x128xf32, #tpu.memory_space<vmem>>) target(%dma_start3A_189 : memref<64x128xf32, #tpu.memory_space<vmem_shared>>) target_semaphore(%run_scoped3A : memref<!tpu.dma_semaphore, #tpu.memory_space<semaphore_mem>>)
      %dma_wait3A_193 = arith.constant 0 : i32
      %dma_wait3A_194 = arith.constant 0 : i32
      %dma_wait3A_195 = tpu.memref_slice %arg8[%dma_wait3A_193, %dma_wait3A_194] : memref<128x128xf32, #tpu.memory_space<vmem>> -> memref<64x128xf32, #tpu.memory_space<vmem>>
      %dma_wait3A_196 = arith.constant 0 : i32
      %dma_wait3A_197 = tpu.memref_slice %arg10[%add3A_51, %dma_wait3A_196] : memref<10240x128xf32, #tpu.memory_space<vmem_shared>> -> memref<64x128xf32, #tpu.memory_space<vmem_shared>>
      %dma_wait3A_198 = arith.constant 0 : i32
      %dma_wait3A_199 = tpu.memref_slice %arg10[%add3A_51, %dma_wait3A_198] : memref<10240x128xf32, #tpu.memory_space<vmem_shared>> -> memref<64x128xf32, #tpu.memory_space<vmem_shared>>
      %dma_wait3A_200 = arith.constant 0 : i32
      %dma_wait3A_201 = arith.constant 0 : i32
      %dma_wait3A_202 = tpu.memref_slice %arg8[%dma_wait3A_200, %dma_wait3A_201] : memref<128x128xf32, #tpu.memory_space<vmem>> -> memref<64x128xf32, #tpu.memory_space<vmem>>
      tpu.wait_dma2 semaphore(%run_scoped3A : memref<!tpu.dma_semaphore, #tpu.memory_space<semaphore_mem>>) src(%dma_wait3A_202 : memref<64x128xf32, #tpu.memory_space<vmem>>) dst(%dma_wait3A_199 : memref<64x128xf32, #tpu.memory_space<vmem_shared>>)
      tpu.yield
    }) : () -> ()
    %barrier3A = arith.constant 0 : index
    tpu.barrier barrier_id(%barrier3A)
    %mul3A_52 = arith.constant 0 : i32
    %mul3A_53 = arith.constant 128 : i32
    %mul3A_54 = arith.muli %mul3A_52, %mul3A_53 : i32
    %dma_start3A = tpu.memref_slice %arg6[%mul3A_54] : memref<10496xi32, #tpu.memory_space<vmem>> -> memref<128xi32, #tpu.memory_space<vmem>>
    %dma_start3A_55 = arith.constant 0 : i32
    %dma_start3A_56 = arith.constant 0 : i32
    %dma_start3A_57 = tpu.memref_slice %arg2[%dma_start3A_55, %dma_start3A_56] : memref<10000x128xf32, #tpu.memory_space<hbm>> -> memref<10000x128xf32, #tpu.memory_space<hbm>>
    tpu.enqueue_indirect_dma source(%dma_start3A_57 : memref<10000x128xf32, #tpu.memory_space<hbm>>) target(%arg8 : memref<128x128xf32, #tpu.memory_space<vmem>>) offsets(%dma_start3A : memref<128xi32, #tpu.memory_space<vmem>>) semaphore(%arg11 : memref<!tpu.dma_semaphore, #tpu.memory_space<semaphore_mem>>)
    %mul3A_58 = arith.constant 1 : i32
    %mul3A_59 = arith.constant 128 : i32
    %mul3A_60 = arith.muli %mul3A_58, %mul3A_59 : i32
    %dma_start3A_61 = tpu.memref_slice %arg6[%mul3A_60] : memref<10496xi32, #tpu.memory_space<vmem>> -> memref<128xi32, #tpu.memory_space<vmem>>
    %dma_start3A_62 = arith.constant 0 : i32
    %dma_start3A_63 = arith.constant 0 : i32
    %dma_start3A_64 = tpu.memref_slice %arg2[%dma_start3A_62, %dma_start3A_63] : memref<10000x128xf32, #tpu.memory_space<hbm>> -> memref<10000x128xf32, #tpu.memory_space<hbm>>
    tpu.enqueue_indirect_dma source(%dma_start3A_64 : memref<10000x128xf32, #tpu.memory_space<hbm>>) target(%arg9 : memref<128x128xf32, #tpu.memory_space<vmem>>) offsets(%dma_start3A_61 : memref<128xi32, #tpu.memory_space<vmem>>) semaphore(%arg12 : memref<!tpu.dma_semaphore, #tpu.memory_space<semaphore_mem>>)
    %mul3A_65 = arith.constant 0 : i32
    %mul3A_66 = arith.constant 128 : i32
    %mul3A_67 = arith.muli %mul3A_65, %mul3A_66 : i32
    %dma_start3A_68 = arith.constant 0 : i32
    %dma_start3A_69 = arith.constant 0 : i32
    %dma_start3A_70 = tpu.memref_slice %arg7[%dma_start3A_68, %dma_start3A_69] : memref<2x128xi32, #tpu.memory_space<vmem>> -> memref<1x128xi32, #tpu.memory_space<vmem>>
    %dma_start3A_71 = tpu.memref_squeeze %dma_start3A_70 : memref<1x128xi32, #tpu.memory_space<vmem>> -> memref<128xi32, #tpu.memory_space<vmem>>
    %dma_start3A_72 = tpu.memref_slice %arg4[%add3A, %mul3A_67] : memref<32x10496xi32, #tpu.memory_space<hbm>> -> memref<1x128xi32, #tpu.memory_space<hbm>>
    %dma_start3A_73 = tpu.memref_squeeze %dma_start3A_72 : memref<1x128xi32, #tpu.memory_space<hbm>> -> memref<128xi32, #tpu.memory_space<hbm>>
    %dma_start3A_74 = arith.constant 0 : i32
    %dma_start3A_75 = tpu.memref_slice %arg7[%dma_start3A_68, %dma_start3A_74] : memref<2x128xi32, #tpu.memory_space<vmem>> -> memref<1x128xi32, #tpu.memory_space<vmem>>
    %dma_start3A_76 = tpu.memref_squeeze %dma_start3A_75 : memref<1x128xi32, #tpu.memory_space<vmem>> -> memref<128xi32, #tpu.memory_space<vmem>>
    %dma_start3A_77 = tpu.memref_slice %arg4[%add3A, %mul3A_67] : memref<32x10496xi32, #tpu.memory_space<hbm>> -> memref<1x128xi32, #tpu.memory_space<hbm>>
    %dma_start3A_78 = tpu.memref_squeeze %dma_start3A_77 : memref<1x128xi32, #tpu.memory_space<hbm>> -> memref<128xi32, #tpu.memory_space<hbm>>
    tpu.enqueue_dma source(%dma_start3A_78 : memref<128xi32, #tpu.memory_space<hbm>>) target(%dma_start3A_76 : memref<128xi32, #tpu.memory_space<vmem>>) target_semaphore(%arg13 : memref<!tpu.dma_semaphore, #tpu.memory_space<semaphore_mem>>)
    %mul3A_79 = arith.constant 1 : i32
    %mul3A_80 = arith.constant 128 : i32
    %mul3A_81 = arith.muli %mul3A_79, %mul3A_80 : i32
    %dma_start3A_82 = arith.constant 1 : i32
    %dma_start3A_83 = arith.constant 0 : i32
    %dma_start3A_84 = tpu.memref_slice %arg7[%dma_start3A_82, %dma_start3A_83] : memref<2x128xi32, #tpu.memory_space<vmem>> -> memref<1x128xi32, #tpu.memory_space<vmem>>
    %dma_start3A_85 = tpu.memref_squeeze %dma_start3A_84 : memref<1x128xi32, #tpu.memory_space<vmem>> -> memref<128xi32, #tpu.memory_space<vmem>>
    %dma_start3A_86 = tpu.memref_slice %arg4[%add3A, %mul3A_81] : memref<32x10496xi32, #tpu.memory_space<hbm>> -> memref<1x128xi32, #tpu.memory_space<hbm>>
    %dma_start3A_87 = tpu.memref_squeeze %dma_start3A_86 : memref<1x128xi32, #tpu.memory_space<hbm>> -> memref<128xi32, #tpu.memory_space<hbm>>
    %dma_start3A_88 = arith.constant 0 : i32
    %dma_start3A_89 = tpu.memref_slice %arg7[%dma_start3A_82, %dma_start3A_88] : memref<2x128xi32, #tpu.memory_space<vmem>> -> memref<1x128xi32, #tpu.memory_space<vmem>>
    %dma_start3A_90 = tpu.memref_squeeze %dma_start3A_89 : memref<1x128xi32, #tpu.memory_space<vmem>> -> memref<128xi32, #tpu.memory_space<vmem>>
    %dma_start3A_91 = tpu.memref_slice %arg4[%add3A, %mul3A_81] : memref<32x10496xi32, #tpu.memory_space<hbm>> -> memref<1x128xi32, #tpu.memory_space<hbm>>
    %dma_start3A_92 = tpu.memref_squeeze %dma_start3A_91 : memref<1x128xi32, #tpu.memory_space<hbm>> -> memref<128xi32, #tpu.memory_space<hbm>>
    tpu.enqueue_dma source(%dma_start3A_92 : memref<128xi32, #tpu.memory_space<hbm>>) target(%dma_start3A_90 : memref<128xi32, #tpu.memory_space<vmem>>) target_semaphore(%arg14 : memref<!tpu.dma_semaphore, #tpu.memory_space<semaphore_mem>>)
    %while3A_93 = arith.constant 0 : i32
    %while3A_94 = arith.constant 0 : i32
    %while3A_95 = arith.constant 1 : i32
    %while3A_96 = arith.constant 0 : i32
    %while3A_97 = arith.constant 40 : i32
    %while3A_98 = arith.subi %while3A_97, %while3A_96 : i32
    %while3A_99 = arith.addi %while3A_96, %while3A_98 : i32
    %while3A_100 = arith.constant 1 : i32
    %while3A_101 = arith.divsi %while3A_98, %while3A_100 : i32
    %while3A_102 = arith.muli %while3A_101, %while3A_100 : i32
    %while3A_103 = arith.addi %while3A_96, %while3A_102 : i32
    %while3A_104 = arith.constant 1 : i32
    scf.for %while3A_183 = %while3A_96 to %while3A_103 step %while3A_104  : i32 {
      %mul3A_184 = arith.constant 2 : i32
      %mul3A_185 = arith.muli %mul3A_184, %while3A_183 : i32
      %mul3A_186 = arith.constant 128 : i32
      %mul3A_187 = arith.muli %mul3A_185, %mul3A_186 : i32
      %dma_wait3A_188 = tpu.memref_slice %arg6[%mul3A_187] : memref<10496xi32, #tpu.memory_space<vmem>> -> memref<128xi32, #tpu.memory_space<vmem>>
      %dma_wait3A_189 = arith.constant 0 : i32
      %dma_wait3A_190 = arith.constant 0 : i32
      %dma_wait3A_191 = tpu.memref_slice %arg2[%dma_wait3A_189, %dma_wait3A_190] : memref<10000x128xf32, #tpu.memory_space<hbm>> -> memref<10000x128xf32, #tpu.memory_space<hbm>>
      tpu.wait_indirect_dma semaphore(%arg11 : memref<!tpu.dma_semaphore, #tpu.memory_space<semaphore_mem>>) src(%dma_wait3A_191 : memref<10000x128xf32, #tpu.memory_space<hbm>>) dst(%arg8 : memref<128x128xf32, #tpu.memory_space<vmem>>)
      %mul3A_192 = arith.constant 128 : i32
      %mul3A_193 = arith.muli %mul3A_185, %mul3A_192 : i32
      %dma_wait3A_194 = arith.constant 0 : i32
      %dma_wait3A_195 = tpu.memref_slice %arg7[%while3A_94, %dma_wait3A_194] : memref<2x128xi32, #tpu.memory_space<vmem>> -> memref<1x128xi32, #tpu.memory_space<vmem>>
      %dma_wait3A_196 = tpu.memref_squeeze %dma_wait3A_195 : memref<1x128xi32, #tpu.memory_space<vmem>> -> memref<128xi32, #tpu.memory_space<vmem>>
      %dma_wait3A_197 = tpu.memref_slice %arg4[%add3A, %mul3A_193] : memref<32x10496xi32, #tpu.memory_space<hbm>> -> memref<1x128xi32, #tpu.memory_space<hbm>>
      %dma_wait3A_198 = tpu.memref_squeeze %dma_wait3A_197 : memref<1x128xi32, #tpu.memory_space<hbm>> -> memref<128xi32, #tpu.memory_space<hbm>>
      %dma_wait3A_199 = arith.constant 0 : i32
      %dma_wait3A_200 = tpu.memref_slice %arg7[%while3A_94, %dma_wait3A_199] : memref<2x128xi32, #tpu.memory_space<vmem>> -> memref<1x128xi32, #tpu.memory_space<vmem>>
      %dma_wait3A_201 = tpu.memref_squeeze %dma_wait3A_200 : memref<1x128xi32, #tpu.memory_space<vmem>> -> memref<128xi32, #tpu.memory_space<vmem>>
      %dma_wait3A_202 = tpu.memref_slice %arg4[%add3A, %mul3A_193] : memref<32x10496xi32, #tpu.memory_space<hbm>> -> memref<1x128xi32, #tpu.memory_space<hbm>>
      %dma_wait3A_203 = tpu.memref_squeeze %dma_wait3A_202 : memref<1x128xi32, #tpu.memory_space<hbm>> -> memref<128xi32, #tpu.memory_space<hbm>>
      tpu.wait_dma2 semaphore(%arg13 : memref<!tpu.dma_semaphore, #tpu.memory_space<semaphore_mem>>) src(%dma_wait3A_203 : memref<128xi32, #tpu.memory_space<hbm>>) dst(%dma_wait3A_201 : memref<128xi32, #tpu.memory_space<vmem>>)
      "tpu.region"() ({
        %run_scoped3A = tpu.sem_alloc : memref<!tpu.dma_semaphore, #tpu.memory_space<semaphore_mem>>
        %dma_start3A_268 = arith.constant 0 : i32
        %dma_start3A_269 = tpu.memref_slice %arg7[%while3A_94, %dma_start3A_268] : memref<2x128xi32, #tpu.memory_space<vmem>> -> memref<1x128xi32, #tpu.memory_space<vmem>>
        %dma_start3A_270 = tpu.memref_squeeze %dma_start3A_269 : memref<1x128xi32, #tpu.memory_space<vmem>> -> memref<128xi32, #tpu.memory_space<vmem>>
        %dma_start3A_271 = arith.constant 0 : i32
        %dma_start3A_272 = arith.constant 0 : i32
        %dma_start3A_273 = tpu.memref_slice %arg10[%dma_start3A_271, %dma_start3A_272] : memref<10240x128xf32, #tpu.memory_space<vmem_shared>> -> memref<10240x128xf32, #tpu.memory_space<vmem_shared>>
        tpu.enqueue_indirect_dma source(%arg8 : memref<128x128xf32, #tpu.memory_space<vmem>>) target(%dma_start3A_273 : memref<10240x128xf32, #tpu.memory_space<vmem_shared>>) offsets(%dma_start3A_270 : memref<128xi32, #tpu.memory_space<vmem>>) semaphore(%run_scoped3A : memref<!tpu.dma_semaphore, #tpu.memory_space<semaphore_mem>>) {add = true}
        %dma_wait3A_274 = arith.constant 0 : i32
        %dma_wait3A_275 = tpu.memref_slice %arg7[%while3A_94, %dma_wait3A_274] : memref<2x128xi32, #tpu.memory_space<vmem>> -> memref<1x128xi32, #tpu.memory_space<vmem>>
        %dma_wait3A_276 = tpu.memref_squeeze %dma_wait3A_275 : memref<1x128xi32, #tpu.memory_space<vmem>> -> memref<128xi32, #tpu.memory_space<vmem>>
        %dma_wait3A_277 = arith.constant 0 : i32
        %dma_wait3A_278 = arith.constant 0 : i32
        %dma_wait3A_279 = tpu.memref_slice %arg10[%dma_wait3A_277, %dma_wait3A_278] : memref<10240x128xf32, #tpu.memory_space<vmem_shared>> -> memref<10240x128xf32, #tpu.memory_space<vmem_shared>>
        tpu.wait_indirect_dma semaphore(%run_scoped3A : memref<!tpu.dma_semaphore, #tpu.memory_space<semaphore_mem>>) src(%arg8 : memref<128x128xf32, #tpu.memory_space<vmem>>) dst(%dma_wait3A_279 : memref<10240x128xf32, #tpu.memory_space<vmem_shared>>)
        tpu.yield
      }) : () -> ()
      %add3A_204 = arith.constant 2 : i32
      %add3A_205 = arith.addi %mul3A_185, %add3A_204 : i32
      %mul3A_206 = arith.constant 128 : i32
      %mul3A_207 = arith.muli %add3A_205, %mul3A_206 : i32
      %dma_start3A_208 = arith.constant 0 : i32
      %dma_start3A_209 = tpu.memref_slice %arg7[%while3A_94, %dma_start3A_208] : memref<2x128xi32, #tpu.memory_space<vmem>> -> memref<1x128xi32, #tpu.memory_space<vmem>>
      %dma_start3A_210 = tpu.memref_squeeze %dma_start3A_209 : memref<1x128xi32, #tpu.memory_space<vmem>> -> memref<128xi32, #tpu.memory_space<vmem>>
      %dma_start3A_211 = tpu.memref_slice %arg4[%add3A, %mul3A_207] : memref<32x10496xi32, #tpu.memory_space<hbm>> -> memref<1x128xi32, #tpu.memory_space<hbm>>
      %dma_start3A_212 = tpu.memref_squeeze %dma_start3A_211 : memref<1x128xi32, #tpu.memory_space<hbm>> -> memref<128xi32, #tpu.memory_space<hbm>>
      %dma_start3A_213 = arith.constant 0 : i32
      %dma_start3A_214 = tpu.memref_slice %arg7[%while3A_94, %dma_start3A_213] : memref<2x128xi32, #tpu.memory_space<vmem>> -> memref<1x128xi32, #tpu.memory_space<vmem>>
      %dma_start3A_215 = tpu.memref_squeeze %dma_start3A_214 : memref<1x128xi32, #tpu.memory_space<vmem>> -> memref<128xi32, #tpu.memory_space<vmem>>
      %dma_start3A_216 = tpu.memref_slice %arg4[%add3A, %mul3A_207] : memref<32x10496xi32, #tpu.memory_space<hbm>> -> memref<1x128xi32, #tpu.memory_space<hbm>>
      %dma_start3A_217 = tpu.memref_squeeze %dma_start3A_216 : memref<1x128xi32, #tpu.memory_space<hbm>> -> memref<128xi32, #tpu.memory_space<hbm>>
      tpu.enqueue_dma source(%dma_start3A_217 : memref<128xi32, #tpu.memory_space<hbm>>) target(%dma_start3A_215 : memref<128xi32, #tpu.memory_space<vmem>>) target_semaphore(%arg13 : memref<!tpu.dma_semaphore, #tpu.memory_space<semaphore_mem>>)
      %add3A_218 = arith.constant 2 : i32
      %add3A_219 = arith.addi %mul3A_185, %add3A_218 : i32
      %mul3A_220 = arith.constant 128 : i32
      %mul3A_221 = arith.muli %add3A_219, %mul3A_220 : i32
      %dma_start3A_222 = tpu.memref_slice %arg6[%mul3A_221] : memref<10496xi32, #tpu.memory_space<vmem>> -> memref<128xi32, #tpu.memory_space<vmem>>
      %dma_start3A_223 = arith.constant 0 : i32
      %dma_start3A_224 = arith.constant 0 : i32
      %dma_start3A_225 = tpu.memref_slice %arg2[%dma_start3A_223, %dma_start3A_224] : memref<10000x128xf32, #tpu.memory_space<hbm>> -> memref<10000x128xf32, #tpu.memory_space<hbm>>
      tpu.enqueue_indirect_dma source(%dma_start3A_225 : memref<10000x128xf32, #tpu.memory_space<hbm>>) target(%arg8 : memref<128x128xf32, #tpu.memory_space<vmem>>) offsets(%dma_start3A_222 : memref<128xi32, #tpu.memory_space<vmem>>) semaphore(%arg11 : memref<!tpu.dma_semaphore, #tpu.memory_space<semaphore_mem>>)
      %add3A_226 = arith.constant 1 : i32
      %add3A_227 = arith.addi %mul3A_185, %add3A_226 : i32
      %mul3A_228 = arith.constant 128 : i32
      %mul3A_229 = arith.muli %add3A_227, %mul3A_228 : i32
      %dma_wait3A_230 = tpu.memref_slice %arg6[%mul3A_229] : memref<10496xi32, #tpu.memory_space<vmem>> -> memref<128xi32, #tpu.memory_space<vmem>>
      %dma_wait3A_231 = arith.constant 0 : i32
      %dma_wait3A_232 = arith.constant 0 : i32
      %dma_wait3A_233 = tpu.memref_slice %arg2[%dma_wait3A_231, %dma_wait3A_232] : memref<10000x128xf32, #tpu.memory_space<hbm>> -> memref<10000x128xf32, #tpu.memory_space<hbm>>
      tpu.wait_indirect_dma semaphore(%arg12 : memref<!tpu.dma_semaphore, #tpu.memory_space<semaphore_mem>>) src(%dma_wait3A_233 : memref<10000x128xf32, #tpu.memory_space<hbm>>) dst(%arg9 : memref<128x128xf32, #tpu.memory_space<vmem>>)
      %mul3A_234 = arith.constant 128 : i32
      %mul3A_235 = arith.muli %add3A_227, %mul3A_234 : i32
      %dma_wait3A_236 = arith.constant 0 : i32
      %dma_wait3A_237 = tpu.memref_slice %arg7[%while3A_95, %dma_wait3A_236] : memref<2x128xi32, #tpu.memory_space<vmem>> -> memref<1x128xi32, #tpu.memory_space<vmem>>
      %dma_wait3A_238 = tpu.memref_squeeze %dma_wait3A_237 : memref<1x128xi32, #tpu.memory_space<vmem>> -> memref<128xi32, #tpu.memory_space<vmem>>
      %dma_wait3A_239 = tpu.memref_slice %arg4[%add3A, %mul3A_235] : memref<32x10496xi32, #tpu.memory_space<hbm>> -> memref<1x128xi32, #tpu.memory_space<hbm>>
      %dma_wait3A_240 = tpu.memref_squeeze %dma_wait3A_239 : memref<1x128xi32, #tpu.memory_space<hbm>> -> memref<128xi32, #tpu.memory_space<hbm>>
      %dma_wait3A_241 = arith.constant 0 : i32
      %dma_wait3A_242 = tpu.memref_slice %arg7[%while3A_95, %dma_wait3A_241] : memref<2x128xi32, #tpu.memory_space<vmem>> -> memref<1x128xi32, #tpu.memory_space<vmem>>
      %dma_wait3A_243 = tpu.memref_squeeze %dma_wait3A_242 : memref<1x128xi32, #tpu.memory_space<vmem>> -> memref<128xi32, #tpu.memory_space<vmem>>
      %dma_wait3A_244 = tpu.memref_slice %arg4[%add3A, %mul3A_235] : memref<32x10496xi32, #tpu.memory_space<hbm>> -> memref<1x128xi32, #tpu.memory_space<hbm>>
      %dma_wait3A_245 = tpu.memref_squeeze %dma_wait3A_244 : memref<1x128xi32, #tpu.memory_space<hbm>> -> memref<128xi32, #tpu.memory_space<hbm>>
      tpu.wait_dma2 semaphore(%arg14 : memref<!tpu.dma_semaphore, #tpu.memory_space<semaphore_mem>>) src(%dma_wait3A_245 : memref<128xi32, #tpu.memory_space<hbm>>) dst(%dma_wait3A_243 : memref<128xi32, #tpu.memory_space<vmem>>)
      "tpu.region"() ({
        %run_scoped3A = tpu.sem_alloc : memref<!tpu.dma_semaphore, #tpu.memory_space<semaphore_mem>>
        %dma_start3A_268 = arith.constant 0 : i32
        %dma_start3A_269 = tpu.memref_slice %arg7[%while3A_95, %dma_start3A_268] : memref<2x128xi32, #tpu.memory_space<vmem>> -> memref<1x128xi32, #tpu.memory_space<vmem>>
        %dma_start3A_270 = tpu.memref_squeeze %dma_start3A_269 : memref<1x128xi32, #tpu.memory_space<vmem>> -> memref<128xi32, #tpu.memory_space<vmem>>
        %dma_start3A_271 = arith.constant 0 : i32
        %dma_start3A_272 = arith.constant 0 : i32
        %dma_start3A_273 = tpu.memref_slice %arg10[%dma_start3A_271, %dma_start3A_272] : memref<10240x128xf32, #tpu.memory_space<vmem_shared>> -> memref<10240x128xf32, #tpu.memory_space<vmem_shared>>
        tpu.enqueue_indirect_dma source(%arg9 : memref<128x128xf32, #tpu.memory_space<vmem>>) target(%dma_start3A_273 : memref<10240x128xf32, #tpu.memory_space<vmem_shared>>) offsets(%dma_start3A_270 : memref<128xi32, #tpu.memory_space<vmem>>) semaphore(%run_scoped3A : memref<!tpu.dma_semaphore, #tpu.memory_space<semaphore_mem>>) {add = true}
        %dma_wait3A_274 = arith.constant 0 : i32
        %dma_wait3A_275 = tpu.memref_slice %arg7[%while3A_95, %dma_wait3A_274] : memref<2x128xi32, #tpu.memory_space<vmem>> -> memref<1x128xi32, #tpu.memory_space<vmem>>
        %dma_wait3A_276 = tpu.memref_squeeze %dma_wait3A_275 : memref<1x128xi32, #tpu.memory_space<vmem>> -> memref<128xi32, #tpu.memory_space<vmem>>
        %dma_wait3A_277 = arith.constant 0 : i32
        %dma_wait3A_278 = arith.constant 0 : i32
        %dma_wait3A_279 = tpu.memref_slice %arg10[%dma_wait3A_277, %dma_wait3A_278] : memref<10240x128xf32, #tpu.memory_space<vmem_shared>> -> memref<10240x128xf32, #tpu.memory_space<vmem_shared>>
        tpu.wait_indirect_dma semaphore(%run_scoped3A : memref<!tpu.dma_semaphore, #tpu.memory_space<semaphore_mem>>) src(%arg9 : memref<128x128xf32, #tpu.memory_space<vmem>>) dst(%dma_wait3A_279 : memref<10240x128xf32, #tpu.memory_space<vmem_shared>>)
        tpu.yield
      }) : () -> ()
      %add3A_246 = arith.constant 2 : i32
      %add3A_247 = arith.addi %add3A_227, %add3A_246 : i32
      %mul3A_248 = arith.constant 128 : i32
      %mul3A_249 = arith.muli %add3A_247, %mul3A_248 : i32
      %dma_start3A_250 = arith.constant 0 : i32
      %dma_start3A_251 = tpu.memref_slice %arg7[%while3A_95, %dma_start3A_250] : memref<2x128xi32, #tpu.memory_space<vmem>> -> memref<1x128xi32, #tpu.memory_space<vmem>>
      %dma_start3A_252 = tpu.memref_squeeze %dma_start3A_251 : memref<1x128xi32, #tpu.memory_space<vmem>> -> memref<128xi32, #tpu.memory_space<vmem>>
      %dma_start3A_253 = tpu.memref_slice %arg4[%add3A, %mul3A_249] : memref<32x10496xi32, #tpu.memory_space<hbm>> -> memref<1x128xi32, #tpu.memory_space<hbm>>
      %dma_start3A_254 = tpu.memref_squeeze %dma_start3A_253 : memref<1x128xi32, #tpu.memory_space<hbm>> -> memref<128xi32, #tpu.memory_space<hbm>>
      %dma_start3A_255 = arith.constant 0 : i32
      %dma_start3A_256 = tpu.memref_slice %arg7[%while3A_95, %dma_start3A_255] : memref<2x128xi32, #tpu.memory_space<vmem>> -> memref<1x128xi32, #tpu.memory_space<vmem>>
      %dma_start3A_257 = tpu.memref_squeeze %dma_start3A_256 : memref<1x128xi32, #tpu.memory_space<vmem>> -> memref<128xi32, #tpu.memory_space<vmem>>
      %dma_start3A_258 = tpu.memref_slice %arg4[%add3A, %mul3A_249] : memref<32x10496xi32, #tpu.memory_space<hbm>> -> memref<1x128xi32, #tpu.memory_space<hbm>>
      %dma_start3A_259 = tpu.memref_squeeze %dma_start3A_258 : memref<1x128xi32, #tpu.memory_space<hbm>> -> memref<128xi32, #tpu.memory_space<hbm>>
      tpu.enqueue_dma source(%dma_start3A_259 : memref<128xi32, #tpu.memory_space<hbm>>) target(%dma_start3A_257 : memref<128xi32, #tpu.memory_space<vmem>>) target_semaphore(%arg14 : memref<!tpu.dma_semaphore, #tpu.memory_space<semaphore_mem>>)
      %add3A_260 = arith.constant 2 : i32
      %add3A_261 = arith.addi %add3A_227, %add3A_260 : i32
      %mul3A_262 = arith.constant 128 : i32
      %mul3A_263 = arith.muli %add3A_261, %mul3A_262 : i32
      %dma_start3A_264 = tpu.memref_slice %arg6[%mul3A_263] : memref<10496xi32, #tpu.memory_space<vmem>> -> memref<128xi32, #tpu.memory_space<vmem>>
      %dma_start3A_265 = arith.constant 0 : i32
      %dma_start3A_266 = arith.constant 0 : i32
      %dma_start3A_267 = tpu.memref_slice %arg2[%dma_start3A_265, %dma_start3A_266] : memref<10000x128xf32, #tpu.memory_space<hbm>> -> memref<10000x128xf32, #tpu.memory_space<hbm>>
      tpu.enqueue_indirect_dma source(%dma_start3A_267 : memref<10000x128xf32, #tpu.memory_space<hbm>>) target(%arg9 : memref<128x128xf32, #tpu.memory_space<vmem>>) offsets(%dma_start3A_264 : memref<128xi32, #tpu.memory_space<vmem>>) semaphore(%arg12 : memref<!tpu.dma_semaphore, #tpu.memory_space<semaphore_mem>>)
    }
    %while3A_105 = arith.constant 1 : i32
    scf.for %while3A_183 = %while3A_103 to %while3A_99 step %while3A_105  : i32 {
      %mul3A_184 = arith.constant 2 : i32
      %mul3A_185 = arith.muli %mul3A_184, %while3A_183 : i32
      %mul3A_186 = arith.constant 128 : i32
      %mul3A_187 = arith.muli %mul3A_185, %mul3A_186 : i32
      %dma_wait3A_188 = tpu.memref_slice %arg6[%mul3A_187] : memref<10496xi32, #tpu.memory_space<vmem>> -> memref<128xi32, #tpu.memory_space<vmem>>
      %dma_wait3A_189 = arith.constant 0 : i32
      %dma_wait3A_190 = arith.constant 0 : i32
      %dma_wait3A_191 = tpu.memref_slice %arg2[%dma_wait3A_189, %dma_wait3A_190] : memref<10000x128xf32, #tpu.memory_space<hbm>> -> memref<10000x128xf32, #tpu.memory_space<hbm>>
      tpu.wait_indirect_dma semaphore(%arg11 : memref<!tpu.dma_semaphore, #tpu.memory_space<semaphore_mem>>) src(%dma_wait3A_191 : memref<10000x128xf32, #tpu.memory_space<hbm>>) dst(%arg8 : memref<128x128xf32, #tpu.memory_space<vmem>>)
      %mul3A_192 = arith.constant 128 : i32
      %mul3A_193 = arith.muli %mul3A_185, %mul3A_192 : i32
      %dma_wait3A_194 = arith.constant 0 : i32
      %dma_wait3A_195 = tpu.memref_slice %arg7[%while3A_94, %dma_wait3A_194] : memref<2x128xi32, #tpu.memory_space<vmem>> -> memref<1x128xi32, #tpu.memory_space<vmem>>
      %dma_wait3A_196 = tpu.memref_squeeze %dma_wait3A_195 : memref<1x128xi32, #tpu.memory_space<vmem>> -> memref<128xi32, #tpu.memory_space<vmem>>
      %dma_wait3A_197 = tpu.memref_slice %arg4[%add3A, %mul3A_193] : memref<32x10496xi32, #tpu.memory_space<hbm>> -> memref<1x128xi32, #tpu.memory_space<hbm>>
      %dma_wait3A_198 = tpu.memref_squeeze %dma_wait3A_197 : memref<1x128xi32, #tpu.memory_space<hbm>> -> memref<128xi32, #tpu.memory_space<hbm>>
      %dma_wait3A_199 = arith.constant 0 : i32
      %dma_wait3A_200 = tpu.memref_slice %arg7[%while3A_94, %dma_wait3A_199] : memref<2x128xi32, #tpu.memory_space<vmem>> -> memref<1x128xi32, #tpu.memory_space<vmem>>
      %dma_wait3A_201 = tpu.memref_squeeze %dma_wait3A_200 : memref<1x128xi32, #tpu.memory_space<vmem>> -> memref<128xi32, #tpu.memory_space<vmem>>
      %dma_wait3A_202 = tpu.memref_slice %arg4[%add3A, %mul3A_193] : memref<32x10496xi32, #tpu.memory_space<hbm>> -> memref<1x128xi32, #tpu.memory_space<hbm>>
      %dma_wait3A_203 = tpu.memref_squeeze %dma_wait3A_202 : memref<1x128xi32, #tpu.memory_space<hbm>> -> memref<128xi32, #tpu.memory_space<hbm>>
      tpu.wait_dma2 semaphore(%arg13 : memref<!tpu.dma_semaphore, #tpu.memory_space<semaphore_mem>>) src(%dma_wait3A_203 : memref<128xi32, #tpu.memory_space<hbm>>) dst(%dma_wait3A_201 : memref<128xi32, #tpu.memory_space<vmem>>)
      "tpu.region"() ({
        %run_scoped3A = tpu.sem_alloc : memref<!tpu.dma_semaphore, #tpu.memory_space<semaphore_mem>>
        %dma_start3A_268 = arith.constant 0 : i32
        %dma_start3A_269 = tpu.memref_slice %arg7[%while3A_94, %dma_start3A_268] : memref<2x128xi32, #tpu.memory_space<vmem>> -> memref<1x128xi32, #tpu.memory_space<vmem>>
        %dma_start3A_270 = tpu.memref_squeeze %dma_start3A_269 : memref<1x128xi32, #tpu.memory_space<vmem>> -> memref<128xi32, #tpu.memory_space<vmem>>
        %dma_start3A_271 = arith.constant 0 : i32
        %dma_start3A_272 = arith.constant 0 : i32
        %dma_start3A_273 = tpu.memref_slice %arg10[%dma_start3A_271, %dma_start3A_272] : memref<10240x128xf32, #tpu.memory_space<vmem_shared>> -> memref<10240x128xf32, #tpu.memory_space<vmem_shared>>
        tpu.enqueue_indirect_dma source(%arg8 : memref<128x128xf32, #tpu.memory_space<vmem>>) target(%dma_start3A_273 : memref<10240x128xf32, #tpu.memory_space<vmem_shared>>) offsets(%dma_start3A_270 : memref<128xi32, #tpu.memory_space<vmem>>) semaphore(%run_scoped3A : memref<!tpu.dma_semaphore, #tpu.memory_space<semaphore_mem>>) {add = true}
        %dma_wait3A_274 = arith.constant 0 : i32
        %dma_wait3A_275 = tpu.memref_slice %arg7[%while3A_94, %dma_wait3A_274] : memref<2x128xi32, #tpu.memory_space<vmem>> -> memref<1x128xi32, #tpu.memory_space<vmem>>
        %dma_wait3A_276 = tpu.memref_squeeze %dma_wait3A_275 : memref<1x128xi32, #tpu.memory_space<vmem>> -> memref<128xi32, #tpu.memory_space<vmem>>
        %dma_wait3A_277 = arith.constant 0 : i32
        %dma_wait3A_278 = arith.constant 0 : i32
        %dma_wait3A_279 = tpu.memref_slice %arg10[%dma_wait3A_277, %dma_wait3A_278] : memref<10240x128xf32, #tpu.memory_space<vmem_shared>> -> memref<10240x128xf32, #tpu.memory_space<vmem_shared>>
        tpu.wait_indirect_dma semaphore(%run_scoped3A : memref<!tpu.dma_semaphore, #tpu.memory_space<semaphore_mem>>) src(%arg8 : memref<128x128xf32, #tpu.memory_space<vmem>>) dst(%dma_wait3A_279 : memref<10240x128xf32, #tpu.memory_space<vmem_shared>>)
        tpu.yield
      }) : () -> ()
      %add3A_204 = arith.constant 2 : i32
      %add3A_205 = arith.addi %mul3A_185, %add3A_204 : i32
      %mul3A_206 = arith.constant 128 : i32
      %mul3A_207 = arith.muli %add3A_205, %mul3A_206 : i32
      %dma_start3A_208 = arith.constant 0 : i32
      %dma_start3A_209 = tpu.memref_slice %arg7[%while3A_94, %dma_start3A_208] : memref<2x128xi32, #tpu.memory_space<vmem>> -> memref<1x128xi32, #tpu.memory_space<vmem>>
      %dma_start3A_210 = tpu.memref_squeeze %dma_start3A_209 : memref<1x128xi32, #tpu.memory_space<vmem>> -> memref<128xi32, #tpu.memory_space<vmem>>
      %dma_start3A_211 = tpu.memref_slice %arg4[%add3A, %mul3A_207] : memref<32x10496xi32, #tpu.memory_space<hbm>> -> memref<1x128xi32, #tpu.memory_space<hbm>>
      %dma_start3A_212 = tpu.memref_squeeze %dma_start3A_211 : memref<1x128xi32, #tpu.memory_space<hbm>> -> memref<128xi32, #tpu.memory_space<hbm>>
      %dma_start3A_213 = arith.constant 0 : i32
      %dma_start3A_214 = tpu.memref_slice %arg7[%while3A_94, %dma_start3A_213] : memref<2x128xi32, #tpu.memory_space<vmem>> -> memref<1x128xi32, #tpu.memory_space<vmem>>
      %dma_start3A_215 = tpu.memref_squeeze %dma_start3A_214 : memref<1x128xi32, #tpu.memory_space<vmem>> -> memref<128xi32, #tpu.memory_space<vmem>>
      %dma_start3A_216 = tpu.memref_slice %arg4[%add3A, %mul3A_207] : memref<32x10496xi32, #tpu.memory_space<hbm>> -> memref<1x128xi32, #tpu.memory_space<hbm>>
      %dma_start3A_217 = tpu.memref_squeeze %dma_start3A_216 : memref<1x128xi32, #tpu.memory_space<hbm>> -> memref<128xi32, #tpu.memory_space<hbm>>
      tpu.enqueue_dma source(%dma_start3A_217 : memref<128xi32, #tpu.memory_space<hbm>>) target(%dma_start3A_215 : memref<128xi32, #tpu.memory_space<vmem>>) target_semaphore(%arg13 : memref<!tpu.dma_semaphore, #tpu.memory_space<semaphore_mem>>)
      %add3A_218 = arith.constant 2 : i32
      %add3A_219 = arith.addi %mul3A_185, %add3A_218 : i32
      %mul3A_220 = arith.constant 128 : i32
      %mul3A_221 = arith.muli %add3A_219, %mul3A_220 : i32
      %dma_start3A_222 = tpu.memref_slice %arg6[%mul3A_221] : memref<10496xi32, #tpu.memory_space<vmem>> -> memref<128xi32, #tpu.memory_space<vmem>>
      %dma_start3A_223 = arith.constant 0 : i32
      %dma_start3A_224 = arith.constant 0 : i32
      %dma_start3A_225 = tpu.memref_slice %arg2[%dma_start3A_223, %dma_start3A_224] : memref<10000x128xf32, #tpu.memory_space<hbm>> -> memref<10000x128xf32, #tpu.memory_space<hbm>>
      tpu.enqueue_indirect_dma source(%dma_start3A_225 : memref<10000x128xf32, #tpu.memory_space<hbm>>) target(%arg8 : memref<128x128xf32, #tpu.memory_space<vmem>>) offsets(%dma_start3A_222 : memref<128xi32, #tpu.memory_space<vmem>>) semaphore(%arg11 : memref<!tpu.dma_semaphore, #tpu.memory_space<semaphore_mem>>)
      %add3A_226 = arith.constant 1 : i32
      %add3A_227 = arith.addi %mul3A_185, %add3A_226 : i32
      %mul3A_228 = arith.constant 128 : i32
      %mul3A_229 = arith.muli %add3A_227, %mul3A_228 : i32
      %dma_wait3A_230 = tpu.memref_slice %arg6[%mul3A_229] : memref<10496xi32, #tpu.memory_space<vmem>> -> memref<128xi32, #tpu.memory_space<vmem>>
      %dma_wait3A_231 = arith.constant 0 : i32
      %dma_wait3A_232 = arith.constant 0 : i32
      %dma_wait3A_233 = tpu.memref_slice %arg2[%dma_wait3A_231, %dma_wait3A_232] : memref<10000x128xf32, #tpu.memory_space<hbm>> -> memref<10000x128xf32, #tpu.memory_space<hbm>>
      tpu.wait_indirect_dma semaphore(%arg12 : memref<!tpu.dma_semaphore, #tpu.memory_space<semaphore_mem>>) src(%dma_wait3A_233 : memref<10000x128xf32, #tpu.memory_space<hbm>>) dst(%arg9 : memref<128x128xf32, #tpu.memory_space<vmem>>)
      %mul3A_234 = arith.constant 128 : i32
      %mul3A_235 = arith.muli %add3A_227, %mul3A_234 : i32
      %dma_wait3A_236 = arith.constant 0 : i32
      %dma_wait3A_237 = tpu.memref_slice %arg7[%while3A_95, %dma_wait3A_236] : memref<2x128xi32, #tpu.memory_space<vmem>> -> memref<1x128xi32, #tpu.memory_space<vmem>>
      %dma_wait3A_238 = tpu.memref_squeeze %dma_wait3A_237 : memref<1x128xi32, #tpu.memory_space<vmem>> -> memref<128xi32, #tpu.memory_space<vmem>>
      %dma_wait3A_239 = tpu.memref_slice %arg4[%add3A, %mul3A_235] : memref<32x10496xi32, #tpu.memory_space<hbm>> -> memref<1x128xi32, #tpu.memory_space<hbm>>
      %dma_wait3A_240 = tpu.memref_squeeze %dma_wait3A_239 : memref<1x128xi32, #tpu.memory_space<hbm>> -> memref<128xi32, #tpu.memory_space<hbm>>
      %dma_wait3A_241 = arith.constant 0 : i32
      %dma_wait3A_242 = tpu.memref_slice %arg7[%while3A_95, %dma_wait3A_241] : memref<2x128xi32, #tpu.memory_space<vmem>> -> memref<1x128xi32, #tpu.memory_space<vmem>>
      %dma_wait3A_243 = tpu.memref_squeeze %dma_wait3A_242 : memref<1x128xi32, #tpu.memory_space<vmem>> -> memref<128xi32, #tpu.memory_space<vmem>>
      %dma_wait3A_244 = tpu.memref_slice %arg4[%add3A, %mul3A_235] : memref<32x10496xi32, #tpu.memory_space<hbm>> -> memref<1x128xi32, #tpu.memory_space<hbm>>
      %dma_wait3A_245 = tpu.memref_squeeze %dma_wait3A_244 : memref<1x128xi32, #tpu.memory_space<hbm>> -> memref<128xi32, #tpu.memory_space<hbm>>
      tpu.wait_dma2 semaphore(%arg14 : memref<!tpu.dma_semaphore, #tpu.memory_space<semaphore_mem>>) src(%dma_wait3A_245 : memref<128xi32, #tpu.memory_space<hbm>>) dst(%dma_wait3A_243 : memref<128xi32, #tpu.memory_space<vmem>>)
      "tpu.region"() ({
        %run_scoped3A = tpu.sem_alloc : memref<!tpu.dma_semaphore, #tpu.memory_space<semaphore_mem>>
        %dma_start3A_268 = arith.constant 0 : i32
        %dma_start3A_269 = tpu.memref_slice %arg7[%while3A_95, %dma_start3A_268] : memref<2x128xi32, #tpu.memory_space<vmem>> -> memref<1x128xi32, #tpu.memory_space<vmem>>
        %dma_start3A_270 = tpu.memref_squeeze %dma_start3A_269 : memref<1x128xi32, #tpu.memory_space<vmem>> -> memref<128xi32, #tpu.memory_space<vmem>>
        %dma_start3A_271 = arith.constant 0 : i32
        %dma_start3A_272 = arith.constant 0 : i32
        %dma_start3A_273 = tpu.memref_slice %arg10[%dma_start3A_271, %dma_start3A_272] : memref<10240x128xf32, #tpu.memory_space<vmem_shared>> -> memref<10240x128xf32, #tpu.memory_space<vmem_shared>>
        tpu.enqueue_indirect_dma source(%arg9 : memref<128x128xf32, #tpu.memory_space<vmem>>) target(%dma_start3A_273 : memref<10240x128xf32, #tpu.memory_space<vmem_shared>>) offsets(%dma_start3A_270 : memref<128xi32, #tpu.memory_space<vmem>>) semaphore(%run_scoped3A : memref<!tpu.dma_semaphore, #tpu.memory_space<semaphore_mem>>) {add = true}
        %dma_wait3A_274 = arith.constant 0 : i32
        %dma_wait3A_275 = tpu.memref_slice %arg7[%while3A_95, %dma_wait3A_274] : memref<2x128xi32, #tpu.memory_space<vmem>> -> memref<1x128xi32, #tpu.memory_space<vmem>>
        %dma_wait3A_276 = tpu.memref_squeeze %dma_wait3A_275 : memref<1x128xi32, #tpu.memory_space<vmem>> -> memref<128xi32, #tpu.memory_space<vmem>>
        %dma_wait3A_277 = arith.constant 0 : i32
        %dma_wait3A_278 = arith.constant 0 : i32
        %dma_wait3A_279 = tpu.memref_slice %arg10[%dma_wait3A_277, %dma_wait3A_278] : memref<10240x128xf32, #tpu.memory_space<vmem_shared>> -> memref<10240x128xf32, #tpu.memory_space<vmem_shared>>
        tpu.wait_indirect_dma semaphore(%run_scoped3A : memref<!tpu.dma_semaphore, #tpu.memory_space<semaphore_mem>>) src(%arg9 : memref<128x128xf32, #tpu.memory_space<vmem>>) dst(%dma_wait3A_279 : memref<10240x128xf32, #tpu.memory_space<vmem_shared>>)
        tpu.yield
      }) : () -> ()
      %add3A_246 = arith.constant 2 : i32
      %add3A_247 = arith.addi %add3A_227, %add3A_246 : i32
      %mul3A_248 = arith.constant 128 : i32
      %mul3A_249 = arith.muli %add3A_247, %mul3A_248 : i32
      %dma_start3A_250 = arith.constant 0 : i32
      %dma_start3A_251 = tpu.memref_slice %arg7[%while3A_95, %dma_start3A_250] : memref<2x128xi32, #tpu.memory_space<vmem>> -> memref<1x128xi32, #tpu.memory_space<vmem>>
      %dma_start3A_252 = tpu.memref_squeeze %dma_start3A_251 : memref<1x128xi32, #tpu.memory_space<vmem>> -> memref<128xi32, #tpu.memory_space<vmem>>
      %dma_start3A_253 = tpu.memref_slice %arg4[%add3A, %mul3A_249] : memref<32x10496xi32, #tpu.memory_space<hbm>> -> memref<1x128xi32, #tpu.memory_space<hbm>>
      %dma_start3A_254 = tpu.memref_squeeze %dma_start3A_253 : memref<1x128xi32, #tpu.memory_space<hbm>> -> memref<128xi32, #tpu.memory_space<hbm>>
      %dma_start3A_255 = arith.constant 0 : i32
      %dma_start3A_256 = tpu.memref_slice %arg7[%while3A_95, %dma_start3A_255] : memref<2x128xi32, #tpu.memory_space<vmem>> -> memref<1x128xi32, #tpu.memory_space<vmem>>
      %dma_start3A_257 = tpu.memref_squeeze %dma_start3A_256 : memref<1x128xi32, #tpu.memory_space<vmem>> -> memref<128xi32, #tpu.memory_space<vmem>>
      %dma_start3A_258 = tpu.memref_slice %arg4[%add3A, %mul3A_249] : memref<32x10496xi32, #tpu.memory_space<hbm>> -> memref<1x128xi32, #tpu.memory_space<hbm>>
      %dma_start3A_259 = tpu.memref_squeeze %dma_start3A_258 : memref<1x128xi32, #tpu.memory_space<hbm>> -> memref<128xi32, #tpu.memory_space<hbm>>
      tpu.enqueue_dma source(%dma_start3A_259 : memref<128xi32, #tpu.memory_space<hbm>>) target(%dma_start3A_257 : memref<128xi32, #tpu.memory_space<vmem>>) target_semaphore(%arg14 : memref<!tpu.dma_semaphore, #tpu.memory_space<semaphore_mem>>)
      %add3A_260 = arith.constant 2 : i32
      %add3A_261 = arith.addi %add3A_227, %add3A_260 : i32
      %mul3A_262 = arith.constant 128 : i32
      %mul3A_263 = arith.muli %add3A_261, %mul3A_262 : i32
      %dma_start3A_264 = tpu.memref_slice %arg6[%mul3A_263] : memref<10496xi32, #tpu.memory_space<vmem>> -> memref<128xi32, #tpu.memory_space<vmem>>
      %dma_start3A_265 = arith.constant 0 : i32
      %dma_start3A_266 = arith.constant 0 : i32
      %dma_start3A_267 = tpu.memref_slice %arg2[%dma_start3A_265, %dma_start3A_266] : memref<10000x128xf32, #tpu.memory_space<hbm>> -> memref<10000x128xf32, #tpu.memory_space<hbm>>
      tpu.enqueue_indirect_dma source(%dma_start3A_267 : memref<10000x128xf32, #tpu.memory_space<hbm>>) target(%arg9 : memref<128x128xf32, #tpu.memory_space<vmem>>) offsets(%dma_start3A_264 : memref<128xi32, #tpu.memory_space<vmem>>) semaphore(%arg12 : memref<!tpu.dma_semaphore, #tpu.memory_space<semaphore_mem>>)
    }
    %mul3A_106 = arith.constant 80 : i32
    %mul3A_107 = arith.constant 128 : i32
    %mul3A_108 = arith.muli %mul3A_106, %mul3A_107 : i32
    %dma_wait3A = tpu.memref_slice %arg6[%mul3A_108] : memref<10496xi32, #tpu.memory_space<vmem>> -> memref<128xi32, #tpu.memory_space<vmem>>
    %dma_wait3A_109 = arith.constant 0 : i32
    %dma_wait3A_110 = arith.constant 0 : i32
    %dma_wait3A_111 = tpu.memref_slice %arg2[%dma_wait3A_109, %dma_wait3A_110] : memref<10000x128xf32, #tpu.memory_space<hbm>> -> memref<10000x128xf32, #tpu.memory_space<hbm>>
    tpu.wait_indirect_dma semaphore(%arg11 : memref<!tpu.dma_semaphore, #tpu.memory_space<semaphore_mem>>) src(%dma_wait3A_111 : memref<10000x128xf32, #tpu.memory_space<hbm>>) dst(%arg8 : memref<128x128xf32, #tpu.memory_space<vmem>>)
    %mul3A_112 = arith.constant 81 : i32
    %mul3A_113 = arith.constant 128 : i32
    %mul3A_114 = arith.muli %mul3A_112, %mul3A_113 : i32
    %dma_wait3A_115 = tpu.memref_slice %arg6[%mul3A_114] : memref<10496xi32, #tpu.memory_space<vmem>> -> memref<128xi32, #tpu.memory_space<vmem>>
    %dma_wait3A_116 = arith.constant 0 : i32
    %dma_wait3A_117 = arith.constant 0 : i32
    %dma_wait3A_118 = tpu.memref_slice %arg2[%dma_wait3A_116, %dma_wait3A_117] : memref<10000x128xf32, #tpu.memory_space<hbm>> -> memref<10000x128xf32, #tpu.memory_space<hbm>>
    tpu.wait_indirect_dma semaphore(%arg12 : memref<!tpu.dma_semaphore, #tpu.memory_space<semaphore_mem>>) src(%dma_wait3A_118 : memref<10000x128xf32, #tpu.memory_space<hbm>>) dst(%arg9 : memref<128x128xf32, #tpu.memory_space<vmem>>)
    %mul3A_119 = arith.constant 80 : i32
    %mul3A_120 = arith.constant 128 : i32
    %mul3A_121 = arith.muli %mul3A_119, %mul3A_120 : i32
    %dma_wait3A_122 = arith.constant 0 : i32
    %dma_wait3A_123 = arith.constant 0 : i32
    %dma_wait3A_124 = tpu.memref_slice %arg7[%dma_wait3A_122, %dma_wait3A_123] : memref<2x128xi32, #tpu.memory_space<vmem>> -> memref<1x128xi32, #tpu.memory_space<vmem>>
    %dma_wait3A_125 = tpu.memref_squeeze %dma_wait3A_124 : memref<1x128xi32, #tpu.memory_space<vmem>> -> memref<128xi32, #tpu.memory_space<vmem>>
    %dma_wait3A_126 = tpu.memref_slice %arg4[%add3A, %mul3A_121] : memref<32x10496xi32, #tpu.memory_space<hbm>> -> memref<1x128xi32, #tpu.memory_space<hbm>>
    %dma_wait3A_127 = tpu.memref_squeeze %dma_wait3A_126 : memref<1x128xi32, #tpu.memory_space<hbm>> -> memref<128xi32, #tpu.memory_space<hbm>>
    %dma_wait3A_128 = arith.constant 0 : i32
    %dma_wait3A_129 = tpu.memref_slice %arg7[%dma_wait3A_122, %dma_wait3A_128] : memref<2x128xi32, #tpu.memory_space<vmem>> -> memref<1x128xi32, #tpu.memory_space<vmem>>
    %dma_wait3A_130 = tpu.memref_squeeze %dma_wait3A_129 : memref<1x128xi32, #tpu.memory_space<vmem>> -> memref<128xi32, #tpu.memory_space<vmem>>
    %dma_wait3A_131 = tpu.memref_slice %arg4[%add3A, %mul3A_121] : memref<32x10496xi32, #tpu.memory_space<hbm>> -> memref<1x128xi32, #tpu.memory_space<hbm>>
    %dma_wait3A_132 = tpu.memref_squeeze %dma_wait3A_131 : memref<1x128xi32, #tpu.memory_space<hbm>> -> memref<128xi32, #tpu.memory_space<hbm>>
    tpu.wait_dma2 semaphore(%arg13 : memref<!tpu.dma_semaphore, #tpu.memory_space<semaphore_mem>>) src(%dma_wait3A_132 : memref<128xi32, #tpu.memory_space<hbm>>) dst(%dma_wait3A_130 : memref<128xi32, #tpu.memory_space<vmem>>)
    %mul3A_133 = arith.constant 81 : i32
    %mul3A_134 = arith.constant 128 : i32
    %mul3A_135 = arith.muli %mul3A_133, %mul3A_134 : i32
    %dma_wait3A_136 = arith.constant 1 : i32
    %dma_wait3A_137 = arith.constant 0 : i32
    %dma_wait3A_138 = tpu.memref_slice %arg7[%dma_wait3A_136, %dma_wait3A_137] : memref<2x128xi32, #tpu.memory_space<vmem>> -> memref<1x128xi32, #tpu.memory_space<vmem>>
    %dma_wait3A_139 = tpu.memref_squeeze %dma_wait3A_138 : memref<1x128xi32, #tpu.memory_space<vmem>> -> memref<128xi32, #tpu.memory_space<vmem>>
    %dma_wait3A_140 = tpu.memref_slice %arg4[%add3A, %mul3A_135] : memref<32x10496xi32, #tpu.memory_space<hbm>> -> memref<1x128xi32, #tpu.memory_space<hbm>>
    %dma_wait3A_141 = tpu.memref_squeeze %dma_wait3A_140 : memref<1x128xi32, #tpu.memory_space<hbm>> -> memref<128xi32, #tpu.memory_space<hbm>>
    %dma_wait3A_142 = arith.constant 0 : i32
    %dma_wait3A_143 = tpu.memref_slice %arg7[%dma_wait3A_136, %dma_wait3A_142] : memref<2x128xi32, #tpu.memory_space<vmem>> -> memref<1x128xi32, #tpu.memory_space<vmem>>
    %dma_wait3A_144 = tpu.memref_squeeze %dma_wait3A_143 : memref<1x128xi32, #tpu.memory_space<vmem>> -> memref<128xi32, #tpu.memory_space<vmem>>
    %dma_wait3A_145 = tpu.memref_slice %arg4[%add3A, %mul3A_135] : memref<32x10496xi32, #tpu.memory_space<hbm>> -> memref<1x128xi32, #tpu.memory_space<hbm>>
    %dma_wait3A_146 = tpu.memref_squeeze %dma_wait3A_145 : memref<1x128xi32, #tpu.memory_space<hbm>> -> memref<128xi32, #tpu.memory_space<hbm>>
    tpu.wait_dma2 semaphore(%arg14 : memref<!tpu.dma_semaphore, #tpu.memory_space<semaphore_mem>>) src(%dma_wait3A_146 : memref<128xi32, #tpu.memory_space<hbm>>) dst(%dma_wait3A_144 : memref<128xi32, #tpu.memory_space<vmem>>)
    %barrier3A_147 = arith.constant 0 : index
    tpu.barrier barrier_id(%barrier3A_147)
    %mul3A_148 = arith.constant 10240 : i32
    %mul3A_149 = arith.muli %arg0, %mul3A_148 : i32
    %mul3A_150 = arith.constant 640 : i32
    %mul3A_151 = arith.muli %arg1, %mul3A_150 : i32
    %add3A_152 = arith.addi %mul3A_149, %mul3A_151 : i32
    %mul3A_153 = arith.constant 640 : i32
    %mul3A_154 = arith.muli %arg1, %mul3A_153 : i32
    %add3A_155 = arith.constant 0 : i32
    %add3A_156 = arith.addi %mul3A_154, %add3A_155 : i32
    %add3A_157 = arith.constant 0 : i32
    %add3A_158 = arith.addi %add3A_152, %add3A_157 : i32
    "tpu.region"() ({
      %run_scoped3A = tpu.sem_alloc : memref<!tpu.dma_semaphore, #tpu.memory_space<semaphore_mem>>
      %dma_start3A_183 = arith.constant 0 : i32
      %dma_start3A_184 = tpu.memref_slice %arg5[%add3A_158, %dma_start3A_183] : memref<20480x128xf32, #tpu.memory_space<hbm>> -> memref<128x128xf32, #tpu.memory_space<hbm>>
      %dma_start3A_185 = arith.constant 0 : i32
      %dma_start3A_186 = tpu.memref_slice %arg10[%add3A_156, %dma_start3A_185] : memref<10240x128xf32, #tpu.memory_space<vmem_shared>> -> memref<128x128xf32, #tpu.memory_space<vmem_shared>>
      tpu.enqueue_dma source(%dma_start3A_186 : memref<128x128xf32, #tpu.memory_space<vmem_shared>>) target(%dma_start3A_184 : memref<128x128xf32, #tpu.memory_space<hbm>>) target_semaphore(%run_scoped3A : memref<!tpu.dma_semaphore, #tpu.memory_space<semaphore_mem>>)
      %dma_wait3A_187 = arith.constant 0 : i32
      %dma_wait3A_188 = tpu.memref_slice %arg5[%add3A_158, %dma_wait3A_187] : memref<20480x128xf32, #tpu.memory_space<hbm>> -> memref<128x128xf32, #tpu.memory_space<hbm>>
      %dma_wait3A_189 = arith.constant 0 : i32
      %dma_wait3A_190 = tpu.memref_slice %arg10[%add3A_156, %dma_wait3A_189] : memref<10240x128xf32, #tpu.memory_space<vmem_shared>> -> memref<128x128xf32, #tpu.memory_space<vmem_shared>>
      tpu.wait_dma2 semaphore(%run_scoped3A : memref<!tpu.dma_semaphore, #tpu.memory_space<semaphore_mem>>) src(%dma_wait3A_190 : memref<128x128xf32, #tpu.memory_space<vmem_shared>>) dst(%dma_wait3A_188 : memref<128x128xf32, #tpu.memory_space<hbm>>)
      tpu.yield
    }) : () -> ()
    %mul3A_159 = arith.constant 640 : i32
    %mul3A_160 = arith.muli %arg1, %mul3A_159 : i32
    %add3A_161 = arith.constant 128 : i32
    %add3A_162 = arith.addi %mul3A_160, %add3A_161 : i32
    %add3A_163 = arith.constant 128 : i32
    %add3A_164 = arith.addi %add3A_152, %add3A_163 : i32
    "tpu.region"() ({
      %run_scoped3A = tpu.sem_alloc : memref<!tpu.dma_semaphore, #tpu.memory_space<semaphore_mem>>
      %dma_start3A_183 = arith.constant 0 : i32
      %dma_start3A_184 = tpu.memref_slice %arg5[%add3A_164, %dma_start3A_183] : memref<20480x128xf32, #tpu.memory_space<hbm>> -> memref<128x128xf32, #tpu.memory_space<hbm>>
      %dma_start3A_185 = arith.constant 0 : i32
      %dma_start3A_186 = tpu.memref_slice %arg10[%add3A_162, %dma_start3A_185] : memref<10240x128xf32, #tpu.memory_space<vmem_shared>> -> memref<128x128xf32, #tpu.memory_space<vmem_shared>>
      tpu.enqueue_dma source(%dma_start3A_186 : memref<128x128xf32, #tpu.memory_space<vmem_shared>>) target(%dma_start3A_184 : memref<128x128xf32, #tpu.memory_space<hbm>>) target_semaphore(%run_scoped3A : memref<!tpu.dma_semaphore, #tpu.memory_space<semaphore_mem>>)
      %dma_wait3A_187 = arith.constant 0 : i32
      %dma_wait3A_188 = tpu.memref_slice %arg5[%add3A_164, %dma_wait3A_187] : memref<20480x128xf32, #tpu.memory_space<hbm>> -> memref<128x128xf32, #tpu.memory_space<hbm>>
      %dma_wait3A_189 = arith.constant 0 : i32
      %dma_wait3A_190 = tpu.memref_slice %arg10[%add3A_162, %dma_wait3A_189] : memref<10240x128xf32, #tpu.memory_space<vmem_shared>> -> memref<128x128xf32, #tpu.memory_space<vmem_shared>>
      tpu.wait_dma2 semaphore(%run_scoped3A : memref<!tpu.dma_semaphore, #tpu.memory_space<semaphore_mem>>) src(%dma_wait3A_190 : memref<128x128xf32, #tpu.memory_space<vmem_shared>>) dst(%dma_wait3A_188 : memref<128x128xf32, #tpu.memory_space<hbm>>)
      tpu.yield
    }) : () -> ()
    %mul3A_165 = arith.constant 640 : i32
    %mul3A_166 = arith.muli %arg1, %mul3A_165 : i32
    %add3A_167 = arith.constant 256 : i32
    %add3A_168 = arith.addi %mul3A_166, %add3A_167 : i32
    %add3A_169 = arith.constant 256 : i32
    %add3A_170 = arith.addi %add3A_152, %add3A_169 : i32
    "tpu.region"() ({
      %run_scoped3A = tpu.sem_alloc : memref<!tpu.dma_semaphore, #tpu.memory_space<semaphore_mem>>
      %dma_start3A_183 = arith.constant 0 : i32
      %dma_start3A_184 = tpu.memref_slice %arg5[%add3A_170, %dma_start3A_183] : memref<20480x128xf32, #tpu.memory_space<hbm>> -> memref<128x128xf32, #tpu.memory_space<hbm>>
      %dma_start3A_185 = arith.constant 0 : i32
      %dma_start3A_186 = tpu.memref_slice %arg10[%add3A_168, %dma_start3A_185] : memref<10240x128xf32, #tpu.memory_space<vmem_shared>> -> memref<128x128xf32, #tpu.memory_space<vmem_shared>>
      tpu.enqueue_dma source(%dma_start3A_186 : memref<128x128xf32, #tpu.memory_space<vmem_shared>>) target(%dma_start3A_184 : memref<128x128xf32, #tpu.memory_space<hbm>>) target_semaphore(%run_scoped3A : memref<!tpu.dma_semaphore, #tpu.memory_space<semaphore_mem>>)
      %dma_wait3A_187 = arith.constant 0 : i32
      %dma_wait3A_188 = tpu.memref_slice %arg5[%add3A_170, %dma_wait3A_187] : memref<20480x128xf32, #tpu.memory_space<hbm>> -> memref<128x128xf32, #tpu.memory_space<hbm>>
      %dma_wait3A_189 = arith.constant 0 : i32
      %dma_wait3A_190 = tpu.memref_slice %arg10[%add3A_168, %dma_wait3A_189] : memref<10240x128xf32, #tpu.memory_space<vmem_shared>> -> memref<128x128xf32, #tpu.memory_space<vmem_shared>>
      tpu.wait_dma2 semaphore(%run_scoped3A : memref<!tpu.dma_semaphore, #tpu.memory_space<semaphore_mem>>) src(%dma_wait3A_190 : memref<128x128xf32, #tpu.memory_space<vmem_shared>>) dst(%dma_wait3A_188 : memref<128x128xf32, #tpu.memory_space<hbm>>)
      tpu.yield
    }) : () -> ()
    %mul3A_171 = arith.constant 640 : i32
    %mul3A_172 = arith.muli %arg1, %mul3A_171 : i32
    %add3A_173 = arith.constant 384 : i32
    %add3A_174 = arith.addi %mul3A_172, %add3A_173 : i32
    %add3A_175 = arith.constant 384 : i32
    %add3A_176 = arith.addi %add3A_152, %add3A_175 : i32
    "tpu.region"() ({
      %run_scoped3A = tpu.sem_alloc : memref<!tpu.dma_semaphore, #tpu.memory_space<semaphore_mem>>
      %dma_start3A_183 = arith.constant 0 : i32
      %dma_start3A_184 = tpu.memref_slice %arg5[%add3A_176, %dma_start3A_183] : memref<20480x128xf32, #tpu.memory_space<hbm>> -> memref<128x128xf32, #tpu.memory_space<hbm>>
      %dma_start3A_185 = arith.constant 0 : i32
      %dma_start3A_186 = tpu.memref_slice %arg10[%add3A_174, %dma_start3A_185] : memref<10240x128xf32, #tpu.memory_space<vmem_shared>> -> memref<128x128xf32, #tpu.memory_space<vmem_shared>>
      tpu.enqueue_dma source(%dma_start3A_186 : memref<128x128xf32, #tpu.memory_space<vmem_shared>>) target(%dma_start3A_184 : memref<128x128xf32, #tpu.memory_space<hbm>>) target_semaphore(%run_scoped3A : memref<!tpu.dma_semaphore, #tpu.memory_space<semaphore_mem>>)
      %dma_wait3A_187 = arith.constant 0 : i32
      %dma_wait3A_188 = tpu.memref_slice %arg5[%add3A_176, %dma_wait3A_187] : memref<20480x128xf32, #tpu.memory_space<hbm>> -> memref<128x128xf32, #tpu.memory_space<hbm>>
      %dma_wait3A_189 = arith.constant 0 : i32
      %dma_wait3A_190 = tpu.memref_slice %arg10[%add3A_174, %dma_wait3A_189] : memref<10240x128xf32, #tpu.memory_space<vmem_shared>> -> memref<128x128xf32, #tpu.memory_space<vmem_shared>>
      tpu.wait_dma2 semaphore(%run_scoped3A : memref<!tpu.dma_semaphore, #tpu.memory_space<semaphore_mem>>) src(%dma_wait3A_190 : memref<128x128xf32, #tpu.memory_space<vmem_shared>>) dst(%dma_wait3A_188 : memref<128x128xf32, #tpu.memory_space<hbm>>)
      tpu.yield
    }) : () -> ()
    %mul3A_177 = arith.constant 640 : i32
    %mul3A_178 = arith.muli %arg1, %mul3A_177 : i32
    %add3A_179 = arith.constant 512 : i32
    %add3A_180 = arith.addi %mul3A_178, %add3A_179 : i32
    %add3A_181 = arith.constant 512 : i32
    %add3A_182 = arith.addi %add3A_152, %add3A_181 : i32
    "tpu.region"() ({
      %run_scoped3A = tpu.sem_alloc : memref<!tpu.dma_semaphore, #tpu.memory_space<semaphore_mem>>
      %dma_start3A_183 = arith.constant 0 : i32
      %dma_start3A_184 = tpu.memref_slice %arg5[%add3A_182, %dma_start3A_183] : memref<20480x128xf32, #tpu.memory_space<hbm>> -> memref<128x128xf32, #tpu.memory_space<hbm>>
      %dma_start3A_185 = arith.constant 0 : i32
      %dma_start3A_186 = tpu.memref_slice %arg10[%add3A_180, %dma_start3A_185] : memref<10240x128xf32, #tpu.memory_space<vmem_shared>> -> memref<128x128xf32, #tpu.memory_space<vmem_shared>>
      tpu.enqueue_dma source(%dma_start3A_186 : memref<128x128xf32, #tpu.memory_space<vmem_shared>>) target(%dma_start3A_184 : memref<128x128xf32, #tpu.memory_space<hbm>>) target_semaphore(%run_scoped3A : memref<!tpu.dma_semaphore, #tpu.memory_space<semaphore_mem>>)
      %dma_wait3A_187 = arith.constant 0 : i32
      %dma_wait3A_188 = tpu.memref_slice %arg5[%add3A_182, %dma_wait3A_187] : memref<20480x128xf32, #tpu.memory_space<hbm>> -> memref<128x128xf32, #tpu.memory_space<hbm>>
      %dma_wait3A_189 = arith.constant 0 : i32
      %dma_wait3A_190 = tpu.memref_slice %arg10[%add3A_180, %dma_wait3A_189] : memref<10240x128xf32, #tpu.memory_space<vmem_shared>> -> memref<128x128xf32, #tpu.memory_space<vmem_shared>>
      tpu.wait_dma2 semaphore(%run_scoped3A : memref<!tpu.dma_semaphore, #tpu.memory_space<semaphore_mem>>) src(%dma_wait3A_190 : memref<128x128xf32, #tpu.memory_space<vmem_shared>>) dst(%dma_wait3A_188 : memref<128x128xf32, #tpu.memory_space<hbm>>)
      tpu.yield
    }) : () -> ()
    return
  }
}

#map = affine_map<(d0, d1) -> (0, 0, 0)>
#map1 = affine_map<(d0, d1) -> (0, 0)>
module attributes {stable_mosaic.version = 14 : i64} {
  func.func @sc_deg(%arg0: i32, %arg1: i32, %arg2: memref<32x82x128xi32, #tpu.memory_space<hbm>>, %arg3: memref<20480x128xf32, #tpu.memory_space<hbm>>, %arg4: memref<82x128xi32, #tpu.memory_space<vmem>>, %arg5: memref<128x128xf32, #tpu.memory_space<vmem>>, %arg6: memref<64x128xf32, #tpu.memory_space<vmem>>, %arg7: memref<10240x128xf32, #tpu.memory_space<vmem_shared>>) attributes {dimension_semantics = [#tpu.dimension_semantics<core_parallel>, #tpu.dimension_semantics<subcore_parallel>], iteration_bounds = array<i64: 2, 16>, scalar_prefetch = 0 : i64, scratch_operands = 4 : i64, tpu.core_type = #tpu.core_type<sc_vector_subcore>, window_params = [{transform_indices = #map}, {transform_indices = #map1}]} {
    %mul3A = arith.constant 16 : i32
    %mul3A_0 = arith.muli %arg0, %mul3A : i32
    %add3A = arith.addi %mul3A_0, %arg1 : i32
    "tpu.region"() ({
      %run_scoped3A = tpu.sem_alloc : memref<!tpu.dma_semaphore, #tpu.memory_space<semaphore_mem>>
      %dma_start3A = arith.constant 0 : i32
      %dma_start3A_112 = arith.constant 0 : i32
      %dma_start3A_113 = tpu.memref_slice %arg2[%add3A, %dma_start3A, %dma_start3A_112] : memref<32x82x128xi32, #tpu.memory_space<hbm>> -> memref<1x82x128xi32, #tpu.memory_space<hbm>>
      %dma_start3A_114 = tpu.memref_squeeze %dma_start3A_113 : memref<1x82x128xi32, #tpu.memory_space<hbm>> -> memref<82x128xi32, #tpu.memory_space<hbm>>
      %dma_start3A_115 = arith.constant 0 : i32
      %dma_start3A_116 = arith.constant 0 : i32
      %dma_start3A_117 = tpu.memref_slice %arg2[%add3A, %dma_start3A_115, %dma_start3A_116] : memref<32x82x128xi32, #tpu.memory_space<hbm>> -> memref<1x82x128xi32, #tpu.memory_space<hbm>>
      %dma_start3A_118 = tpu.memref_squeeze %dma_start3A_117 : memref<1x82x128xi32, #tpu.memory_space<hbm>> -> memref<82x128xi32, #tpu.memory_space<hbm>>
      tpu.enqueue_dma source(%dma_start3A_118 : memref<82x128xi32, #tpu.memory_space<hbm>>) target(%arg4 : memref<82x128xi32, #tpu.memory_space<vmem>>) target_semaphore(%run_scoped3A : memref<!tpu.dma_semaphore, #tpu.memory_space<semaphore_mem>>)
      %dma_wait3A = arith.constant 0 : i32
      %dma_wait3A_119 = arith.constant 0 : i32
      %dma_wait3A_120 = tpu.memref_slice %arg2[%add3A, %dma_wait3A, %dma_wait3A_119] : memref<32x82x128xi32, #tpu.memory_space<hbm>> -> memref<1x82x128xi32, #tpu.memory_space<hbm>>
      %dma_wait3A_121 = tpu.memref_squeeze %dma_wait3A_120 : memref<1x82x128xi32, #tpu.memory_space<hbm>> -> memref<82x128xi32, #tpu.memory_space<hbm>>
      %dma_wait3A_122 = arith.constant 0 : i32
      %dma_wait3A_123 = arith.constant 0 : i32
      %dma_wait3A_124 = tpu.memref_slice %arg2[%add3A, %dma_wait3A_122, %dma_wait3A_123] : memref<32x82x128xi32, #tpu.memory_space<hbm>> -> memref<1x82x128xi32, #tpu.memory_space<hbm>>
      %dma_wait3A_125 = tpu.memref_squeeze %dma_wait3A_124 : memref<1x82x128xi32, #tpu.memory_space<hbm>> -> memref<82x128xi32, #tpu.memory_space<hbm>>
      tpu.wait_dma2 semaphore(%run_scoped3A : memref<!tpu.dma_semaphore, #tpu.memory_space<semaphore_mem>>) src(%dma_wait3A_125 : memref<82x128xi32, #tpu.memory_space<hbm>>) dst(%arg4 : memref<82x128xi32, #tpu.memory_space<vmem>>)
      tpu.yield
    }) : () -> ()
    %broadcast_in_dim3A = arith.constant 0.000000e+00 : f32
    %broadcast_in_dim3A_1 = vector.broadcast %broadcast_in_dim3A : f32 to vector<16xf32>
    %broadcast_in_dim3A_2 = arith.constant 1.000000e+00 : f32
    %broadcast_in_dim3A_3 = vector.broadcast %broadcast_in_dim3A_2 : f32 to vector<16xf32>
    %while3A = arith.constant 0 : i32
    %while3A_4 = arith.constant 0 : i32
    %while3A_5 = arith.constant 128 : i32
    %while3A_6 = arith.subi %while3A_5, %while3A_4 : i32
    %while3A_7 = arith.addi %while3A_4, %while3A_6 : i32
    %while3A_8 = arith.constant 1 : i32
    %while3A_9 = arith.divsi %while3A_6, %while3A_8 : i32
    %while3A_10 = arith.muli %while3A_9, %while3A_8 : i32
    %while3A_11 = arith.addi %while3A_4, %while3A_10 : i32
    %while3A_12 = arith.constant 1 : i32
    scf.for %while3A_112 = %while3A_4 to %while3A_11 step %while3A_12  : i32 {
      %swap3A = arith.index_cast %while3A_112 : i32 to index
      %swap3A_113 = arith.constant 0 : index
      %swap3A_114 = tpu.vector_load %arg5[%swap3A, %swap3A_113] {strides = array<i32>} : memref<128x128xf32, #tpu.memory_space<vmem>>, vector<1x16xf32>,
      %swap3A_115 = vector.shape_cast %swap3A_114 : vector<1x16xf32> to vector<16xf32>
      %swap3A_116 = vector.shape_cast %broadcast_in_dim3A_3 : vector<16xf32> to vector<1x16xf32>
      tpu.vector_store %arg5[%swap3A, %swap3A_113], %swap3A_116 {strides = array<i32>} : memref<128x128xf32, #tpu.memory_space<vmem>>, vector<1x16xf32>,
      %swap3A_117 = arith.index_cast %while3A_112 : i32 to index
      %swap3A_118 = arith.constant 16 : index
      %swap3A_119 = tpu.vector_load %arg5[%swap3A_117, %swap3A_118] {strides = array<i32>} : memref<128x128xf32, #tpu.memory_space<vmem>>, vector<1x16xf32>,
      %swap3A_120 = vector.shape_cast %swap3A_119 : vector<1x16xf32> to vector<16xf32>
      %swap3A_121 = vector.shape_cast %broadcast_in_dim3A_3 : vector<16xf32> to vector<1x16xf32>
      tpu.vector_store %arg5[%swap3A_117, %swap3A_118], %swap3A_121 {strides = array<i32>} : memref<128x128xf32, #tpu.memory_space<vmem>>, vector<1x16xf32>,
      %swap3A_122 = arith.index_cast %while3A_112 : i32 to index
      %swap3A_123 = arith.constant 32 : index
      %swap3A_124 = tpu.vector_load %arg5[%swap3A_122, %swap3A_123] {strides = array<i32>} : memref<128x128xf32, #tpu.memory_space<vmem>>, vector<1x16xf32>,
      %swap3A_125 = vector.shape_cast %swap3A_124 : vector<1x16xf32> to vector<16xf32>
      %swap3A_126 = vector.shape_cast %broadcast_in_dim3A_3 : vector<16xf32> to vector<1x16xf32>
      tpu.vector_store %arg5[%swap3A_122, %swap3A_123], %swap3A_126 {strides = array<i32>} : memref<128x128xf32, #tpu.memory_space<vmem>>, vector<1x16xf32>,
      %swap3A_127 = arith.index_cast %while3A_112 : i32 to index
      %swap3A_128 = arith.constant 48 : index
      %swap3A_129 = tpu.vector_load %arg5[%swap3A_127, %swap3A_128] {strides = array<i32>} : memref<128x128xf32, #tpu.memory_space<vmem>>, vector<1x16xf32>,
      %swap3A_130 = vector.shape_cast %swap3A_129 : vector<1x16xf32> to vector<16xf32>
      %swap3A_131 = vector.shape_cast %broadcast_in_dim3A_3 : vector<16xf32> to vector<1x16xf32>
      tpu.vector_store %arg5[%swap3A_127, %swap3A_128], %swap3A_131 {strides = array<i32>} : memref<128x128xf32, #tpu.memory_space<vmem>>, vector<1x16xf32>,
      %swap3A_132 = arith.index_cast %while3A_112 : i32 to index
      %swap3A_133 = arith.constant 64 : index
      %swap3A_134 = tpu.vector_load %arg5[%swap3A_132, %swap3A_133] {strides = array<i32>} : memref<128x128xf32, #tpu.memory_space<vmem>>, vector<1x16xf32>,
      %swap3A_135 = vector.shape_cast %swap3A_134 : vector<1x16xf32> to vector<16xf32>
      %swap3A_136 = vector.shape_cast %broadcast_in_dim3A_3 : vector<16xf32> to vector<1x16xf32>
      tpu.vector_store %arg5[%swap3A_132, %swap3A_133], %swap3A_136 {strides = array<i32>} : memref<128x128xf32, #tpu.memory_space<vmem>>, vector<1x16xf32>,
      %swap3A_137 = arith.index_cast %while3A_112 : i32 to index
      %swap3A_138 = arith.constant 80 : index
      %swap3A_139 = tpu.vector_load %arg5[%swap3A_137, %swap3A_138] {strides = array<i32>} : memref<128x128xf32, #tpu.memory_space<vmem>>, vector<1x16xf32>,
      %swap3A_140 = vector.shape_cast %swap3A_139 : vector<1x16xf32> to vector<16xf32>
      %swap3A_141 = vector.shape_cast %broadcast_in_dim3A_3 : vector<16xf32> to vector<1x16xf32>
      tpu.vector_store %arg5[%swap3A_137, %swap3A_138], %swap3A_141 {strides = array<i32>} : memref<128x128xf32, #tpu.memory_space<vmem>>, vector<1x16xf32>,
      %swap3A_142 = arith.index_cast %while3A_112 : i32 to index
      %swap3A_143 = arith.constant 96 : index
      %swap3A_144 = tpu.vector_load %arg5[%swap3A_142, %swap3A_143] {strides = array<i32>} : memref<128x128xf32, #tpu.memory_space<vmem>>, vector<1x16xf32>,
      %swap3A_145 = vector.shape_cast %swap3A_144 : vector<1x16xf32> to vector<16xf32>
      %swap3A_146 = vector.shape_cast %broadcast_in_dim3A_3 : vector<16xf32> to vector<1x16xf32>
      tpu.vector_store %arg5[%swap3A_142, %swap3A_143], %swap3A_146 {strides = array<i32>} : memref<128x128xf32, #tpu.memory_space<vmem>>, vector<1x16xf32>,
      %swap3A_147 = arith.index_cast %while3A_112 : i32 to index
      %swap3A_148 = arith.constant 112 : index
      %swap3A_149 = tpu.vector_load %arg5[%swap3A_147, %swap3A_148] {strides = array<i32>} : memref<128x128xf32, #tpu.memory_space<vmem>>, vector<1x16xf32>,
      %swap3A_150 = vector.shape_cast %swap3A_149 : vector<1x16xf32> to vector<16xf32>
      %swap3A_151 = vector.shape_cast %broadcast_in_dim3A_3 : vector<16xf32> to vector<1x16xf32>
      tpu.vector_store %arg5[%swap3A_147, %swap3A_148], %swap3A_151 {strides = array<i32>} : memref<128x128xf32, #tpu.memory_space<vmem>>, vector<1x16xf32>,
    }
    %while3A_13 = arith.constant 1 : i32
    scf.for %while3A_112 = %while3A_11 to %while3A_7 step %while3A_13  : i32 {
      %swap3A = arith.index_cast %while3A_112 : i32 to index
      %swap3A_113 = arith.constant 0 : index
      %swap3A_114 = tpu.vector_load %arg5[%swap3A, %swap3A_113] {strides = array<i32>} : memref<128x128xf32, #tpu.memory_space<vmem>>, vector<1x16xf32>,
      %swap3A_115 = vector.shape_cast %swap3A_114 : vector<1x16xf32> to vector<16xf32>
      %swap3A_116 = vector.shape_cast %broadcast_in_dim3A_3 : vector<16xf32> to vector<1x16xf32>
      tpu.vector_store %arg5[%swap3A, %swap3A_113], %swap3A_116 {strides = array<i32>} : memref<128x128xf32, #tpu.memory_space<vmem>>, vector<1x16xf32>,
      %swap3A_117 = arith.index_cast %while3A_112 : i32 to index
      %swap3A_118 = arith.constant 16 : index
      %swap3A_119 = tpu.vector_load %arg5[%swap3A_117, %swap3A_118] {strides = array<i32>} : memref<128x128xf32, #tpu.memory_space<vmem>>, vector<1x16xf32>,
      %swap3A_120 = vector.shape_cast %swap3A_119 : vector<1x16xf32> to vector<16xf32>
      %swap3A_121 = vector.shape_cast %broadcast_in_dim3A_3 : vector<16xf32> to vector<1x16xf32>
      tpu.vector_store %arg5[%swap3A_117, %swap3A_118], %swap3A_121 {strides = array<i32>} : memref<128x128xf32, #tpu.memory_space<vmem>>, vector<1x16xf32>,
      %swap3A_122 = arith.index_cast %while3A_112 : i32 to index
      %swap3A_123 = arith.constant 32 : index
      %swap3A_124 = tpu.vector_load %arg5[%swap3A_122, %swap3A_123] {strides = array<i32>} : memref<128x128xf32, #tpu.memory_space<vmem>>, vector<1x16xf32>,
      %swap3A_125 = vector.shape_cast %swap3A_124 : vector<1x16xf32> to vector<16xf32>
      %swap3A_126 = vector.shape_cast %broadcast_in_dim3A_3 : vector<16xf32> to vector<1x16xf32>
      tpu.vector_store %arg5[%swap3A_122, %swap3A_123], %swap3A_126 {strides = array<i32>} : memref<128x128xf32, #tpu.memory_space<vmem>>, vector<1x16xf32>,
      %swap3A_127 = arith.index_cast %while3A_112 : i32 to index
      %swap3A_128 = arith.constant 48 : index
      %swap3A_129 = tpu.vector_load %arg5[%swap3A_127, %swap3A_128] {strides = array<i32>} : memref<128x128xf32, #tpu.memory_space<vmem>>, vector<1x16xf32>,
      %swap3A_130 = vector.shape_cast %swap3A_129 : vector<1x16xf32> to vector<16xf32>
      %swap3A_131 = vector.shape_cast %broadcast_in_dim3A_3 : vector<16xf32> to vector<1x16xf32>
      tpu.vector_store %arg5[%swap3A_127, %swap3A_128], %swap3A_131 {strides = array<i32>} : memref<128x128xf32, #tpu.memory_space<vmem>>, vector<1x16xf32>,
      %swap3A_132 = arith.index_cast %while3A_112 : i32 to index
      %swap3A_133 = arith.constant 64 : index
      %swap3A_134 = tpu.vector_load %arg5[%swap3A_132, %swap3A_133] {strides = array<i32>} : memref<128x128xf32, #tpu.memory_space<vmem>>, vector<1x16xf32>,
      %swap3A_135 = vector.shape_cast %swap3A_134 : vector<1x16xf32> to vector<16xf32>
      %swap3A_136 = vector.shape_cast %broadcast_in_dim3A_3 : vector<16xf32> to vector<1x16xf32>
      tpu.vector_store %arg5[%swap3A_132, %swap3A_133], %swap3A_136 {strides = array<i32>} : memref<128x128xf32, #tpu.memory_space<vmem>>, vector<1x16xf32>,
      %swap3A_137 = arith.index_cast %while3A_112 : i32 to index
      %swap3A_138 = arith.constant 80 : index
      %swap3A_139 = tpu.vector_load %arg5[%swap3A_137, %swap3A_138] {strides = array<i32>} : memref<128x128xf32, #tpu.memory_space<vmem>>, vector<1x16xf32>,
      %swap3A_140 = vector.shape_cast %swap3A_139 : vector<1x16xf32> to vector<16xf32>
      %swap3A_141 = vector.shape_cast %broadcast_in_dim3A_3 : vector<16xf32> to vector<1x16xf32>
      tpu.vector_store %arg5[%swap3A_137, %swap3A_138], %swap3A_141 {strides = array<i32>} : memref<128x128xf32, #tpu.memory_space<vmem>>, vector<1x16xf32>,
      %swap3A_142 = arith.index_cast %while3A_112 : i32 to index
      %swap3A_143 = arith.constant 96 : index
      %swap3A_144 = tpu.vector_load %arg5[%swap3A_142, %swap3A_143] {strides = array<i32>} : memref<128x128xf32, #tpu.memory_space<vmem>>, vector<1x16xf32>,
      %swap3A_145 = vector.shape_cast %swap3A_144 : vector<1x16xf32> to vector<16xf32>
      %swap3A_146 = vector.shape_cast %broadcast_in_dim3A_3 : vector<16xf32> to vector<1x16xf32>
      tpu.vector_store %arg5[%swap3A_142, %swap3A_143], %swap3A_146 {strides = array<i32>} : memref<128x128xf32, #tpu.memory_space<vmem>>, vector<1x16xf32>,
      %swap3A_147 = arith.index_cast %while3A_112 : i32 to index
      %swap3A_148 = arith.constant 112 : index
      %swap3A_149 = tpu.vector_load %arg5[%swap3A_147, %swap3A_148] {strides = array<i32>} : memref<128x128xf32, #tpu.memory_space<vmem>>, vector<1x16xf32>,
      %swap3A_150 = vector.shape_cast %swap3A_149 : vector<1x16xf32> to vector<16xf32>
      %swap3A_151 = vector.shape_cast %broadcast_in_dim3A_3 : vector<16xf32> to vector<1x16xf32>
      tpu.vector_store %arg5[%swap3A_147, %swap3A_148], %swap3A_151 {strides = array<i32>} : memref<128x128xf32, #tpu.memory_space<vmem>>, vector<1x16xf32>,
    }
    %while3A_14 = arith.constant 0 : i32
    %while3A_15 = arith.constant 0 : i32
    %while3A_16 = arith.constant 64 : i32
    %while3A_17 = arith.subi %while3A_16, %while3A_15 : i32
    %while3A_18 = arith.addi %while3A_15, %while3A_17 : i32
    %while3A_19 = arith.constant 1 : i32
    %while3A_20 = arith.divsi %while3A_17, %while3A_19 : i32
    %while3A_21 = arith.muli %while3A_20, %while3A_19 : i32
    %while3A_22 = arith.addi %while3A_15, %while3A_21 : i32
    %while3A_23 = arith.constant 1 : i32
    scf.for %while3A_112 = %while3A_15 to %while3A_22 step %while3A_23  : i32 {
      %swap3A = arith.index_cast %while3A_112 : i32 to index
      %swap3A_113 = arith.constant 0 : index
      %swap3A_114 = tpu.vector_load %arg6[%swap3A, %swap3A_113] {strides = array<i32>} : memref<64x128xf32, #tpu.memory_space<vmem>>, vector<1x16xf32>,
      %swap3A_115 = vector.shape_cast %swap3A_114 : vector<1x16xf32> to vector<16xf32>
      %swap3A_116 = vector.shape_cast %broadcast_in_dim3A_1 : vector<16xf32> to vector<1x16xf32>
      tpu.vector_store %arg6[%swap3A, %swap3A_113], %swap3A_116 {strides = array<i32>} : memref<64x128xf32, #tpu.memory_space<vmem>>, vector<1x16xf32>,
      %swap3A_117 = arith.index_cast %while3A_112 : i32 to index
      %swap3A_118 = arith.constant 16 : index
      %swap3A_119 = tpu.vector_load %arg6[%swap3A_117, %swap3A_118] {strides = array<i32>} : memref<64x128xf32, #tpu.memory_space<vmem>>, vector<1x16xf32>,
      %swap3A_120 = vector.shape_cast %swap3A_119 : vector<1x16xf32> to vector<16xf32>
      %swap3A_121 = vector.shape_cast %broadcast_in_dim3A_1 : vector<16xf32> to vector<1x16xf32>
      tpu.vector_store %arg6[%swap3A_117, %swap3A_118], %swap3A_121 {strides = array<i32>} : memref<64x128xf32, #tpu.memory_space<vmem>>, vector<1x16xf32>,
      %swap3A_122 = arith.index_cast %while3A_112 : i32 to index
      %swap3A_123 = arith.constant 32 : index
      %swap3A_124 = tpu.vector_load %arg6[%swap3A_122, %swap3A_123] {strides = array<i32>} : memref<64x128xf32, #tpu.memory_space<vmem>>, vector<1x16xf32>,
      %swap3A_125 = vector.shape_cast %swap3A_124 : vector<1x16xf32> to vector<16xf32>
      %swap3A_126 = vector.shape_cast %broadcast_in_dim3A_1 : vector<16xf32> to vector<1x16xf32>
      tpu.vector_store %arg6[%swap3A_122, %swap3A_123], %swap3A_126 {strides = array<i32>} : memref<64x128xf32, #tpu.memory_space<vmem>>, vector<1x16xf32>,
      %swap3A_127 = arith.index_cast %while3A_112 : i32 to index
      %swap3A_128 = arith.constant 48 : index
      %swap3A_129 = tpu.vector_load %arg6[%swap3A_127, %swap3A_128] {strides = array<i32>} : memref<64x128xf32, #tpu.memory_space<vmem>>, vector<1x16xf32>,
      %swap3A_130 = vector.shape_cast %swap3A_129 : vector<1x16xf32> to vector<16xf32>
      %swap3A_131 = vector.shape_cast %broadcast_in_dim3A_1 : vector<16xf32> to vector<1x16xf32>
      tpu.vector_store %arg6[%swap3A_127, %swap3A_128], %swap3A_131 {strides = array<i32>} : memref<64x128xf32, #tpu.memory_space<vmem>>, vector<1x16xf32>,
      %swap3A_132 = arith.index_cast %while3A_112 : i32 to index
      %swap3A_133 = arith.constant 64 : index
      %swap3A_134 = tpu.vector_load %arg6[%swap3A_132, %swap3A_133] {strides = array<i32>} : memref<64x128xf32, #tpu.memory_space<vmem>>, vector<1x16xf32>,
      %swap3A_135 = vector.shape_cast %swap3A_134 : vector<1x16xf32> to vector<16xf32>
      %swap3A_136 = vector.shape_cast %broadcast_in_dim3A_1 : vector<16xf32> to vector<1x16xf32>
      tpu.vector_store %arg6[%swap3A_132, %swap3A_133], %swap3A_136 {strides = array<i32>} : memref<64x128xf32, #tpu.memory_space<vmem>>, vector<1x16xf32>,
      %swap3A_137 = arith.index_cast %while3A_112 : i32 to index
      %swap3A_138 = arith.constant 80 : index
      %swap3A_139 = tpu.vector_load %arg6[%swap3A_137, %swap3A_138] {strides = array<i32>} : memref<64x128xf32, #tpu.memory_space<vmem>>, vector<1x16xf32>,
      %swap3A_140 = vector.shape_cast %swap3A_139 : vector<1x16xf32> to vector<16xf32>
      %swap3A_141 = vector.shape_cast %broadcast_in_dim3A_1 : vector<16xf32> to vector<1x16xf32>
      tpu.vector_store %arg6[%swap3A_137, %swap3A_138], %swap3A_141 {strides = array<i32>} : memref<64x128xf32, #tpu.memory_space<vmem>>, vector<1x16xf32>,
      %swap3A_142 = arith.index_cast %while3A_112 : i32 to index
      %swap3A_143 = arith.constant 96 : index
      %swap3A_144 = tpu.vector_load %arg6[%swap3A_142, %swap3A_143] {strides = array<i32>} : memref<64x128xf32, #tpu.memory_space<vmem>>, vector<1x16xf32>,
      %swap3A_145 = vector.shape_cast %swap3A_144 : vector<1x16xf32> to vector<16xf32>
      %swap3A_146 = vector.shape_cast %broadcast_in_dim3A_1 : vector<16xf32> to vector<1x16xf32>
      tpu.vector_store %arg6[%swap3A_142, %swap3A_143], %swap3A_146 {strides = array<i32>} : memref<64x128xf32, #tpu.memory_space<vmem>>, vector<1x16xf32>,
      %swap3A_147 = arith.index_cast %while3A_112 : i32 to index
      %swap3A_148 = arith.constant 112 : index
      %swap3A_149 = tpu.vector_load %arg6[%swap3A_147, %swap3A_148] {strides = array<i32>} : memref<64x128xf32, #tpu.memory_space<vmem>>, vector<1x16xf32>,
      %swap3A_150 = vector.shape_cast %swap3A_149 : vector<1x16xf32> to vector<16xf32>
      %swap3A_151 = vector.shape_cast %broadcast_in_dim3A_1 : vector<16xf32> to vector<1x16xf32>
      tpu.vector_store %arg6[%swap3A_147, %swap3A_148], %swap3A_151 {strides = array<i32>} : memref<64x128xf32, #tpu.memory_space<vmem>>, vector<1x16xf32>,
    }
    %while3A_24 = arith.constant 1 : i32
    scf.for %while3A_112 = %while3A_22 to %while3A_18 step %while3A_24  : i32 {
      %swap3A = arith.index_cast %while3A_112 : i32 to index
      %swap3A_113 = arith.constant 0 : index
      %swap3A_114 = tpu.vector_load %arg6[%swap3A, %swap3A_113] {strides = array<i32>} : memref<64x128xf32, #tpu.memory_space<vmem>>, vector<1x16xf32>,
      %swap3A_115 = vector.shape_cast %swap3A_114 : vector<1x16xf32> to vector<16xf32>
      %swap3A_116 = vector.shape_cast %broadcast_in_dim3A_1 : vector<16xf32> to vector<1x16xf32>
      tpu.vector_store %arg6[%swap3A, %swap3A_113], %swap3A_116 {strides = array<i32>} : memref<64x128xf32, #tpu.memory_space<vmem>>, vector<1x16xf32>,
      %swap3A_117 = arith.index_cast %while3A_112 : i32 to index
      %swap3A_118 = arith.constant 16 : index
      %swap3A_119 = tpu.vector_load %arg6[%swap3A_117, %swap3A_118] {strides = array<i32>} : memref<64x128xf32, #tpu.memory_space<vmem>>, vector<1x16xf32>,
      %swap3A_120 = vector.shape_cast %swap3A_119 : vector<1x16xf32> to vector<16xf32>
      %swap3A_121 = vector.shape_cast %broadcast_in_dim3A_1 : vector<16xf32> to vector<1x16xf32>
      tpu.vector_store %arg6[%swap3A_117, %swap3A_118], %swap3A_121 {strides = array<i32>} : memref<64x128xf32, #tpu.memory_space<vmem>>, vector<1x16xf32>,
      %swap3A_122 = arith.index_cast %while3A_112 : i32 to index
      %swap3A_123 = arith.constant 32 : index
      %swap3A_124 = tpu.vector_load %arg6[%swap3A_122, %swap3A_123] {strides = array<i32>} : memref<64x128xf32, #tpu.memory_space<vmem>>, vector<1x16xf32>,
      %swap3A_125 = vector.shape_cast %swap3A_124 : vector<1x16xf32> to vector<16xf32>
      %swap3A_126 = vector.shape_cast %broadcast_in_dim3A_1 : vector<16xf32> to vector<1x16xf32>
      tpu.vector_store %arg6[%swap3A_122, %swap3A_123], %swap3A_126 {strides = array<i32>} : memref<64x128xf32, #tpu.memory_space<vmem>>, vector<1x16xf32>,
      %swap3A_127 = arith.index_cast %while3A_112 : i32 to index
      %swap3A_128 = arith.constant 48 : index
      %swap3A_129 = tpu.vector_load %arg6[%swap3A_127, %swap3A_128] {strides = array<i32>} : memref<64x128xf32, #tpu.memory_space<vmem>>, vector<1x16xf32>,
      %swap3A_130 = vector.shape_cast %swap3A_129 : vector<1x16xf32> to vector<16xf32>
      %swap3A_131 = vector.shape_cast %broadcast_in_dim3A_1 : vector<16xf32> to vector<1x16xf32>
      tpu.vector_store %arg6[%swap3A_127, %swap3A_128], %swap3A_131 {strides = array<i32>} : memref<64x128xf32, #tpu.memory_space<vmem>>, vector<1x16xf32>,
      %swap3A_132 = arith.index_cast %while3A_112 : i32 to index
      %swap3A_133 = arith.constant 64 : index
      %swap3A_134 = tpu.vector_load %arg6[%swap3A_132, %swap3A_133] {strides = array<i32>} : memref<64x128xf32, #tpu.memory_space<vmem>>, vector<1x16xf32>,
      %swap3A_135 = vector.shape_cast %swap3A_134 : vector<1x16xf32> to vector<16xf32>
      %swap3A_136 = vector.shape_cast %broadcast_in_dim3A_1 : vector<16xf32> to vector<1x16xf32>
      tpu.vector_store %arg6[%swap3A_132, %swap3A_133], %swap3A_136 {strides = array<i32>} : memref<64x128xf32, #tpu.memory_space<vmem>>, vector<1x16xf32>,
      %swap3A_137 = arith.index_cast %while3A_112 : i32 to index
      %swap3A_138 = arith.constant 80 : index
      %swap3A_139 = tpu.vector_load %arg6[%swap3A_137, %swap3A_138] {strides = array<i32>} : memref<64x128xf32, #tpu.memory_space<vmem>>, vector<1x16xf32>,
      %swap3A_140 = vector.shape_cast %swap3A_139 : vector<1x16xf32> to vector<16xf32>
      %swap3A_141 = vector.shape_cast %broadcast_in_dim3A_1 : vector<16xf32> to vector<1x16xf32>
      tpu.vector_store %arg6[%swap3A_137, %swap3A_138], %swap3A_141 {strides = array<i32>} : memref<64x128xf32, #tpu.memory_space<vmem>>, vector<1x16xf32>,
      %swap3A_142 = arith.index_cast %while3A_112 : i32 to index
      %swap3A_143 = arith.constant 96 : index
      %swap3A_144 = tpu.vector_load %arg6[%swap3A_142, %swap3A_143] {strides = array<i32>} : memref<64x128xf32, #tpu.memory_space<vmem>>, vector<1x16xf32>,
      %swap3A_145 = vector.shape_cast %swap3A_144 : vector<1x16xf32> to vector<16xf32>
      %swap3A_146 = vector.shape_cast %broadcast_in_dim3A_1 : vector<16xf32> to vector<1x16xf32>
      tpu.vector_store %arg6[%swap3A_142, %swap3A_143], %swap3A_146 {strides = array<i32>} : memref<64x128xf32, #tpu.memory_space<vmem>>, vector<1x16xf32>,
      %swap3A_147 = arith.index_cast %while3A_112 : i32 to index
      %swap3A_148 = arith.constant 112 : index
      %swap3A_149 = tpu.vector_load %arg6[%swap3A_147, %swap3A_148] {strides = array<i32>} : memref<64x128xf32, #tpu.memory_space<vmem>>, vector<1x16xf32>,
      %swap3A_150 = vector.shape_cast %swap3A_149 : vector<1x16xf32> to vector<16xf32>
      %swap3A_151 = vector.shape_cast %broadcast_in_dim3A_1 : vector<16xf32> to vector<1x16xf32>
      tpu.vector_store %arg6[%swap3A_147, %swap3A_148], %swap3A_151 {strides = array<i32>} : memref<64x128xf32, #tpu.memory_space<vmem>>, vector<1x16xf32>,
    }
    %mul3A_25 = arith.constant 640 : i32
    %mul3A_26 = arith.muli %arg1, %mul3A_25 : i32
    %add3A_27 = arith.constant 0 : i32
    %add3A_28 = arith.addi %mul3A_26, %add3A_27 : i32
    "tpu.region"() ({
      %run_scoped3A = tpu.sem_alloc : memref<!tpu.dma_semaphore, #tpu.memory_space<semaphore_mem>>
      %dma_start3A = arith.constant 0 : i32
      %dma_start3A_112 = tpu.memref_slice %arg7[%add3A_28, %dma_start3A] : memref<10240x128xf32, #tpu.memory_space<vmem_shared>> -> memref<64x128xf32, #tpu.memory_space<vmem_shared>>
      %dma_start3A_113 = arith.constant 0 : i32
      %dma_start3A_114 = tpu.memref_slice %arg7[%add3A_28, %dma_start3A_113] : memref<10240x128xf32, #tpu.memory_space<vmem_shared>> -> memref<64x128xf32, #tpu.memory_space<vmem_shared>>
      tpu.enqueue_dma source(%arg6 : memref<64x128xf32, #tpu.memory_space<vmem>>) target(%dma_start3A_114 : memref<64x128xf32, #tpu.memory_space<vmem_shared>>) target_semaphore(%run_scoped3A : memref<!tpu.dma_semaphore, #tpu.memory_space<semaphore_mem>>)
      %dma_wait3A = arith.constant 0 : i32
      %dma_wait3A_115 = tpu.memref_slice %arg7[%add3A_28, %dma_wait3A] : memref<10240x128xf32, #tpu.memory_space<vmem_shared>> -> memref<64x128xf32, #tpu.memory_space<vmem_shared>>
      %dma_wait3A_116 = arith.constant 0 : i32
      %dma_wait3A_117 = tpu.memref_slice %arg7[%add3A_28, %dma_wait3A_116] : memref<10240x128xf32, #tpu.memory_space<vmem_shared>> -> memref<64x128xf32, #tpu.memory_space<vmem_shared>>
      tpu.wait_dma2 semaphore(%run_scoped3A : memref<!tpu.dma_semaphore, #tpu.memory_space<semaphore_mem>>) src(%arg6 : memref<64x128xf32, #tpu.memory_space<vmem>>) dst(%dma_wait3A_117 : memref<64x128xf32, #tpu.memory_space<vmem_shared>>)
      tpu.yield
    }) : () -> ()
    %mul3A_29 = arith.constant 640 : i32
    %mul3A_30 = arith.muli %arg1, %mul3A_29 : i32
    %add3A_31 = arith.constant 64 : i32
    %add3A_32 = arith.addi %mul3A_30, %add3A_31 : i32
    "tpu.region"() ({
      %run_scoped3A = tpu.sem_alloc : memref<!tpu.dma_semaphore, #tpu.memory_space<semaphore_mem>>
      %dma_start3A = arith.constant 0 : i32
      %dma_start3A_112 = tpu.memref_slice %arg7[%add3A_32, %dma_start3A] : memref<10240x128xf32, #tpu.memory_space<vmem_shared>> -> memref<64x128xf32, #tpu.memory_space<vmem_shared>>
      %dma_start3A_113 = arith.constant 0 : i32
      %dma_start3A_114 = tpu.memref_slice %arg7[%add3A_32, %dma_start3A_113] : memref<10240x128xf32, #tpu.memory_space<vmem_shared>> -> memref<64x128xf32, #tpu.memory_space<vmem_shared>>
      tpu.enqueue_dma source(%arg6 : memref<64x128xf32, #tpu.memory_space<vmem>>) target(%dma_start3A_114 : memref<64x128xf32, #tpu.memory_space<vmem_shared>>) target_semaphore(%run_scoped3A : memref<!tpu.dma_semaphore, #tpu.memory_space<semaphore_mem>>)
      %dma_wait3A = arith.constant 0 : i32
      %dma_wait3A_115 = tpu.memref_slice %arg7[%add3A_32, %dma_wait3A] : memref<10240x128xf32, #tpu.memory_space<vmem_shared>> -> memref<64x128xf32, #tpu.memory_space<vmem_shared>>
      %dma_wait3A_116 = arith.constant 0 : i32
      %dma_wait3A_117 = tpu.memref_slice %arg7[%add3A_32, %dma_wait3A_116] : memref<10240x128xf32, #tpu.memory_space<vmem_shared>> -> memref<64x128xf32, #tpu.memory_space<vmem_shared>>
      tpu.wait_dma2 semaphore(%run_scoped3A : memref<!tpu.dma_semaphore, #tpu.memory_space<semaphore_mem>>) src(%arg6 : memref<64x128xf32, #tpu.memory_space<vmem>>) dst(%dma_wait3A_117 : memref<64x128xf32, #tpu.memory_space<vmem_shared>>)
      tpu.yield
    }) : () -> ()
    %mul3A_33 = arith.constant 640 : i32
    %mul3A_34 = arith.muli %arg1, %mul3A_33 : i32
    %add3A_35 = arith.constant 128 : i32
    %add3A_36 = arith.addi %mul3A_34, %add3A_35 : i32
    "tpu.region"() ({
      %run_scoped3A = tpu.sem_alloc : memref<!tpu.dma_semaphore, #tpu.memory_space<semaphore_mem>>
      %dma_start3A = arith.constant 0 : i32
      %dma_start3A_112 = tpu.memref_slice %arg7[%add3A_36, %dma_start3A] : memref<10240x128xf32, #tpu.memory_space<vmem_shared>> -> memref<64x128xf32, #tpu.memory_space<vmem_shared>>
      %dma_start3A_113 = arith.constant 0 : i32
      %dma_start3A_114 = tpu.memref_slice %arg7[%add3A_36, %dma_start3A_113] : memref<10240x128xf32, #tpu.memory_space<vmem_shared>> -> memref<64x128xf32, #tpu.memory_space<vmem_shared>>
      tpu.enqueue_dma source(%arg6 : memref<64x128xf32, #tpu.memory_space<vmem>>) target(%dma_start3A_114 : memref<64x128xf32, #tpu.memory_space<vmem_shared>>) target_semaphore(%run_scoped3A : memref<!tpu.dma_semaphore, #tpu.memory_space<semaphore_mem>>)
      %dma_wait3A = arith.constant 0 : i32
      %dma_wait3A_115 = tpu.memref_slice %arg7[%add3A_36, %dma_wait3A] : memref<10240x128xf32, #tpu.memory_space<vmem_shared>> -> memref<64x128xf32, #tpu.memory_space<vmem_shared>>
      %dma_wait3A_116 = arith.constant 0 : i32
      %dma_wait3A_117 = tpu.memref_slice %arg7[%add3A_36, %dma_wait3A_116] : memref<10240x128xf32, #tpu.memory_space<vmem_shared>> -> memref<64x128xf32, #tpu.memory_space<vmem_shared>>
      tpu.wait_dma2 semaphore(%run_scoped3A : memref<!tpu.dma_semaphore, #tpu.memory_space<semaphore_mem>>) src(%arg6 : memref<64x128xf32, #tpu.memory_space<vmem>>) dst(%dma_wait3A_117 : memref<64x128xf32, #tpu.memory_space<vmem_shared>>)
      tpu.yield
    }) : () -> ()
    %mul3A_37 = arith.constant 640 : i32
    %mul3A_38 = arith.muli %arg1, %mul3A_37 : i32
    %add3A_39 = arith.constant 192 : i32
    %add3A_40 = arith.addi %mul3A_38, %add3A_39 : i32
    "tpu.region"() ({
      %run_scoped3A = tpu.sem_alloc : memref<!tpu.dma_semaphore, #tpu.memory_space<semaphore_mem>>
      %dma_start3A = arith.constant 0 : i32
      %dma_start3A_112 = tpu.memref_slice %arg7[%add3A_40, %dma_start3A] : memref<10240x128xf32, #tpu.memory_space<vmem_shared>> -> memref<64x128xf32, #tpu.memory_space<vmem_shared>>
      %dma_start3A_113 = arith.constant 0 : i32
      %dma_start3A_114 = tpu.memref_slice %arg7[%add3A_40, %dma_start3A_113] : memref<10240x128xf32, #tpu.memory_space<vmem_shared>> -> memref<64x128xf32, #tpu.memory_space<vmem_shared>>
      tpu.enqueue_dma source(%arg6 : memref<64x128xf32, #tpu.memory_space<vmem>>) target(%dma_start3A_114 : memref<64x128xf32, #tpu.memory_space<vmem_shared>>) target_semaphore(%run_scoped3A : memref<!tpu.dma_semaphore, #tpu.memory_space<semaphore_mem>>)
      %dma_wait3A = arith.constant 0 : i32
      %dma_wait3A_115 = tpu.memref_slice %arg7[%add3A_40, %dma_wait3A] : memref<10240x128xf32, #tpu.memory_space<vmem_shared>> -> memref<64x128xf32, #tpu.memory_space<vmem_shared>>
      %dma_wait3A_116 = arith.constant 0 : i32
      %dma_wait3A_117 = tpu.memref_slice %arg7[%add3A_40, %dma_wait3A_116] : memref<10240x128xf32, #tpu.memory_space<vmem_shared>> -> memref<64x128xf32, #tpu.memory_space<vmem_shared>>
      tpu.wait_dma2 semaphore(%run_scoped3A : memref<!tpu.dma_semaphore, #tpu.memory_space<semaphore_mem>>) src(%arg6 : memref<64x128xf32, #tpu.memory_space<vmem>>) dst(%dma_wait3A_117 : memref<64x128xf32, #tpu.memory_space<vmem_shared>>)
      tpu.yield
    }) : () -> ()
    %mul3A_41 = arith.constant 640 : i32
    %mul3A_42 = arith.muli %arg1, %mul3A_41 : i32
    %add3A_43 = arith.constant 256 : i32
    %add3A_44 = arith.addi %mul3A_42, %add3A_43 : i32
    "tpu.region"() ({
      %run_scoped3A = tpu.sem_alloc : memref<!tpu.dma_semaphore, #tpu.memory_space<semaphore_mem>>
      %dma_start3A = arith.constant 0 : i32
      %dma_start3A_112 = tpu.memref_slice %arg7[%add3A_44, %dma_start3A] : memref<10240x128xf32, #tpu.memory_space<vmem_shared>> -> memref<64x128xf32, #tpu.memory_space<vmem_shared>>
      %dma_start3A_113 = arith.constant 0 : i32
      %dma_start3A_114 = tpu.memref_slice %arg7[%add3A_44, %dma_start3A_113] : memref<10240x128xf32, #tpu.memory_space<vmem_shared>> -> memref<64x128xf32, #tpu.memory_space<vmem_shared>>
      tpu.enqueue_dma source(%arg6 : memref<64x128xf32, #tpu.memory_space<vmem>>) target(%dma_start3A_114 : memref<64x128xf32, #tpu.memory_space<vmem_shared>>) target_semaphore(%run_scoped3A : memref<!tpu.dma_semaphore, #tpu.memory_space<semaphore_mem>>)
      %dma_wait3A = arith.constant 0 : i32
      %dma_wait3A_115 = tpu.memref_slice %arg7[%add3A_44, %dma_wait3A] : memref<10240x128xf32, #tpu.memory_space<vmem_shared>> -> memref<64x128xf32, #tpu.memory_space<vmem_shared>>
      %dma_wait3A_116 = arith.constant 0 : i32
      %dma_wait3A_117 = tpu.memref_slice %arg7[%add3A_44, %dma_wait3A_116] : memref<10240x128xf32, #tpu.memory_space<vmem_shared>> -> memref<64x128xf32, #tpu.memory_space<vmem_shared>>
      tpu.wait_dma2 semaphore(%run_scoped3A : memref<!tpu.dma_semaphore, #tpu.memory_space<semaphore_mem>>) src(%arg6 : memref<64x128xf32, #tpu.memory_space<vmem>>) dst(%dma_wait3A_117 : memref<64x128xf32, #tpu.memory_space<vmem_shared>>)
      tpu.yield
    }) : () -> ()
    %mul3A_45 = arith.constant 640 : i32
    %mul3A_46 = arith.muli %arg1, %mul3A_45 : i32
    %add3A_47 = arith.constant 320 : i32
    %add3A_48 = arith.addi %mul3A_46, %add3A_47 : i32
    "tpu.region"() ({
      %run_scoped3A = tpu.sem_alloc : memref<!tpu.dma_semaphore, #tpu.memory_space<semaphore_mem>>
      %dma_start3A = arith.constant 0 : i32
      %dma_start3A_112 = tpu.memref_slice %arg7[%add3A_48, %dma_start3A] : memref<10240x128xf32, #tpu.memory_space<vmem_shared>> -> memref<64x128xf32, #tpu.memory_space<vmem_shared>>
      %dma_start3A_113 = arith.constant 0 : i32
      %dma_start3A_114 = tpu.memref_slice %arg7[%add3A_48, %dma_start3A_113] : memref<10240x128xf32, #tpu.memory_space<vmem_shared>> -> memref<64x128xf32, #tpu.memory_space<vmem_shared>>
      tpu.enqueue_dma source(%arg6 : memref<64x128xf32, #tpu.memory_space<vmem>>) target(%dma_start3A_114 : memref<64x128xf32, #tpu.memory_space<vmem_shared>>) target_semaphore(%run_scoped3A : memref<!tpu.dma_semaphore, #tpu.memory_space<semaphore_mem>>)
      %dma_wait3A = arith.constant 0 : i32
      %dma_wait3A_115 = tpu.memref_slice %arg7[%add3A_48, %dma_wait3A] : memref<10240x128xf32, #tpu.memory_space<vmem_shared>> -> memref<64x128xf32, #tpu.memory_space<vmem_shared>>
      %dma_wait3A_116 = arith.constant 0 : i32
      %dma_wait3A_117 = tpu.memref_slice %arg7[%add3A_48, %dma_wait3A_116] : memref<10240x128xf32, #tpu.memory_space<vmem_shared>> -> memref<64x128xf32, #tpu.memory_space<vmem_shared>>
      tpu.wait_dma2 semaphore(%run_scoped3A : memref<!tpu.dma_semaphore, #tpu.memory_space<semaphore_mem>>) src(%arg6 : memref<64x128xf32, #tpu.memory_space<vmem>>) dst(%dma_wait3A_117 : memref<64x128xf32, #tpu.memory_space<vmem_shared>>)
      tpu.yield
    }) : () -> ()
    %mul3A_49 = arith.constant 640 : i32
    %mul3A_50 = arith.muli %arg1, %mul3A_49 : i32
    %add3A_51 = arith.constant 384 : i32
    %add3A_52 = arith.addi %mul3A_50, %add3A_51 : i32
    "tpu.region"() ({
      %run_scoped3A = tpu.sem_alloc : memref<!tpu.dma_semaphore, #tpu.memory_space<semaphore_mem>>
      %dma_start3A = arith.constant 0 : i32
      %dma_start3A_112 = tpu.memref_slice %arg7[%add3A_52, %dma_start3A] : memref<10240x128xf32, #tpu.memory_space<vmem_shared>> -> memref<64x128xf32, #tpu.memory_space<vmem_shared>>
      %dma_start3A_113 = arith.constant 0 : i32
      %dma_start3A_114 = tpu.memref_slice %arg7[%add3A_52, %dma_start3A_113] : memref<10240x128xf32, #tpu.memory_space<vmem_shared>> -> memref<64x128xf32, #tpu.memory_space<vmem_shared>>
      tpu.enqueue_dma source(%arg6 : memref<64x128xf32, #tpu.memory_space<vmem>>) target(%dma_start3A_114 : memref<64x128xf32, #tpu.memory_space<vmem_shared>>) target_semaphore(%run_scoped3A : memref<!tpu.dma_semaphore, #tpu.memory_space<semaphore_mem>>)
      %dma_wait3A = arith.constant 0 : i32
      %dma_wait3A_115 = tpu.memref_slice %arg7[%add3A_52, %dma_wait3A] : memref<10240x128xf32, #tpu.memory_space<vmem_shared>> -> memref<64x128xf32, #tpu.memory_space<vmem_shared>>
      %dma_wait3A_116 = arith.constant 0 : i32
      %dma_wait3A_117 = tpu.memref_slice %arg7[%add3A_52, %dma_wait3A_116] : memref<10240x128xf32, #tpu.memory_space<vmem_shared>> -> memref<64x128xf32, #tpu.memory_space<vmem_shared>>
      tpu.wait_dma2 semaphore(%run_scoped3A : memref<!tpu.dma_semaphore, #tpu.memory_space<semaphore_mem>>) src(%arg6 : memref<64x128xf32, #tpu.memory_space<vmem>>) dst(%dma_wait3A_117 : memref<64x128xf32, #tpu.memory_space<vmem_shared>>)
      tpu.yield
    }) : () -> ()
    %mul3A_53 = arith.constant 640 : i32
    %mul3A_54 = arith.muli %arg1, %mul3A_53 : i32
    %add3A_55 = arith.constant 448 : i32
    %add3A_56 = arith.addi %mul3A_54, %add3A_55 : i32
    "tpu.region"() ({
      %run_scoped3A = tpu.sem_alloc : memref<!tpu.dma_semaphore, #tpu.memory_space<semaphore_mem>>
      %dma_start3A = arith.constant 0 : i32
      %dma_start3A_112 = tpu.memref_slice %arg7[%add3A_56, %dma_start3A] : memref<10240x128xf32, #tpu.memory_space<vmem_shared>> -> memref<64x128xf32, #tpu.memory_space<vmem_shared>>
      %dma_start3A_113 = arith.constant 0 : i32
      %dma_start3A_114 = tpu.memref_slice %arg7[%add3A_56, %dma_start3A_113] : memref<10240x128xf32, #tpu.memory_space<vmem_shared>> -> memref<64x128xf32, #tpu.memory_space<vmem_shared>>
      tpu.enqueue_dma source(%arg6 : memref<64x128xf32, #tpu.memory_space<vmem>>) target(%dma_start3A_114 : memref<64x128xf32, #tpu.memory_space<vmem_shared>>) target_semaphore(%run_scoped3A : memref<!tpu.dma_semaphore, #tpu.memory_space<semaphore_mem>>)
      %dma_wait3A = arith.constant 0 : i32
      %dma_wait3A_115 = tpu.memref_slice %arg7[%add3A_56, %dma_wait3A] : memref<10240x128xf32, #tpu.memory_space<vmem_shared>> -> memref<64x128xf32, #tpu.memory_space<vmem_shared>>
      %dma_wait3A_116 = arith.constant 0 : i32
      %dma_wait3A_117 = tpu.memref_slice %arg7[%add3A_56, %dma_wait3A_116] : memref<10240x128xf32, #tpu.memory_space<vmem_shared>> -> memref<64x128xf32, #tpu.memory_space<vmem_shared>>
      tpu.wait_dma2 semaphore(%run_scoped3A : memref<!tpu.dma_semaphore, #tpu.memory_space<semaphore_mem>>) src(%arg6 : memref<64x128xf32, #tpu.memory_space<vmem>>) dst(%dma_wait3A_117 : memref<64x128xf32, #tpu.memory_space<vmem_shared>>)
      tpu.yield
    }) : () -> ()
    %mul3A_57 = arith.constant 640 : i32
    %mul3A_58 = arith.muli %arg1, %mul3A_57 : i32
    %add3A_59 = arith.constant 512 : i32
    %add3A_60 = arith.addi %mul3A_58, %add3A_59 : i32
    "tpu.region"() ({
      %run_scoped3A = tpu.sem_alloc : memref<!tpu.dma_semaphore, #tpu.memory_space<semaphore_mem>>
      %dma_start3A = arith.constant 0 : i32
      %dma_start3A_112 = tpu.memref_slice %arg7[%add3A_60, %dma_start3A] : memref<10240x128xf32, #tpu.memory_space<vmem_shared>> -> memref<64x128xf32, #tpu.memory_space<vmem_shared>>
      %dma_start3A_113 = arith.constant 0 : i32
      %dma_start3A_114 = tpu.memref_slice %arg7[%add3A_60, %dma_start3A_113] : memref<10240x128xf32, #tpu.memory_space<vmem_shared>> -> memref<64x128xf32, #tpu.memory_space<vmem_shared>>
      tpu.enqueue_dma source(%arg6 : memref<64x128xf32, #tpu.memory_space<vmem>>) target(%dma_start3A_114 : memref<64x128xf32, #tpu.memory_space<vmem_shared>>) target_semaphore(%run_scoped3A : memref<!tpu.dma_semaphore, #tpu.memory_space<semaphore_mem>>)
      %dma_wait3A = arith.constant 0 : i32
      %dma_wait3A_115 = tpu.memref_slice %arg7[%add3A_60, %dma_wait3A] : memref<10240x128xf32, #tpu.memory_space<vmem_shared>> -> memref<64x128xf32, #tpu.memory_space<vmem_shared>>
      %dma_wait3A_116 = arith.constant 0 : i32
      %dma_wait3A_117 = tpu.memref_slice %arg7[%add3A_60, %dma_wait3A_116] : memref<10240x128xf32, #tpu.memory_space<vmem_shared>> -> memref<64x128xf32, #tpu.memory_space<vmem_shared>>
      tpu.wait_dma2 semaphore(%run_scoped3A : memref<!tpu.dma_semaphore, #tpu.memory_space<semaphore_mem>>) src(%arg6 : memref<64x128xf32, #tpu.memory_space<vmem>>) dst(%dma_wait3A_117 : memref<64x128xf32, #tpu.memory_space<vmem_shared>>)
      tpu.yield
    }) : () -> ()
    %mul3A_61 = arith.constant 640 : i32
    %mul3A_62 = arith.muli %arg1, %mul3A_61 : i32
    %add3A_63 = arith.constant 576 : i32
    %add3A_64 = arith.addi %mul3A_62, %add3A_63 : i32
    "tpu.region"() ({
      %run_scoped3A = tpu.sem_alloc : memref<!tpu.dma_semaphore, #tpu.memory_space<semaphore_mem>>
      %dma_start3A = arith.constant 0 : i32
      %dma_start3A_112 = tpu.memref_slice %arg7[%add3A_64, %dma_start3A] : memref<10240x128xf32, #tpu.memory_space<vmem_shared>> -> memref<64x128xf32, #tpu.memory_space<vmem_shared>>
      %dma_start3A_113 = arith.constant 0 : i32
      %dma_start3A_114 = tpu.memref_slice %arg7[%add3A_64, %dma_start3A_113] : memref<10240x128xf32, #tpu.memory_space<vmem_shared>> -> memref<64x128xf32, #tpu.memory_space<vmem_shared>>
      tpu.enqueue_dma source(%arg6 : memref<64x128xf32, #tpu.memory_space<vmem>>) target(%dma_start3A_114 : memref<64x128xf32, #tpu.memory_space<vmem_shared>>) target_semaphore(%run_scoped3A : memref<!tpu.dma_semaphore, #tpu.memory_space<semaphore_mem>>)
      %dma_wait3A = arith.constant 0 : i32
      %dma_wait3A_115 = tpu.memref_slice %arg7[%add3A_64, %dma_wait3A] : memref<10240x128xf32, #tpu.memory_space<vmem_shared>> -> memref<64x128xf32, #tpu.memory_space<vmem_shared>>
      %dma_wait3A_116 = arith.constant 0 : i32
      %dma_wait3A_117 = tpu.memref_slice %arg7[%add3A_64, %dma_wait3A_116] : memref<10240x128xf32, #tpu.memory_space<vmem_shared>> -> memref<64x128xf32, #tpu.memory_space<vmem_shared>>
      tpu.wait_dma2 semaphore(%run_scoped3A : memref<!tpu.dma_semaphore, #tpu.memory_space<semaphore_mem>>) src(%arg6 : memref<64x128xf32, #tpu.memory_space<vmem>>) dst(%dma_wait3A_117 : memref<64x128xf32, #tpu.memory_space<vmem_shared>>)
      tpu.yield
    }) : () -> ()
    %barrier3A = arith.constant 0 : index
    tpu.barrier barrier_id(%barrier3A)
    %while3A_65 = arith.constant 0 : i32
    %while3A_66 = arith.constant 0 : i32
    %while3A_67 = arith.constant 82 : i32
    %while3A_68 = arith.subi %while3A_67, %while3A_66 : i32
    %while3A_69 = arith.addi %while3A_66, %while3A_68 : i32
    %while3A_70 = arith.constant 1 : i32
    %while3A_71 = arith.divsi %while3A_68, %while3A_70 : i32
    %while3A_72 = arith.muli %while3A_71, %while3A_70 : i32
    %while3A_73 = arith.addi %while3A_66, %while3A_72 : i32
    %while3A_74 = arith.constant 1 : i32
    scf.for %while3A_112 = %while3A_66 to %while3A_73 step %while3A_74  : i32 {
      "tpu.region"() ({
        %run_scoped3A = tpu.sem_alloc : memref<!tpu.dma_semaphore, #tpu.memory_space<semaphore_mem>>
        %dma_start3A = arith.constant 0 : i32
        %dma_start3A_113 = tpu.memref_slice %arg4[%while3A_112, %dma_start3A] : memref<82x128xi32, #tpu.memory_space<vmem>> -> memref<1x128xi32, #tpu.memory_space<vmem>>
        %dma_start3A_114 = tpu.memref_squeeze %dma_start3A_113 : memref<1x128xi32, #tpu.memory_space<vmem>> -> memref<128xi32, #tpu.memory_space<vmem>>
        %dma_start3A_115 = arith.constant 0 : i32
        %dma_start3A_116 = arith.constant 0 : i32
        %dma_start3A_117 = tpu.memref_slice %arg7[%dma_start3A_115, %dma_start3A_116] : memref<10240x128xf32, #tpu.memory_space<vmem_shared>> -> memref<10240x128xf32, #tpu.memory_space<vmem_shared>>
        tpu.enqueue_indirect_dma source(%arg5 : memref<128x128xf32, #tpu.memory_space<vmem>>) target(%dma_start3A_117 : memref<10240x128xf32, #tpu.memory_space<vmem_shared>>) offsets(%dma_start3A_114 : memref<128xi32, #tpu.memory_space<vmem>>) semaphore(%run_scoped3A : memref<!tpu.dma_semaphore, #tpu.memory_space<semaphore_mem>>) {add = true}
        %dma_wait3A = arith.constant 0 : i32
        %dma_wait3A_118 = tpu.memref_slice %arg4[%while3A_112, %dma_wait3A] : memref<82x128xi32, #tpu.memory_space<vmem>> -> memref<1x128xi32, #tpu.memory_space<vmem>>
        %dma_wait3A_119 = tpu.memref_squeeze %dma_wait3A_118 : memref<1x128xi32, #tpu.memory_space<vmem>> -> memref<128xi32, #tpu.memory_space<vmem>>
        %dma_wait3A_120 = arith.constant 0 : i32
        %dma_wait3A_121 = arith.constant 0 : i32
        %dma_wait3A_122 = tpu.memref_slice %arg7[%dma_wait3A_120, %dma_wait3A_121] : memref<10240x128xf32, #tpu.memory_space<vmem_shared>> -> memref<10240x128xf32, #tpu.memory_space<vmem_shared>>
        tpu.wait_indirect_dma semaphore(%run_scoped3A : memref<!tpu.dma_semaphore, #tpu.memory_space<semaphore_mem>>) src(%arg5 : memref<128x128xf32, #tpu.memory_space<vmem>>) dst(%dma_wait3A_122 : memref<10240x128xf32, #tpu.memory_space<vmem_shared>>)
        tpu.yield
      }) : () -> ()
    }
    %while3A_75 = arith.constant 1 : i32
    scf.for %while3A_112 = %while3A_73 to %while3A_69 step %while3A_75  : i32 {
      "tpu.region"() ({
        %run_scoped3A = tpu.sem_alloc : memref<!tpu.dma_semaphore, #tpu.memory_space<semaphore_mem>>
        %dma_start3A = arith.constant 0 : i32
        %dma_start3A_113 = tpu.memref_slice %arg4[%while3A_112, %dma_start3A] : memref<82x128xi32, #tpu.memory_space<vmem>> -> memref<1x128xi32, #tpu.memory_space<vmem>>
        %dma_start3A_114 = tpu.memref_squeeze %dma_start3A_113 : memref<1x128xi32, #tpu.memory_space<vmem>> -> memref<128xi32, #tpu.memory_space<vmem>>
        %dma_start3A_115 = arith.constant 0 : i32
        %dma_start3A_116 = arith.constant 0 : i32
        %dma_start3A_117 = tpu.memref_slice %arg7[%dma_start3A_115, %dma_start3A_116] : memref<10240x128xf32, #tpu.memory_space<vmem_shared>> -> memref<10240x128xf32, #tpu.memory_space<vmem_shared>>
        tpu.enqueue_indirect_dma source(%arg5 : memref<128x128xf32, #tpu.memory_space<vmem>>) target(%dma_start3A_117 : memref<10240x128xf32, #tpu.memory_space<vmem_shared>>) offsets(%dma_start3A_114 : memref<128xi32, #tpu.memory_space<vmem>>) semaphore(%run_scoped3A : memref<!tpu.dma_semaphore, #tpu.memory_space<semaphore_mem>>) {add = true}
        %dma_wait3A = arith.constant 0 : i32
        %dma_wait3A_118 = tpu.memref_slice %arg4[%while3A_112, %dma_wait3A] : memref<82x128xi32, #tpu.memory_space<vmem>> -> memref<1x128xi32, #tpu.memory_space<vmem>>
        %dma_wait3A_119 = tpu.memref_squeeze %dma_wait3A_118 : memref<1x128xi32, #tpu.memory_space<vmem>> -> memref<128xi32, #tpu.memory_space<vmem>>
        %dma_wait3A_120 = arith.constant 0 : i32
        %dma_wait3A_121 = arith.constant 0 : i32
        %dma_wait3A_122 = tpu.memref_slice %arg7[%dma_wait3A_120, %dma_wait3A_121] : memref<10240x128xf32, #tpu.memory_space<vmem_shared>> -> memref<10240x128xf32, #tpu.memory_space<vmem_shared>>
        tpu.wait_indirect_dma semaphore(%run_scoped3A : memref<!tpu.dma_semaphore, #tpu.memory_space<semaphore_mem>>) src(%arg5 : memref<128x128xf32, #tpu.memory_space<vmem>>) dst(%dma_wait3A_122 : memref<10240x128xf32, #tpu.memory_space<vmem_shared>>)
        tpu.yield
      }) : () -> ()
    }
    %barrier3A_76 = arith.constant 0 : index
    tpu.barrier barrier_id(%barrier3A_76)
    %mul3A_77 = arith.constant 10240 : i32
    %mul3A_78 = arith.muli %arg0, %mul3A_77 : i32
    %mul3A_79 = arith.constant 640 : i32
    %mul3A_80 = arith.muli %arg1, %mul3A_79 : i32
    %add3A_81 = arith.addi %mul3A_78, %mul3A_80 : i32
    %mul3A_82 = arith.constant 640 : i32
    %mul3A_83 = arith.muli %arg1, %mul3A_82 : i32
    %add3A_84 = arith.constant 0 : i32
    %add3A_85 = arith.addi %mul3A_83, %add3A_84 : i32
    %add3A_86 = arith.constant 0 : i32
    %add3A_87 = arith.addi %add3A_81, %add3A_86 : i32
    "tpu.region"() ({
      %run_scoped3A = tpu.sem_alloc : memref<!tpu.dma_semaphore, #tpu.memory_space<semaphore_mem>>
      %dma_start3A = arith.constant 0 : i32
      %dma_start3A_112 = tpu.memref_slice %arg3[%add3A_87, %dma_start3A] : memref<20480x128xf32, #tpu.memory_space<hbm>> -> memref<128x128xf32, #tpu.memory_space<hbm>>
      %dma_start3A_113 = arith.constant 0 : i32
      %dma_start3A_114 = tpu.memref_slice %arg7[%add3A_85, %dma_start3A_113] : memref<10240x128xf32, #tpu.memory_space<vmem_shared>> -> memref<128x128xf32, #tpu.memory_space<vmem_shared>>
      tpu.enqueue_dma source(%dma_start3A_114 : memref<128x128xf32, #tpu.memory_space<vmem_shared>>) target(%dma_start3A_112 : memref<128x128xf32, #tpu.memory_space<hbm>>) target_semaphore(%run_scoped3A : memref<!tpu.dma_semaphore, #tpu.memory_space<semaphore_mem>>)
      %dma_wait3A = arith.constant 0 : i32
      %dma_wait3A_115 = tpu.memref_slice %arg3[%add3A_87, %dma_wait3A] : memref<20480x128xf32, #tpu.memory_space<hbm>> -> memref<128x128xf32, #tpu.memory_space<hbm>>
      %dma_wait3A_116 = arith.constant 0 : i32
      %dma_wait3A_117 = tpu.memref_slice %arg7[%add3A_85, %dma_wait3A_116] : memref<10240x128xf32, #tpu.memory_space<vmem_shared>> -> memref<128x128xf32, #tpu.memory_space<vmem_shared>>
      tpu.wait_dma2 semaphore(%run_scoped3A : memref<!tpu.dma_semaphore, #tpu.memory_space<semaphore_mem>>) src(%dma_wait3A_117 : memref<128x128xf32, #tpu.memory_space<vmem_shared>>) dst(%dma_wait3A_115 : memref<128x128xf32, #tpu.memory_space<hbm>>)
      tpu.yield
    }) : () -> ()
    %mul3A_88 = arith.constant 640 : i32
    %mul3A_89 = arith.muli %arg1, %mul3A_88 : i32
    %add3A_90 = arith.constant 128 : i32
    %add3A_91 = arith.addi %mul3A_89, %add3A_90 : i32
    %add3A_92 = arith.constant 128 : i32
    %add3A_93 = arith.addi %add3A_81, %add3A_92 : i32
    "tpu.region"() ({
      %run_scoped3A = tpu.sem_alloc : memref<!tpu.dma_semaphore, #tpu.memory_space<semaphore_mem>>
      %dma_start3A = arith.constant 0 : i32
      %dma_start3A_112 = tpu.memref_slice %arg3[%add3A_93, %dma_start3A] : memref<20480x128xf32, #tpu.memory_space<hbm>> -> memref<128x128xf32, #tpu.memory_space<hbm>>
      %dma_start3A_113 = arith.constant 0 : i32
      %dma_start3A_114 = tpu.memref_slice %arg7[%add3A_91, %dma_start3A_113] : memref<10240x128xf32, #tpu.memory_space<vmem_shared>> -> memref<128x128xf32, #tpu.memory_space<vmem_shared>>
      tpu.enqueue_dma source(%dma_start3A_114 : memref<128x128xf32, #tpu.memory_space<vmem_shared>>) target(%dma_start3A_112 : memref<128x128xf32, #tpu.memory_space<hbm>>) target_semaphore(%run_scoped3A : memref<!tpu.dma_semaphore, #tpu.memory_space<semaphore_mem>>)
      %dma_wait3A = arith.constant 0 : i32
      %dma_wait3A_115 = tpu.memref_slice %arg3[%add3A_93, %dma_wait3A] : memref<20480x128xf32, #tpu.memory_space<hbm>> -> memref<128x128xf32, #tpu.memory_space<hbm>>
      %dma_wait3A_116 = arith.constant 0 : i32
      %dma_wait3A_117 = tpu.memref_slice %arg7[%add3A_91, %dma_wait3A_116] : memref<10240x128xf32, #tpu.memory_space<vmem_shared>> -> memref<128x128xf32, #tpu.memory_space<vmem_shared>>
      tpu.wait_dma2 semaphore(%run_scoped3A : memref<!tpu.dma_semaphore, #tpu.memory_space<semaphore_mem>>) src(%dma_wait3A_117 : memref<128x128xf32, #tpu.memory_space<vmem_shared>>) dst(%dma_wait3A_115 : memref<128x128xf32, #tpu.memory_space<hbm>>)
      tpu.yield
    }) : () -> ()
    %mul3A_94 = arith.constant 640 : i32
    %mul3A_95 = arith.muli %arg1, %mul3A_94 : i32
    %add3A_96 = arith.constant 256 : i32
    %add3A_97 = arith.addi %mul3A_95, %add3A_96 : i32
    %add3A_98 = arith.constant 256 : i32
    %add3A_99 = arith.addi %add3A_81, %add3A_98 : i32
    "tpu.region"() ({
      %run_scoped3A = tpu.sem_alloc : memref<!tpu.dma_semaphore, #tpu.memory_space<semaphore_mem>>
      %dma_start3A = arith.constant 0 : i32
      %dma_start3A_112 = tpu.memref_slice %arg3[%add3A_99, %dma_start3A] : memref<20480x128xf32, #tpu.memory_space<hbm>> -> memref<128x128xf32, #tpu.memory_space<hbm>>
      %dma_start3A_113 = arith.constant 0 : i32
      %dma_start3A_114 = tpu.memref_slice %arg7[%add3A_97, %dma_start3A_113] : memref<10240x128xf32, #tpu.memory_space<vmem_shared>> -> memref<128x128xf32, #tpu.memory_space<vmem_shared>>
      tpu.enqueue_dma source(%dma_start3A_114 : memref<128x128xf32, #tpu.memory_space<vmem_shared>>) target(%dma_start3A_112 : memref<128x128xf32, #tpu.memory_space<hbm>>) target_semaphore(%run_scoped3A : memref<!tpu.dma_semaphore, #tpu.memory_space<semaphore_mem>>)
      %dma_wait3A = arith.constant 0 : i32
      %dma_wait3A_115 = tpu.memref_slice %arg3[%add3A_99, %dma_wait3A] : memref<20480x128xf32, #tpu.memory_space<hbm>> -> memref<128x128xf32, #tpu.memory_space<hbm>>
      %dma_wait3A_116 = arith.constant 0 : i32
      %dma_wait3A_117 = tpu.memref_slice %arg7[%add3A_97, %dma_wait3A_116] : memref<10240x128xf32, #tpu.memory_space<vmem_shared>> -> memref<128x128xf32, #tpu.memory_space<vmem_shared>>
      tpu.wait_dma2 semaphore(%run_scoped3A : memref<!tpu.dma_semaphore, #tpu.memory_space<semaphore_mem>>) src(%dma_wait3A_117 : memref<128x128xf32, #tpu.memory_space<vmem_shared>>) dst(%dma_wait3A_115 : memref<128x128xf32, #tpu.memory_space<hbm>>)
      tpu.yield
    }) : () -> ()
    %mul3A_100 = arith.constant 640 : i32
    %mul3A_101 = arith.muli %arg1, %mul3A_100 : i32
    %add3A_102 = arith.constant 384 : i32
    %add3A_103 = arith.addi %mul3A_101, %add3A_102 : i32
    %add3A_104 = arith.constant 384 : i32
    %add3A_105 = arith.addi %add3A_81, %add3A_104 : i32
    "tpu.region"() ({
      %run_scoped3A = tpu.sem_alloc : memref<!tpu.dma_semaphore, #tpu.memory_space<semaphore_mem>>
      %dma_start3A = arith.constant 0 : i32
      %dma_start3A_112 = tpu.memref_slice %arg3[%add3A_105, %dma_start3A] : memref<20480x128xf32, #tpu.memory_space<hbm>> -> memref<128x128xf32, #tpu.memory_space<hbm>>
      %dma_start3A_113 = arith.constant 0 : i32
      %dma_start3A_114 = tpu.memref_slice %arg7[%add3A_103, %dma_start3A_113] : memref<10240x128xf32, #tpu.memory_space<vmem_shared>> -> memref<128x128xf32, #tpu.memory_space<vmem_shared>>
      tpu.enqueue_dma source(%dma_start3A_114 : memref<128x128xf32, #tpu.memory_space<vmem_shared>>) target(%dma_start3A_112 : memref<128x128xf32, #tpu.memory_space<hbm>>) target_semaphore(%run_scoped3A : memref<!tpu.dma_semaphore, #tpu.memory_space<semaphore_mem>>)
      %dma_wait3A = arith.constant 0 : i32
      %dma_wait3A_115 = tpu.memref_slice %arg3[%add3A_105, %dma_wait3A] : memref<20480x128xf32, #tpu.memory_space<hbm>> -> memref<128x128xf32, #tpu.memory_space<hbm>>
      %dma_wait3A_116 = arith.constant 0 : i32
      %dma_wait3A_117 = tpu.memref_slice %arg7[%add3A_103, %dma_wait3A_116] : memref<10240x128xf32, #tpu.memory_space<vmem_shared>> -> memref<128x128xf32, #tpu.memory_space<vmem_shared>>
      tpu.wait_dma2 semaphore(%run_scoped3A : memref<!tpu.dma_semaphore, #tpu.memory_space<semaphore_mem>>) src(%dma_wait3A_117 : memref<128x128xf32, #tpu.memory_space<vmem_shared>>) dst(%dma_wait3A_115 : memref<128x128xf32, #tpu.memory_space<hbm>>)
      tpu.yield
    }) : () -> ()
    %mul3A_106 = arith.constant 640 : i32
    %mul3A_107 = arith.muli %arg1, %mul3A_106 : i32
    %add3A_108 = arith.constant 512 : i32
    %add3A_109 = arith.addi %mul3A_107, %add3A_108 : i32
    %add3A_110 = arith.constant 512 : i32
    %add3A_111 = arith.addi %add3A_81, %add3A_110 : i32
    "tpu.region"() ({
      %run_scoped3A = tpu.sem_alloc : memref<!tpu.dma_semaphore, #tpu.memory_space<semaphore_mem>>
      %dma_start3A = arith.constant 0 : i32
      %dma_start3A_112 = tpu.memref_slice %arg3[%add3A_111, %dma_start3A] : memref<20480x128xf32, #tpu.memory_space<hbm>> -> memref<128x128xf32, #tpu.memory_space<hbm>>
      %dma_start3A_113 = arith.constant 0 : i32
      %dma_start3A_114 = tpu.memref_slice %arg7[%add3A_109, %dma_start3A_113] : memref<10240x128xf32, #tpu.memory_space<vmem_shared>> -> memref<128x128xf32, #tpu.memory_space<vmem_shared>>
      tpu.enqueue_dma source(%dma_start3A_114 : memref<128x128xf32, #tpu.memory_space<vmem_shared>>) target(%dma_start3A_112 : memref<128x128xf32, #tpu.memory_space<hbm>>) target_semaphore(%run_scoped3A : memref<!tpu.dma_semaphore, #tpu.memory_space<semaphore_mem>>)
      %dma_wait3A = arith.constant 0 : i32
      %dma_wait3A_115 = tpu.memref_slice %arg3[%add3A_111, %dma_wait3A] : memref<20480x128xf32, #tpu.memory_space<hbm>> -> memref<128x128xf32, #tpu.memory_space<hbm>>
      %dma_wait3A_116 = arith.constant 0 : i32
      %dma_wait3A_117 = tpu.memref_slice %arg7[%add3A_109, %dma_wait3A_116] : memref<10240x128xf32, #tpu.memory_space<vmem_shared>> -> memref<128x128xf32, #tpu.memory_space<vmem_shared>>
      tpu.wait_dma2 semaphore(%run_scoped3A : memref<!tpu.dma_semaphore, #tpu.memory_space<semaphore_mem>>) src(%dma_wait3A_117 : memref<128x128xf32, #tpu.memory_space<vmem_shared>>) dst(%dma_wait3A_115 : memref<128x128xf32, #tpu.memory_space<hbm>>)
      tpu.yield
    }) : () -> ()
    return
  }
}

#map = affine_map<(d0, d1) -> (0, 0)>
module attributes {stable_mosaic.version = 14 : i64} {
  func.func @sc_agg(%arg0: i32, %arg1: i32, %arg2: memref<10000x128xf32, #tpu.memory_space<hbm>>, %arg3: memref<32x10496xi32, #tpu.memory_space<hbm>>, %arg4: memref<32x10496xi32, #tpu.memory_space<hbm>>, %arg5: memref<20480x128xf32, #tpu.memory_space<hbm>>, %arg6: memref<10496xi32, #tpu.memory_space<vmem>>, %arg7: memref<2x128xi32, #tpu.memory_space<vmem>>, %arg8: memref<128x128xf32, #tpu.memory_space<vmem>>, %arg9: memref<128x128xf32, #tpu.memory_space<vmem>>, %arg10: memref<10240x128xf32, #tpu.memory_space<vmem_shared>>, %arg11: memref<!tpu.dma_semaphore, #tpu.memory_space<semaphore_mem>>, %arg12: memref<!tpu.dma_semaphore, #tpu.memory_space<semaphore_mem>>, %arg13: memref<!tpu.dma_semaphore, #tpu.memory_space<semaphore_mem>>, %arg14: memref<!tpu.dma_semaphore, #tpu.memory_space<semaphore_mem>>) attributes {dimension_semantics = [#tpu.dimension_semantics<core_parallel>, #tpu.dimension_semantics<subcore_parallel>], iteration_bounds = array<i64: 2, 16>, scalar_prefetch = 0 : i64, scratch_operands = 9 : i64, tpu.core_type = #tpu.core_type<sc_vector_subcore>, window_params = [{transform_indices = #map}, {transform_indices = #map}, {transform_indices = #map}, {transform_indices = #map}]} {
    %mul3A = arith.constant 16 : i32
    %mul3A_0 = arith.muli %arg0, %mul3A : i32
    %add3A = arith.addi %mul3A_0, %arg1 : i32
    "tpu.region"() ({
      %run_scoped3A = tpu.sem_alloc : memref<!tpu.dma_semaphore, #tpu.memory_space<semaphore_mem>>
      %dma_start3A_183 = arith.constant 0 : i32
      %dma_start3A_184 = tpu.memref_slice %arg3[%add3A, %dma_start3A_183] : memref<32x10496xi32, #tpu.memory_space<hbm>> -> memref<1x10496xi32, #tpu.memory_space<hbm>>
      %dma_start3A_185 = tpu.memref_squeeze %dma_start3A_184 : memref<1x10496xi32, #tpu.memory_space<hbm>> -> memref<10496xi32, #tpu.memory_space<hbm>>
      %dma_start3A_186 = arith.constant 0 : i32
      %dma_start3A_187 = tpu.memref_slice %arg3[%add3A, %dma_start3A_186] : memref<32x10496xi32, #tpu.memory_space<hbm>> -> memref<1x10496xi32, #tpu.memory_space<hbm>>
      %dma_start3A_188 = tpu.memref_squeeze %dma_start3A_187 : memref<1x10496xi32, #tpu.memory_space<hbm>> -> memref<10496xi32, #tpu.memory_space<hbm>>
      tpu.enqueue_dma source(%dma_start3A_188 : memref<10496xi32, #tpu.memory_space<hbm>>) target(%arg6 : memref<10496xi32, #tpu.memory_space<vmem>>) target_semaphore(%run_scoped3A : memref<!tpu.dma_semaphore, #tpu.memory_space<semaphore_mem>>)
      %dma_wait3A_189 = arith.constant 0 : i32
      %dma_wait3A_190 = tpu.memref_slice %arg3[%add3A, %dma_wait3A_189] : memref<32x10496xi32, #tpu.memory_space<hbm>> -> memref<1x10496xi32, #tpu.memory_space<hbm>>
      %dma_wait3A_191 = tpu.memref_squeeze %dma_wait3A_190 : memref<1x10496xi32, #tpu.memory_space<hbm>> -> memref<10496xi32, #tpu.memory_space<hbm>>
      %dma_wait3A_192 = arith.constant 0 : i32
      %dma_wait3A_193 = tpu.memref_slice %arg3[%add3A, %dma_wait3A_192] : memref<32x10496xi32, #tpu.memory_space<hbm>> -> memref<1x10496xi32, #tpu.memory_space<hbm>>
      %dma_wait3A_194 = tpu.memref_squeeze %dma_wait3A_193 : memref<1x10496xi32, #tpu.memory_space<hbm>> -> memref<10496xi32, #tpu.memory_space<hbm>>
      tpu.wait_dma2 semaphore(%run_scoped3A : memref<!tpu.dma_semaphore, #tpu.memory_space<semaphore_mem>>) src(%dma_wait3A_194 : memref<10496xi32, #tpu.memory_space<hbm>>) dst(%arg6 : memref<10496xi32, #tpu.memory_space<vmem>>)
      tpu.yield
    }) : () -> ()
    %broadcast_in_dim3A = arith.constant 0.000000e+00 : f32
    %broadcast_in_dim3A_1 = vector.broadcast %broadcast_in_dim3A : f32 to vector<16xf32>
    %while3A = arith.constant 0 : i32
    %while3A_2 = arith.constant 0 : i32
    %while3A_3 = arith.constant 64 : i32
    %while3A_4 = arith.subi %while3A_3, %while3A_2 : i32
    %while3A_5 = arith.addi %while3A_2, %while3A_4 : i32
    %while3A_6 = arith.constant 1 : i32
    %while3A_7 = arith.divsi %while3A_4, %while3A_6 : i32
    %while3A_8 = arith.muli %while3A_7, %while3A_6 : i32
    %while3A_9 = arith.addi %while3A_2, %while3A_8 : i32
    %while3A_10 = arith.constant 1 : i32
    scf.for %while3A_183 = %while3A_2 to %while3A_9 step %while3A_10  : i32 {
      %swap3A = arith.index_cast %while3A_183 : i32 to index
      %swap3A_184 = arith.constant 0 : index
      %swap3A_185 = tpu.vector_load %arg8[%swap3A, %swap3A_184] {strides = array<i32>} : memref<128x128xf32, #tpu.memory_space<vmem>>, vector<1x16xf32>,
      %swap3A_186 = vector.shape_cast %swap3A_185 : vector<1x16xf32> to vector<16xf32>
      %swap3A_187 = vector.shape_cast %broadcast_in_dim3A_1 : vector<16xf32> to vector<1x16xf32>
      tpu.vector_store %arg8[%swap3A, %swap3A_184], %swap3A_187 {strides = array<i32>} : memref<128x128xf32, #tpu.memory_space<vmem>>, vector<1x16xf32>,
      %swap3A_188 = arith.index_cast %while3A_183 : i32 to index
      %swap3A_189 = arith.constant 16 : index
      %swap3A_190 = tpu.vector_load %arg8[%swap3A_188, %swap3A_189] {strides = array<i32>} : memref<128x128xf32, #tpu.memory_space<vmem>>, vector<1x16xf32>,
      %swap3A_191 = vector.shape_cast %swap3A_190 : vector<1x16xf32> to vector<16xf32>
      %swap3A_192 = vector.shape_cast %broadcast_in_dim3A_1 : vector<16xf32> to vector<1x16xf32>
      tpu.vector_store %arg8[%swap3A_188, %swap3A_189], %swap3A_192 {strides = array<i32>} : memref<128x128xf32, #tpu.memory_space<vmem>>, vector<1x16xf32>,
      %swap3A_193 = arith.index_cast %while3A_183 : i32 to index
      %swap3A_194 = arith.constant 32 : index
      %swap3A_195 = tpu.vector_load %arg8[%swap3A_193, %swap3A_194] {strides = array<i32>} : memref<128x128xf32, #tpu.memory_space<vmem>>, vector<1x16xf32>,
      %swap3A_196 = vector.shape_cast %swap3A_195 : vector<1x16xf32> to vector<16xf32>
      %swap3A_197 = vector.shape_cast %broadcast_in_dim3A_1 : vector<16xf32> to vector<1x16xf32>
      tpu.vector_store %arg8[%swap3A_193, %swap3A_194], %swap3A_197 {strides = array<i32>} : memref<128x128xf32, #tpu.memory_space<vmem>>, vector<1x16xf32>,
      %swap3A_198 = arith.index_cast %while3A_183 : i32 to index
      %swap3A_199 = arith.constant 48 : index
      %swap3A_200 = tpu.vector_load %arg8[%swap3A_198, %swap3A_199] {strides = array<i32>} : memref<128x128xf32, #tpu.memory_space<vmem>>, vector<1x16xf32>,
      %swap3A_201 = vector.shape_cast %swap3A_200 : vector<1x16xf32> to vector<16xf32>
      %swap3A_202 = vector.shape_cast %broadcast_in_dim3A_1 : vector<16xf32> to vector<1x16xf32>
      tpu.vector_store %arg8[%swap3A_198, %swap3A_199], %swap3A_202 {strides = array<i32>} : memref<128x128xf32, #tpu.memory_space<vmem>>, vector<1x16xf32>,
      %swap3A_203 = arith.index_cast %while3A_183 : i32 to index
      %swap3A_204 = arith.constant 64 : index
      %swap3A_205 = tpu.vector_load %arg8[%swap3A_203, %swap3A_204] {strides = array<i32>} : memref<128x128xf32, #tpu.memory_space<vmem>>, vector<1x16xf32>,
      %swap3A_206 = vector.shape_cast %swap3A_205 : vector<1x16xf32> to vector<16xf32>
      %swap3A_207 = vector.shape_cast %broadcast_in_dim3A_1 : vector<16xf32> to vector<1x16xf32>
      tpu.vector_store %arg8[%swap3A_203, %swap3A_204], %swap3A_207 {strides = array<i32>} : memref<128x128xf32, #tpu.memory_space<vmem>>, vector<1x16xf32>,
      %swap3A_208 = arith.index_cast %while3A_183 : i32 to index
      %swap3A_209 = arith.constant 80 : index
      %swap3A_210 = tpu.vector_load %arg8[%swap3A_208, %swap3A_209] {strides = array<i32>} : memref<128x128xf32, #tpu.memory_space<vmem>>, vector<1x16xf32>,
      %swap3A_211 = vector.shape_cast %swap3A_210 : vector<1x16xf32> to vector<16xf32>
      %swap3A_212 = vector.shape_cast %broadcast_in_dim3A_1 : vector<16xf32> to vector<1x16xf32>
      tpu.vector_store %arg8[%swap3A_208, %swap3A_209], %swap3A_212 {strides = array<i32>} : memref<128x128xf32, #tpu.memory_space<vmem>>, vector<1x16xf32>,
      %swap3A_213 = arith.index_cast %while3A_183 : i32 to index
      %swap3A_214 = arith.constant 96 : index
      %swap3A_215 = tpu.vector_load %arg8[%swap3A_213, %swap3A_214] {strides = array<i32>} : memref<128x128xf32, #tpu.memory_space<vmem>>, vector<1x16xf32>,
      %swap3A_216 = vector.shape_cast %swap3A_215 : vector<1x16xf32> to vector<16xf32>
      %swap3A_217 = vector.shape_cast %broadcast_in_dim3A_1 : vector<16xf32> to vector<1x16xf32>
      tpu.vector_store %arg8[%swap3A_213, %swap3A_214], %swap3A_217 {strides = array<i32>} : memref<128x128xf32, #tpu.memory_space<vmem>>, vector<1x16xf32>,
      %swap3A_218 = arith.index_cast %while3A_183 : i32 to index
      %swap3A_219 = arith.constant 112 : index
      %swap3A_220 = tpu.vector_load %arg8[%swap3A_218, %swap3A_219] {strides = array<i32>} : memref<128x128xf32, #tpu.memory_space<vmem>>, vector<1x16xf32>,
      %swap3A_221 = vector.shape_cast %swap3A_220 : vector<1x16xf32> to vector<16xf32>
      %swap3A_222 = vector.shape_cast %broadcast_in_dim3A_1 : vector<16xf32> to vector<1x16xf32>
      tpu.vector_store %arg8[%swap3A_218, %swap3A_219], %swap3A_222 {strides = array<i32>} : memref<128x128xf32, #tpu.memory_space<vmem>>, vector<1x16xf32>,
    }
    %while3A_11 = arith.constant 1 : i32
    scf.for %while3A_183 = %while3A_9 to %while3A_5 step %while3A_11  : i32 {
      %swap3A = arith.index_cast %while3A_183 : i32 to index
      %swap3A_184 = arith.constant 0 : index
      %swap3A_185 = tpu.vector_load %arg8[%swap3A, %swap3A_184] {strides = array<i32>} : memref<128x128xf32, #tpu.memory_space<vmem>>, vector<1x16xf32>,
      %swap3A_186 = vector.shape_cast %swap3A_185 : vector<1x16xf32> to vector<16xf32>
      %swap3A_187 = vector.shape_cast %broadcast_in_dim3A_1 : vector<16xf32> to vector<1x16xf32>
      tpu.vector_store %arg8[%swap3A, %swap3A_184], %swap3A_187 {strides = array<i32>} : memref<128x128xf32, #tpu.memory_space<vmem>>, vector<1x16xf32>,
      %swap3A_188 = arith.index_cast %while3A_183 : i32 to index
      %swap3A_189 = arith.constant 16 : index
      %swap3A_190 = tpu.vector_load %arg8[%swap3A_188, %swap3A_189] {strides = array<i32>} : memref<128x128xf32, #tpu.memory_space<vmem>>, vector<1x16xf32>,
      %swap3A_191 = vector.shape_cast %swap3A_190 : vector<1x16xf32> to vector<16xf32>
      %swap3A_192 = vector.shape_cast %broadcast_in_dim3A_1 : vector<16xf32> to vector<1x16xf32>
      tpu.vector_store %arg8[%swap3A_188, %swap3A_189], %swap3A_192 {strides = array<i32>} : memref<128x128xf32, #tpu.memory_space<vmem>>, vector<1x16xf32>,
      %swap3A_193 = arith.index_cast %while3A_183 : i32 to index
      %swap3A_194 = arith.constant 32 : index
      %swap3A_195 = tpu.vector_load %arg8[%swap3A_193, %swap3A_194] {strides = array<i32>} : memref<128x128xf32, #tpu.memory_space<vmem>>, vector<1x16xf32>,
      %swap3A_196 = vector.shape_cast %swap3A_195 : vector<1x16xf32> to vector<16xf32>
      %swap3A_197 = vector.shape_cast %broadcast_in_dim3A_1 : vector<16xf32> to vector<1x16xf32>
      tpu.vector_store %arg8[%swap3A_193, %swap3A_194], %swap3A_197 {strides = array<i32>} : memref<128x128xf32, #tpu.memory_space<vmem>>, vector<1x16xf32>,
      %swap3A_198 = arith.index_cast %while3A_183 : i32 to index
      %swap3A_199 = arith.constant 48 : index
      %swap3A_200 = tpu.vector_load %arg8[%swap3A_198, %swap3A_199] {strides = array<i32>} : memref<128x128xf32, #tpu.memory_space<vmem>>, vector<1x16xf32>,
      %swap3A_201 = vector.shape_cast %swap3A_200 : vector<1x16xf32> to vector<16xf32>
      %swap3A_202 = vector.shape_cast %broadcast_in_dim3A_1 : vector<16xf32> to vector<1x16xf32>
      tpu.vector_store %arg8[%swap3A_198, %swap3A_199], %swap3A_202 {strides = array<i32>} : memref<128x128xf32, #tpu.memory_space<vmem>>, vector<1x16xf32>,
      %swap3A_203 = arith.index_cast %while3A_183 : i32 to index
      %swap3A_204 = arith.constant 64 : index
      %swap3A_205 = tpu.vector_load %arg8[%swap3A_203, %swap3A_204] {strides = array<i32>} : memref<128x128xf32, #tpu.memory_space<vmem>>, vector<1x16xf32>,
      %swap3A_206 = vector.shape_cast %swap3A_205 : vector<1x16xf32> to vector<16xf32>
      %swap3A_207 = vector.shape_cast %broadcast_in_dim3A_1 : vector<16xf32> to vector<1x16xf32>
      tpu.vector_store %arg8[%swap3A_203, %swap3A_204], %swap3A_207 {strides = array<i32>} : memref<128x128xf32, #tpu.memory_space<vmem>>, vector<1x16xf32>,
      %swap3A_208 = arith.index_cast %while3A_183 : i32 to index
      %swap3A_209 = arith.constant 80 : index
      %swap3A_210 = tpu.vector_load %arg8[%swap3A_208, %swap3A_209] {strides = array<i32>} : memref<128x128xf32, #tpu.memory_space<vmem>>, vector<1x16xf32>,
      %swap3A_211 = vector.shape_cast %swap3A_210 : vector<1x16xf32> to vector<16xf32>
      %swap3A_212 = vector.shape_cast %broadcast_in_dim3A_1 : vector<16xf32> to vector<1x16xf32>
      tpu.vector_store %arg8[%swap3A_208, %swap3A_209], %swap3A_212 {strides = array<i32>} : memref<128x128xf32, #tpu.memory_space<vmem>>, vector<1x16xf32>,
      %swap3A_213 = arith.index_cast %while3A_183 : i32 to index
      %swap3A_214 = arith.constant 96 : index
      %swap3A_215 = tpu.vector_load %arg8[%swap3A_213, %swap3A_214] {strides = array<i32>} : memref<128x128xf32, #tpu.memory_space<vmem>>, vector<1x16xf32>,
      %swap3A_216 = vector.shape_cast %swap3A_215 : vector<1x16xf32> to vector<16xf32>
      %swap3A_217 = vector.shape_cast %broadcast_in_dim3A_1 : vector<16xf32> to vector<1x16xf32>
      tpu.vector_store %arg8[%swap3A_213, %swap3A_214], %swap3A_217 {strides = array<i32>} : memref<128x128xf32, #tpu.memory_space<vmem>>, vector<1x16xf32>,
      %swap3A_218 = arith.index_cast %while3A_183 : i32 to index
      %swap3A_219 = arith.constant 112 : index
      %swap3A_220 = tpu.vector_load %arg8[%swap3A_218, %swap3A_219] {strides = array<i32>} : memref<128x128xf32, #tpu.memory_space<vmem>>, vector<1x16xf32>,
      %swap3A_221 = vector.shape_cast %swap3A_220 : vector<1x16xf32> to vector<16xf32>
      %swap3A_222 = vector.shape_cast %broadcast_in_dim3A_1 : vector<16xf32> to vector<1x16xf32>
      tpu.vector_store %arg8[%swap3A_218, %swap3A_219], %swap3A_222 {strides = array<i32>} : memref<128x128xf32, #tpu.memory_space<vmem>>, vector<1x16xf32>,
    }
    %mul3A_12 = arith.constant 640 : i32
    %mul3A_13 = arith.muli %arg1, %mul3A_12 : i32
    %add3A_14 = arith.constant 0 : i32
    %add3A_15 = arith.addi %mul3A_13, %add3A_14 : i32
    "tpu.region"() ({
      %run_scoped3A = tpu.sem_alloc : memref<!tpu.dma_semaphore, #tpu.memory_space<semaphore_mem>>
      %dma_start3A_183 = arith.constant 0 : i32
      %dma_start3A_184 = arith.constant 0 : i32
      %dma_start3A_185 = tpu.memref_slice %arg8[%dma_start3A_183, %dma_start3A_184] : memref<128x128xf32, #tpu.memory_space<vmem>> -> memref<64x128xf32, #tpu.memory_space<vmem>>
      %dma_start3A_186 = arith.constant 0 : i32
      %dma_start3A_187 = tpu.memref_slice %arg10[%add3A_15, %dma_start3A_186] : memref<10240x128xf32, #tpu.memory_space<vmem_shared>> -> memref<64x128xf32, #tpu.memory_space<vmem_shared>>
      %dma_start3A_188 = arith.constant 0 : i32
      %dma_start3A_189 = tpu.memref_slice %arg10[%add3A_15, %dma_start3A_188] : memref<10240x128xf32, #tpu.memory_space<vmem_shared>> -> memref<64x128xf32, #tpu.memory_space<vmem_shared>>
      %dma_start3A_190 = arith.constant 0 : i32
      %dma_start3A_191 = arith.constant 0 : i32
      %dma_start3A_192 = tpu.memref_slice %arg8[%dma_start3A_190, %dma_start3A_191] : memref<128x128xf32, #tpu.memory_space<vmem>> -> memref<64x128xf32, #tpu.memory_space<vmem>>
      tpu.enqueue_dma source(%dma_start3A_192 : memref<64x128xf32, #tpu.memory_space<vmem>>) target(%dma_start3A_189 : memref<64x128xf32, #tpu.memory_space<vmem_shared>>) target_semaphore(%run_scoped3A : memref<!tpu.dma_semaphore, #tpu.memory_space<semaphore_mem>>)
      %dma_wait3A_193 = arith.constant 0 : i32
      %dma_wait3A_194 = arith.constant 0 : i32
      %dma_wait3A_195 = tpu.memref_slice %arg8[%dma_wait3A_193, %dma_wait3A_194] : memref<128x128xf32, #tpu.memory_space<vmem>> -> memref<64x128xf32, #tpu.memory_space<vmem>>
      %dma_wait3A_196 = arith.constant 0 : i32
      %dma_wait3A_197 = tpu.memref_slice %arg10[%add3A_15, %dma_wait3A_196] : memref<10240x128xf32, #tpu.memory_space<vmem_shared>> -> memref<64x128xf32, #tpu.memory_space<vmem_shared>>
      %dma_wait3A_198 = arith.constant 0 : i32
      %dma_wait3A_199 = tpu.memref_slice %arg10[%add3A_15, %dma_wait3A_198] : memref<10240x128xf32, #tpu.memory_space<vmem_shared>> -> memref<64x128xf32, #tpu.memory_space<vmem_shared>>
      %dma_wait3A_200 = arith.constant 0 : i32
      %dma_wait3A_201 = arith.constant 0 : i32
      %dma_wait3A_202 = tpu.memref_slice %arg8[%dma_wait3A_200, %dma_wait3A_201] : memref<128x128xf32, #tpu.memory_space<vmem>> -> memref<64x128xf32, #tpu.memory_space<vmem>>
      tpu.wait_dma2 semaphore(%run_scoped3A : memref<!tpu.dma_semaphore, #tpu.memory_space<semaphore_mem>>) src(%dma_wait3A_202 : memref<64x128xf32, #tpu.memory_space<vmem>>) dst(%dma_wait3A_199 : memref<64x128xf32, #tpu.memory_space<vmem_shared>>)
      tpu.yield
    }) : () -> ()
    %mul3A_16 = arith.constant 640 : i32
    %mul3A_17 = arith.muli %arg1, %mul3A_16 : i32
    %add3A_18 = arith.constant 64 : i32
    %add3A_19 = arith.addi %mul3A_17, %add3A_18 : i32
    "tpu.region"() ({
      %run_scoped3A = tpu.sem_alloc : memref<!tpu.dma_semaphore, #tpu.memory_space<semaphore_mem>>
      %dma_start3A_183 = arith.constant 0 : i32
      %dma_start3A_184 = arith.constant 0 : i32
      %dma_start3A_185 = tpu.memref_slice %arg8[%dma_start3A_183, %dma_start3A_184] : memref<128x128xf32, #tpu.memory_space<vmem>> -> memref<64x128xf32, #tpu.memory_space<vmem>>
      %dma_start3A_186 = arith.constant 0 : i32
      %dma_start3A_187 = tpu.memref_slice %arg10[%add3A_19, %dma_start3A_186] : memref<10240x128xf32, #tpu.memory_space<vmem_shared>> -> memref<64x128xf32, #tpu.memory_space<vmem_shared>>
      %dma_start3A_188 = arith.constant 0 : i32
      %dma_start3A_189 = tpu.memref_slice %arg10[%add3A_19, %dma_start3A_188] : memref<10240x128xf32, #tpu.memory_space<vmem_shared>> -> memref<64x128xf32, #tpu.memory_space<vmem_shared>>
      %dma_start3A_190 = arith.constant 0 : i32
      %dma_start3A_191 = arith.constant 0 : i32
      %dma_start3A_192 = tpu.memref_slice %arg8[%dma_start3A_190, %dma_start3A_191] : memref<128x128xf32, #tpu.memory_space<vmem>> -> memref<64x128xf32, #tpu.memory_space<vmem>>
      tpu.enqueue_dma source(%dma_start3A_192 : memref<64x128xf32, #tpu.memory_space<vmem>>) target(%dma_start3A_189 : memref<64x128xf32, #tpu.memory_space<vmem_shared>>) target_semaphore(%run_scoped3A : memref<!tpu.dma_semaphore, #tpu.memory_space<semaphore_mem>>)
      %dma_wait3A_193 = arith.constant 0 : i32
      %dma_wait3A_194 = arith.constant 0 : i32
      %dma_wait3A_195 = tpu.memref_slice %arg8[%dma_wait3A_193, %dma_wait3A_194] : memref<128x128xf32, #tpu.memory_space<vmem>> -> memref<64x128xf32, #tpu.memory_space<vmem>>
      %dma_wait3A_196 = arith.constant 0 : i32
      %dma_wait3A_197 = tpu.memref_slice %arg10[%add3A_19, %dma_wait3A_196] : memref<10240x128xf32, #tpu.memory_space<vmem_shared>> -> memref<64x128xf32, #tpu.memory_space<vmem_shared>>
      %dma_wait3A_198 = arith.constant 0 : i32
      %dma_wait3A_199 = tpu.memref_slice %arg10[%add3A_19, %dma_wait3A_198] : memref<10240x128xf32, #tpu.memory_space<vmem_shared>> -> memref<64x128xf32, #tpu.memory_space<vmem_shared>>
      %dma_wait3A_200 = arith.constant 0 : i32
      %dma_wait3A_201 = arith.constant 0 : i32
      %dma_wait3A_202 = tpu.memref_slice %arg8[%dma_wait3A_200, %dma_wait3A_201] : memref<128x128xf32, #tpu.memory_space<vmem>> -> memref<64x128xf32, #tpu.memory_space<vmem>>
      tpu.wait_dma2 semaphore(%run_scoped3A : memref<!tpu.dma_semaphore, #tpu.memory_space<semaphore_mem>>) src(%dma_wait3A_202 : memref<64x128xf32, #tpu.memory_space<vmem>>) dst(%dma_wait3A_199 : memref<64x128xf32, #tpu.memory_space<vmem_shared>>)
      tpu.yield
    }) : () -> ()
    %mul3A_20 = arith.constant 640 : i32
    %mul3A_21 = arith.muli %arg1, %mul3A_20 : i32
    %add3A_22 = arith.constant 128 : i32
    %add3A_23 = arith.addi %mul3A_21, %add3A_22 : i32
    "tpu.region"() ({
      %run_scoped3A = tpu.sem_alloc : memref<!tpu.dma_semaphore, #tpu.memory_space<semaphore_mem>>
      %dma_start3A_183 = arith.constant 0 : i32
      %dma_start3A_184 = arith.constant 0 : i32
      %dma_start3A_185 = tpu.memref_slice %arg8[%dma_start3A_183, %dma_start3A_184] : memref<128x128xf32, #tpu.memory_space<vmem>> -> memref<64x128xf32, #tpu.memory_space<vmem>>
      %dma_start3A_186 = arith.constant 0 : i32
      %dma_start3A_187 = tpu.memref_slice %arg10[%add3A_23, %dma_start3A_186] : memref<10240x128xf32, #tpu.memory_space<vmem_shared>> -> memref<64x128xf32, #tpu.memory_space<vmem_shared>>
      %dma_start3A_188 = arith.constant 0 : i32
      %dma_start3A_189 = tpu.memref_slice %arg10[%add3A_23, %dma_start3A_188] : memref<10240x128xf32, #tpu.memory_space<vmem_shared>> -> memref<64x128xf32, #tpu.memory_space<vmem_shared>>
      %dma_start3A_190 = arith.constant 0 : i32
      %dma_start3A_191 = arith.constant 0 : i32
      %dma_start3A_192 = tpu.memref_slice %arg8[%dma_start3A_190, %dma_start3A_191] : memref<128x128xf32, #tpu.memory_space<vmem>> -> memref<64x128xf32, #tpu.memory_space<vmem>>
      tpu.enqueue_dma source(%dma_start3A_192 : memref<64x128xf32, #tpu.memory_space<vmem>>) target(%dma_start3A_189 : memref<64x128xf32, #tpu.memory_space<vmem_shared>>) target_semaphore(%run_scoped3A : memref<!tpu.dma_semaphore, #tpu.memory_space<semaphore_mem>>)
      %dma_wait3A_193 = arith.constant 0 : i32
      %dma_wait3A_194 = arith.constant 0 : i32
      %dma_wait3A_195 = tpu.memref_slice %arg8[%dma_wait3A_193, %dma_wait3A_194] : memref<128x128xf32, #tpu.memory_space<vmem>> -> memref<64x128xf32, #tpu.memory_space<vmem>>
      %dma_wait3A_196 = arith.constant 0 : i32
      %dma_wait3A_197 = tpu.memref_slice %arg10[%add3A_23, %dma_wait3A_196] : memref<10240x128xf32, #tpu.memory_space<vmem_shared>> -> memref<64x128xf32, #tpu.memory_space<vmem_shared>>
      %dma_wait3A_198 = arith.constant 0 : i32
      %dma_wait3A_199 = tpu.memref_slice %arg10[%add3A_23, %dma_wait3A_198] : memref<10240x128xf32, #tpu.memory_space<vmem_shared>> -> memref<64x128xf32, #tpu.memory_space<vmem_shared>>
      %dma_wait3A_200 = arith.constant 0 : i32
      %dma_wait3A_201 = arith.constant 0 : i32
      %dma_wait3A_202 = tpu.memref_slice %arg8[%dma_wait3A_200, %dma_wait3A_201] : memref<128x128xf32, #tpu.memory_space<vmem>> -> memref<64x128xf32, #tpu.memory_space<vmem>>
      tpu.wait_dma2 semaphore(%run_scoped3A : memref<!tpu.dma_semaphore, #tpu.memory_space<semaphore_mem>>) src(%dma_wait3A_202 : memref<64x128xf32, #tpu.memory_space<vmem>>) dst(%dma_wait3A_199 : memref<64x128xf32, #tpu.memory_space<vmem_shared>>)
      tpu.yield
    }) : () -> ()
    %mul3A_24 = arith.constant 640 : i32
    %mul3A_25 = arith.muli %arg1, %mul3A_24 : i32
    %add3A_26 = arith.constant 192 : i32
    %add3A_27 = arith.addi %mul3A_25, %add3A_26 : i32
    "tpu.region"() ({
      %run_scoped3A = tpu.sem_alloc : memref<!tpu.dma_semaphore, #tpu.memory_space<semaphore_mem>>
      %dma_start3A_183 = arith.constant 0 : i32
      %dma_start3A_184 = arith.constant 0 : i32
      %dma_start3A_185 = tpu.memref_slice %arg8[%dma_start3A_183, %dma_start3A_184] : memref<128x128xf32, #tpu.memory_space<vmem>> -> memref<64x128xf32, #tpu.memory_space<vmem>>
      %dma_start3A_186 = arith.constant 0 : i32
      %dma_start3A_187 = tpu.memref_slice %arg10[%add3A_27, %dma_start3A_186] : memref<10240x128xf32, #tpu.memory_space<vmem_shared>> -> memref<64x128xf32, #tpu.memory_space<vmem_shared>>
      %dma_start3A_188 = arith.constant 0 : i32
      %dma_start3A_189 = tpu.memref_slice %arg10[%add3A_27, %dma_start3A_188] : memref<10240x128xf32, #tpu.memory_space<vmem_shared>> -> memref<64x128xf32, #tpu.memory_space<vmem_shared>>
      %dma_start3A_190 = arith.constant 0 : i32
      %dma_start3A_191 = arith.constant 0 : i32
      %dma_start3A_192 = tpu.memref_slice %arg8[%dma_start3A_190, %dma_start3A_191] : memref<128x128xf32, #tpu.memory_space<vmem>> -> memref<64x128xf32, #tpu.memory_space<vmem>>
      tpu.enqueue_dma source(%dma_start3A_192 : memref<64x128xf32, #tpu.memory_space<vmem>>) target(%dma_start3A_189 : memref<64x128xf32, #tpu.memory_space<vmem_shared>>) target_semaphore(%run_scoped3A : memref<!tpu.dma_semaphore, #tpu.memory_space<semaphore_mem>>)
      %dma_wait3A_193 = arith.constant 0 : i32
      %dma_wait3A_194 = arith.constant 0 : i32
      %dma_wait3A_195 = tpu.memref_slice %arg8[%dma_wait3A_193, %dma_wait3A_194] : memref<128x128xf32, #tpu.memory_space<vmem>> -> memref<64x128xf32, #tpu.memory_space<vmem>>
      %dma_wait3A_196 = arith.constant 0 : i32
      %dma_wait3A_197 = tpu.memref_slice %arg10[%add3A_27, %dma_wait3A_196] : memref<10240x128xf32, #tpu.memory_space<vmem_shared>> -> memref<64x128xf32, #tpu.memory_space<vmem_shared>>
      %dma_wait3A_198 = arith.constant 0 : i32
      %dma_wait3A_199 = tpu.memref_slice %arg10[%add3A_27, %dma_wait3A_198] : memref<10240x128xf32, #tpu.memory_space<vmem_shared>> -> memref<64x128xf32, #tpu.memory_space<vmem_shared>>
      %dma_wait3A_200 = arith.constant 0 : i32
      %dma_wait3A_201 = arith.constant 0 : i32
      %dma_wait3A_202 = tpu.memref_slice %arg8[%dma_wait3A_200, %dma_wait3A_201] : memref<128x128xf32, #tpu.memory_space<vmem>> -> memref<64x128xf32, #tpu.memory_space<vmem>>
      tpu.wait_dma2 semaphore(%run_scoped3A : memref<!tpu.dma_semaphore, #tpu.memory_space<semaphore_mem>>) src(%dma_wait3A_202 : memref<64x128xf32, #tpu.memory_space<vmem>>) dst(%dma_wait3A_199 : memref<64x128xf32, #tpu.memory_space<vmem_shared>>)
      tpu.yield
    }) : () -> ()
    %mul3A_28 = arith.constant 640 : i32
    %mul3A_29 = arith.muli %arg1, %mul3A_28 : i32
    %add3A_30 = arith.constant 256 : i32
    %add3A_31 = arith.addi %mul3A_29, %add3A_30 : i32
    "tpu.region"() ({
      %run_scoped3A = tpu.sem_alloc : memref<!tpu.dma_semaphore, #tpu.memory_space<semaphore_mem>>
      %dma_start3A_183 = arith.constant 0 : i32
      %dma_start3A_184 = arith.constant 0 : i32
      %dma_start3A_185 = tpu.memref_slice %arg8[%dma_start3A_183, %dma_start3A_184] : memref<128x128xf32, #tpu.memory_space<vmem>> -> memref<64x128xf32, #tpu.memory_space<vmem>>
      %dma_start3A_186 = arith.constant 0 : i32
      %dma_start3A_187 = tpu.memref_slice %arg10[%add3A_31, %dma_start3A_186] : memref<10240x128xf32, #tpu.memory_space<vmem_shared>> -> memref<64x128xf32, #tpu.memory_space<vmem_shared>>
      %dma_start3A_188 = arith.constant 0 : i32
      %dma_start3A_189 = tpu.memref_slice %arg10[%add3A_31, %dma_start3A_188] : memref<10240x128xf32, #tpu.memory_space<vmem_shared>> -> memref<64x128xf32, #tpu.memory_space<vmem_shared>>
      %dma_start3A_190 = arith.constant 0 : i32
      %dma_start3A_191 = arith.constant 0 : i32
      %dma_start3A_192 = tpu.memref_slice %arg8[%dma_start3A_190, %dma_start3A_191] : memref<128x128xf32, #tpu.memory_space<vmem>> -> memref<64x128xf32, #tpu.memory_space<vmem>>
      tpu.enqueue_dma source(%dma_start3A_192 : memref<64x128xf32, #tpu.memory_space<vmem>>) target(%dma_start3A_189 : memref<64x128xf32, #tpu.memory_space<vmem_shared>>) target_semaphore(%run_scoped3A : memref<!tpu.dma_semaphore, #tpu.memory_space<semaphore_mem>>)
      %dma_wait3A_193 = arith.constant 0 : i32
      %dma_wait3A_194 = arith.constant 0 : i32
      %dma_wait3A_195 = tpu.memref_slice %arg8[%dma_wait3A_193, %dma_wait3A_194] : memref<128x128xf32, #tpu.memory_space<vmem>> -> memref<64x128xf32, #tpu.memory_space<vmem>>
      %dma_wait3A_196 = arith.constant 0 : i32
      %dma_wait3A_197 = tpu.memref_slice %arg10[%add3A_31, %dma_wait3A_196] : memref<10240x128xf32, #tpu.memory_space<vmem_shared>> -> memref<64x128xf32, #tpu.memory_space<vmem_shared>>
      %dma_wait3A_198 = arith.constant 0 : i32
      %dma_wait3A_199 = tpu.memref_slice %arg10[%add3A_31, %dma_wait3A_198] : memref<10240x128xf32, #tpu.memory_space<vmem_shared>> -> memref<64x128xf32, #tpu.memory_space<vmem_shared>>
      %dma_wait3A_200 = arith.constant 0 : i32
      %dma_wait3A_201 = arith.constant 0 : i32
      %dma_wait3A_202 = tpu.memref_slice %arg8[%dma_wait3A_200, %dma_wait3A_201] : memref<128x128xf32, #tpu.memory_space<vmem>> -> memref<64x128xf32, #tpu.memory_space<vmem>>
      tpu.wait_dma2 semaphore(%run_scoped3A : memref<!tpu.dma_semaphore, #tpu.memory_space<semaphore_mem>>) src(%dma_wait3A_202 : memref<64x128xf32, #tpu.memory_space<vmem>>) dst(%dma_wait3A_199 : memref<64x128xf32, #tpu.memory_space<vmem_shared>>)
      tpu.yield
    }) : () -> ()
    %mul3A_32 = arith.constant 640 : i32
    %mul3A_33 = arith.muli %arg1, %mul3A_32 : i32
    %add3A_34 = arith.constant 320 : i32
    %add3A_35 = arith.addi %mul3A_33, %add3A_34 : i32
    "tpu.region"() ({
      %run_scoped3A = tpu.sem_alloc : memref<!tpu.dma_semaphore, #tpu.memory_space<semaphore_mem>>
      %dma_start3A_183 = arith.constant 0 : i32
      %dma_start3A_184 = arith.constant 0 : i32
      %dma_start3A_185 = tpu.memref_slice %arg8[%dma_start3A_183, %dma_start3A_184] : memref<128x128xf32, #tpu.memory_space<vmem>> -> memref<64x128xf32, #tpu.memory_space<vmem>>
      %dma_start3A_186 = arith.constant 0 : i32
      %dma_start3A_187 = tpu.memref_slice %arg10[%add3A_35, %dma_start3A_186] : memref<10240x128xf32, #tpu.memory_space<vmem_shared>> -> memref<64x128xf32, #tpu.memory_space<vmem_shared>>
      %dma_start3A_188 = arith.constant 0 : i32
      %dma_start3A_189 = tpu.memref_slice %arg10[%add3A_35, %dma_start3A_188] : memref<10240x128xf32, #tpu.memory_space<vmem_shared>> -> memref<64x128xf32, #tpu.memory_space<vmem_shared>>
      %dma_start3A_190 = arith.constant 0 : i32
      %dma_start3A_191 = arith.constant 0 : i32
      %dma_start3A_192 = tpu.memref_slice %arg8[%dma_start3A_190, %dma_start3A_191] : memref<128x128xf32, #tpu.memory_space<vmem>> -> memref<64x128xf32, #tpu.memory_space<vmem>>
      tpu.enqueue_dma source(%dma_start3A_192 : memref<64x128xf32, #tpu.memory_space<vmem>>) target(%dma_start3A_189 : memref<64x128xf32, #tpu.memory_space<vmem_shared>>) target_semaphore(%run_scoped3A : memref<!tpu.dma_semaphore, #tpu.memory_space<semaphore_mem>>)
      %dma_wait3A_193 = arith.constant 0 : i32
      %dma_wait3A_194 = arith.constant 0 : i32
      %dma_wait3A_195 = tpu.memref_slice %arg8[%dma_wait3A_193, %dma_wait3A_194] : memref<128x128xf32, #tpu.memory_space<vmem>> -> memref<64x128xf32, #tpu.memory_space<vmem>>
      %dma_wait3A_196 = arith.constant 0 : i32
      %dma_wait3A_197 = tpu.memref_slice %arg10[%add3A_35, %dma_wait3A_196] : memref<10240x128xf32, #tpu.memory_space<vmem_shared>> -> memref<64x128xf32, #tpu.memory_space<vmem_shared>>
      %dma_wait3A_198 = arith.constant 0 : i32
      %dma_wait3A_199 = tpu.memref_slice %arg10[%add3A_35, %dma_wait3A_198] : memref<10240x128xf32, #tpu.memory_space<vmem_shared>> -> memref<64x128xf32, #tpu.memory_space<vmem_shared>>
      %dma_wait3A_200 = arith.constant 0 : i32
      %dma_wait3A_201 = arith.constant 0 : i32
      %dma_wait3A_202 = tpu.memref_slice %arg8[%dma_wait3A_200, %dma_wait3A_201] : memref<128x128xf32, #tpu.memory_space<vmem>> -> memref<64x128xf32, #tpu.memory_space<vmem>>
      tpu.wait_dma2 semaphore(%run_scoped3A : memref<!tpu.dma_semaphore, #tpu.memory_space<semaphore_mem>>) src(%dma_wait3A_202 : memref<64x128xf32, #tpu.memory_space<vmem>>) dst(%dma_wait3A_199 : memref<64x128xf32, #tpu.memory_space<vmem_shared>>)
      tpu.yield
    }) : () -> ()
    %mul3A_36 = arith.constant 640 : i32
    %mul3A_37 = arith.muli %arg1, %mul3A_36 : i32
    %add3A_38 = arith.constant 384 : i32
    %add3A_39 = arith.addi %mul3A_37, %add3A_38 : i32
    "tpu.region"() ({
      %run_scoped3A = tpu.sem_alloc : memref<!tpu.dma_semaphore, #tpu.memory_space<semaphore_mem>>
      %dma_start3A_183 = arith.constant 0 : i32
      %dma_start3A_184 = arith.constant 0 : i32
      %dma_start3A_185 = tpu.memref_slice %arg8[%dma_start3A_183, %dma_start3A_184] : memref<128x128xf32, #tpu.memory_space<vmem>> -> memref<64x128xf32, #tpu.memory_space<vmem>>
      %dma_start3A_186 = arith.constant 0 : i32
      %dma_start3A_187 = tpu.memref_slice %arg10[%add3A_39, %dma_start3A_186] : memref<10240x128xf32, #tpu.memory_space<vmem_shared>> -> memref<64x128xf32, #tpu.memory_space<vmem_shared>>
      %dma_start3A_188 = arith.constant 0 : i32
      %dma_start3A_189 = tpu.memref_slice %arg10[%add3A_39, %dma_start3A_188] : memref<10240x128xf32, #tpu.memory_space<vmem_shared>> -> memref<64x128xf32, #tpu.memory_space<vmem_shared>>
      %dma_start3A_190 = arith.constant 0 : i32
      %dma_start3A_191 = arith.constant 0 : i32
      %dma_start3A_192 = tpu.memref_slice %arg8[%dma_start3A_190, %dma_start3A_191] : memref<128x128xf32, #tpu.memory_space<vmem>> -> memref<64x128xf32, #tpu.memory_space<vmem>>
      tpu.enqueue_dma source(%dma_start3A_192 : memref<64x128xf32, #tpu.memory_space<vmem>>) target(%dma_start3A_189 : memref<64x128xf32, #tpu.memory_space<vmem_shared>>) target_semaphore(%run_scoped3A : memref<!tpu.dma_semaphore, #tpu.memory_space<semaphore_mem>>)
      %dma_wait3A_193 = arith.constant 0 : i32
      %dma_wait3A_194 = arith.constant 0 : i32
      %dma_wait3A_195 = tpu.memref_slice %arg8[%dma_wait3A_193, %dma_wait3A_194] : memref<128x128xf32, #tpu.memory_space<vmem>> -> memref<64x128xf32, #tpu.memory_space<vmem>>
      %dma_wait3A_196 = arith.constant 0 : i32
      %dma_wait3A_197 = tpu.memref_slice %arg10[%add3A_39, %dma_wait3A_196] : memref<10240x128xf32, #tpu.memory_space<vmem_shared>> -> memref<64x128xf32, #tpu.memory_space<vmem_shared>>
      %dma_wait3A_198 = arith.constant 0 : i32
      %dma_wait3A_199 = tpu.memref_slice %arg10[%add3A_39, %dma_wait3A_198] : memref<10240x128xf32, #tpu.memory_space<vmem_shared>> -> memref<64x128xf32, #tpu.memory_space<vmem_shared>>
      %dma_wait3A_200 = arith.constant 0 : i32
      %dma_wait3A_201 = arith.constant 0 : i32
      %dma_wait3A_202 = tpu.memref_slice %arg8[%dma_wait3A_200, %dma_wait3A_201] : memref<128x128xf32, #tpu.memory_space<vmem>> -> memref<64x128xf32, #tpu.memory_space<vmem>>
      tpu.wait_dma2 semaphore(%run_scoped3A : memref<!tpu.dma_semaphore, #tpu.memory_space<semaphore_mem>>) src(%dma_wait3A_202 : memref<64x128xf32, #tpu.memory_space<vmem>>) dst(%dma_wait3A_199 : memref<64x128xf32, #tpu.memory_space<vmem_shared>>)
      tpu.yield
    }) : () -> ()
    %mul3A_40 = arith.constant 640 : i32
    %mul3A_41 = arith.muli %arg1, %mul3A_40 : i32
    %add3A_42 = arith.constant 448 : i32
    %add3A_43 = arith.addi %mul3A_41, %add3A_42 : i32
    "tpu.region"() ({
      %run_scoped3A = tpu.sem_alloc : memref<!tpu.dma_semaphore, #tpu.memory_space<semaphore_mem>>
      %dma_start3A_183 = arith.constant 0 : i32
      %dma_start3A_184 = arith.constant 0 : i32
      %dma_start3A_185 = tpu.memref_slice %arg8[%dma_start3A_183, %dma_start3A_184] : memref<128x128xf32, #tpu.memory_space<vmem>> -> memref<64x128xf32, #tpu.memory_space<vmem>>
      %dma_start3A_186 = arith.constant 0 : i32
      %dma_start3A_187 = tpu.memref_slice %arg10[%add3A_43, %dma_start3A_186] : memref<10240x128xf32, #tpu.memory_space<vmem_shared>> -> memref<64x128xf32, #tpu.memory_space<vmem_shared>>
      %dma_start3A_188 = arith.constant 0 : i32
      %dma_start3A_189 = tpu.memref_slice %arg10[%add3A_43, %dma_start3A_188] : memref<10240x128xf32, #tpu.memory_space<vmem_shared>> -> memref<64x128xf32, #tpu.memory_space<vmem_shared>>
      %dma_start3A_190 = arith.constant 0 : i32
      %dma_start3A_191 = arith.constant 0 : i32
      %dma_start3A_192 = tpu.memref_slice %arg8[%dma_start3A_190, %dma_start3A_191] : memref<128x128xf32, #tpu.memory_space<vmem>> -> memref<64x128xf32, #tpu.memory_space<vmem>>
      tpu.enqueue_dma source(%dma_start3A_192 : memref<64x128xf32, #tpu.memory_space<vmem>>) target(%dma_start3A_189 : memref<64x128xf32, #tpu.memory_space<vmem_shared>>) target_semaphore(%run_scoped3A : memref<!tpu.dma_semaphore, #tpu.memory_space<semaphore_mem>>)
      %dma_wait3A_193 = arith.constant 0 : i32
      %dma_wait3A_194 = arith.constant 0 : i32
      %dma_wait3A_195 = tpu.memref_slice %arg8[%dma_wait3A_193, %dma_wait3A_194] : memref<128x128xf32, #tpu.memory_space<vmem>> -> memref<64x128xf32, #tpu.memory_space<vmem>>
      %dma_wait3A_196 = arith.constant 0 : i32
      %dma_wait3A_197 = tpu.memref_slice %arg10[%add3A_43, %dma_wait3A_196] : memref<10240x128xf32, #tpu.memory_space<vmem_shared>> -> memref<64x128xf32, #tpu.memory_space<vmem_shared>>
      %dma_wait3A_198 = arith.constant 0 : i32
      %dma_wait3A_199 = tpu.memref_slice %arg10[%add3A_43, %dma_wait3A_198] : memref<10240x128xf32, #tpu.memory_space<vmem_shared>> -> memref<64x128xf32, #tpu.memory_space<vmem_shared>>
      %dma_wait3A_200 = arith.constant 0 : i32
      %dma_wait3A_201 = arith.constant 0 : i32
      %dma_wait3A_202 = tpu.memref_slice %arg8[%dma_wait3A_200, %dma_wait3A_201] : memref<128x128xf32, #tpu.memory_space<vmem>> -> memref<64x128xf32, #tpu.memory_space<vmem>>
      tpu.wait_dma2 semaphore(%run_scoped3A : memref<!tpu.dma_semaphore, #tpu.memory_space<semaphore_mem>>) src(%dma_wait3A_202 : memref<64x128xf32, #tpu.memory_space<vmem>>) dst(%dma_wait3A_199 : memref<64x128xf32, #tpu.memory_space<vmem_shared>>)
      tpu.yield
    }) : () -> ()
    %mul3A_44 = arith.constant 640 : i32
    %mul3A_45 = arith.muli %arg1, %mul3A_44 : i32
    %add3A_46 = arith.constant 512 : i32
    %add3A_47 = arith.addi %mul3A_45, %add3A_46 : i32
    "tpu.region"() ({
      %run_scoped3A = tpu.sem_alloc : memref<!tpu.dma_semaphore, #tpu.memory_space<semaphore_mem>>
      %dma_start3A_183 = arith.constant 0 : i32
      %dma_start3A_184 = arith.constant 0 : i32
      %dma_start3A_185 = tpu.memref_slice %arg8[%dma_start3A_183, %dma_start3A_184] : memref<128x128xf32, #tpu.memory_space<vmem>> -> memref<64x128xf32, #tpu.memory_space<vmem>>
      %dma_start3A_186 = arith.constant 0 : i32
      %dma_start3A_187 = tpu.memref_slice %arg10[%add3A_47, %dma_start3A_186] : memref<10240x128xf32, #tpu.memory_space<vmem_shared>> -> memref<64x128xf32, #tpu.memory_space<vmem_shared>>
      %dma_start3A_188 = arith.constant 0 : i32
      %dma_start3A_189 = tpu.memref_slice %arg10[%add3A_47, %dma_start3A_188] : memref<10240x128xf32, #tpu.memory_space<vmem_shared>> -> memref<64x128xf32, #tpu.memory_space<vmem_shared>>
      %dma_start3A_190 = arith.constant 0 : i32
      %dma_start3A_191 = arith.constant 0 : i32
      %dma_start3A_192 = tpu.memref_slice %arg8[%dma_start3A_190, %dma_start3A_191] : memref<128x128xf32, #tpu.memory_space<vmem>> -> memref<64x128xf32, #tpu.memory_space<vmem>>
      tpu.enqueue_dma source(%dma_start3A_192 : memref<64x128xf32, #tpu.memory_space<vmem>>) target(%dma_start3A_189 : memref<64x128xf32, #tpu.memory_space<vmem_shared>>) target_semaphore(%run_scoped3A : memref<!tpu.dma_semaphore, #tpu.memory_space<semaphore_mem>>)
      %dma_wait3A_193 = arith.constant 0 : i32
      %dma_wait3A_194 = arith.constant 0 : i32
      %dma_wait3A_195 = tpu.memref_slice %arg8[%dma_wait3A_193, %dma_wait3A_194] : memref<128x128xf32, #tpu.memory_space<vmem>> -> memref<64x128xf32, #tpu.memory_space<vmem>>
      %dma_wait3A_196 = arith.constant 0 : i32
      %dma_wait3A_197 = tpu.memref_slice %arg10[%add3A_47, %dma_wait3A_196] : memref<10240x128xf32, #tpu.memory_space<vmem_shared>> -> memref<64x128xf32, #tpu.memory_space<vmem_shared>>
      %dma_wait3A_198 = arith.constant 0 : i32
      %dma_wait3A_199 = tpu.memref_slice %arg10[%add3A_47, %dma_wait3A_198] : memref<10240x128xf32, #tpu.memory_space<vmem_shared>> -> memref<64x128xf32, #tpu.memory_space<vmem_shared>>
      %dma_wait3A_200 = arith.constant 0 : i32
      %dma_wait3A_201 = arith.constant 0 : i32
      %dma_wait3A_202 = tpu.memref_slice %arg8[%dma_wait3A_200, %dma_wait3A_201] : memref<128x128xf32, #tpu.memory_space<vmem>> -> memref<64x128xf32, #tpu.memory_space<vmem>>
      tpu.wait_dma2 semaphore(%run_scoped3A : memref<!tpu.dma_semaphore, #tpu.memory_space<semaphore_mem>>) src(%dma_wait3A_202 : memref<64x128xf32, #tpu.memory_space<vmem>>) dst(%dma_wait3A_199 : memref<64x128xf32, #tpu.memory_space<vmem_shared>>)
      tpu.yield
    }) : () -> ()
    %mul3A_48 = arith.constant 640 : i32
    %mul3A_49 = arith.muli %arg1, %mul3A_48 : i32
    %add3A_50 = arith.constant 576 : i32
    %add3A_51 = arith.addi %mul3A_49, %add3A_50 : i32
    "tpu.region"() ({
      %run_scoped3A = tpu.sem_alloc : memref<!tpu.dma_semaphore, #tpu.memory_space<semaphore_mem>>
      %dma_start3A_183 = arith.constant 0 : i32
      %dma_start3A_184 = arith.constant 0 : i32
      %dma_start3A_185 = tpu.memref_slice %arg8[%dma_start3A_183, %dma_start3A_184] : memref<128x128xf32, #tpu.memory_space<vmem>> -> memref<64x128xf32, #tpu.memory_space<vmem>>
      %dma_start3A_186 = arith.constant 0 : i32
      %dma_start3A_187 = tpu.memref_slice %arg10[%add3A_51, %dma_start3A_186] : memref<10240x128xf32, #tpu.memory_space<vmem_shared>> -> memref<64x128xf32, #tpu.memory_space<vmem_shared>>
      %dma_start3A_188 = arith.constant 0 : i32
      %dma_start3A_189 = tpu.memref_slice %arg10[%add3A_51, %dma_start3A_188] : memref<10240x128xf32, #tpu.memory_space<vmem_shared>> -> memref<64x128xf32, #tpu.memory_space<vmem_shared>>
      %dma_start3A_190 = arith.constant 0 : i32
      %dma_start3A_191 = arith.constant 0 : i32
      %dma_start3A_192 = tpu.memref_slice %arg8[%dma_start3A_190, %dma_start3A_191] : memref<128x128xf32, #tpu.memory_space<vmem>> -> memref<64x128xf32, #tpu.memory_space<vmem>>
      tpu.enqueue_dma source(%dma_start3A_192 : memref<64x128xf32, #tpu.memory_space<vmem>>) target(%dma_start3A_189 : memref<64x128xf32, #tpu.memory_space<vmem_shared>>) target_semaphore(%run_scoped3A : memref<!tpu.dma_semaphore, #tpu.memory_space<semaphore_mem>>)
      %dma_wait3A_193 = arith.constant 0 : i32
      %dma_wait3A_194 = arith.constant 0 : i32
      %dma_wait3A_195 = tpu.memref_slice %arg8[%dma_wait3A_193, %dma_wait3A_194] : memref<128x128xf32, #tpu.memory_space<vmem>> -> memref<64x128xf32, #tpu.memory_space<vmem>>
      %dma_wait3A_196 = arith.constant 0 : i32
      %dma_wait3A_197 = tpu.memref_slice %arg10[%add3A_51, %dma_wait3A_196] : memref<10240x128xf32, #tpu.memory_space<vmem_shared>> -> memref<64x128xf32, #tpu.memory_space<vmem_shared>>
      %dma_wait3A_198 = arith.constant 0 : i32
      %dma_wait3A_199 = tpu.memref_slice %arg10[%add3A_51, %dma_wait3A_198] : memref<10240x128xf32, #tpu.memory_space<vmem_shared>> -> memref<64x128xf32, #tpu.memory_space<vmem_shared>>
      %dma_wait3A_200 = arith.constant 0 : i32
      %dma_wait3A_201 = arith.constant 0 : i32
      %dma_wait3A_202 = tpu.memref_slice %arg8[%dma_wait3A_200, %dma_wait3A_201] : memref<128x128xf32, #tpu.memory_space<vmem>> -> memref<64x128xf32, #tpu.memory_space<vmem>>
      tpu.wait_dma2 semaphore(%run_scoped3A : memref<!tpu.dma_semaphore, #tpu.memory_space<semaphore_mem>>) src(%dma_wait3A_202 : memref<64x128xf32, #tpu.memory_space<vmem>>) dst(%dma_wait3A_199 : memref<64x128xf32, #tpu.memory_space<vmem_shared>>)
      tpu.yield
    }) : () -> ()
    %barrier3A = arith.constant 0 : index
    tpu.barrier barrier_id(%barrier3A)
    %mul3A_52 = arith.constant 0 : i32
    %mul3A_53 = arith.constant 128 : i32
    %mul3A_54 = arith.muli %mul3A_52, %mul3A_53 : i32
    %dma_start3A = tpu.memref_slice %arg6[%mul3A_54] : memref<10496xi32, #tpu.memory_space<vmem>> -> memref<128xi32, #tpu.memory_space<vmem>>
    %dma_start3A_55 = arith.constant 0 : i32
    %dma_start3A_56 = arith.constant 0 : i32
    %dma_start3A_57 = tpu.memref_slice %arg2[%dma_start3A_55, %dma_start3A_56] : memref<10000x128xf32, #tpu.memory_space<hbm>> -> memref<10000x128xf32, #tpu.memory_space<hbm>>
    tpu.enqueue_indirect_dma source(%dma_start3A_57 : memref<10000x128xf32, #tpu.memory_space<hbm>>) target(%arg8 : memref<128x128xf32, #tpu.memory_space<vmem>>) offsets(%dma_start3A : memref<128xi32, #tpu.memory_space<vmem>>) semaphore(%arg11 : memref<!tpu.dma_semaphore, #tpu.memory_space<semaphore_mem>>)
    %mul3A_58 = arith.constant 1 : i32
    %mul3A_59 = arith.constant 128 : i32
    %mul3A_60 = arith.muli %mul3A_58, %mul3A_59 : i32
    %dma_start3A_61 = tpu.memref_slice %arg6[%mul3A_60] : memref<10496xi32, #tpu.memory_space<vmem>> -> memref<128xi32, #tpu.memory_space<vmem>>
    %dma_start3A_62 = arith.constant 0 : i32
    %dma_start3A_63 = arith.constant 0 : i32
    %dma_start3A_64 = tpu.memref_slice %arg2[%dma_start3A_62, %dma_start3A_63] : memref<10000x128xf32, #tpu.memory_space<hbm>> -> memref<10000x128xf32, #tpu.memory_space<hbm>>
    tpu.enqueue_indirect_dma source(%dma_start3A_64 : memref<10000x128xf32, #tpu.memory_space<hbm>>) target(%arg9 : memref<128x128xf32, #tpu.memory_space<vmem>>) offsets(%dma_start3A_61 : memref<128xi32, #tpu.memory_space<vmem>>) semaphore(%arg12 : memref<!tpu.dma_semaphore, #tpu.memory_space<semaphore_mem>>)
    %mul3A_65 = arith.constant 0 : i32
    %mul3A_66 = arith.constant 128 : i32
    %mul3A_67 = arith.muli %mul3A_65, %mul3A_66 : i32
    %dma_start3A_68 = arith.constant 0 : i32
    %dma_start3A_69 = arith.constant 0 : i32
    %dma_start3A_70 = tpu.memref_slice %arg7[%dma_start3A_68, %dma_start3A_69] : memref<2x128xi32, #tpu.memory_space<vmem>> -> memref<1x128xi32, #tpu.memory_space<vmem>>
    %dma_start3A_71 = tpu.memref_squeeze %dma_start3A_70 : memref<1x128xi32, #tpu.memory_space<vmem>> -> memref<128xi32, #tpu.memory_space<vmem>>
    %dma_start3A_72 = tpu.memref_slice %arg4[%add3A, %mul3A_67] : memref<32x10496xi32, #tpu.memory_space<hbm>> -> memref<1x128xi32, #tpu.memory_space<hbm>>
    %dma_start3A_73 = tpu.memref_squeeze %dma_start3A_72 : memref<1x128xi32, #tpu.memory_space<hbm>> -> memref<128xi32, #tpu.memory_space<hbm>>
    %dma_start3A_74 = arith.constant 0 : i32
    %dma_start3A_75 = tpu.memref_slice %arg7[%dma_start3A_68, %dma_start3A_74] : memref<2x128xi32, #tpu.memory_space<vmem>> -> memref<1x128xi32, #tpu.memory_space<vmem>>
    %dma_start3A_76 = tpu.memref_squeeze %dma_start3A_75 : memref<1x128xi32, #tpu.memory_space<vmem>> -> memref<128xi32, #tpu.memory_space<vmem>>
    %dma_start3A_77 = tpu.memref_slice %arg4[%add3A, %mul3A_67] : memref<32x10496xi32, #tpu.memory_space<hbm>> -> memref<1x128xi32, #tpu.memory_space<hbm>>
    %dma_start3A_78 = tpu.memref_squeeze %dma_start3A_77 : memref<1x128xi32, #tpu.memory_space<hbm>> -> memref<128xi32, #tpu.memory_space<hbm>>
    tpu.enqueue_dma source(%dma_start3A_78 : memref<128xi32, #tpu.memory_space<hbm>>) target(%dma_start3A_76 : memref<128xi32, #tpu.memory_space<vmem>>) target_semaphore(%arg13 : memref<!tpu.dma_semaphore, #tpu.memory_space<semaphore_mem>>)
    %mul3A_79 = arith.constant 1 : i32
    %mul3A_80 = arith.constant 128 : i32
    %mul3A_81 = arith.muli %mul3A_79, %mul3A_80 : i32
    %dma_start3A_82 = arith.constant 1 : i32
    %dma_start3A_83 = arith.constant 0 : i32
    %dma_start3A_84 = tpu.memref_slice %arg7[%dma_start3A_82, %dma_start3A_83] : memref<2x128xi32, #tpu.memory_space<vmem>> -> memref<1x128xi32, #tpu.memory_space<vmem>>
    %dma_start3A_85 = tpu.memref_squeeze %dma_start3A_84 : memref<1x128xi32, #tpu.memory_space<vmem>> -> memref<128xi32, #tpu.memory_space<vmem>>
    %dma_start3A_86 = tpu.memref_slice %arg4[%add3A, %mul3A_81] : memref<32x10496xi32, #tpu.memory_space<hbm>> -> memref<1x128xi32, #tpu.memory_space<hbm>>
    %dma_start3A_87 = tpu.memref_squeeze %dma_start3A_86 : memref<1x128xi32, #tpu.memory_space<hbm>> -> memref<128xi32, #tpu.memory_space<hbm>>
    %dma_start3A_88 = arith.constant 0 : i32
    %dma_start3A_89 = tpu.memref_slice %arg7[%dma_start3A_82, %dma_start3A_88] : memref<2x128xi32, #tpu.memory_space<vmem>> -> memref<1x128xi32, #tpu.memory_space<vmem>>
    %dma_start3A_90 = tpu.memref_squeeze %dma_start3A_89 : memref<1x128xi32, #tpu.memory_space<vmem>> -> memref<128xi32, #tpu.memory_space<vmem>>
    %dma_start3A_91 = tpu.memref_slice %arg4[%add3A, %mul3A_81] : memref<32x10496xi32, #tpu.memory_space<hbm>> -> memref<1x128xi32, #tpu.memory_space<hbm>>
    %dma_start3A_92 = tpu.memref_squeeze %dma_start3A_91 : memref<1x128xi32, #tpu.memory_space<hbm>> -> memref<128xi32, #tpu.memory_space<hbm>>
    tpu.enqueue_dma source(%dma_start3A_92 : memref<128xi32, #tpu.memory_space<hbm>>) target(%dma_start3A_90 : memref<128xi32, #tpu.memory_space<vmem>>) target_semaphore(%arg14 : memref<!tpu.dma_semaphore, #tpu.memory_space<semaphore_mem>>)
    %while3A_93 = arith.constant 0 : i32
    %while3A_94 = arith.constant 0 : i32
    %while3A_95 = arith.constant 1 : i32
    %while3A_96 = arith.constant 0 : i32
    %while3A_97 = arith.constant 40 : i32
    %while3A_98 = arith.subi %while3A_97, %while3A_96 : i32
    %while3A_99 = arith.addi %while3A_96, %while3A_98 : i32
    %while3A_100 = arith.constant 1 : i32
    %while3A_101 = arith.divsi %while3A_98, %while3A_100 : i32
    %while3A_102 = arith.muli %while3A_101, %while3A_100 : i32
    %while3A_103 = arith.addi %while3A_96, %while3A_102 : i32
    %while3A_104 = arith.constant 1 : i32
    scf.for %while3A_183 = %while3A_96 to %while3A_103 step %while3A_104  : i32 {
      %mul3A_184 = arith.constant 2 : i32
      %mul3A_185 = arith.muli %mul3A_184, %while3A_183 : i32
      %mul3A_186 = arith.constant 128 : i32
      %mul3A_187 = arith.muli %mul3A_185, %mul3A_186 : i32
      %dma_wait3A_188 = tpu.memref_slice %arg6[%mul3A_187] : memref<10496xi32, #tpu.memory_space<vmem>> -> memref<128xi32, #tpu.memory_space<vmem>>
      %dma_wait3A_189 = arith.constant 0 : i32
      %dma_wait3A_190 = arith.constant 0 : i32
      %dma_wait3A_191 = tpu.memref_slice %arg2[%dma_wait3A_189, %dma_wait3A_190] : memref<10000x128xf32, #tpu.memory_space<hbm>> -> memref<10000x128xf32, #tpu.memory_space<hbm>>
      tpu.wait_indirect_dma semaphore(%arg11 : memref<!tpu.dma_semaphore, #tpu.memory_space<semaphore_mem>>) src(%dma_wait3A_191 : memref<10000x128xf32, #tpu.memory_space<hbm>>) dst(%arg8 : memref<128x128xf32, #tpu.memory_space<vmem>>)
      %mul3A_192 = arith.constant 128 : i32
      %mul3A_193 = arith.muli %mul3A_185, %mul3A_192 : i32
      %dma_wait3A_194 = arith.constant 0 : i32
      %dma_wait3A_195 = tpu.memref_slice %arg7[%while3A_94, %dma_wait3A_194] : memref<2x128xi32, #tpu.memory_space<vmem>> -> memref<1x128xi32, #tpu.memory_space<vmem>>
      %dma_wait3A_196 = tpu.memref_squeeze %dma_wait3A_195 : memref<1x128xi32, #tpu.memory_space<vmem>> -> memref<128xi32, #tpu.memory_space<vmem>>
      %dma_wait3A_197 = tpu.memref_slice %arg4[%add3A, %mul3A_193] : memref<32x10496xi32, #tpu.memory_space<hbm>> -> memref<1x128xi32, #tpu.memory_space<hbm>>
      %dma_wait3A_198 = tpu.memref_squeeze %dma_wait3A_197 : memref<1x128xi32, #tpu.memory_space<hbm>> -> memref<128xi32, #tpu.memory_space<hbm>>
      %dma_wait3A_199 = arith.constant 0 : i32
      %dma_wait3A_200 = tpu.memref_slice %arg7[%while3A_94, %dma_wait3A_199] : memref<2x128xi32, #tpu.memory_space<vmem>> -> memref<1x128xi32, #tpu.memory_space<vmem>>
      %dma_wait3A_201 = tpu.memref_squeeze %dma_wait3A_200 : memref<1x128xi32, #tpu.memory_space<vmem>> -> memref<128xi32, #tpu.memory_space<vmem>>
      %dma_wait3A_202 = tpu.memref_slice %arg4[%add3A, %mul3A_193] : memref<32x10496xi32, #tpu.memory_space<hbm>> -> memref<1x128xi32, #tpu.memory_space<hbm>>
      %dma_wait3A_203 = tpu.memref_squeeze %dma_wait3A_202 : memref<1x128xi32, #tpu.memory_space<hbm>> -> memref<128xi32, #tpu.memory_space<hbm>>
      tpu.wait_dma2 semaphore(%arg13 : memref<!tpu.dma_semaphore, #tpu.memory_space<semaphore_mem>>) src(%dma_wait3A_203 : memref<128xi32, #tpu.memory_space<hbm>>) dst(%dma_wait3A_201 : memref<128xi32, #tpu.memory_space<vmem>>)
      "tpu.region"() ({
        %run_scoped3A = tpu.sem_alloc : memref<!tpu.dma_semaphore, #tpu.memory_space<semaphore_mem>>
        %dma_start3A_268 = arith.constant 0 : i32
        %dma_start3A_269 = tpu.memref_slice %arg7[%while3A_94, %dma_start3A_268] : memref<2x128xi32, #tpu.memory_space<vmem>> -> memref<1x128xi32, #tpu.memory_space<vmem>>
        %dma_start3A_270 = tpu.memref_squeeze %dma_start3A_269 : memref<1x128xi32, #tpu.memory_space<vmem>> -> memref<128xi32, #tpu.memory_space<vmem>>
        %dma_start3A_271 = arith.constant 0 : i32
        %dma_start3A_272 = arith.constant 0 : i32
        %dma_start3A_273 = tpu.memref_slice %arg10[%dma_start3A_271, %dma_start3A_272] : memref<10240x128xf32, #tpu.memory_space<vmem_shared>> -> memref<10240x128xf32, #tpu.memory_space<vmem_shared>>
        tpu.enqueue_indirect_dma source(%arg8 : memref<128x128xf32, #tpu.memory_space<vmem>>) target(%dma_start3A_273 : memref<10240x128xf32, #tpu.memory_space<vmem_shared>>) offsets(%dma_start3A_270 : memref<128xi32, #tpu.memory_space<vmem>>) semaphore(%run_scoped3A : memref<!tpu.dma_semaphore, #tpu.memory_space<semaphore_mem>>) {add = true}
        %dma_wait3A_274 = arith.constant 0 : i32
        %dma_wait3A_275 = tpu.memref_slice %arg7[%while3A_94, %dma_wait3A_274] : memref<2x128xi32, #tpu.memory_space<vmem>> -> memref<1x128xi32, #tpu.memory_space<vmem>>
        %dma_wait3A_276 = tpu.memref_squeeze %dma_wait3A_275 : memref<1x128xi32, #tpu.memory_space<vmem>> -> memref<128xi32, #tpu.memory_space<vmem>>
        %dma_wait3A_277 = arith.constant 0 : i32
        %dma_wait3A_278 = arith.constant 0 : i32
        %dma_wait3A_279 = tpu.memref_slice %arg10[%dma_wait3A_277, %dma_wait3A_278] : memref<10240x128xf32, #tpu.memory_space<vmem_shared>> -> memref<10240x128xf32, #tpu.memory_space<vmem_shared>>
        tpu.wait_indirect_dma semaphore(%run_scoped3A : memref<!tpu.dma_semaphore, #tpu.memory_space<semaphore_mem>>) src(%arg8 : memref<128x128xf32, #tpu.memory_space<vmem>>) dst(%dma_wait3A_279 : memref<10240x128xf32, #tpu.memory_space<vmem_shared>>)
        tpu.yield
      }) : () -> ()
      %add3A_204 = arith.constant 2 : i32
      %add3A_205 = arith.addi %mul3A_185, %add3A_204 : i32
      %mul3A_206 = arith.constant 128 : i32
      %mul3A_207 = arith.muli %add3A_205, %mul3A_206 : i32
      %dma_start3A_208 = arith.constant 0 : i32
      %dma_start3A_209 = tpu.memref_slice %arg7[%while3A_94, %dma_start3A_208] : memref<2x128xi32, #tpu.memory_space<vmem>> -> memref<1x128xi32, #tpu.memory_space<vmem>>
      %dma_start3A_210 = tpu.memref_squeeze %dma_start3A_209 : memref<1x128xi32, #tpu.memory_space<vmem>> -> memref<128xi32, #tpu.memory_space<vmem>>
      %dma_start3A_211 = tpu.memref_slice %arg4[%add3A, %mul3A_207] : memref<32x10496xi32, #tpu.memory_space<hbm>> -> memref<1x128xi32, #tpu.memory_space<hbm>>
      %dma_start3A_212 = tpu.memref_squeeze %dma_start3A_211 : memref<1x128xi32, #tpu.memory_space<hbm>> -> memref<128xi32, #tpu.memory_space<hbm>>
      %dma_start3A_213 = arith.constant 0 : i32
      %dma_start3A_214 = tpu.memref_slice %arg7[%while3A_94, %dma_start3A_213] : memref<2x128xi32, #tpu.memory_space<vmem>> -> memref<1x128xi32, #tpu.memory_space<vmem>>
      %dma_start3A_215 = tpu.memref_squeeze %dma_start3A_214 : memref<1x128xi32, #tpu.memory_space<vmem>> -> memref<128xi32, #tpu.memory_space<vmem>>
      %dma_start3A_216 = tpu.memref_slice %arg4[%add3A, %mul3A_207] : memref<32x10496xi32, #tpu.memory_space<hbm>> -> memref<1x128xi32, #tpu.memory_space<hbm>>
      %dma_start3A_217 = tpu.memref_squeeze %dma_start3A_216 : memref<1x128xi32, #tpu.memory_space<hbm>> -> memref<128xi32, #tpu.memory_space<hbm>>
      tpu.enqueue_dma source(%dma_start3A_217 : memref<128xi32, #tpu.memory_space<hbm>>) target(%dma_start3A_215 : memref<128xi32, #tpu.memory_space<vmem>>) target_semaphore(%arg13 : memref<!tpu.dma_semaphore, #tpu.memory_space<semaphore_mem>>)
      %add3A_218 = arith.constant 2 : i32
      %add3A_219 = arith.addi %mul3A_185, %add3A_218 : i32
      %mul3A_220 = arith.constant 128 : i32
      %mul3A_221 = arith.muli %add3A_219, %mul3A_220 : i32
      %dma_start3A_222 = tpu.memref_slice %arg6[%mul3A_221] : memref<10496xi32, #tpu.memory_space<vmem>> -> memref<128xi32, #tpu.memory_space<vmem>>
      %dma_start3A_223 = arith.constant 0 : i32
      %dma_start3A_224 = arith.constant 0 : i32
      %dma_start3A_225 = tpu.memref_slice %arg2[%dma_start3A_223, %dma_start3A_224] : memref<10000x128xf32, #tpu.memory_space<hbm>> -> memref<10000x128xf32, #tpu.memory_space<hbm>>
      tpu.enqueue_indirect_dma source(%dma_start3A_225 : memref<10000x128xf32, #tpu.memory_space<hbm>>) target(%arg8 : memref<128x128xf32, #tpu.memory_space<vmem>>) offsets(%dma_start3A_222 : memref<128xi32, #tpu.memory_space<vmem>>) semaphore(%arg11 : memref<!tpu.dma_semaphore, #tpu.memory_space<semaphore_mem>>)
      %add3A_226 = arith.constant 1 : i32
      %add3A_227 = arith.addi %mul3A_185, %add3A_226 : i32
      %mul3A_228 = arith.constant 128 : i32
      %mul3A_229 = arith.muli %add3A_227, %mul3A_228 : i32
      %dma_wait3A_230 = tpu.memref_slice %arg6[%mul3A_229] : memref<10496xi32, #tpu.memory_space<vmem>> -> memref<128xi32, #tpu.memory_space<vmem>>
      %dma_wait3A_231 = arith.constant 0 : i32
      %dma_wait3A_232 = arith.constant 0 : i32
      %dma_wait3A_233 = tpu.memref_slice %arg2[%dma_wait3A_231, %dma_wait3A_232] : memref<10000x128xf32, #tpu.memory_space<hbm>> -> memref<10000x128xf32, #tpu.memory_space<hbm>>
      tpu.wait_indirect_dma semaphore(%arg12 : memref<!tpu.dma_semaphore, #tpu.memory_space<semaphore_mem>>) src(%dma_wait3A_233 : memref<10000x128xf32, #tpu.memory_space<hbm>>) dst(%arg9 : memref<128x128xf32, #tpu.memory_space<vmem>>)
      %mul3A_234 = arith.constant 128 : i32
      %mul3A_235 = arith.muli %add3A_227, %mul3A_234 : i32
      %dma_wait3A_236 = arith.constant 0 : i32
      %dma_wait3A_237 = tpu.memref_slice %arg7[%while3A_95, %dma_wait3A_236] : memref<2x128xi32, #tpu.memory_space<vmem>> -> memref<1x128xi32, #tpu.memory_space<vmem>>
      %dma_wait3A_238 = tpu.memref_squeeze %dma_wait3A_237 : memref<1x128xi32, #tpu.memory_space<vmem>> -> memref<128xi32, #tpu.memory_space<vmem>>
      %dma_wait3A_239 = tpu.memref_slice %arg4[%add3A, %mul3A_235] : memref<32x10496xi32, #tpu.memory_space<hbm>> -> memref<1x128xi32, #tpu.memory_space<hbm>>
      %dma_wait3A_240 = tpu.memref_squeeze %dma_wait3A_239 : memref<1x128xi32, #tpu.memory_space<hbm>> -> memref<128xi32, #tpu.memory_space<hbm>>
      %dma_wait3A_241 = arith.constant 0 : i32
      %dma_wait3A_242 = tpu.memref_slice %arg7[%while3A_95, %dma_wait3A_241] : memref<2x128xi32, #tpu.memory_space<vmem>> -> memref<1x128xi32, #tpu.memory_space<vmem>>
      %dma_wait3A_243 = tpu.memref_squeeze %dma_wait3A_242 : memref<1x128xi32, #tpu.memory_space<vmem>> -> memref<128xi32, #tpu.memory_space<vmem>>
      %dma_wait3A_244 = tpu.memref_slice %arg4[%add3A, %mul3A_235] : memref<32x10496xi32, #tpu.memory_space<hbm>> -> memref<1x128xi32, #tpu.memory_space<hbm>>
      %dma_wait3A_245 = tpu.memref_squeeze %dma_wait3A_244 : memref<1x128xi32, #tpu.memory_space<hbm>> -> memref<128xi32, #tpu.memory_space<hbm>>
      tpu.wait_dma2 semaphore(%arg14 : memref<!tpu.dma_semaphore, #tpu.memory_space<semaphore_mem>>) src(%dma_wait3A_245 : memref<128xi32, #tpu.memory_space<hbm>>) dst(%dma_wait3A_243 : memref<128xi32, #tpu.memory_space<vmem>>)
      "tpu.region"() ({
        %run_scoped3A = tpu.sem_alloc : memref<!tpu.dma_semaphore, #tpu.memory_space<semaphore_mem>>
        %dma_start3A_268 = arith.constant 0 : i32
        %dma_start3A_269 = tpu.memref_slice %arg7[%while3A_95, %dma_start3A_268] : memref<2x128xi32, #tpu.memory_space<vmem>> -> memref<1x128xi32, #tpu.memory_space<vmem>>
        %dma_start3A_270 = tpu.memref_squeeze %dma_start3A_269 : memref<1x128xi32, #tpu.memory_space<vmem>> -> memref<128xi32, #tpu.memory_space<vmem>>
        %dma_start3A_271 = arith.constant 0 : i32
        %dma_start3A_272 = arith.constant 0 : i32
        %dma_start3A_273 = tpu.memref_slice %arg10[%dma_start3A_271, %dma_start3A_272] : memref<10240x128xf32, #tpu.memory_space<vmem_shared>> -> memref<10240x128xf32, #tpu.memory_space<vmem_shared>>
        tpu.enqueue_indirect_dma source(%arg9 : memref<128x128xf32, #tpu.memory_space<vmem>>) target(%dma_start3A_273 : memref<10240x128xf32, #tpu.memory_space<vmem_shared>>) offsets(%dma_start3A_270 : memref<128xi32, #tpu.memory_space<vmem>>) semaphore(%run_scoped3A : memref<!tpu.dma_semaphore, #tpu.memory_space<semaphore_mem>>) {add = true}
        %dma_wait3A_274 = arith.constant 0 : i32
        %dma_wait3A_275 = tpu.memref_slice %arg7[%while3A_95, %dma_wait3A_274] : memref<2x128xi32, #tpu.memory_space<vmem>> -> memref<1x128xi32, #tpu.memory_space<vmem>>
        %dma_wait3A_276 = tpu.memref_squeeze %dma_wait3A_275 : memref<1x128xi32, #tpu.memory_space<vmem>> -> memref<128xi32, #tpu.memory_space<vmem>>
        %dma_wait3A_277 = arith.constant 0 : i32
        %dma_wait3A_278 = arith.constant 0 : i32
        %dma_wait3A_279 = tpu.memref_slice %arg10[%dma_wait3A_277, %dma_wait3A_278] : memref<10240x128xf32, #tpu.memory_space<vmem_shared>> -> memref<10240x128xf32, #tpu.memory_space<vmem_shared>>
        tpu.wait_indirect_dma semaphore(%run_scoped3A : memref<!tpu.dma_semaphore, #tpu.memory_space<semaphore_mem>>) src(%arg9 : memref<128x128xf32, #tpu.memory_space<vmem>>) dst(%dma_wait3A_279 : memref<10240x128xf32, #tpu.memory_space<vmem_shared>>)
        tpu.yield
      }) : () -> ()
      %add3A_246 = arith.constant 2 : i32
      %add3A_247 = arith.addi %add3A_227, %add3A_246 : i32
      %mul3A_248 = arith.constant 128 : i32
      %mul3A_249 = arith.muli %add3A_247, %mul3A_248 : i32
      %dma_start3A_250 = arith.constant 0 : i32
      %dma_start3A_251 = tpu.memref_slice %arg7[%while3A_95, %dma_start3A_250] : memref<2x128xi32, #tpu.memory_space<vmem>> -> memref<1x128xi32, #tpu.memory_space<vmem>>
      %dma_start3A_252 = tpu.memref_squeeze %dma_start3A_251 : memref<1x128xi32, #tpu.memory_space<vmem>> -> memref<128xi32, #tpu.memory_space<vmem>>
      %dma_start3A_253 = tpu.memref_slice %arg4[%add3A, %mul3A_249] : memref<32x10496xi32, #tpu.memory_space<hbm>> -> memref<1x128xi32, #tpu.memory_space<hbm>>
      %dma_start3A_254 = tpu.memref_squeeze %dma_start3A_253 : memref<1x128xi32, #tpu.memory_space<hbm>> -> memref<128xi32, #tpu.memory_space<hbm>>
      %dma_start3A_255 = arith.constant 0 : i32
      %dma_start3A_256 = tpu.memref_slice %arg7[%while3A_95, %dma_start3A_255] : memref<2x128xi32, #tpu.memory_space<vmem>> -> memref<1x128xi32, #tpu.memory_space<vmem>>
      %dma_start3A_257 = tpu.memref_squeeze %dma_start3A_256 : memref<1x128xi32, #tpu.memory_space<vmem>> -> memref<128xi32, #tpu.memory_space<vmem>>
      %dma_start3A_258 = tpu.memref_slice %arg4[%add3A, %mul3A_249] : memref<32x10496xi32, #tpu.memory_space<hbm>> -> memref<1x128xi32, #tpu.memory_space<hbm>>
      %dma_start3A_259 = tpu.memref_squeeze %dma_start3A_258 : memref<1x128xi32, #tpu.memory_space<hbm>> -> memref<128xi32, #tpu.memory_space<hbm>>
      tpu.enqueue_dma source(%dma_start3A_259 : memref<128xi32, #tpu.memory_space<hbm>>) target(%dma_start3A_257 : memref<128xi32, #tpu.memory_space<vmem>>) target_semaphore(%arg14 : memref<!tpu.dma_semaphore, #tpu.memory_space<semaphore_mem>>)
      %add3A_260 = arith.constant 2 : i32
      %add3A_261 = arith.addi %add3A_227, %add3A_260 : i32
      %mul3A_262 = arith.constant 128 : i32
      %mul3A_263 = arith.muli %add3A_261, %mul3A_262 : i32
      %dma_start3A_264 = tpu.memref_slice %arg6[%mul3A_263] : memref<10496xi32, #tpu.memory_space<vmem>> -> memref<128xi32, #tpu.memory_space<vmem>>
      %dma_start3A_265 = arith.constant 0 : i32
      %dma_start3A_266 = arith.constant 0 : i32
      %dma_start3A_267 = tpu.memref_slice %arg2[%dma_start3A_265, %dma_start3A_266] : memref<10000x128xf32, #tpu.memory_space<hbm>> -> memref<10000x128xf32, #tpu.memory_space<hbm>>
      tpu.enqueue_indirect_dma source(%dma_start3A_267 : memref<10000x128xf32, #tpu.memory_space<hbm>>) target(%arg9 : memref<128x128xf32, #tpu.memory_space<vmem>>) offsets(%dma_start3A_264 : memref<128xi32, #tpu.memory_space<vmem>>) semaphore(%arg12 : memref<!tpu.dma_semaphore, #tpu.memory_space<semaphore_mem>>)
    }
    %while3A_105 = arith.constant 1 : i32
    scf.for %while3A_183 = %while3A_103 to %while3A_99 step %while3A_105  : i32 {
      %mul3A_184 = arith.constant 2 : i32
      %mul3A_185 = arith.muli %mul3A_184, %while3A_183 : i32
      %mul3A_186 = arith.constant 128 : i32
      %mul3A_187 = arith.muli %mul3A_185, %mul3A_186 : i32
      %dma_wait3A_188 = tpu.memref_slice %arg6[%mul3A_187] : memref<10496xi32, #tpu.memory_space<vmem>> -> memref<128xi32, #tpu.memory_space<vmem>>
      %dma_wait3A_189 = arith.constant 0 : i32
      %dma_wait3A_190 = arith.constant 0 : i32
      %dma_wait3A_191 = tpu.memref_slice %arg2[%dma_wait3A_189, %dma_wait3A_190] : memref<10000x128xf32, #tpu.memory_space<hbm>> -> memref<10000x128xf32, #tpu.memory_space<hbm>>
      tpu.wait_indirect_dma semaphore(%arg11 : memref<!tpu.dma_semaphore, #tpu.memory_space<semaphore_mem>>) src(%dma_wait3A_191 : memref<10000x128xf32, #tpu.memory_space<hbm>>) dst(%arg8 : memref<128x128xf32, #tpu.memory_space<vmem>>)
      %mul3A_192 = arith.constant 128 : i32
      %mul3A_193 = arith.muli %mul3A_185, %mul3A_192 : i32
      %dma_wait3A_194 = arith.constant 0 : i32
      %dma_wait3A_195 = tpu.memref_slice %arg7[%while3A_94, %dma_wait3A_194] : memref<2x128xi32, #tpu.memory_space<vmem>> -> memref<1x128xi32, #tpu.memory_space<vmem>>
      %dma_wait3A_196 = tpu.memref_squeeze %dma_wait3A_195 : memref<1x128xi32, #tpu.memory_space<vmem>> -> memref<128xi32, #tpu.memory_space<vmem>>
      %dma_wait3A_197 = tpu.memref_slice %arg4[%add3A, %mul3A_193] : memref<32x10496xi32, #tpu.memory_space<hbm>> -> memref<1x128xi32, #tpu.memory_space<hbm>>
      %dma_wait3A_198 = tpu.memref_squeeze %dma_wait3A_197 : memref<1x128xi32, #tpu.memory_space<hbm>> -> memref<128xi32, #tpu.memory_space<hbm>>
      %dma_wait3A_199 = arith.constant 0 : i32
      %dma_wait3A_200 = tpu.memref_slice %arg7[%while3A_94, %dma_wait3A_199] : memref<2x128xi32, #tpu.memory_space<vmem>> -> memref<1x128xi32, #tpu.memory_space<vmem>>
      %dma_wait3A_201 = tpu.memref_squeeze %dma_wait3A_200 : memref<1x128xi32, #tpu.memory_space<vmem>> -> memref<128xi32, #tpu.memory_space<vmem>>
      %dma_wait3A_202 = tpu.memref_slice %arg4[%add3A, %mul3A_193] : memref<32x10496xi32, #tpu.memory_space<hbm>> -> memref<1x128xi32, #tpu.memory_space<hbm>>
      %dma_wait3A_203 = tpu.memref_squeeze %dma_wait3A_202 : memref<1x128xi32, #tpu.memory_space<hbm>> -> memref<128xi32, #tpu.memory_space<hbm>>
      tpu.wait_dma2 semaphore(%arg13 : memref<!tpu.dma_semaphore, #tpu.memory_space<semaphore_mem>>) src(%dma_wait3A_203 : memref<128xi32, #tpu.memory_space<hbm>>) dst(%dma_wait3A_201 : memref<128xi32, #tpu.memory_space<vmem>>)
      "tpu.region"() ({
        %run_scoped3A = tpu.sem_alloc : memref<!tpu.dma_semaphore, #tpu.memory_space<semaphore_mem>>
        %dma_start3A_268 = arith.constant 0 : i32
        %dma_start3A_269 = tpu.memref_slice %arg7[%while3A_94, %dma_start3A_268] : memref<2x128xi32, #tpu.memory_space<vmem>> -> memref<1x128xi32, #tpu.memory_space<vmem>>
        %dma_start3A_270 = tpu.memref_squeeze %dma_start3A_269 : memref<1x128xi32, #tpu.memory_space<vmem>> -> memref<128xi32, #tpu.memory_space<vmem>>
        %dma_start3A_271 = arith.constant 0 : i32
        %dma_start3A_272 = arith.constant 0 : i32
        %dma_start3A_273 = tpu.memref_slice %arg10[%dma_start3A_271, %dma_start3A_272] : memref<10240x128xf32, #tpu.memory_space<vmem_shared>> -> memref<10240x128xf32, #tpu.memory_space<vmem_shared>>
        tpu.enqueue_indirect_dma source(%arg8 : memref<128x128xf32, #tpu.memory_space<vmem>>) target(%dma_start3A_273 : memref<10240x128xf32, #tpu.memory_space<vmem_shared>>) offsets(%dma_start3A_270 : memref<128xi32, #tpu.memory_space<vmem>>) semaphore(%run_scoped3A : memref<!tpu.dma_semaphore, #tpu.memory_space<semaphore_mem>>) {add = true}
        %dma_wait3A_274 = arith.constant 0 : i32
        %dma_wait3A_275 = tpu.memref_slice %arg7[%while3A_94, %dma_wait3A_274] : memref<2x128xi32, #tpu.memory_space<vmem>> -> memref<1x128xi32, #tpu.memory_space<vmem>>
        %dma_wait3A_276 = tpu.memref_squeeze %dma_wait3A_275 : memref<1x128xi32, #tpu.memory_space<vmem>> -> memref<128xi32, #tpu.memory_space<vmem>>
        %dma_wait3A_277 = arith.constant 0 : i32
        %dma_wait3A_278 = arith.constant 0 : i32
        %dma_wait3A_279 = tpu.memref_slice %arg10[%dma_wait3A_277, %dma_wait3A_278] : memref<10240x128xf32, #tpu.memory_space<vmem_shared>> -> memref<10240x128xf32, #tpu.memory_space<vmem_shared>>
        tpu.wait_indirect_dma semaphore(%run_scoped3A : memref<!tpu.dma_semaphore, #tpu.memory_space<semaphore_mem>>) src(%arg8 : memref<128x128xf32, #tpu.memory_space<vmem>>) dst(%dma_wait3A_279 : memref<10240x128xf32, #tpu.memory_space<vmem_shared>>)
        tpu.yield
      }) : () -> ()
      %add3A_204 = arith.constant 2 : i32
      %add3A_205 = arith.addi %mul3A_185, %add3A_204 : i32
      %mul3A_206 = arith.constant 128 : i32
      %mul3A_207 = arith.muli %add3A_205, %mul3A_206 : i32
      %dma_start3A_208 = arith.constant 0 : i32
      %dma_start3A_209 = tpu.memref_slice %arg7[%while3A_94, %dma_start3A_208] : memref<2x128xi32, #tpu.memory_space<vmem>> -> memref<1x128xi32, #tpu.memory_space<vmem>>
      %dma_start3A_210 = tpu.memref_squeeze %dma_start3A_209 : memref<1x128xi32, #tpu.memory_space<vmem>> -> memref<128xi32, #tpu.memory_space<vmem>>
      %dma_start3A_211 = tpu.memref_slice %arg4[%add3A, %mul3A_207] : memref<32x10496xi32, #tpu.memory_space<hbm>> -> memref<1x128xi32, #tpu.memory_space<hbm>>
      %dma_start3A_212 = tpu.memref_squeeze %dma_start3A_211 : memref<1x128xi32, #tpu.memory_space<hbm>> -> memref<128xi32, #tpu.memory_space<hbm>>
      %dma_start3A_213 = arith.constant 0 : i32
      %dma_start3A_214 = tpu.memref_slice %arg7[%while3A_94, %dma_start3A_213] : memref<2x128xi32, #tpu.memory_space<vmem>> -> memref<1x128xi32, #tpu.memory_space<vmem>>
      %dma_start3A_215 = tpu.memref_squeeze %dma_start3A_214 : memref<1x128xi32, #tpu.memory_space<vmem>> -> memref<128xi32, #tpu.memory_space<vmem>>
      %dma_start3A_216 = tpu.memref_slice %arg4[%add3A, %mul3A_207] : memref<32x10496xi32, #tpu.memory_space<hbm>> -> memref<1x128xi32, #tpu.memory_space<hbm>>
      %dma_start3A_217 = tpu.memref_squeeze %dma_start3A_216 : memref<1x128xi32, #tpu.memory_space<hbm>> -> memref<128xi32, #tpu.memory_space<hbm>>
      tpu.enqueue_dma source(%dma_start3A_217 : memref<128xi32, #tpu.memory_space<hbm>>) target(%dma_start3A_215 : memref<128xi32, #tpu.memory_space<vmem>>) target_semaphore(%arg13 : memref<!tpu.dma_semaphore, #tpu.memory_space<semaphore_mem>>)
      %add3A_218 = arith.constant 2 : i32
      %add3A_219 = arith.addi %mul3A_185, %add3A_218 : i32
      %mul3A_220 = arith.constant 128 : i32
      %mul3A_221 = arith.muli %add3A_219, %mul3A_220 : i32
      %dma_start3A_222 = tpu.memref_slice %arg6[%mul3A_221] : memref<10496xi32, #tpu.memory_space<vmem>> -> memref<128xi32, #tpu.memory_space<vmem>>
      %dma_start3A_223 = arith.constant 0 : i32
      %dma_start3A_224 = arith.constant 0 : i32
      %dma_start3A_225 = tpu.memref_slice %arg2[%dma_start3A_223, %dma_start3A_224] : memref<10000x128xf32, #tpu.memory_space<hbm>> -> memref<10000x128xf32, #tpu.memory_space<hbm>>
      tpu.enqueue_indirect_dma source(%dma_start3A_225 : memref<10000x128xf32, #tpu.memory_space<hbm>>) target(%arg8 : memref<128x128xf32, #tpu.memory_space<vmem>>) offsets(%dma_start3A_222 : memref<128xi32, #tpu.memory_space<vmem>>) semaphore(%arg11 : memref<!tpu.dma_semaphore, #tpu.memory_space<semaphore_mem>>)
      %add3A_226 = arith.constant 1 : i32
      %add3A_227 = arith.addi %mul3A_185, %add3A_226 : i32
      %mul3A_228 = arith.constant 128 : i32
      %mul3A_229 = arith.muli %add3A_227, %mul3A_228 : i32
      %dma_wait3A_230 = tpu.memref_slice %arg6[%mul3A_229] : memref<10496xi32, #tpu.memory_space<vmem>> -> memref<128xi32, #tpu.memory_space<vmem>>
      %dma_wait3A_231 = arith.constant 0 : i32
      %dma_wait3A_232 = arith.constant 0 : i32
      %dma_wait3A_233 = tpu.memref_slice %arg2[%dma_wait3A_231, %dma_wait3A_232] : memref<10000x128xf32, #tpu.memory_space<hbm>> -> memref<10000x128xf32, #tpu.memory_space<hbm>>
      tpu.wait_indirect_dma semaphore(%arg12 : memref<!tpu.dma_semaphore, #tpu.memory_space<semaphore_mem>>) src(%dma_wait3A_233 : memref<10000x128xf32, #tpu.memory_space<hbm>>) dst(%arg9 : memref<128x128xf32, #tpu.memory_space<vmem>>)
      %mul3A_234 = arith.constant 128 : i32
      %mul3A_235 = arith.muli %add3A_227, %mul3A_234 : i32
      %dma_wait3A_236 = arith.constant 0 : i32
      %dma_wait3A_237 = tpu.memref_slice %arg7[%while3A_95, %dma_wait3A_236] : memref<2x128xi32, #tpu.memory_space<vmem>> -> memref<1x128xi32, #tpu.memory_space<vmem>>
      %dma_wait3A_238 = tpu.memref_squeeze %dma_wait3A_237 : memref<1x128xi32, #tpu.memory_space<vmem>> -> memref<128xi32, #tpu.memory_space<vmem>>
      %dma_wait3A_239 = tpu.memref_slice %arg4[%add3A, %mul3A_235] : memref<32x10496xi32, #tpu.memory_space<hbm>> -> memref<1x128xi32, #tpu.memory_space<hbm>>
      %dma_wait3A_240 = tpu.memref_squeeze %dma_wait3A_239 : memref<1x128xi32, #tpu.memory_space<hbm>> -> memref<128xi32, #tpu.memory_space<hbm>>
      %dma_wait3A_241 = arith.constant 0 : i32
      %dma_wait3A_242 = tpu.memref_slice %arg7[%while3A_95, %dma_wait3A_241] : memref<2x128xi32, #tpu.memory_space<vmem>> -> memref<1x128xi32, #tpu.memory_space<vmem>>
      %dma_wait3A_243 = tpu.memref_squeeze %dma_wait3A_242 : memref<1x128xi32, #tpu.memory_space<vmem>> -> memref<128xi32, #tpu.memory_space<vmem>>
      %dma_wait3A_244 = tpu.memref_slice %arg4[%add3A, %mul3A_235] : memref<32x10496xi32, #tpu.memory_space<hbm>> -> memref<1x128xi32, #tpu.memory_space<hbm>>
      %dma_wait3A_245 = tpu.memref_squeeze %dma_wait3A_244 : memref<1x128xi32, #tpu.memory_space<hbm>> -> memref<128xi32, #tpu.memory_space<hbm>>
      tpu.wait_dma2 semaphore(%arg14 : memref<!tpu.dma_semaphore, #tpu.memory_space<semaphore_mem>>) src(%dma_wait3A_245 : memref<128xi32, #tpu.memory_space<hbm>>) dst(%dma_wait3A_243 : memref<128xi32, #tpu.memory_space<vmem>>)
      "tpu.region"() ({
        %run_scoped3A = tpu.sem_alloc : memref<!tpu.dma_semaphore, #tpu.memory_space<semaphore_mem>>
        %dma_start3A_268 = arith.constant 0 : i32
        %dma_start3A_269 = tpu.memref_slice %arg7[%while3A_95, %dma_start3A_268] : memref<2x128xi32, #tpu.memory_space<vmem>> -> memref<1x128xi32, #tpu.memory_space<vmem>>
        %dma_start3A_270 = tpu.memref_squeeze %dma_start3A_269 : memref<1x128xi32, #tpu.memory_space<vmem>> -> memref<128xi32, #tpu.memory_space<vmem>>
        %dma_start3A_271 = arith.constant 0 : i32
        %dma_start3A_272 = arith.constant 0 : i32
        %dma_start3A_273 = tpu.memref_slice %arg10[%dma_start3A_271, %dma_start3A_272] : memref<10240x128xf32, #tpu.memory_space<vmem_shared>> -> memref<10240x128xf32, #tpu.memory_space<vmem_shared>>
        tpu.enqueue_indirect_dma source(%arg9 : memref<128x128xf32, #tpu.memory_space<vmem>>) target(%dma_start3A_273 : memref<10240x128xf32, #tpu.memory_space<vmem_shared>>) offsets(%dma_start3A_270 : memref<128xi32, #tpu.memory_space<vmem>>) semaphore(%run_scoped3A : memref<!tpu.dma_semaphore, #tpu.memory_space<semaphore_mem>>) {add = true}
        %dma_wait3A_274 = arith.constant 0 : i32
        %dma_wait3A_275 = tpu.memref_slice %arg7[%while3A_95, %dma_wait3A_274] : memref<2x128xi32, #tpu.memory_space<vmem>> -> memref<1x128xi32, #tpu.memory_space<vmem>>
        %dma_wait3A_276 = tpu.memref_squeeze %dma_wait3A_275 : memref<1x128xi32, #tpu.memory_space<vmem>> -> memref<128xi32, #tpu.memory_space<vmem>>
        %dma_wait3A_277 = arith.constant 0 : i32
        %dma_wait3A_278 = arith.constant 0 : i32
        %dma_wait3A_279 = tpu.memref_slice %arg10[%dma_wait3A_277, %dma_wait3A_278] : memref<10240x128xf32, #tpu.memory_space<vmem_shared>> -> memref<10240x128xf32, #tpu.memory_space<vmem_shared>>
        tpu.wait_indirect_dma semaphore(%run_scoped3A : memref<!tpu.dma_semaphore, #tpu.memory_space<semaphore_mem>>) src(%arg9 : memref<128x128xf32, #tpu.memory_space<vmem>>) dst(%dma_wait3A_279 : memref<10240x128xf32, #tpu.memory_space<vmem_shared>>)
        tpu.yield
      }) : () -> ()
      %add3A_246 = arith.constant 2 : i32
      %add3A_247 = arith.addi %add3A_227, %add3A_246 : i32
      %mul3A_248 = arith.constant 128 : i32
      %mul3A_249 = arith.muli %add3A_247, %mul3A_248 : i32
      %dma_start3A_250 = arith.constant 0 : i32
      %dma_start3A_251 = tpu.memref_slice %arg7[%while3A_95, %dma_start3A_250] : memref<2x128xi32, #tpu.memory_space<vmem>> -> memref<1x128xi32, #tpu.memory_space<vmem>>
      %dma_start3A_252 = tpu.memref_squeeze %dma_start3A_251 : memref<1x128xi32, #tpu.memory_space<vmem>> -> memref<128xi32, #tpu.memory_space<vmem>>
      %dma_start3A_253 = tpu.memref_slice %arg4[%add3A, %mul3A_249] : memref<32x10496xi32, #tpu.memory_space<hbm>> -> memref<1x128xi32, #tpu.memory_space<hbm>>
      %dma_start3A_254 = tpu.memref_squeeze %dma_start3A_253 : memref<1x128xi32, #tpu.memory_space<hbm>> -> memref<128xi32, #tpu.memory_space<hbm>>
      %dma_start3A_255 = arith.constant 0 : i32
      %dma_start3A_256 = tpu.memref_slice %arg7[%while3A_95, %dma_start3A_255] : memref<2x128xi32, #tpu.memory_space<vmem>> -> memref<1x128xi32, #tpu.memory_space<vmem>>
      %dma_start3A_257 = tpu.memref_squeeze %dma_start3A_256 : memref<1x128xi32, #tpu.memory_space<vmem>> -> memref<128xi32, #tpu.memory_space<vmem>>
      %dma_start3A_258 = tpu.memref_slice %arg4[%add3A, %mul3A_249] : memref<32x10496xi32, #tpu.memory_space<hbm>> -> memref<1x128xi32, #tpu.memory_space<hbm>>
      %dma_start3A_259 = tpu.memref_squeeze %dma_start3A_258 : memref<1x128xi32, #tpu.memory_space<hbm>> -> memref<128xi32, #tpu.memory_space<hbm>>
      tpu.enqueue_dma source(%dma_start3A_259 : memref<128xi32, #tpu.memory_space<hbm>>) target(%dma_start3A_257 : memref<128xi32, #tpu.memory_space<vmem>>) target_semaphore(%arg14 : memref<!tpu.dma_semaphore, #tpu.memory_space<semaphore_mem>>)
      %add3A_260 = arith.constant 2 : i32
      %add3A_261 = arith.addi %add3A_227, %add3A_260 : i32
      %mul3A_262 = arith.constant 128 : i32
      %mul3A_263 = arith.muli %add3A_261, %mul3A_262 : i32
      %dma_start3A_264 = tpu.memref_slice %arg6[%mul3A_263] : memref<10496xi32, #tpu.memory_space<vmem>> -> memref<128xi32, #tpu.memory_space<vmem>>
      %dma_start3A_265 = arith.constant 0 : i32
      %dma_start3A_266 = arith.constant 0 : i32
      %dma_start3A_267 = tpu.memref_slice %arg2[%dma_start3A_265, %dma_start3A_266] : memref<10000x128xf32, #tpu.memory_space<hbm>> -> memref<10000x128xf32, #tpu.memory_space<hbm>>
      tpu.enqueue_indirect_dma source(%dma_start3A_267 : memref<10000x128xf32, #tpu.memory_space<hbm>>) target(%arg9 : memref<128x128xf32, #tpu.memory_space<vmem>>) offsets(%dma_start3A_264 : memref<128xi32, #tpu.memory_space<vmem>>) semaphore(%arg12 : memref<!tpu.dma_semaphore, #tpu.memory_space<semaphore_mem>>)
    }
    %mul3A_106 = arith.constant 80 : i32
    %mul3A_107 = arith.constant 128 : i32
    %mul3A_108 = arith.muli %mul3A_106, %mul3A_107 : i32
    %dma_wait3A = tpu.memref_slice %arg6[%mul3A_108] : memref<10496xi32, #tpu.memory_space<vmem>> -> memref<128xi32, #tpu.memory_space<vmem>>
    %dma_wait3A_109 = arith.constant 0 : i32
    %dma_wait3A_110 = arith.constant 0 : i32
    %dma_wait3A_111 = tpu.memref_slice %arg2[%dma_wait3A_109, %dma_wait3A_110] : memref<10000x128xf32, #tpu.memory_space<hbm>> -> memref<10000x128xf32, #tpu.memory_space<hbm>>
    tpu.wait_indirect_dma semaphore(%arg11 : memref<!tpu.dma_semaphore, #tpu.memory_space<semaphore_mem>>) src(%dma_wait3A_111 : memref<10000x128xf32, #tpu.memory_space<hbm>>) dst(%arg8 : memref<128x128xf32, #tpu.memory_space<vmem>>)
    %mul3A_112 = arith.constant 81 : i32
    %mul3A_113 = arith.constant 128 : i32
    %mul3A_114 = arith.muli %mul3A_112, %mul3A_113 : i32
    %dma_wait3A_115 = tpu.memref_slice %arg6[%mul3A_114] : memref<10496xi32, #tpu.memory_space<vmem>> -> memref<128xi32, #tpu.memory_space<vmem>>
    %dma_wait3A_116 = arith.constant 0 : i32
    %dma_wait3A_117 = arith.constant 0 : i32
    %dma_wait3A_118 = tpu.memref_slice %arg2[%dma_wait3A_116, %dma_wait3A_117] : memref<10000x128xf32, #tpu.memory_space<hbm>> -> memref<10000x128xf32, #tpu.memory_space<hbm>>
    tpu.wait_indirect_dma semaphore(%arg12 : memref<!tpu.dma_semaphore, #tpu.memory_space<semaphore_mem>>) src(%dma_wait3A_118 : memref<10000x128xf32, #tpu.memory_space<hbm>>) dst(%arg9 : memref<128x128xf32, #tpu.memory_space<vmem>>)
    %mul3A_119 = arith.constant 80 : i32
    %mul3A_120 = arith.constant 128 : i32
    %mul3A_121 = arith.muli %mul3A_119, %mul3A_120 : i32
    %dma_wait3A_122 = arith.constant 0 : i32
    %dma_wait3A_123 = arith.constant 0 : i32
    %dma_wait3A_124 = tpu.memref_slice %arg7[%dma_wait3A_122, %dma_wait3A_123] : memref<2x128xi32, #tpu.memory_space<vmem>> -> memref<1x128xi32, #tpu.memory_space<vmem>>
    %dma_wait3A_125 = tpu.memref_squeeze %dma_wait3A_124 : memref<1x128xi32, #tpu.memory_space<vmem>> -> memref<128xi32, #tpu.memory_space<vmem>>
    %dma_wait3A_126 = tpu.memref_slice %arg4[%add3A, %mul3A_121] : memref<32x10496xi32, #tpu.memory_space<hbm>> -> memref<1x128xi32, #tpu.memory_space<hbm>>
    %dma_wait3A_127 = tpu.memref_squeeze %dma_wait3A_126 : memref<1x128xi32, #tpu.memory_space<hbm>> -> memref<128xi32, #tpu.memory_space<hbm>>
    %dma_wait3A_128 = arith.constant 0 : i32
    %dma_wait3A_129 = tpu.memref_slice %arg7[%dma_wait3A_122, %dma_wait3A_128] : memref<2x128xi32, #tpu.memory_space<vmem>> -> memref<1x128xi32, #tpu.memory_space<vmem>>
    %dma_wait3A_130 = tpu.memref_squeeze %dma_wait3A_129 : memref<1x128xi32, #tpu.memory_space<vmem>> -> memref<128xi32, #tpu.memory_space<vmem>>
    %dma_wait3A_131 = tpu.memref_slice %arg4[%add3A, %mul3A_121] : memref<32x10496xi32, #tpu.memory_space<hbm>> -> memref<1x128xi32, #tpu.memory_space<hbm>>
    %dma_wait3A_132 = tpu.memref_squeeze %dma_wait3A_131 : memref<1x128xi32, #tpu.memory_space<hbm>> -> memref<128xi32, #tpu.memory_space<hbm>>
    tpu.wait_dma2 semaphore(%arg13 : memref<!tpu.dma_semaphore, #tpu.memory_space<semaphore_mem>>) src(%dma_wait3A_132 : memref<128xi32, #tpu.memory_space<hbm>>) dst(%dma_wait3A_130 : memref<128xi32, #tpu.memory_space<vmem>>)
    %mul3A_133 = arith.constant 81 : i32
    %mul3A_134 = arith.constant 128 : i32
    %mul3A_135 = arith.muli %mul3A_133, %mul3A_134 : i32
    %dma_wait3A_136 = arith.constant 1 : i32
    %dma_wait3A_137 = arith.constant 0 : i32
    %dma_wait3A_138 = tpu.memref_slice %arg7[%dma_wait3A_136, %dma_wait3A_137] : memref<2x128xi32, #tpu.memory_space<vmem>> -> memref<1x128xi32, #tpu.memory_space<vmem>>
    %dma_wait3A_139 = tpu.memref_squeeze %dma_wait3A_138 : memref<1x128xi32, #tpu.memory_space<vmem>> -> memref<128xi32, #tpu.memory_space<vmem>>
    %dma_wait3A_140 = tpu.memref_slice %arg4[%add3A, %mul3A_135] : memref<32x10496xi32, #tpu.memory_space<hbm>> -> memref<1x128xi32, #tpu.memory_space<hbm>>
    %dma_wait3A_141 = tpu.memref_squeeze %dma_wait3A_140 : memref<1x128xi32, #tpu.memory_space<hbm>> -> memref<128xi32, #tpu.memory_space<hbm>>
    %dma_wait3A_142 = arith.constant 0 : i32
    %dma_wait3A_143 = tpu.memref_slice %arg7[%dma_wait3A_136, %dma_wait3A_142] : memref<2x128xi32, #tpu.memory_space<vmem>> -> memref<1x128xi32, #tpu.memory_space<vmem>>
    %dma_wait3A_144 = tpu.memref_squeeze %dma_wait3A_143 : memref<1x128xi32, #tpu.memory_space<vmem>> -> memref<128xi32, #tpu.memory_space<vmem>>
    %dma_wait3A_145 = tpu.memref_slice %arg4[%add3A, %mul3A_135] : memref<32x10496xi32, #tpu.memory_space<hbm>> -> memref<1x128xi32, #tpu.memory_space<hbm>>
    %dma_wait3A_146 = tpu.memref_squeeze %dma_wait3A_145 : memref<1x128xi32, #tpu.memory_space<hbm>> -> memref<128xi32, #tpu.memory_space<hbm>>
    tpu.wait_dma2 semaphore(%arg14 : memref<!tpu.dma_semaphore, #tpu.memory_space<semaphore_mem>>) src(%dma_wait3A_146 : memref<128xi32, #tpu.memory_space<hbm>>) dst(%dma_wait3A_144 : memref<128xi32, #tpu.memory_space<vmem>>)
    %barrier3A_147 = arith.constant 0 : index
    tpu.barrier barrier_id(%barrier3A_147)
    %mul3A_148 = arith.constant 10240 : i32
    %mul3A_149 = arith.muli %arg0, %mul3A_148 : i32
    %mul3A_150 = arith.constant 640 : i32
    %mul3A_151 = arith.muli %arg1, %mul3A_150 : i32
    %add3A_152 = arith.addi %mul3A_149, %mul3A_151 : i32
    %mul3A_153 = arith.constant 640 : i32
    %mul3A_154 = arith.muli %arg1, %mul3A_153 : i32
    %add3A_155 = arith.constant 0 : i32
    %add3A_156 = arith.addi %mul3A_154, %add3A_155 : i32
    %add3A_157 = arith.constant 0 : i32
    %add3A_158 = arith.addi %add3A_152, %add3A_157 : i32
    "tpu.region"() ({
      %run_scoped3A = tpu.sem_alloc : memref<!tpu.dma_semaphore, #tpu.memory_space<semaphore_mem>>
      %dma_start3A_183 = arith.constant 0 : i32
      %dma_start3A_184 = tpu.memref_slice %arg5[%add3A_158, %dma_start3A_183] : memref<20480x128xf32, #tpu.memory_space<hbm>> -> memref<128x128xf32, #tpu.memory_space<hbm>>
      %dma_start3A_185 = arith.constant 0 : i32
      %dma_start3A_186 = tpu.memref_slice %arg10[%add3A_156, %dma_start3A_185] : memref<10240x128xf32, #tpu.memory_space<vmem_shared>> -> memref<128x128xf32, #tpu.memory_space<vmem_shared>>
      tpu.enqueue_dma source(%dma_start3A_186 : memref<128x128xf32, #tpu.memory_space<vmem_shared>>) target(%dma_start3A_184 : memref<128x128xf32, #tpu.memory_space<hbm>>) target_semaphore(%run_scoped3A : memref<!tpu.dma_semaphore, #tpu.memory_space<semaphore_mem>>)
      %dma_wait3A_187 = arith.constant 0 : i32
      %dma_wait3A_188 = tpu.memref_slice %arg5[%add3A_158, %dma_wait3A_187] : memref<20480x128xf32, #tpu.memory_space<hbm>> -> memref<128x128xf32, #tpu.memory_space<hbm>>
      %dma_wait3A_189 = arith.constant 0 : i32
      %dma_wait3A_190 = tpu.memref_slice %arg10[%add3A_156, %dma_wait3A_189] : memref<10240x128xf32, #tpu.memory_space<vmem_shared>> -> memref<128x128xf32, #tpu.memory_space<vmem_shared>>
      tpu.wait_dma2 semaphore(%run_scoped3A : memref<!tpu.dma_semaphore, #tpu.memory_space<semaphore_mem>>) src(%dma_wait3A_190 : memref<128x128xf32, #tpu.memory_space<vmem_shared>>) dst(%dma_wait3A_188 : memref<128x128xf32, #tpu.memory_space<hbm>>)
      tpu.yield
    }) : () -> ()
    %mul3A_159 = arith.constant 640 : i32
    %mul3A_160 = arith.muli %arg1, %mul3A_159 : i32
    %add3A_161 = arith.constant 128 : i32
    %add3A_162 = arith.addi %mul3A_160, %add3A_161 : i32
    %add3A_163 = arith.constant 128 : i32
    %add3A_164 = arith.addi %add3A_152, %add3A_163 : i32
    "tpu.region"() ({
      %run_scoped3A = tpu.sem_alloc : memref<!tpu.dma_semaphore, #tpu.memory_space<semaphore_mem>>
      %dma_start3A_183 = arith.constant 0 : i32
      %dma_start3A_184 = tpu.memref_slice %arg5[%add3A_164, %dma_start3A_183] : memref<20480x128xf32, #tpu.memory_space<hbm>> -> memref<128x128xf32, #tpu.memory_space<hbm>>
      %dma_start3A_185 = arith.constant 0 : i32
      %dma_start3A_186 = tpu.memref_slice %arg10[%add3A_162, %dma_start3A_185] : memref<10240x128xf32, #tpu.memory_space<vmem_shared>> -> memref<128x128xf32, #tpu.memory_space<vmem_shared>>
      tpu.enqueue_dma source(%dma_start3A_186 : memref<128x128xf32, #tpu.memory_space<vmem_shared>>) target(%dma_start3A_184 : memref<128x128xf32, #tpu.memory_space<hbm>>) target_semaphore(%run_scoped3A : memref<!tpu.dma_semaphore, #tpu.memory_space<semaphore_mem>>)
      %dma_wait3A_187 = arith.constant 0 : i32
      %dma_wait3A_188 = tpu.memref_slice %arg5[%add3A_164, %dma_wait3A_187] : memref<20480x128xf32, #tpu.memory_space<hbm>> -> memref<128x128xf32, #tpu.memory_space<hbm>>
      %dma_wait3A_189 = arith.constant 0 : i32
      %dma_wait3A_190 = tpu.memref_slice %arg10[%add3A_162, %dma_wait3A_189] : memref<10240x128xf32, #tpu.memory_space<vmem_shared>> -> memref<128x128xf32, #tpu.memory_space<vmem_shared>>
      tpu.wait_dma2 semaphore(%run_scoped3A : memref<!tpu.dma_semaphore, #tpu.memory_space<semaphore_mem>>) src(%dma_wait3A_190 : memref<128x128xf32, #tpu.memory_space<vmem_shared>>) dst(%dma_wait3A_188 : memref<128x128xf32, #tpu.memory_space<hbm>>)
      tpu.yield
    }) : () -> ()
    %mul3A_165 = arith.constant 640 : i32
    %mul3A_166 = arith.muli %arg1, %mul3A_165 : i32
    %add3A_167 = arith.constant 256 : i32
    %add3A_168 = arith.addi %mul3A_166, %add3A_167 : i32
    %add3A_169 = arith.constant 256 : i32
    %add3A_170 = arith.addi %add3A_152, %add3A_169 : i32
    "tpu.region"() ({
      %run_scoped3A = tpu.sem_alloc : memref<!tpu.dma_semaphore, #tpu.memory_space<semaphore_mem>>
      %dma_start3A_183 = arith.constant 0 : i32
      %dma_start3A_184 = tpu.memref_slice %arg5[%add3A_170, %dma_start3A_183] : memref<20480x128xf32, #tpu.memory_space<hbm>> -> memref<128x128xf32, #tpu.memory_space<hbm>>
      %dma_start3A_185 = arith.constant 0 : i32
      %dma_start3A_186 = tpu.memref_slice %arg10[%add3A_168, %dma_start3A_185] : memref<10240x128xf32, #tpu.memory_space<vmem_shared>> -> memref<128x128xf32, #tpu.memory_space<vmem_shared>>
      tpu.enqueue_dma source(%dma_start3A_186 : memref<128x128xf32, #tpu.memory_space<vmem_shared>>) target(%dma_start3A_184 : memref<128x128xf32, #tpu.memory_space<hbm>>) target_semaphore(%run_scoped3A : memref<!tpu.dma_semaphore, #tpu.memory_space<semaphore_mem>>)
      %dma_wait3A_187 = arith.constant 0 : i32
      %dma_wait3A_188 = tpu.memref_slice %arg5[%add3A_170, %dma_wait3A_187] : memref<20480x128xf32, #tpu.memory_space<hbm>> -> memref<128x128xf32, #tpu.memory_space<hbm>>
      %dma_wait3A_189 = arith.constant 0 : i32
      %dma_wait3A_190 = tpu.memref_slice %arg10[%add3A_168, %dma_wait3A_189] : memref<10240x128xf32, #tpu.memory_space<vmem_shared>> -> memref<128x128xf32, #tpu.memory_space<vmem_shared>>
      tpu.wait_dma2 semaphore(%run_scoped3A : memref<!tpu.dma_semaphore, #tpu.memory_space<semaphore_mem>>) src(%dma_wait3A_190 : memref<128x128xf32, #tpu.memory_space<vmem_shared>>) dst(%dma_wait3A_188 : memref<128x128xf32, #tpu.memory_space<hbm>>)
      tpu.yield
    }) : () -> ()
    %mul3A_171 = arith.constant 640 : i32
    %mul3A_172 = arith.muli %arg1, %mul3A_171 : i32
    %add3A_173 = arith.constant 384 : i32
    %add3A_174 = arith.addi %mul3A_172, %add3A_173 : i32
    %add3A_175 = arith.constant 384 : i32
    %add3A_176 = arith.addi %add3A_152, %add3A_175 : i32
    "tpu.region"() ({
      %run_scoped3A = tpu.sem_alloc : memref<!tpu.dma_semaphore, #tpu.memory_space<semaphore_mem>>
      %dma_start3A_183 = arith.constant 0 : i32
      %dma_start3A_184 = tpu.memref_slice %arg5[%add3A_176, %dma_start3A_183] : memref<20480x128xf32, #tpu.memory_space<hbm>> -> memref<128x128xf32, #tpu.memory_space<hbm>>
      %dma_start3A_185 = arith.constant 0 : i32
      %dma_start3A_186 = tpu.memref_slice %arg10[%add3A_174, %dma_start3A_185] : memref<10240x128xf32, #tpu.memory_space<vmem_shared>> -> memref<128x128xf32, #tpu.memory_space<vmem_shared>>
      tpu.enqueue_dma source(%dma_start3A_186 : memref<128x128xf32, #tpu.memory_space<vmem_shared>>) target(%dma_start3A_184 : memref<128x128xf32, #tpu.memory_space<hbm>>) target_semaphore(%run_scoped3A : memref<!tpu.dma_semaphore, #tpu.memory_space<semaphore_mem>>)
      %dma_wait3A_187 = arith.constant 0 : i32
      %dma_wait3A_188 = tpu.memref_slice %arg5[%add3A_176, %dma_wait3A_187] : memref<20480x128xf32, #tpu.memory_space<hbm>> -> memref<128x128xf32, #tpu.memory_space<hbm>>
      %dma_wait3A_189 = arith.constant 0 : i32
      %dma_wait3A_190 = tpu.memref_slice %arg10[%add3A_174, %dma_wait3A_189] : memref<10240x128xf32, #tpu.memory_space<vmem_shared>> -> memref<128x128xf32, #tpu.memory_space<vmem_shared>>
      tpu.wait_dma2 semaphore(%run_scoped3A : memref<!tpu.dma_semaphore, #tpu.memory_space<semaphore_mem>>) src(%dma_wait3A_190 : memref<128x128xf32, #tpu.memory_space<vmem_shared>>) dst(%dma_wait3A_188 : memref<128x128xf32, #tpu.memory_space<hbm>>)
      tpu.yield
    }) : () -> ()
    %mul3A_177 = arith.constant 640 : i32
    %mul3A_178 = arith.muli %arg1, %mul3A_177 : i32
    %add3A_179 = arith.constant 512 : i32
    %add3A_180 = arith.addi %mul3A_178, %add3A_179 : i32
    %add3A_181 = arith.constant 512 : i32
    %add3A_182 = arith.addi %add3A_152, %add3A_181 : i32
    "tpu.region"() ({
      %run_scoped3A = tpu.sem_alloc : memref<!tpu.dma_semaphore, #tpu.memory_space<semaphore_mem>>
      %dma_start3A_183 = arith.constant 0 : i32
      %dma_start3A_184 = tpu.memref_slice %arg5[%add3A_182, %dma_start3A_183] : memref<20480x128xf32, #tpu.memory_space<hbm>> -> memref<128x128xf32, #tpu.memory_space<hbm>>
      %dma_start3A_185 = arith.constant 0 : i32
      %dma_start3A_186 = tpu.memref_slice %arg10[%add3A_180, %dma_start3A_185] : memref<10240x128xf32, #tpu.memory_space<vmem_shared>> -> memref<128x128xf32, #tpu.memory_space<vmem_shared>>
      tpu.enqueue_dma source(%dma_start3A_186 : memref<128x128xf32, #tpu.memory_space<vmem_shared>>) target(%dma_start3A_184 : memref<128x128xf32, #tpu.memory_space<hbm>>) target_semaphore(%run_scoped3A : memref<!tpu.dma_semaphore, #tpu.memory_space<semaphore_mem>>)
      %dma_wait3A_187 = arith.constant 0 : i32
      %dma_wait3A_188 = tpu.memref_slice %arg5[%add3A_182, %dma_wait3A_187] : memref<20480x128xf32, #tpu.memory_space<hbm>> -> memref<128x128xf32, #tpu.memory_space<hbm>>
      %dma_wait3A_189 = arith.constant 0 : i32
      %dma_wait3A_190 = tpu.memref_slice %arg10[%add3A_180, %dma_wait3A_189] : memref<10240x128xf32, #tpu.memory_space<vmem_shared>> -> memref<128x128xf32, #tpu.memory_space<vmem_shared>>
      tpu.wait_dma2 semaphore(%run_scoped3A : memref<!tpu.dma_semaphore, #tpu.memory_space<semaphore_mem>>) src(%dma_wait3A_190 : memref<128x128xf32, #tpu.memory_space<vmem_shared>>) dst(%dma_wait3A_188 : memref<128x128xf32, #tpu.memory_space<hbm>>)
      tpu.yield
    }) : () -> ()
    return
  }
}

#map = affine_map<(d0, d1) -> (0, 0)>
module attributes {stable_mosaic.version = 14 : i64} {
  func.func @sc_agg(%arg0: i32, %arg1: i32, %arg2: memref<10000x128xf32, #tpu.memory_space<hbm>>, %arg3: memref<32x10496xi32, #tpu.memory_space<hbm>>, %arg4: memref<32x10496xi32, #tpu.memory_space<hbm>>, %arg5: memref<20480x128xf32, #tpu.memory_space<hbm>>, %arg6: memref<10496xi32, #tpu.memory_space<vmem>>, %arg7: memref<2x128xi32, #tpu.memory_space<vmem>>, %arg8: memref<128x128xf32, #tpu.memory_space<vmem>>, %arg9: memref<128x128xf32, #tpu.memory_space<vmem>>, %arg10: memref<10240x128xf32, #tpu.memory_space<vmem_shared>>, %arg11: memref<!tpu.dma_semaphore, #tpu.memory_space<semaphore_mem>>, %arg12: memref<!tpu.dma_semaphore, #tpu.memory_space<semaphore_mem>>, %arg13: memref<!tpu.dma_semaphore, #tpu.memory_space<semaphore_mem>>, %arg14: memref<!tpu.dma_semaphore, #tpu.memory_space<semaphore_mem>>) attributes {dimension_semantics = [#tpu.dimension_semantics<core_parallel>, #tpu.dimension_semantics<subcore_parallel>], iteration_bounds = array<i64: 2, 16>, scalar_prefetch = 0 : i64, scratch_operands = 9 : i64, tpu.core_type = #tpu.core_type<sc_vector_subcore>, window_params = [{transform_indices = #map}, {transform_indices = #map}, {transform_indices = #map}, {transform_indices = #map}]} {
    %mul3A = arith.constant 16 : i32
    %mul3A_0 = arith.muli %arg0, %mul3A : i32
    %add3A = arith.addi %mul3A_0, %arg1 : i32
    "tpu.region"() ({
      %run_scoped3A = tpu.sem_alloc : memref<!tpu.dma_semaphore, #tpu.memory_space<semaphore_mem>>
      %dma_start3A_183 = arith.constant 0 : i32
      %dma_start3A_184 = tpu.memref_slice %arg3[%add3A, %dma_start3A_183] : memref<32x10496xi32, #tpu.memory_space<hbm>> -> memref<1x10496xi32, #tpu.memory_space<hbm>>
      %dma_start3A_185 = tpu.memref_squeeze %dma_start3A_184 : memref<1x10496xi32, #tpu.memory_space<hbm>> -> memref<10496xi32, #tpu.memory_space<hbm>>
      %dma_start3A_186 = arith.constant 0 : i32
      %dma_start3A_187 = tpu.memref_slice %arg3[%add3A, %dma_start3A_186] : memref<32x10496xi32, #tpu.memory_space<hbm>> -> memref<1x10496xi32, #tpu.memory_space<hbm>>
      %dma_start3A_188 = tpu.memref_squeeze %dma_start3A_187 : memref<1x10496xi32, #tpu.memory_space<hbm>> -> memref<10496xi32, #tpu.memory_space<hbm>>
      tpu.enqueue_dma source(%dma_start3A_188 : memref<10496xi32, #tpu.memory_space<hbm>>) target(%arg6 : memref<10496xi32, #tpu.memory_space<vmem>>) target_semaphore(%run_scoped3A : memref<!tpu.dma_semaphore, #tpu.memory_space<semaphore_mem>>)
      %dma_wait3A_189 = arith.constant 0 : i32
      %dma_wait3A_190 = tpu.memref_slice %arg3[%add3A, %dma_wait3A_189] : memref<32x10496xi32, #tpu.memory_space<hbm>> -> memref<1x10496xi32, #tpu.memory_space<hbm>>
      %dma_wait3A_191 = tpu.memref_squeeze %dma_wait3A_190 : memref<1x10496xi32, #tpu.memory_space<hbm>> -> memref<10496xi32, #tpu.memory_space<hbm>>
      %dma_wait3A_192 = arith.constant 0 : i32
      %dma_wait3A_193 = tpu.memref_slice %arg3[%add3A, %dma_wait3A_192] : memref<32x10496xi32, #tpu.memory_space<hbm>> -> memref<1x10496xi32, #tpu.memory_space<hbm>>
      %dma_wait3A_194 = tpu.memref_squeeze %dma_wait3A_193 : memref<1x10496xi32, #tpu.memory_space<hbm>> -> memref<10496xi32, #tpu.memory_space<hbm>>
      tpu.wait_dma2 semaphore(%run_scoped3A : memref<!tpu.dma_semaphore, #tpu.memory_space<semaphore_mem>>) src(%dma_wait3A_194 : memref<10496xi32, #tpu.memory_space<hbm>>) dst(%arg6 : memref<10496xi32, #tpu.memory_space<vmem>>)
      tpu.yield
    }) : () -> ()
    %broadcast_in_dim3A = arith.constant 0.000000e+00 : f32
    %broadcast_in_dim3A_1 = vector.broadcast %broadcast_in_dim3A : f32 to vector<16xf32>
    %while3A = arith.constant 0 : i32
    %while3A_2 = arith.constant 0 : i32
    %while3A_3 = arith.constant 64 : i32
    %while3A_4 = arith.subi %while3A_3, %while3A_2 : i32
    %while3A_5 = arith.addi %while3A_2, %while3A_4 : i32
    %while3A_6 = arith.constant 1 : i32
    %while3A_7 = arith.divsi %while3A_4, %while3A_6 : i32
    %while3A_8 = arith.muli %while3A_7, %while3A_6 : i32
    %while3A_9 = arith.addi %while3A_2, %while3A_8 : i32
    %while3A_10 = arith.constant 1 : i32
    scf.for %while3A_183 = %while3A_2 to %while3A_9 step %while3A_10  : i32 {
      %swap3A = arith.index_cast %while3A_183 : i32 to index
      %swap3A_184 = arith.constant 0 : index
      %swap3A_185 = tpu.vector_load %arg8[%swap3A, %swap3A_184] {strides = array<i32>} : memref<128x128xf32, #tpu.memory_space<vmem>>, vector<1x16xf32>,
      %swap3A_186 = vector.shape_cast %swap3A_185 : vector<1x16xf32> to vector<16xf32>
      %swap3A_187 = vector.shape_cast %broadcast_in_dim3A_1 : vector<16xf32> to vector<1x16xf32>
      tpu.vector_store %arg8[%swap3A, %swap3A_184], %swap3A_187 {strides = array<i32>} : memref<128x128xf32, #tpu.memory_space<vmem>>, vector<1x16xf32>,
      %swap3A_188 = arith.index_cast %while3A_183 : i32 to index
      %swap3A_189 = arith.constant 16 : index
      %swap3A_190 = tpu.vector_load %arg8[%swap3A_188, %swap3A_189] {strides = array<i32>} : memref<128x128xf32, #tpu.memory_space<vmem>>, vector<1x16xf32>,
      %swap3A_191 = vector.shape_cast %swap3A_190 : vector<1x16xf32> to vector<16xf32>
      %swap3A_192 = vector.shape_cast %broadcast_in_dim3A_1 : vector<16xf32> to vector<1x16xf32>
      tpu.vector_store %arg8[%swap3A_188, %swap3A_189], %swap3A_192 {strides = array<i32>} : memref<128x128xf32, #tpu.memory_space<vmem>>, vector<1x16xf32>,
      %swap3A_193 = arith.index_cast %while3A_183 : i32 to index
      %swap3A_194 = arith.constant 32 : index
      %swap3A_195 = tpu.vector_load %arg8[%swap3A_193, %swap3A_194] {strides = array<i32>} : memref<128x128xf32, #tpu.memory_space<vmem>>, vector<1x16xf32>,
      %swap3A_196 = vector.shape_cast %swap3A_195 : vector<1x16xf32> to vector<16xf32>
      %swap3A_197 = vector.shape_cast %broadcast_in_dim3A_1 : vector<16xf32> to vector<1x16xf32>
      tpu.vector_store %arg8[%swap3A_193, %swap3A_194], %swap3A_197 {strides = array<i32>} : memref<128x128xf32, #tpu.memory_space<vmem>>, vector<1x16xf32>,
      %swap3A_198 = arith.index_cast %while3A_183 : i32 to index
      %swap3A_199 = arith.constant 48 : index
      %swap3A_200 = tpu.vector_load %arg8[%swap3A_198, %swap3A_199] {strides = array<i32>} : memref<128x128xf32, #tpu.memory_space<vmem>>, vector<1x16xf32>,
      %swap3A_201 = vector.shape_cast %swap3A_200 : vector<1x16xf32> to vector<16xf32>
      %swap3A_202 = vector.shape_cast %broadcast_in_dim3A_1 : vector<16xf32> to vector<1x16xf32>
      tpu.vector_store %arg8[%swap3A_198, %swap3A_199], %swap3A_202 {strides = array<i32>} : memref<128x128xf32, #tpu.memory_space<vmem>>, vector<1x16xf32>,
      %swap3A_203 = arith.index_cast %while3A_183 : i32 to index
      %swap3A_204 = arith.constant 64 : index
      %swap3A_205 = tpu.vector_load %arg8[%swap3A_203, %swap3A_204] {strides = array<i32>} : memref<128x128xf32, #tpu.memory_space<vmem>>, vector<1x16xf32>,
      %swap3A_206 = vector.shape_cast %swap3A_205 : vector<1x16xf32> to vector<16xf32>
      %swap3A_207 = vector.shape_cast %broadcast_in_dim3A_1 : vector<16xf32> to vector<1x16xf32>
      tpu.vector_store %arg8[%swap3A_203, %swap3A_204], %swap3A_207 {strides = array<i32>} : memref<128x128xf32, #tpu.memory_space<vmem>>, vector<1x16xf32>,
      %swap3A_208 = arith.index_cast %while3A_183 : i32 to index
      %swap3A_209 = arith.constant 80 : index
      %swap3A_210 = tpu.vector_load %arg8[%swap3A_208, %swap3A_209] {strides = array<i32>} : memref<128x128xf32, #tpu.memory_space<vmem>>, vector<1x16xf32>,
      %swap3A_211 = vector.shape_cast %swap3A_210 : vector<1x16xf32> to vector<16xf32>
      %swap3A_212 = vector.shape_cast %broadcast_in_dim3A_1 : vector<16xf32> to vector<1x16xf32>
      tpu.vector_store %arg8[%swap3A_208, %swap3A_209], %swap3A_212 {strides = array<i32>} : memref<128x128xf32, #tpu.memory_space<vmem>>, vector<1x16xf32>,
      %swap3A_213 = arith.index_cast %while3A_183 : i32 to index
      %swap3A_214 = arith.constant 96 : index
      %swap3A_215 = tpu.vector_load %arg8[%swap3A_213, %swap3A_214] {strides = array<i32>} : memref<128x128xf32, #tpu.memory_space<vmem>>, vector<1x16xf32>,
      %swap3A_216 = vector.shape_cast %swap3A_215 : vector<1x16xf32> to vector<16xf32>
      %swap3A_217 = vector.shape_cast %broadcast_in_dim3A_1 : vector<16xf32> to vector<1x16xf32>
      tpu.vector_store %arg8[%swap3A_213, %swap3A_214], %swap3A_217 {strides = array<i32>} : memref<128x128xf32, #tpu.memory_space<vmem>>, vector<1x16xf32>,
      %swap3A_218 = arith.index_cast %while3A_183 : i32 to index
      %swap3A_219 = arith.constant 112 : index
      %swap3A_220 = tpu.vector_load %arg8[%swap3A_218, %swap3A_219] {strides = array<i32>} : memref<128x128xf32, #tpu.memory_space<vmem>>, vector<1x16xf32>,
      %swap3A_221 = vector.shape_cast %swap3A_220 : vector<1x16xf32> to vector<16xf32>
      %swap3A_222 = vector.shape_cast %broadcast_in_dim3A_1 : vector<16xf32> to vector<1x16xf32>
      tpu.vector_store %arg8[%swap3A_218, %swap3A_219], %swap3A_222 {strides = array<i32>} : memref<128x128xf32, #tpu.memory_space<vmem>>, vector<1x16xf32>,
    }
    %while3A_11 = arith.constant 1 : i32
    scf.for %while3A_183 = %while3A_9 to %while3A_5 step %while3A_11  : i32 {
      %swap3A = arith.index_cast %while3A_183 : i32 to index
      %swap3A_184 = arith.constant 0 : index
      %swap3A_185 = tpu.vector_load %arg8[%swap3A, %swap3A_184] {strides = array<i32>} : memref<128x128xf32, #tpu.memory_space<vmem>>, vector<1x16xf32>,
      %swap3A_186 = vector.shape_cast %swap3A_185 : vector<1x16xf32> to vector<16xf32>
      %swap3A_187 = vector.shape_cast %broadcast_in_dim3A_1 : vector<16xf32> to vector<1x16xf32>
      tpu.vector_store %arg8[%swap3A, %swap3A_184], %swap3A_187 {strides = array<i32>} : memref<128x128xf32, #tpu.memory_space<vmem>>, vector<1x16xf32>,
      %swap3A_188 = arith.index_cast %while3A_183 : i32 to index
      %swap3A_189 = arith.constant 16 : index
      %swap3A_190 = tpu.vector_load %arg8[%swap3A_188, %swap3A_189] {strides = array<i32>} : memref<128x128xf32, #tpu.memory_space<vmem>>, vector<1x16xf32>,
      %swap3A_191 = vector.shape_cast %swap3A_190 : vector<1x16xf32> to vector<16xf32>
      %swap3A_192 = vector.shape_cast %broadcast_in_dim3A_1 : vector<16xf32> to vector<1x16xf32>
      tpu.vector_store %arg8[%swap3A_188, %swap3A_189], %swap3A_192 {strides = array<i32>} : memref<128x128xf32, #tpu.memory_space<vmem>>, vector<1x16xf32>,
      %swap3A_193 = arith.index_cast %while3A_183 : i32 to index
      %swap3A_194 = arith.constant 32 : index
      %swap3A_195 = tpu.vector_load %arg8[%swap3A_193, %swap3A_194] {strides = array<i32>} : memref<128x128xf32, #tpu.memory_space<vmem>>, vector<1x16xf32>,
      %swap3A_196 = vector.shape_cast %swap3A_195 : vector<1x16xf32> to vector<16xf32>
      %swap3A_197 = vector.shape_cast %broadcast_in_dim3A_1 : vector<16xf32> to vector<1x16xf32>
      tpu.vector_store %arg8[%swap3A_193, %swap3A_194], %swap3A_197 {strides = array<i32>} : memref<128x128xf32, #tpu.memory_space<vmem>>, vector<1x16xf32>,
      %swap3A_198 = arith.index_cast %while3A_183 : i32 to index
      %swap3A_199 = arith.constant 48 : index
      %swap3A_200 = tpu.vector_load %arg8[%swap3A_198, %swap3A_199] {strides = array<i32>} : memref<128x128xf32, #tpu.memory_space<vmem>>, vector<1x16xf32>,
      %swap3A_201 = vector.shape_cast %swap3A_200 : vector<1x16xf32> to vector<16xf32>
      %swap3A_202 = vector.shape_cast %broadcast_in_dim3A_1 : vector<16xf32> to vector<1x16xf32>
      tpu.vector_store %arg8[%swap3A_198, %swap3A_199], %swap3A_202 {strides = array<i32>} : memref<128x128xf32, #tpu.memory_space<vmem>>, vector<1x16xf32>,
      %swap3A_203 = arith.index_cast %while3A_183 : i32 to index
      %swap3A_204 = arith.constant 64 : index
      %swap3A_205 = tpu.vector_load %arg8[%swap3A_203, %swap3A_204] {strides = array<i32>} : memref<128x128xf32, #tpu.memory_space<vmem>>, vector<1x16xf32>,
      %swap3A_206 = vector.shape_cast %swap3A_205 : vector<1x16xf32> to vector<16xf32>
      %swap3A_207 = vector.shape_cast %broadcast_in_dim3A_1 : vector<16xf32> to vector<1x16xf32>
      tpu.vector_store %arg8[%swap3A_203, %swap3A_204], %swap3A_207 {strides = array<i32>} : memref<128x128xf32, #tpu.memory_space<vmem>>, vector<1x16xf32>,
      %swap3A_208 = arith.index_cast %while3A_183 : i32 to index
      %swap3A_209 = arith.constant 80 : index
      %swap3A_210 = tpu.vector_load %arg8[%swap3A_208, %swap3A_209] {strides = array<i32>} : memref<128x128xf32, #tpu.memory_space<vmem>>, vector<1x16xf32>,
      %swap3A_211 = vector.shape_cast %swap3A_210 : vector<1x16xf32> to vector<16xf32>
      %swap3A_212 = vector.shape_cast %broadcast_in_dim3A_1 : vector<16xf32> to vector<1x16xf32>
      tpu.vector_store %arg8[%swap3A_208, %swap3A_209], %swap3A_212 {strides = array<i32>} : memref<128x128xf32, #tpu.memory_space<vmem>>, vector<1x16xf32>,
      %swap3A_213 = arith.index_cast %while3A_183 : i32 to index
      %swap3A_214 = arith.constant 96 : index
      %swap3A_215 = tpu.vector_load %arg8[%swap3A_213, %swap3A_214] {strides = array<i32>} : memref<128x128xf32, #tpu.memory_space<vmem>>, vector<1x16xf32>,
      %swap3A_216 = vector.shape_cast %swap3A_215 : vector<1x16xf32> to vector<16xf32>
      %swap3A_217 = vector.shape_cast %broadcast_in_dim3A_1 : vector<16xf32> to vector<1x16xf32>
      tpu.vector_store %arg8[%swap3A_213, %swap3A_214], %swap3A_217 {strides = array<i32>} : memref<128x128xf32, #tpu.memory_space<vmem>>, vector<1x16xf32>,
      %swap3A_218 = arith.index_cast %while3A_183 : i32 to index
      %swap3A_219 = arith.constant 112 : index
      %swap3A_220 = tpu.vector_load %arg8[%swap3A_218, %swap3A_219] {strides = array<i32>} : memref<128x128xf32, #tpu.memory_space<vmem>>, vector<1x16xf32>,
      %swap3A_221 = vector.shape_cast %swap3A_220 : vector<1x16xf32> to vector<16xf32>
      %swap3A_222 = vector.shape_cast %broadcast_in_dim3A_1 : vector<16xf32> to vector<1x16xf32>
      tpu.vector_store %arg8[%swap3A_218, %swap3A_219], %swap3A_222 {strides = array<i32>} : memref<128x128xf32, #tpu.memory_space<vmem>>, vector<1x16xf32>,
    }
    %mul3A_12 = arith.constant 640 : i32
    %mul3A_13 = arith.muli %arg1, %mul3A_12 : i32
    %add3A_14 = arith.constant 0 : i32
    %add3A_15 = arith.addi %mul3A_13, %add3A_14 : i32
    "tpu.region"() ({
      %run_scoped3A = tpu.sem_alloc : memref<!tpu.dma_semaphore, #tpu.memory_space<semaphore_mem>>
      %dma_start3A_183 = arith.constant 0 : i32
      %dma_start3A_184 = arith.constant 0 : i32
      %dma_start3A_185 = tpu.memref_slice %arg8[%dma_start3A_183, %dma_start3A_184] : memref<128x128xf32, #tpu.memory_space<vmem>> -> memref<64x128xf32, #tpu.memory_space<vmem>>
      %dma_start3A_186 = arith.constant 0 : i32
      %dma_start3A_187 = tpu.memref_slice %arg10[%add3A_15, %dma_start3A_186] : memref<10240x128xf32, #tpu.memory_space<vmem_shared>> -> memref<64x128xf32, #tpu.memory_space<vmem_shared>>
      %dma_start3A_188 = arith.constant 0 : i32
      %dma_start3A_189 = tpu.memref_slice %arg10[%add3A_15, %dma_start3A_188] : memref<10240x128xf32, #tpu.memory_space<vmem_shared>> -> memref<64x128xf32, #tpu.memory_space<vmem_shared>>
      %dma_start3A_190 = arith.constant 0 : i32
      %dma_start3A_191 = arith.constant 0 : i32
      %dma_start3A_192 = tpu.memref_slice %arg8[%dma_start3A_190, %dma_start3A_191] : memref<128x128xf32, #tpu.memory_space<vmem>> -> memref<64x128xf32, #tpu.memory_space<vmem>>
      tpu.enqueue_dma source(%dma_start3A_192 : memref<64x128xf32, #tpu.memory_space<vmem>>) target(%dma_start3A_189 : memref<64x128xf32, #tpu.memory_space<vmem_shared>>) target_semaphore(%run_scoped3A : memref<!tpu.dma_semaphore, #tpu.memory_space<semaphore_mem>>)
      %dma_wait3A_193 = arith.constant 0 : i32
      %dma_wait3A_194 = arith.constant 0 : i32
      %dma_wait3A_195 = tpu.memref_slice %arg8[%dma_wait3A_193, %dma_wait3A_194] : memref<128x128xf32, #tpu.memory_space<vmem>> -> memref<64x128xf32, #tpu.memory_space<vmem>>
      %dma_wait3A_196 = arith.constant 0 : i32
      %dma_wait3A_197 = tpu.memref_slice %arg10[%add3A_15, %dma_wait3A_196] : memref<10240x128xf32, #tpu.memory_space<vmem_shared>> -> memref<64x128xf32, #tpu.memory_space<vmem_shared>>
      %dma_wait3A_198 = arith.constant 0 : i32
      %dma_wait3A_199 = tpu.memref_slice %arg10[%add3A_15, %dma_wait3A_198] : memref<10240x128xf32, #tpu.memory_space<vmem_shared>> -> memref<64x128xf32, #tpu.memory_space<vmem_shared>>
      %dma_wait3A_200 = arith.constant 0 : i32
      %dma_wait3A_201 = arith.constant 0 : i32
      %dma_wait3A_202 = tpu.memref_slice %arg8[%dma_wait3A_200, %dma_wait3A_201] : memref<128x128xf32, #tpu.memory_space<vmem>> -> memref<64x128xf32, #tpu.memory_space<vmem>>
      tpu.wait_dma2 semaphore(%run_scoped3A : memref<!tpu.dma_semaphore, #tpu.memory_space<semaphore_mem>>) src(%dma_wait3A_202 : memref<64x128xf32, #tpu.memory_space<vmem>>) dst(%dma_wait3A_199 : memref<64x128xf32, #tpu.memory_space<vmem_shared>>)
      tpu.yield
    }) : () -> ()
    %mul3A_16 = arith.constant 640 : i32
    %mul3A_17 = arith.muli %arg1, %mul3A_16 : i32
    %add3A_18 = arith.constant 64 : i32
    %add3A_19 = arith.addi %mul3A_17, %add3A_18 : i32
    "tpu.region"() ({
      %run_scoped3A = tpu.sem_alloc : memref<!tpu.dma_semaphore, #tpu.memory_space<semaphore_mem>>
      %dma_start3A_183 = arith.constant 0 : i32
      %dma_start3A_184 = arith.constant 0 : i32
      %dma_start3A_185 = tpu.memref_slice %arg8[%dma_start3A_183, %dma_start3A_184] : memref<128x128xf32, #tpu.memory_space<vmem>> -> memref<64x128xf32, #tpu.memory_space<vmem>>
      %dma_start3A_186 = arith.constant 0 : i32
      %dma_start3A_187 = tpu.memref_slice %arg10[%add3A_19, %dma_start3A_186] : memref<10240x128xf32, #tpu.memory_space<vmem_shared>> -> memref<64x128xf32, #tpu.memory_space<vmem_shared>>
      %dma_start3A_188 = arith.constant 0 : i32
      %dma_start3A_189 = tpu.memref_slice %arg10[%add3A_19, %dma_start3A_188] : memref<10240x128xf32, #tpu.memory_space<vmem_shared>> -> memref<64x128xf32, #tpu.memory_space<vmem_shared>>
      %dma_start3A_190 = arith.constant 0 : i32
      %dma_start3A_191 = arith.constant 0 : i32
      %dma_start3A_192 = tpu.memref_slice %arg8[%dma_start3A_190, %dma_start3A_191] : memref<128x128xf32, #tpu.memory_space<vmem>> -> memref<64x128xf32, #tpu.memory_space<vmem>>
      tpu.enqueue_dma source(%dma_start3A_192 : memref<64x128xf32, #tpu.memory_space<vmem>>) target(%dma_start3A_189 : memref<64x128xf32, #tpu.memory_space<vmem_shared>>) target_semaphore(%run_scoped3A : memref<!tpu.dma_semaphore, #tpu.memory_space<semaphore_mem>>)
      %dma_wait3A_193 = arith.constant 0 : i32
      %dma_wait3A_194 = arith.constant 0 : i32
      %dma_wait3A_195 = tpu.memref_slice %arg8[%dma_wait3A_193, %dma_wait3A_194] : memref<128x128xf32, #tpu.memory_space<vmem>> -> memref<64x128xf32, #tpu.memory_space<vmem>>
      %dma_wait3A_196 = arith.constant 0 : i32
      %dma_wait3A_197 = tpu.memref_slice %arg10[%add3A_19, %dma_wait3A_196] : memref<10240x128xf32, #tpu.memory_space<vmem_shared>> -> memref<64x128xf32, #tpu.memory_space<vmem_shared>>
      %dma_wait3A_198 = arith.constant 0 : i32
      %dma_wait3A_199 = tpu.memref_slice %arg10[%add3A_19, %dma_wait3A_198] : memref<10240x128xf32, #tpu.memory_space<vmem_shared>> -> memref<64x128xf32, #tpu.memory_space<vmem_shared>>
      %dma_wait3A_200 = arith.constant 0 : i32
      %dma_wait3A_201 = arith.constant 0 : i32
      %dma_wait3A_202 = tpu.memref_slice %arg8[%dma_wait3A_200, %dma_wait3A_201] : memref<128x128xf32, #tpu.memory_space<vmem>> -> memref<64x128xf32, #tpu.memory_space<vmem>>
      tpu.wait_dma2 semaphore(%run_scoped3A : memref<!tpu.dma_semaphore, #tpu.memory_space<semaphore_mem>>) src(%dma_wait3A_202 : memref<64x128xf32, #tpu.memory_space<vmem>>) dst(%dma_wait3A_199 : memref<64x128xf32, #tpu.memory_space<vmem_shared>>)
      tpu.yield
    }) : () -> ()
    %mul3A_20 = arith.constant 640 : i32
    %mul3A_21 = arith.muli %arg1, %mul3A_20 : i32
    %add3A_22 = arith.constant 128 : i32
    %add3A_23 = arith.addi %mul3A_21, %add3A_22 : i32
    "tpu.region"() ({
      %run_scoped3A = tpu.sem_alloc : memref<!tpu.dma_semaphore, #tpu.memory_space<semaphore_mem>>
      %dma_start3A_183 = arith.constant 0 : i32
      %dma_start3A_184 = arith.constant 0 : i32
      %dma_start3A_185 = tpu.memref_slice %arg8[%dma_start3A_183, %dma_start3A_184] : memref<128x128xf32, #tpu.memory_space<vmem>> -> memref<64x128xf32, #tpu.memory_space<vmem>>
      %dma_start3A_186 = arith.constant 0 : i32
      %dma_start3A_187 = tpu.memref_slice %arg10[%add3A_23, %dma_start3A_186] : memref<10240x128xf32, #tpu.memory_space<vmem_shared>> -> memref<64x128xf32, #tpu.memory_space<vmem_shared>>
      %dma_start3A_188 = arith.constant 0 : i32
      %dma_start3A_189 = tpu.memref_slice %arg10[%add3A_23, %dma_start3A_188] : memref<10240x128xf32, #tpu.memory_space<vmem_shared>> -> memref<64x128xf32, #tpu.memory_space<vmem_shared>>
      %dma_start3A_190 = arith.constant 0 : i32
      %dma_start3A_191 = arith.constant 0 : i32
      %dma_start3A_192 = tpu.memref_slice %arg8[%dma_start3A_190, %dma_start3A_191] : memref<128x128xf32, #tpu.memory_space<vmem>> -> memref<64x128xf32, #tpu.memory_space<vmem>>
      tpu.enqueue_dma source(%dma_start3A_192 : memref<64x128xf32, #tpu.memory_space<vmem>>) target(%dma_start3A_189 : memref<64x128xf32, #tpu.memory_space<vmem_shared>>) target_semaphore(%run_scoped3A : memref<!tpu.dma_semaphore, #tpu.memory_space<semaphore_mem>>)
      %dma_wait3A_193 = arith.constant 0 : i32
      %dma_wait3A_194 = arith.constant 0 : i32
      %dma_wait3A_195 = tpu.memref_slice %arg8[%dma_wait3A_193, %dma_wait3A_194] : memref<128x128xf32, #tpu.memory_space<vmem>> -> memref<64x128xf32, #tpu.memory_space<vmem>>
      %dma_wait3A_196 = arith.constant 0 : i32
      %dma_wait3A_197 = tpu.memref_slice %arg10[%add3A_23, %dma_wait3A_196] : memref<10240x128xf32, #tpu.memory_space<vmem_shared>> -> memref<64x128xf32, #tpu.memory_space<vmem_shared>>
      %dma_wait3A_198 = arith.constant 0 : i32
      %dma_wait3A_199 = tpu.memref_slice %arg10[%add3A_23, %dma_wait3A_198] : memref<10240x128xf32, #tpu.memory_space<vmem_shared>> -> memref<64x128xf32, #tpu.memory_space<vmem_shared>>
      %dma_wait3A_200 = arith.constant 0 : i32
      %dma_wait3A_201 = arith.constant 0 : i32
      %dma_wait3A_202 = tpu.memref_slice %arg8[%dma_wait3A_200, %dma_wait3A_201] : memref<128x128xf32, #tpu.memory_space<vmem>> -> memref<64x128xf32, #tpu.memory_space<vmem>>
      tpu.wait_dma2 semaphore(%run_scoped3A : memref<!tpu.dma_semaphore, #tpu.memory_space<semaphore_mem>>) src(%dma_wait3A_202 : memref<64x128xf32, #tpu.memory_space<vmem>>) dst(%dma_wait3A_199 : memref<64x128xf32, #tpu.memory_space<vmem_shared>>)
      tpu.yield
    }) : () -> ()
    %mul3A_24 = arith.constant 640 : i32
    %mul3A_25 = arith.muli %arg1, %mul3A_24 : i32
    %add3A_26 = arith.constant 192 : i32
    %add3A_27 = arith.addi %mul3A_25, %add3A_26 : i32
    "tpu.region"() ({
      %run_scoped3A = tpu.sem_alloc : memref<!tpu.dma_semaphore, #tpu.memory_space<semaphore_mem>>
      %dma_start3A_183 = arith.constant 0 : i32
      %dma_start3A_184 = arith.constant 0 : i32
      %dma_start3A_185 = tpu.memref_slice %arg8[%dma_start3A_183, %dma_start3A_184] : memref<128x128xf32, #tpu.memory_space<vmem>> -> memref<64x128xf32, #tpu.memory_space<vmem>>
      %dma_start3A_186 = arith.constant 0 : i32
      %dma_start3A_187 = tpu.memref_slice %arg10[%add3A_27, %dma_start3A_186] : memref<10240x128xf32, #tpu.memory_space<vmem_shared>> -> memref<64x128xf32, #tpu.memory_space<vmem_shared>>
      %dma_start3A_188 = arith.constant 0 : i32
      %dma_start3A_189 = tpu.memref_slice %arg10[%add3A_27, %dma_start3A_188] : memref<10240x128xf32, #tpu.memory_space<vmem_shared>> -> memref<64x128xf32, #tpu.memory_space<vmem_shared>>
      %dma_start3A_190 = arith.constant 0 : i32
      %dma_start3A_191 = arith.constant 0 : i32
      %dma_start3A_192 = tpu.memref_slice %arg8[%dma_start3A_190, %dma_start3A_191] : memref<128x128xf32, #tpu.memory_space<vmem>> -> memref<64x128xf32, #tpu.memory_space<vmem>>
      tpu.enqueue_dma source(%dma_start3A_192 : memref<64x128xf32, #tpu.memory_space<vmem>>) target(%dma_start3A_189 : memref<64x128xf32, #tpu.memory_space<vmem_shared>>) target_semaphore(%run_scoped3A : memref<!tpu.dma_semaphore, #tpu.memory_space<semaphore_mem>>)
      %dma_wait3A_193 = arith.constant 0 : i32
      %dma_wait3A_194 = arith.constant 0 : i32
      %dma_wait3A_195 = tpu.memref_slice %arg8[%dma_wait3A_193, %dma_wait3A_194] : memref<128x128xf32, #tpu.memory_space<vmem>> -> memref<64x128xf32, #tpu.memory_space<vmem>>
      %dma_wait3A_196 = arith.constant 0 : i32
      %dma_wait3A_197 = tpu.memref_slice %arg10[%add3A_27, %dma_wait3A_196] : memref<10240x128xf32, #tpu.memory_space<vmem_shared>> -> memref<64x128xf32, #tpu.memory_space<vmem_shared>>
      %dma_wait3A_198 = arith.constant 0 : i32
      %dma_wait3A_199 = tpu.memref_slice %arg10[%add3A_27, %dma_wait3A_198] : memref<10240x128xf32, #tpu.memory_space<vmem_shared>> -> memref<64x128xf32, #tpu.memory_space<vmem_shared>>
      %dma_wait3A_200 = arith.constant 0 : i32
      %dma_wait3A_201 = arith.constant 0 : i32
      %dma_wait3A_202 = tpu.memref_slice %arg8[%dma_wait3A_200, %dma_wait3A_201] : memref<128x128xf32, #tpu.memory_space<vmem>> -> memref<64x128xf32, #tpu.memory_space<vmem>>
      tpu.wait_dma2 semaphore(%run_scoped3A : memref<!tpu.dma_semaphore, #tpu.memory_space<semaphore_mem>>) src(%dma_wait3A_202 : memref<64x128xf32, #tpu.memory_space<vmem>>) dst(%dma_wait3A_199 : memref<64x128xf32, #tpu.memory_space<vmem_shared>>)
      tpu.yield
    }) : () -> ()
    %mul3A_28 = arith.constant 640 : i32
    %mul3A_29 = arith.muli %arg1, %mul3A_28 : i32
    %add3A_30 = arith.constant 256 : i32
    %add3A_31 = arith.addi %mul3A_29, %add3A_30 : i32
    "tpu.region"() ({
      %run_scoped3A = tpu.sem_alloc : memref<!tpu.dma_semaphore, #tpu.memory_space<semaphore_mem>>
      %dma_start3A_183 = arith.constant 0 : i32
      %dma_start3A_184 = arith.constant 0 : i32
      %dma_start3A_185 = tpu.memref_slice %arg8[%dma_start3A_183, %dma_start3A_184] : memref<128x128xf32, #tpu.memory_space<vmem>> -> memref<64x128xf32, #tpu.memory_space<vmem>>
      %dma_start3A_186 = arith.constant 0 : i32
      %dma_start3A_187 = tpu.memref_slice %arg10[%add3A_31, %dma_start3A_186] : memref<10240x128xf32, #tpu.memory_space<vmem_shared>> -> memref<64x128xf32, #tpu.memory_space<vmem_shared>>
      %dma_start3A_188 = arith.constant 0 : i32
      %dma_start3A_189 = tpu.memref_slice %arg10[%add3A_31, %dma_start3A_188] : memref<10240x128xf32, #tpu.memory_space<vmem_shared>> -> memref<64x128xf32, #tpu.memory_space<vmem_shared>>
      %dma_start3A_190 = arith.constant 0 : i32
      %dma_start3A_191 = arith.constant 0 : i32
      %dma_start3A_192 = tpu.memref_slice %arg8[%dma_start3A_190, %dma_start3A_191] : memref<128x128xf32, #tpu.memory_space<vmem>> -> memref<64x128xf32, #tpu.memory_space<vmem>>
      tpu.enqueue_dma source(%dma_start3A_192 : memref<64x128xf32, #tpu.memory_space<vmem>>) target(%dma_start3A_189 : memref<64x128xf32, #tpu.memory_space<vmem_shared>>) target_semaphore(%run_scoped3A : memref<!tpu.dma_semaphore, #tpu.memory_space<semaphore_mem>>)
      %dma_wait3A_193 = arith.constant 0 : i32
      %dma_wait3A_194 = arith.constant 0 : i32
      %dma_wait3A_195 = tpu.memref_slice %arg8[%dma_wait3A_193, %dma_wait3A_194] : memref<128x128xf32, #tpu.memory_space<vmem>> -> memref<64x128xf32, #tpu.memory_space<vmem>>
      %dma_wait3A_196 = arith.constant 0 : i32
      %dma_wait3A_197 = tpu.memref_slice %arg10[%add3A_31, %dma_wait3A_196] : memref<10240x128xf32, #tpu.memory_space<vmem_shared>> -> memref<64x128xf32, #tpu.memory_space<vmem_shared>>
      %dma_wait3A_198 = arith.constant 0 : i32
      %dma_wait3A_199 = tpu.memref_slice %arg10[%add3A_31, %dma_wait3A_198] : memref<10240x128xf32, #tpu.memory_space<vmem_shared>> -> memref<64x128xf32, #tpu.memory_space<vmem_shared>>
      %dma_wait3A_200 = arith.constant 0 : i32
      %dma_wait3A_201 = arith.constant 0 : i32
      %dma_wait3A_202 = tpu.memref_slice %arg8[%dma_wait3A_200, %dma_wait3A_201] : memref<128x128xf32, #tpu.memory_space<vmem>> -> memref<64x128xf32, #tpu.memory_space<vmem>>
      tpu.wait_dma2 semaphore(%run_scoped3A : memref<!tpu.dma_semaphore, #tpu.memory_space<semaphore_mem>>) src(%dma_wait3A_202 : memref<64x128xf32, #tpu.memory_space<vmem>>) dst(%dma_wait3A_199 : memref<64x128xf32, #tpu.memory_space<vmem_shared>>)
      tpu.yield
    }) : () -> ()
    %mul3A_32 = arith.constant 640 : i32
    %mul3A_33 = arith.muli %arg1, %mul3A_32 : i32
    %add3A_34 = arith.constant 320 : i32
    %add3A_35 = arith.addi %mul3A_33, %add3A_34 : i32
    "tpu.region"() ({
      %run_scoped3A = tpu.sem_alloc : memref<!tpu.dma_semaphore, #tpu.memory_space<semaphore_mem>>
      %dma_start3A_183 = arith.constant 0 : i32
      %dma_start3A_184 = arith.constant 0 : i32
      %dma_start3A_185 = tpu.memref_slice %arg8[%dma_start3A_183, %dma_start3A_184] : memref<128x128xf32, #tpu.memory_space<vmem>> -> memref<64x128xf32, #tpu.memory_space<vmem>>
      %dma_start3A_186 = arith.constant 0 : i32
      %dma_start3A_187 = tpu.memref_slice %arg10[%add3A_35, %dma_start3A_186] : memref<10240x128xf32, #tpu.memory_space<vmem_shared>> -> memref<64x128xf32, #tpu.memory_space<vmem_shared>>
      %dma_start3A_188 = arith.constant 0 : i32
      %dma_start3A_189 = tpu.memref_slice %arg10[%add3A_35, %dma_start3A_188] : memref<10240x128xf32, #tpu.memory_space<vmem_shared>> -> memref<64x128xf32, #tpu.memory_space<vmem_shared>>
      %dma_start3A_190 = arith.constant 0 : i32
      %dma_start3A_191 = arith.constant 0 : i32
      %dma_start3A_192 = tpu.memref_slice %arg8[%dma_start3A_190, %dma_start3A_191] : memref<128x128xf32, #tpu.memory_space<vmem>> -> memref<64x128xf32, #tpu.memory_space<vmem>>
      tpu.enqueue_dma source(%dma_start3A_192 : memref<64x128xf32, #tpu.memory_space<vmem>>) target(%dma_start3A_189 : memref<64x128xf32, #tpu.memory_space<vmem_shared>>) target_semaphore(%run_scoped3A : memref<!tpu.dma_semaphore, #tpu.memory_space<semaphore_mem>>)
      %dma_wait3A_193 = arith.constant 0 : i32
      %dma_wait3A_194 = arith.constant 0 : i32
      %dma_wait3A_195 = tpu.memref_slice %arg8[%dma_wait3A_193, %dma_wait3A_194] : memref<128x128xf32, #tpu.memory_space<vmem>> -> memref<64x128xf32, #tpu.memory_space<vmem>>
      %dma_wait3A_196 = arith.constant 0 : i32
      %dma_wait3A_197 = tpu.memref_slice %arg10[%add3A_35, %dma_wait3A_196] : memref<10240x128xf32, #tpu.memory_space<vmem_shared>> -> memref<64x128xf32, #tpu.memory_space<vmem_shared>>
      %dma_wait3A_198 = arith.constant 0 : i32
      %dma_wait3A_199 = tpu.memref_slice %arg10[%add3A_35, %dma_wait3A_198] : memref<10240x128xf32, #tpu.memory_space<vmem_shared>> -> memref<64x128xf32, #tpu.memory_space<vmem_shared>>
      %dma_wait3A_200 = arith.constant 0 : i32
      %dma_wait3A_201 = arith.constant 0 : i32
      %dma_wait3A_202 = tpu.memref_slice %arg8[%dma_wait3A_200, %dma_wait3A_201] : memref<128x128xf32, #tpu.memory_space<vmem>> -> memref<64x128xf32, #tpu.memory_space<vmem>>
      tpu.wait_dma2 semaphore(%run_scoped3A : memref<!tpu.dma_semaphore, #tpu.memory_space<semaphore_mem>>) src(%dma_wait3A_202 : memref<64x128xf32, #tpu.memory_space<vmem>>) dst(%dma_wait3A_199 : memref<64x128xf32, #tpu.memory_space<vmem_shared>>)
      tpu.yield
    }) : () -> ()
    %mul3A_36 = arith.constant 640 : i32
    %mul3A_37 = arith.muli %arg1, %mul3A_36 : i32
    %add3A_38 = arith.constant 384 : i32
    %add3A_39 = arith.addi %mul3A_37, %add3A_38 : i32
    "tpu.region"() ({
      %run_scoped3A = tpu.sem_alloc : memref<!tpu.dma_semaphore, #tpu.memory_space<semaphore_mem>>
      %dma_start3A_183 = arith.constant 0 : i32
      %dma_start3A_184 = arith.constant 0 : i32
      %dma_start3A_185 = tpu.memref_slice %arg8[%dma_start3A_183, %dma_start3A_184] : memref<128x128xf32, #tpu.memory_space<vmem>> -> memref<64x128xf32, #tpu.memory_space<vmem>>
      %dma_start3A_186 = arith.constant 0 : i32
      %dma_start3A_187 = tpu.memref_slice %arg10[%add3A_39, %dma_start3A_186] : memref<10240x128xf32, #tpu.memory_space<vmem_shared>> -> memref<64x128xf32, #tpu.memory_space<vmem_shared>>
      %dma_start3A_188 = arith.constant 0 : i32
      %dma_start3A_189 = tpu.memref_slice %arg10[%add3A_39, %dma_start3A_188] : memref<10240x128xf32, #tpu.memory_space<vmem_shared>> -> memref<64x128xf32, #tpu.memory_space<vmem_shared>>
      %dma_start3A_190 = arith.constant 0 : i32
      %dma_start3A_191 = arith.constant 0 : i32
      %dma_start3A_192 = tpu.memref_slice %arg8[%dma_start3A_190, %dma_start3A_191] : memref<128x128xf32, #tpu.memory_space<vmem>> -> memref<64x128xf32, #tpu.memory_space<vmem>>
      tpu.enqueue_dma source(%dma_start3A_192 : memref<64x128xf32, #tpu.memory_space<vmem>>) target(%dma_start3A_189 : memref<64x128xf32, #tpu.memory_space<vmem_shared>>) target_semaphore(%run_scoped3A : memref<!tpu.dma_semaphore, #tpu.memory_space<semaphore_mem>>)
      %dma_wait3A_193 = arith.constant 0 : i32
      %dma_wait3A_194 = arith.constant 0 : i32
      %dma_wait3A_195 = tpu.memref_slice %arg8[%dma_wait3A_193, %dma_wait3A_194] : memref<128x128xf32, #tpu.memory_space<vmem>> -> memref<64x128xf32, #tpu.memory_space<vmem>>
      %dma_wait3A_196 = arith.constant 0 : i32
      %dma_wait3A_197 = tpu.memref_slice %arg10[%add3A_39, %dma_wait3A_196] : memref<10240x128xf32, #tpu.memory_space<vmem_shared>> -> memref<64x128xf32, #tpu.memory_space<vmem_shared>>
      %dma_wait3A_198 = arith.constant 0 : i32
      %dma_wait3A_199 = tpu.memref_slice %arg10[%add3A_39, %dma_wait3A_198] : memref<10240x128xf32, #tpu.memory_space<vmem_shared>> -> memref<64x128xf32, #tpu.memory_space<vmem_shared>>
      %dma_wait3A_200 = arith.constant 0 : i32
      %dma_wait3A_201 = arith.constant 0 : i32
      %dma_wait3A_202 = tpu.memref_slice %arg8[%dma_wait3A_200, %dma_wait3A_201] : memref<128x128xf32, #tpu.memory_space<vmem>> -> memref<64x128xf32, #tpu.memory_space<vmem>>
      tpu.wait_dma2 semaphore(%run_scoped3A : memref<!tpu.dma_semaphore, #tpu.memory_space<semaphore_mem>>) src(%dma_wait3A_202 : memref<64x128xf32, #tpu.memory_space<vmem>>) dst(%dma_wait3A_199 : memref<64x128xf32, #tpu.memory_space<vmem_shared>>)
      tpu.yield
    }) : () -> ()
    %mul3A_40 = arith.constant 640 : i32
    %mul3A_41 = arith.muli %arg1, %mul3A_40 : i32
    %add3A_42 = arith.constant 448 : i32
    %add3A_43 = arith.addi %mul3A_41, %add3A_42 : i32
    "tpu.region"() ({
      %run_scoped3A = tpu.sem_alloc : memref<!tpu.dma_semaphore, #tpu.memory_space<semaphore_mem>>
      %dma_start3A_183 = arith.constant 0 : i32
      %dma_start3A_184 = arith.constant 0 : i32
      %dma_start3A_185 = tpu.memref_slice %arg8[%dma_start3A_183, %dma_start3A_184] : memref<128x128xf32, #tpu.memory_space<vmem>> -> memref<64x128xf32, #tpu.memory_space<vmem>>
      %dma_start3A_186 = arith.constant 0 : i32
      %dma_start3A_187 = tpu.memref_slice %arg10[%add3A_43, %dma_start3A_186] : memref<10240x128xf32, #tpu.memory_space<vmem_shared>> -> memref<64x128xf32, #tpu.memory_space<vmem_shared>>
      %dma_start3A_188 = arith.constant 0 : i32
      %dma_start3A_189 = tpu.memref_slice %arg10[%add3A_43, %dma_start3A_188] : memref<10240x128xf32, #tpu.memory_space<vmem_shared>> -> memref<64x128xf32, #tpu.memory_space<vmem_shared>>
      %dma_start3A_190 = arith.constant 0 : i32
      %dma_start3A_191 = arith.constant 0 : i32
      %dma_start3A_192 = tpu.memref_slice %arg8[%dma_start3A_190, %dma_start3A_191] : memref<128x128xf32, #tpu.memory_space<vmem>> -> memref<64x128xf32, #tpu.memory_space<vmem>>
      tpu.enqueue_dma source(%dma_start3A_192 : memref<64x128xf32, #tpu.memory_space<vmem>>) target(%dma_start3A_189 : memref<64x128xf32, #tpu.memory_space<vmem_shared>>) target_semaphore(%run_scoped3A : memref<!tpu.dma_semaphore, #tpu.memory_space<semaphore_mem>>)
      %dma_wait3A_193 = arith.constant 0 : i32
      %dma_wait3A_194 = arith.constant 0 : i32
      %dma_wait3A_195 = tpu.memref_slice %arg8[%dma_wait3A_193, %dma_wait3A_194] : memref<128x128xf32, #tpu.memory_space<vmem>> -> memref<64x128xf32, #tpu.memory_space<vmem>>
      %dma_wait3A_196 = arith.constant 0 : i32
      %dma_wait3A_197 = tpu.memref_slice %arg10[%add3A_43, %dma_wait3A_196] : memref<10240x128xf32, #tpu.memory_space<vmem_shared>> -> memref<64x128xf32, #tpu.memory_space<vmem_shared>>
      %dma_wait3A_198 = arith.constant 0 : i32
      %dma_wait3A_199 = tpu.memref_slice %arg10[%add3A_43, %dma_wait3A_198] : memref<10240x128xf32, #tpu.memory_space<vmem_shared>> -> memref<64x128xf32, #tpu.memory_space<vmem_shared>>
      %dma_wait3A_200 = arith.constant 0 : i32
      %dma_wait3A_201 = arith.constant 0 : i32
      %dma_wait3A_202 = tpu.memref_slice %arg8[%dma_wait3A_200, %dma_wait3A_201] : memref<128x128xf32, #tpu.memory_space<vmem>> -> memref<64x128xf32, #tpu.memory_space<vmem>>
      tpu.wait_dma2 semaphore(%run_scoped3A : memref<!tpu.dma_semaphore, #tpu.memory_space<semaphore_mem>>) src(%dma_wait3A_202 : memref<64x128xf32, #tpu.memory_space<vmem>>) dst(%dma_wait3A_199 : memref<64x128xf32, #tpu.memory_space<vmem_shared>>)
      tpu.yield
    }) : () -> ()
    %mul3A_44 = arith.constant 640 : i32
    %mul3A_45 = arith.muli %arg1, %mul3A_44 : i32
    %add3A_46 = arith.constant 512 : i32
    %add3A_47 = arith.addi %mul3A_45, %add3A_46 : i32
    "tpu.region"() ({
      %run_scoped3A = tpu.sem_alloc : memref<!tpu.dma_semaphore, #tpu.memory_space<semaphore_mem>>
      %dma_start3A_183 = arith.constant 0 : i32
      %dma_start3A_184 = arith.constant 0 : i32
      %dma_start3A_185 = tpu.memref_slice %arg8[%dma_start3A_183, %dma_start3A_184] : memref<128x128xf32, #tpu.memory_space<vmem>> -> memref<64x128xf32, #tpu.memory_space<vmem>>
      %dma_start3A_186 = arith.constant 0 : i32
      %dma_start3A_187 = tpu.memref_slice %arg10[%add3A_47, %dma_start3A_186] : memref<10240x128xf32, #tpu.memory_space<vmem_shared>> -> memref<64x128xf32, #tpu.memory_space<vmem_shared>>
      %dma_start3A_188 = arith.constant 0 : i32
      %dma_start3A_189 = tpu.memref_slice %arg10[%add3A_47, %dma_start3A_188] : memref<10240x128xf32, #tpu.memory_space<vmem_shared>> -> memref<64x128xf32, #tpu.memory_space<vmem_shared>>
      %dma_start3A_190 = arith.constant 0 : i32
      %dma_start3A_191 = arith.constant 0 : i32
      %dma_start3A_192 = tpu.memref_slice %arg8[%dma_start3A_190, %dma_start3A_191] : memref<128x128xf32, #tpu.memory_space<vmem>> -> memref<64x128xf32, #tpu.memory_space<vmem>>
      tpu.enqueue_dma source(%dma_start3A_192 : memref<64x128xf32, #tpu.memory_space<vmem>>) target(%dma_start3A_189 : memref<64x128xf32, #tpu.memory_space<vmem_shared>>) target_semaphore(%run_scoped3A : memref<!tpu.dma_semaphore, #tpu.memory_space<semaphore_mem>>)
      %dma_wait3A_193 = arith.constant 0 : i32
      %dma_wait3A_194 = arith.constant 0 : i32
      %dma_wait3A_195 = tpu.memref_slice %arg8[%dma_wait3A_193, %dma_wait3A_194] : memref<128x128xf32, #tpu.memory_space<vmem>> -> memref<64x128xf32, #tpu.memory_space<vmem>>
      %dma_wait3A_196 = arith.constant 0 : i32
      %dma_wait3A_197 = tpu.memref_slice %arg10[%add3A_47, %dma_wait3A_196] : memref<10240x128xf32, #tpu.memory_space<vmem_shared>> -> memref<64x128xf32, #tpu.memory_space<vmem_shared>>
      %dma_wait3A_198 = arith.constant 0 : i32
      %dma_wait3A_199 = tpu.memref_slice %arg10[%add3A_47, %dma_wait3A_198] : memref<10240x128xf32, #tpu.memory_space<vmem_shared>> -> memref<64x128xf32, #tpu.memory_space<vmem_shared>>
      %dma_wait3A_200 = arith.constant 0 : i32
      %dma_wait3A_201 = arith.constant 0 : i32
      %dma_wait3A_202 = tpu.memref_slice %arg8[%dma_wait3A_200, %dma_wait3A_201] : memref<128x128xf32, #tpu.memory_space<vmem>> -> memref<64x128xf32, #tpu.memory_space<vmem>>
      tpu.wait_dma2 semaphore(%run_scoped3A : memref<!tpu.dma_semaphore, #tpu.memory_space<semaphore_mem>>) src(%dma_wait3A_202 : memref<64x128xf32, #tpu.memory_space<vmem>>) dst(%dma_wait3A_199 : memref<64x128xf32, #tpu.memory_space<vmem_shared>>)
      tpu.yield
    }) : () -> ()
    %mul3A_48 = arith.constant 640 : i32
    %mul3A_49 = arith.muli %arg1, %mul3A_48 : i32
    %add3A_50 = arith.constant 576 : i32
    %add3A_51 = arith.addi %mul3A_49, %add3A_50 : i32
    "tpu.region"() ({
      %run_scoped3A = tpu.sem_alloc : memref<!tpu.dma_semaphore, #tpu.memory_space<semaphore_mem>>
      %dma_start3A_183 = arith.constant 0 : i32
      %dma_start3A_184 = arith.constant 0 : i32
      %dma_start3A_185 = tpu.memref_slice %arg8[%dma_start3A_183, %dma_start3A_184] : memref<128x128xf32, #tpu.memory_space<vmem>> -> memref<64x128xf32, #tpu.memory_space<vmem>>
      %dma_start3A_186 = arith.constant 0 : i32
      %dma_start3A_187 = tpu.memref_slice %arg10[%add3A_51, %dma_start3A_186] : memref<10240x128xf32, #tpu.memory_space<vmem_shared>> -> memref<64x128xf32, #tpu.memory_space<vmem_shared>>
      %dma_start3A_188 = arith.constant 0 : i32
      %dma_start3A_189 = tpu.memref_slice %arg10[%add3A_51, %dma_start3A_188] : memref<10240x128xf32, #tpu.memory_space<vmem_shared>> -> memref<64x128xf32, #tpu.memory_space<vmem_shared>>
      %dma_start3A_190 = arith.constant 0 : i32
      %dma_start3A_191 = arith.constant 0 : i32
      %dma_start3A_192 = tpu.memref_slice %arg8[%dma_start3A_190, %dma_start3A_191] : memref<128x128xf32, #tpu.memory_space<vmem>> -> memref<64x128xf32, #tpu.memory_space<vmem>>
      tpu.enqueue_dma source(%dma_start3A_192 : memref<64x128xf32, #tpu.memory_space<vmem>>) target(%dma_start3A_189 : memref<64x128xf32, #tpu.memory_space<vmem_shared>>) target_semaphore(%run_scoped3A : memref<!tpu.dma_semaphore, #tpu.memory_space<semaphore_mem>>)
      %dma_wait3A_193 = arith.constant 0 : i32
      %dma_wait3A_194 = arith.constant 0 : i32
      %dma_wait3A_195 = tpu.memref_slice %arg8[%dma_wait3A_193, %dma_wait3A_194] : memref<128x128xf32, #tpu.memory_space<vmem>> -> memref<64x128xf32, #tpu.memory_space<vmem>>
      %dma_wait3A_196 = arith.constant 0 : i32
      %dma_wait3A_197 = tpu.memref_slice %arg10[%add3A_51, %dma_wait3A_196] : memref<10240x128xf32, #tpu.memory_space<vmem_shared>> -> memref<64x128xf32, #tpu.memory_space<vmem_shared>>
      %dma_wait3A_198 = arith.constant 0 : i32
      %dma_wait3A_199 = tpu.memref_slice %arg10[%add3A_51, %dma_wait3A_198] : memref<10240x128xf32, #tpu.memory_space<vmem_shared>> -> memref<64x128xf32, #tpu.memory_space<vmem_shared>>
      %dma_wait3A_200 = arith.constant 0 : i32
      %dma_wait3A_201 = arith.constant 0 : i32
      %dma_wait3A_202 = tpu.memref_slice %arg8[%dma_wait3A_200, %dma_wait3A_201] : memref<128x128xf32, #tpu.memory_space<vmem>> -> memref<64x128xf32, #tpu.memory_space<vmem>>
      tpu.wait_dma2 semaphore(%run_scoped3A : memref<!tpu.dma_semaphore, #tpu.memory_space<semaphore_mem>>) src(%dma_wait3A_202 : memref<64x128xf32, #tpu.memory_space<vmem>>) dst(%dma_wait3A_199 : memref<64x128xf32, #tpu.memory_space<vmem_shared>>)
      tpu.yield
    }) : () -> ()
    %barrier3A = arith.constant 0 : index
    tpu.barrier barrier_id(%barrier3A)
    %mul3A_52 = arith.constant 0 : i32
    %mul3A_53 = arith.constant 128 : i32
    %mul3A_54 = arith.muli %mul3A_52, %mul3A_53 : i32
    %dma_start3A = tpu.memref_slice %arg6[%mul3A_54] : memref<10496xi32, #tpu.memory_space<vmem>> -> memref<128xi32, #tpu.memory_space<vmem>>
    %dma_start3A_55 = arith.constant 0 : i32
    %dma_start3A_56 = arith.constant 0 : i32
    %dma_start3A_57 = tpu.memref_slice %arg2[%dma_start3A_55, %dma_start3A_56] : memref<10000x128xf32, #tpu.memory_space<hbm>> -> memref<10000x128xf32, #tpu.memory_space<hbm>>
    tpu.enqueue_indirect_dma source(%dma_start3A_57 : memref<10000x128xf32, #tpu.memory_space<hbm>>) target(%arg8 : memref<128x128xf32, #tpu.memory_space<vmem>>) offsets(%dma_start3A : memref<128xi32, #tpu.memory_space<vmem>>) semaphore(%arg11 : memref<!tpu.dma_semaphore, #tpu.memory_space<semaphore_mem>>)
    %mul3A_58 = arith.constant 1 : i32
    %mul3A_59 = arith.constant 128 : i32
    %mul3A_60 = arith.muli %mul3A_58, %mul3A_59 : i32
    %dma_start3A_61 = tpu.memref_slice %arg6[%mul3A_60] : memref<10496xi32, #tpu.memory_space<vmem>> -> memref<128xi32, #tpu.memory_space<vmem>>
    %dma_start3A_62 = arith.constant 0 : i32
    %dma_start3A_63 = arith.constant 0 : i32
    %dma_start3A_64 = tpu.memref_slice %arg2[%dma_start3A_62, %dma_start3A_63] : memref<10000x128xf32, #tpu.memory_space<hbm>> -> memref<10000x128xf32, #tpu.memory_space<hbm>>
    tpu.enqueue_indirect_dma source(%dma_start3A_64 : memref<10000x128xf32, #tpu.memory_space<hbm>>) target(%arg9 : memref<128x128xf32, #tpu.memory_space<vmem>>) offsets(%dma_start3A_61 : memref<128xi32, #tpu.memory_space<vmem>>) semaphore(%arg12 : memref<!tpu.dma_semaphore, #tpu.memory_space<semaphore_mem>>)
    %mul3A_65 = arith.constant 0 : i32
    %mul3A_66 = arith.constant 128 : i32
    %mul3A_67 = arith.muli %mul3A_65, %mul3A_66 : i32
    %dma_start3A_68 = arith.constant 0 : i32
    %dma_start3A_69 = arith.constant 0 : i32
    %dma_start3A_70 = tpu.memref_slice %arg7[%dma_start3A_68, %dma_start3A_69] : memref<2x128xi32, #tpu.memory_space<vmem>> -> memref<1x128xi32, #tpu.memory_space<vmem>>
    %dma_start3A_71 = tpu.memref_squeeze %dma_start3A_70 : memref<1x128xi32, #tpu.memory_space<vmem>> -> memref<128xi32, #tpu.memory_space<vmem>>
    %dma_start3A_72 = tpu.memref_slice %arg4[%add3A, %mul3A_67] : memref<32x10496xi32, #tpu.memory_space<hbm>> -> memref<1x128xi32, #tpu.memory_space<hbm>>
    %dma_start3A_73 = tpu.memref_squeeze %dma_start3A_72 : memref<1x128xi32, #tpu.memory_space<hbm>> -> memref<128xi32, #tpu.memory_space<hbm>>
    %dma_start3A_74 = arith.constant 0 : i32
    %dma_start3A_75 = tpu.memref_slice %arg7[%dma_start3A_68, %dma_start3A_74] : memref<2x128xi32, #tpu.memory_space<vmem>> -> memref<1x128xi32, #tpu.memory_space<vmem>>
    %dma_start3A_76 = tpu.memref_squeeze %dma_start3A_75 : memref<1x128xi32, #tpu.memory_space<vmem>> -> memref<128xi32, #tpu.memory_space<vmem>>
    %dma_start3A_77 = tpu.memref_slice %arg4[%add3A, %mul3A_67] : memref<32x10496xi32, #tpu.memory_space<hbm>> -> memref<1x128xi32, #tpu.memory_space<hbm>>
    %dma_start3A_78 = tpu.memref_squeeze %dma_start3A_77 : memref<1x128xi32, #tpu.memory_space<hbm>> -> memref<128xi32, #tpu.memory_space<hbm>>
    tpu.enqueue_dma source(%dma_start3A_78 : memref<128xi32, #tpu.memory_space<hbm>>) target(%dma_start3A_76 : memref<128xi32, #tpu.memory_space<vmem>>) target_semaphore(%arg13 : memref<!tpu.dma_semaphore, #tpu.memory_space<semaphore_mem>>)
    %mul3A_79 = arith.constant 1 : i32
    %mul3A_80 = arith.constant 128 : i32
    %mul3A_81 = arith.muli %mul3A_79, %mul3A_80 : i32
    %dma_start3A_82 = arith.constant 1 : i32
    %dma_start3A_83 = arith.constant 0 : i32
    %dma_start3A_84 = tpu.memref_slice %arg7[%dma_start3A_82, %dma_start3A_83] : memref<2x128xi32, #tpu.memory_space<vmem>> -> memref<1x128xi32, #tpu.memory_space<vmem>>
    %dma_start3A_85 = tpu.memref_squeeze %dma_start3A_84 : memref<1x128xi32, #tpu.memory_space<vmem>> -> memref<128xi32, #tpu.memory_space<vmem>>
    %dma_start3A_86 = tpu.memref_slice %arg4[%add3A, %mul3A_81] : memref<32x10496xi32, #tpu.memory_space<hbm>> -> memref<1x128xi32, #tpu.memory_space<hbm>>
    %dma_start3A_87 = tpu.memref_squeeze %dma_start3A_86 : memref<1x128xi32, #tpu.memory_space<hbm>> -> memref<128xi32, #tpu.memory_space<hbm>>
    %dma_start3A_88 = arith.constant 0 : i32
    %dma_start3A_89 = tpu.memref_slice %arg7[%dma_start3A_82, %dma_start3A_88] : memref<2x128xi32, #tpu.memory_space<vmem>> -> memref<1x128xi32, #tpu.memory_space<vmem>>
    %dma_start3A_90 = tpu.memref_squeeze %dma_start3A_89 : memref<1x128xi32, #tpu.memory_space<vmem>> -> memref<128xi32, #tpu.memory_space<vmem>>
    %dma_start3A_91 = tpu.memref_slice %arg4[%add3A, %mul3A_81] : memref<32x10496xi32, #tpu.memory_space<hbm>> -> memref<1x128xi32, #tpu.memory_space<hbm>>
    %dma_start3A_92 = tpu.memref_squeeze %dma_start3A_91 : memref<1x128xi32, #tpu.memory_space<hbm>> -> memref<128xi32, #tpu.memory_space<hbm>>
    tpu.enqueue_dma source(%dma_start3A_92 : memref<128xi32, #tpu.memory_space<hbm>>) target(%dma_start3A_90 : memref<128xi32, #tpu.memory_space<vmem>>) target_semaphore(%arg14 : memref<!tpu.dma_semaphore, #tpu.memory_space<semaphore_mem>>)
    %while3A_93 = arith.constant 0 : i32
    %while3A_94 = arith.constant 0 : i32
    %while3A_95 = arith.constant 1 : i32
    %while3A_96 = arith.constant 0 : i32
    %while3A_97 = arith.constant 40 : i32
    %while3A_98 = arith.subi %while3A_97, %while3A_96 : i32
    %while3A_99 = arith.addi %while3A_96, %while3A_98 : i32
    %while3A_100 = arith.constant 1 : i32
    %while3A_101 = arith.divsi %while3A_98, %while3A_100 : i32
    %while3A_102 = arith.muli %while3A_101, %while3A_100 : i32
    %while3A_103 = arith.addi %while3A_96, %while3A_102 : i32
    %while3A_104 = arith.constant 1 : i32
    scf.for %while3A_183 = %while3A_96 to %while3A_103 step %while3A_104  : i32 {
      %mul3A_184 = arith.constant 2 : i32
      %mul3A_185 = arith.muli %mul3A_184, %while3A_183 : i32
      %mul3A_186 = arith.constant 128 : i32
      %mul3A_187 = arith.muli %mul3A_185, %mul3A_186 : i32
      %dma_wait3A_188 = tpu.memref_slice %arg6[%mul3A_187] : memref<10496xi32, #tpu.memory_space<vmem>> -> memref<128xi32, #tpu.memory_space<vmem>>
      %dma_wait3A_189 = arith.constant 0 : i32
      %dma_wait3A_190 = arith.constant 0 : i32
      %dma_wait3A_191 = tpu.memref_slice %arg2[%dma_wait3A_189, %dma_wait3A_190] : memref<10000x128xf32, #tpu.memory_space<hbm>> -> memref<10000x128xf32, #tpu.memory_space<hbm>>
      tpu.wait_indirect_dma semaphore(%arg11 : memref<!tpu.dma_semaphore, #tpu.memory_space<semaphore_mem>>) src(%dma_wait3A_191 : memref<10000x128xf32, #tpu.memory_space<hbm>>) dst(%arg8 : memref<128x128xf32, #tpu.memory_space<vmem>>)
      %mul3A_192 = arith.constant 128 : i32
      %mul3A_193 = arith.muli %mul3A_185, %mul3A_192 : i32
      %dma_wait3A_194 = arith.constant 0 : i32
      %dma_wait3A_195 = tpu.memref_slice %arg7[%while3A_94, %dma_wait3A_194] : memref<2x128xi32, #tpu.memory_space<vmem>> -> memref<1x128xi32, #tpu.memory_space<vmem>>
      %dma_wait3A_196 = tpu.memref_squeeze %dma_wait3A_195 : memref<1x128xi32, #tpu.memory_space<vmem>> -> memref<128xi32, #tpu.memory_space<vmem>>
      %dma_wait3A_197 = tpu.memref_slice %arg4[%add3A, %mul3A_193] : memref<32x10496xi32, #tpu.memory_space<hbm>> -> memref<1x128xi32, #tpu.memory_space<hbm>>
      %dma_wait3A_198 = tpu.memref_squeeze %dma_wait3A_197 : memref<1x128xi32, #tpu.memory_space<hbm>> -> memref<128xi32, #tpu.memory_space<hbm>>
      %dma_wait3A_199 = arith.constant 0 : i32
      %dma_wait3A_200 = tpu.memref_slice %arg7[%while3A_94, %dma_wait3A_199] : memref<2x128xi32, #tpu.memory_space<vmem>> -> memref<1x128xi32, #tpu.memory_space<vmem>>
      %dma_wait3A_201 = tpu.memref_squeeze %dma_wait3A_200 : memref<1x128xi32, #tpu.memory_space<vmem>> -> memref<128xi32, #tpu.memory_space<vmem>>
      %dma_wait3A_202 = tpu.memref_slice %arg4[%add3A, %mul3A_193] : memref<32x10496xi32, #tpu.memory_space<hbm>> -> memref<1x128xi32, #tpu.memory_space<hbm>>
      %dma_wait3A_203 = tpu.memref_squeeze %dma_wait3A_202 : memref<1x128xi32, #tpu.memory_space<hbm>> -> memref<128xi32, #tpu.memory_space<hbm>>
      tpu.wait_dma2 semaphore(%arg13 : memref<!tpu.dma_semaphore, #tpu.memory_space<semaphore_mem>>) src(%dma_wait3A_203 : memref<128xi32, #tpu.memory_space<hbm>>) dst(%dma_wait3A_201 : memref<128xi32, #tpu.memory_space<vmem>>)
      "tpu.region"() ({
        %run_scoped3A = tpu.sem_alloc : memref<!tpu.dma_semaphore, #tpu.memory_space<semaphore_mem>>
        %dma_start3A_268 = arith.constant 0 : i32
        %dma_start3A_269 = tpu.memref_slice %arg7[%while3A_94, %dma_start3A_268] : memref<2x128xi32, #tpu.memory_space<vmem>> -> memref<1x128xi32, #tpu.memory_space<vmem>>
        %dma_start3A_270 = tpu.memref_squeeze %dma_start3A_269 : memref<1x128xi32, #tpu.memory_space<vmem>> -> memref<128xi32, #tpu.memory_space<vmem>>
        %dma_start3A_271 = arith.constant 0 : i32
        %dma_start3A_272 = arith.constant 0 : i32
        %dma_start3A_273 = tpu.memref_slice %arg10[%dma_start3A_271, %dma_start3A_272] : memref<10240x128xf32, #tpu.memory_space<vmem_shared>> -> memref<10240x128xf32, #tpu.memory_space<vmem_shared>>
        tpu.enqueue_indirect_dma source(%arg8 : memref<128x128xf32, #tpu.memory_space<vmem>>) target(%dma_start3A_273 : memref<10240x128xf32, #tpu.memory_space<vmem_shared>>) offsets(%dma_start3A_270 : memref<128xi32, #tpu.memory_space<vmem>>) semaphore(%run_scoped3A : memref<!tpu.dma_semaphore, #tpu.memory_space<semaphore_mem>>) {add = true}
        %dma_wait3A_274 = arith.constant 0 : i32
        %dma_wait3A_275 = tpu.memref_slice %arg7[%while3A_94, %dma_wait3A_274] : memref<2x128xi32, #tpu.memory_space<vmem>> -> memref<1x128xi32, #tpu.memory_space<vmem>>
        %dma_wait3A_276 = tpu.memref_squeeze %dma_wait3A_275 : memref<1x128xi32, #tpu.memory_space<vmem>> -> memref<128xi32, #tpu.memory_space<vmem>>
        %dma_wait3A_277 = arith.constant 0 : i32
        %dma_wait3A_278 = arith.constant 0 : i32
        %dma_wait3A_279 = tpu.memref_slice %arg10[%dma_wait3A_277, %dma_wait3A_278] : memref<10240x128xf32, #tpu.memory_space<vmem_shared>> -> memref<10240x128xf32, #tpu.memory_space<vmem_shared>>
        tpu.wait_indirect_dma semaphore(%run_scoped3A : memref<!tpu.dma_semaphore, #tpu.memory_space<semaphore_mem>>) src(%arg8 : memref<128x128xf32, #tpu.memory_space<vmem>>) dst(%dma_wait3A_279 : memref<10240x128xf32, #tpu.memory_space<vmem_shared>>)
        tpu.yield
      }) : () -> ()
      %add3A_204 = arith.constant 2 : i32
      %add3A_205 = arith.addi %mul3A_185, %add3A_204 : i32
      %mul3A_206 = arith.constant 128 : i32
      %mul3A_207 = arith.muli %add3A_205, %mul3A_206 : i32
      %dma_start3A_208 = arith.constant 0 : i32
      %dma_start3A_209 = tpu.memref_slice %arg7[%while3A_94, %dma_start3A_208] : memref<2x128xi32, #tpu.memory_space<vmem>> -> memref<1x128xi32, #tpu.memory_space<vmem>>
      %dma_start3A_210 = tpu.memref_squeeze %dma_start3A_209 : memref<1x128xi32, #tpu.memory_space<vmem>> -> memref<128xi32, #tpu.memory_space<vmem>>
      %dma_start3A_211 = tpu.memref_slice %arg4[%add3A, %mul3A_207] : memref<32x10496xi32, #tpu.memory_space<hbm>> -> memref<1x128xi32, #tpu.memory_space<hbm>>
      %dma_start3A_212 = tpu.memref_squeeze %dma_start3A_211 : memref<1x128xi32, #tpu.memory_space<hbm>> -> memref<128xi32, #tpu.memory_space<hbm>>
      %dma_start3A_213 = arith.constant 0 : i32
      %dma_start3A_214 = tpu.memref_slice %arg7[%while3A_94, %dma_start3A_213] : memref<2x128xi32, #tpu.memory_space<vmem>> -> memref<1x128xi32, #tpu.memory_space<vmem>>
      %dma_start3A_215 = tpu.memref_squeeze %dma_start3A_214 : memref<1x128xi32, #tpu.memory_space<vmem>> -> memref<128xi32, #tpu.memory_space<vmem>>
      %dma_start3A_216 = tpu.memref_slice %arg4[%add3A, %mul3A_207] : memref<32x10496xi32, #tpu.memory_space<hbm>> -> memref<1x128xi32, #tpu.memory_space<hbm>>
      %dma_start3A_217 = tpu.memref_squeeze %dma_start3A_216 : memref<1x128xi32, #tpu.memory_space<hbm>> -> memref<128xi32, #tpu.memory_space<hbm>>
      tpu.enqueue_dma source(%dma_start3A_217 : memref<128xi32, #tpu.memory_space<hbm>>) target(%dma_start3A_215 : memref<128xi32, #tpu.memory_space<vmem>>) target_semaphore(%arg13 : memref<!tpu.dma_semaphore, #tpu.memory_space<semaphore_mem>>)
      %add3A_218 = arith.constant 2 : i32
      %add3A_219 = arith.addi %mul3A_185, %add3A_218 : i32
      %mul3A_220 = arith.constant 128 : i32
      %mul3A_221 = arith.muli %add3A_219, %mul3A_220 : i32
      %dma_start3A_222 = tpu.memref_slice %arg6[%mul3A_221] : memref<10496xi32, #tpu.memory_space<vmem>> -> memref<128xi32, #tpu.memory_space<vmem>>
      %dma_start3A_223 = arith.constant 0 : i32
      %dma_start3A_224 = arith.constant 0 : i32
      %dma_start3A_225 = tpu.memref_slice %arg2[%dma_start3A_223, %dma_start3A_224] : memref<10000x128xf32, #tpu.memory_space<hbm>> -> memref<10000x128xf32, #tpu.memory_space<hbm>>
      tpu.enqueue_indirect_dma source(%dma_start3A_225 : memref<10000x128xf32, #tpu.memory_space<hbm>>) target(%arg8 : memref<128x128xf32, #tpu.memory_space<vmem>>) offsets(%dma_start3A_222 : memref<128xi32, #tpu.memory_space<vmem>>) semaphore(%arg11 : memref<!tpu.dma_semaphore, #tpu.memory_space<semaphore_mem>>)
      %add3A_226 = arith.constant 1 : i32
      %add3A_227 = arith.addi %mul3A_185, %add3A_226 : i32
      %mul3A_228 = arith.constant 128 : i32
      %mul3A_229 = arith.muli %add3A_227, %mul3A_228 : i32
      %dma_wait3A_230 = tpu.memref_slice %arg6[%mul3A_229] : memref<10496xi32, #tpu.memory_space<vmem>> -> memref<128xi32, #tpu.memory_space<vmem>>
      %dma_wait3A_231 = arith.constant 0 : i32
      %dma_wait3A_232 = arith.constant 0 : i32
      %dma_wait3A_233 = tpu.memref_slice %arg2[%dma_wait3A_231, %dma_wait3A_232] : memref<10000x128xf32, #tpu.memory_space<hbm>> -> memref<10000x128xf32, #tpu.memory_space<hbm>>
      tpu.wait_indirect_dma semaphore(%arg12 : memref<!tpu.dma_semaphore, #tpu.memory_space<semaphore_mem>>) src(%dma_wait3A_233 : memref<10000x128xf32, #tpu.memory_space<hbm>>) dst(%arg9 : memref<128x128xf32, #tpu.memory_space<vmem>>)
      %mul3A_234 = arith.constant 128 : i32
      %mul3A_235 = arith.muli %add3A_227, %mul3A_234 : i32
      %dma_wait3A_236 = arith.constant 0 : i32
      %dma_wait3A_237 = tpu.memref_slice %arg7[%while3A_95, %dma_wait3A_236] : memref<2x128xi32, #tpu.memory_space<vmem>> -> memref<1x128xi32, #tpu.memory_space<vmem>>
      %dma_wait3A_238 = tpu.memref_squeeze %dma_wait3A_237 : memref<1x128xi32, #tpu.memory_space<vmem>> -> memref<128xi32, #tpu.memory_space<vmem>>
      %dma_wait3A_239 = tpu.memref_slice %arg4[%add3A, %mul3A_235] : memref<32x10496xi32, #tpu.memory_space<hbm>> -> memref<1x128xi32, #tpu.memory_space<hbm>>
      %dma_wait3A_240 = tpu.memref_squeeze %dma_wait3A_239 : memref<1x128xi32, #tpu.memory_space<hbm>> -> memref<128xi32, #tpu.memory_space<hbm>>
      %dma_wait3A_241 = arith.constant 0 : i32
      %dma_wait3A_242 = tpu.memref_slice %arg7[%while3A_95, %dma_wait3A_241] : memref<2x128xi32, #tpu.memory_space<vmem>> -> memref<1x128xi32, #tpu.memory_space<vmem>>
      %dma_wait3A_243 = tpu.memref_squeeze %dma_wait3A_242 : memref<1x128xi32, #tpu.memory_space<vmem>> -> memref<128xi32, #tpu.memory_space<vmem>>
      %dma_wait3A_244 = tpu.memref_slice %arg4[%add3A, %mul3A_235] : memref<32x10496xi32, #tpu.memory_space<hbm>> -> memref<1x128xi32, #tpu.memory_space<hbm>>
      %dma_wait3A_245 = tpu.memref_squeeze %dma_wait3A_244 : memref<1x128xi32, #tpu.memory_space<hbm>> -> memref<128xi32, #tpu.memory_space<hbm>>
      tpu.wait_dma2 semaphore(%arg14 : memref<!tpu.dma_semaphore, #tpu.memory_space<semaphore_mem>>) src(%dma_wait3A_245 : memref<128xi32, #tpu.memory_space<hbm>>) dst(%dma_wait3A_243 : memref<128xi32, #tpu.memory_space<vmem>>)
      "tpu.region"() ({
        %run_scoped3A = tpu.sem_alloc : memref<!tpu.dma_semaphore, #tpu.memory_space<semaphore_mem>>
        %dma_start3A_268 = arith.constant 0 : i32
        %dma_start3A_269 = tpu.memref_slice %arg7[%while3A_95, %dma_start3A_268] : memref<2x128xi32, #tpu.memory_space<vmem>> -> memref<1x128xi32, #tpu.memory_space<vmem>>
        %dma_start3A_270 = tpu.memref_squeeze %dma_start3A_269 : memref<1x128xi32, #tpu.memory_space<vmem>> -> memref<128xi32, #tpu.memory_space<vmem>>
        %dma_start3A_271 = arith.constant 0 : i32
        %dma_start3A_272 = arith.constant 0 : i32
        %dma_start3A_273 = tpu.memref_slice %arg10[%dma_start3A_271, %dma_start3A_272] : memref<10240x128xf32, #tpu.memory_space<vmem_shared>> -> memref<10240x128xf32, #tpu.memory_space<vmem_shared>>
        tpu.enqueue_indirect_dma source(%arg9 : memref<128x128xf32, #tpu.memory_space<vmem>>) target(%dma_start3A_273 : memref<10240x128xf32, #tpu.memory_space<vmem_shared>>) offsets(%dma_start3A_270 : memref<128xi32, #tpu.memory_space<vmem>>) semaphore(%run_scoped3A : memref<!tpu.dma_semaphore, #tpu.memory_space<semaphore_mem>>) {add = true}
        %dma_wait3A_274 = arith.constant 0 : i32
        %dma_wait3A_275 = tpu.memref_slice %arg7[%while3A_95, %dma_wait3A_274] : memref<2x128xi32, #tpu.memory_space<vmem>> -> memref<1x128xi32, #tpu.memory_space<vmem>>
        %dma_wait3A_276 = tpu.memref_squeeze %dma_wait3A_275 : memref<1x128xi32, #tpu.memory_space<vmem>> -> memref<128xi32, #tpu.memory_space<vmem>>
        %dma_wait3A_277 = arith.constant 0 : i32
        %dma_wait3A_278 = arith.constant 0 : i32
        %dma_wait3A_279 = tpu.memref_slice %arg10[%dma_wait3A_277, %dma_wait3A_278] : memref<10240x128xf32, #tpu.memory_space<vmem_shared>> -> memref<10240x128xf32, #tpu.memory_space<vmem_shared>>
        tpu.wait_indirect_dma semaphore(%run_scoped3A : memref<!tpu.dma_semaphore, #tpu.memory_space<semaphore_mem>>) src(%arg9 : memref<128x128xf32, #tpu.memory_space<vmem>>) dst(%dma_wait3A_279 : memref<10240x128xf32, #tpu.memory_space<vmem_shared>>)
        tpu.yield
      }) : () -> ()
      %add3A_246 = arith.constant 2 : i32
      %add3A_247 = arith.addi %add3A_227, %add3A_246 : i32
      %mul3A_248 = arith.constant 128 : i32
      %mul3A_249 = arith.muli %add3A_247, %mul3A_248 : i32
      %dma_start3A_250 = arith.constant 0 : i32
      %dma_start3A_251 = tpu.memref_slice %arg7[%while3A_95, %dma_start3A_250] : memref<2x128xi32, #tpu.memory_space<vmem>> -> memref<1x128xi32, #tpu.memory_space<vmem>>
      %dma_start3A_252 = tpu.memref_squeeze %dma_start3A_251 : memref<1x128xi32, #tpu.memory_space<vmem>> -> memref<128xi32, #tpu.memory_space<vmem>>
      %dma_start3A_253 = tpu.memref_slice %arg4[%add3A, %mul3A_249] : memref<32x10496xi32, #tpu.memory_space<hbm>> -> memref<1x128xi32, #tpu.memory_space<hbm>>
      %dma_start3A_254 = tpu.memref_squeeze %dma_start3A_253 : memref<1x128xi32, #tpu.memory_space<hbm>> -> memref<128xi32, #tpu.memory_space<hbm>>
      %dma_start3A_255 = arith.constant 0 : i32
      %dma_start3A_256 = tpu.memref_slice %arg7[%while3A_95, %dma_start3A_255] : memref<2x128xi32, #tpu.memory_space<vmem>> -> memref<1x128xi32, #tpu.memory_space<vmem>>
      %dma_start3A_257 = tpu.memref_squeeze %dma_start3A_256 : memref<1x128xi32, #tpu.memory_space<vmem>> -> memref<128xi32, #tpu.memory_space<vmem>>
      %dma_start3A_258 = tpu.memref_slice %arg4[%add3A, %mul3A_249] : memref<32x10496xi32, #tpu.memory_space<hbm>> -> memref<1x128xi32, #tpu.memory_space<hbm>>
      %dma_start3A_259 = tpu.memref_squeeze %dma_start3A_258 : memref<1x128xi32, #tpu.memory_space<hbm>> -> memref<128xi32, #tpu.memory_space<hbm>>
      tpu.enqueue_dma source(%dma_start3A_259 : memref<128xi32, #tpu.memory_space<hbm>>) target(%dma_start3A_257 : memref<128xi32, #tpu.memory_space<vmem>>) target_semaphore(%arg14 : memref<!tpu.dma_semaphore, #tpu.memory_space<semaphore_mem>>)
      %add3A_260 = arith.constant 2 : i32
      %add3A_261 = arith.addi %add3A_227, %add3A_260 : i32
      %mul3A_262 = arith.constant 128 : i32
      %mul3A_263 = arith.muli %add3A_261, %mul3A_262 : i32
      %dma_start3A_264 = tpu.memref_slice %arg6[%mul3A_263] : memref<10496xi32, #tpu.memory_space<vmem>> -> memref<128xi32, #tpu.memory_space<vmem>>
      %dma_start3A_265 = arith.constant 0 : i32
      %dma_start3A_266 = arith.constant 0 : i32
      %dma_start3A_267 = tpu.memref_slice %arg2[%dma_start3A_265, %dma_start3A_266] : memref<10000x128xf32, #tpu.memory_space<hbm>> -> memref<10000x128xf32, #tpu.memory_space<hbm>>
      tpu.enqueue_indirect_dma source(%dma_start3A_267 : memref<10000x128xf32, #tpu.memory_space<hbm>>) target(%arg9 : memref<128x128xf32, #tpu.memory_space<vmem>>) offsets(%dma_start3A_264 : memref<128xi32, #tpu.memory_space<vmem>>) semaphore(%arg12 : memref<!tpu.dma_semaphore, #tpu.memory_space<semaphore_mem>>)
    }
    %while3A_105 = arith.constant 1 : i32
    scf.for %while3A_183 = %while3A_103 to %while3A_99 step %while3A_105  : i32 {
      %mul3A_184 = arith.constant 2 : i32
      %mul3A_185 = arith.muli %mul3A_184, %while3A_183 : i32
      %mul3A_186 = arith.constant 128 : i32
      %mul3A_187 = arith.muli %mul3A_185, %mul3A_186 : i32
      %dma_wait3A_188 = tpu.memref_slice %arg6[%mul3A_187] : memref<10496xi32, #tpu.memory_space<vmem>> -> memref<128xi32, #tpu.memory_space<vmem>>
      %dma_wait3A_189 = arith.constant 0 : i32
      %dma_wait3A_190 = arith.constant 0 : i32
      %dma_wait3A_191 = tpu.memref_slice %arg2[%dma_wait3A_189, %dma_wait3A_190] : memref<10000x128xf32, #tpu.memory_space<hbm>> -> memref<10000x128xf32, #tpu.memory_space<hbm>>
      tpu.wait_indirect_dma semaphore(%arg11 : memref<!tpu.dma_semaphore, #tpu.memory_space<semaphore_mem>>) src(%dma_wait3A_191 : memref<10000x128xf32, #tpu.memory_space<hbm>>) dst(%arg8 : memref<128x128xf32, #tpu.memory_space<vmem>>)
      %mul3A_192 = arith.constant 128 : i32
      %mul3A_193 = arith.muli %mul3A_185, %mul3A_192 : i32
      %dma_wait3A_194 = arith.constant 0 : i32
      %dma_wait3A_195 = tpu.memref_slice %arg7[%while3A_94, %dma_wait3A_194] : memref<2x128xi32, #tpu.memory_space<vmem>> -> memref<1x128xi32, #tpu.memory_space<vmem>>
      %dma_wait3A_196 = tpu.memref_squeeze %dma_wait3A_195 : memref<1x128xi32, #tpu.memory_space<vmem>> -> memref<128xi32, #tpu.memory_space<vmem>>
      %dma_wait3A_197 = tpu.memref_slice %arg4[%add3A, %mul3A_193] : memref<32x10496xi32, #tpu.memory_space<hbm>> -> memref<1x128xi32, #tpu.memory_space<hbm>>
      %dma_wait3A_198 = tpu.memref_squeeze %dma_wait3A_197 : memref<1x128xi32, #tpu.memory_space<hbm>> -> memref<128xi32, #tpu.memory_space<hbm>>
      %dma_wait3A_199 = arith.constant 0 : i32
      %dma_wait3A_200 = tpu.memref_slice %arg7[%while3A_94, %dma_wait3A_199] : memref<2x128xi32, #tpu.memory_space<vmem>> -> memref<1x128xi32, #tpu.memory_space<vmem>>
      %dma_wait3A_201 = tpu.memref_squeeze %dma_wait3A_200 : memref<1x128xi32, #tpu.memory_space<vmem>> -> memref<128xi32, #tpu.memory_space<vmem>>
      %dma_wait3A_202 = tpu.memref_slice %arg4[%add3A, %mul3A_193] : memref<32x10496xi32, #tpu.memory_space<hbm>> -> memref<1x128xi32, #tpu.memory_space<hbm>>
      %dma_wait3A_203 = tpu.memref_squeeze %dma_wait3A_202 : memref<1x128xi32, #tpu.memory_space<hbm>> -> memref<128xi32, #tpu.memory_space<hbm>>
      tpu.wait_dma2 semaphore(%arg13 : memref<!tpu.dma_semaphore, #tpu.memory_space<semaphore_mem>>) src(%dma_wait3A_203 : memref<128xi32, #tpu.memory_space<hbm>>) dst(%dma_wait3A_201 : memref<128xi32, #tpu.memory_space<vmem>>)
      "tpu.region"() ({
        %run_scoped3A = tpu.sem_alloc : memref<!tpu.dma_semaphore, #tpu.memory_space<semaphore_mem>>
        %dma_start3A_268 = arith.constant 0 : i32
        %dma_start3A_269 = tpu.memref_slice %arg7[%while3A_94, %dma_start3A_268] : memref<2x128xi32, #tpu.memory_space<vmem>> -> memref<1x128xi32, #tpu.memory_space<vmem>>
        %dma_start3A_270 = tpu.memref_squeeze %dma_start3A_269 : memref<1x128xi32, #tpu.memory_space<vmem>> -> memref<128xi32, #tpu.memory_space<vmem>>
        %dma_start3A_271 = arith.constant 0 : i32
        %dma_start3A_272 = arith.constant 0 : i32
        %dma_start3A_273 = tpu.memref_slice %arg10[%dma_start3A_271, %dma_start3A_272] : memref<10240x128xf32, #tpu.memory_space<vmem_shared>> -> memref<10240x128xf32, #tpu.memory_space<vmem_shared>>
        tpu.enqueue_indirect_dma source(%arg8 : memref<128x128xf32, #tpu.memory_space<vmem>>) target(%dma_start3A_273 : memref<10240x128xf32, #tpu.memory_space<vmem_shared>>) offsets(%dma_start3A_270 : memref<128xi32, #tpu.memory_space<vmem>>) semaphore(%run_scoped3A : memref<!tpu.dma_semaphore, #tpu.memory_space<semaphore_mem>>) {add = true}
        %dma_wait3A_274 = arith.constant 0 : i32
        %dma_wait3A_275 = tpu.memref_slice %arg7[%while3A_94, %dma_wait3A_274] : memref<2x128xi32, #tpu.memory_space<vmem>> -> memref<1x128xi32, #tpu.memory_space<vmem>>
        %dma_wait3A_276 = tpu.memref_squeeze %dma_wait3A_275 : memref<1x128xi32, #tpu.memory_space<vmem>> -> memref<128xi32, #tpu.memory_space<vmem>>
        %dma_wait3A_277 = arith.constant 0 : i32
        %dma_wait3A_278 = arith.constant 0 : i32
        %dma_wait3A_279 = tpu.memref_slice %arg10[%dma_wait3A_277, %dma_wait3A_278] : memref<10240x128xf32, #tpu.memory_space<vmem_shared>> -> memref<10240x128xf32, #tpu.memory_space<vmem_shared>>
        tpu.wait_indirect_dma semaphore(%run_scoped3A : memref<!tpu.dma_semaphore, #tpu.memory_space<semaphore_mem>>) src(%arg8 : memref<128x128xf32, #tpu.memory_space<vmem>>) dst(%dma_wait3A_279 : memref<10240x128xf32, #tpu.memory_space<vmem_shared>>)
        tpu.yield
      }) : () -> ()
      %add3A_204 = arith.constant 2 : i32
      %add3A_205 = arith.addi %mul3A_185, %add3A_204 : i32
      %mul3A_206 = arith.constant 128 : i32
      %mul3A_207 = arith.muli %add3A_205, %mul3A_206 : i32
      %dma_start3A_208 = arith.constant 0 : i32
      %dma_start3A_209 = tpu.memref_slice %arg7[%while3A_94, %dma_start3A_208] : memref<2x128xi32, #tpu.memory_space<vmem>> -> memref<1x128xi32, #tpu.memory_space<vmem>>
      %dma_start3A_210 = tpu.memref_squeeze %dma_start3A_209 : memref<1x128xi32, #tpu.memory_space<vmem>> -> memref<128xi32, #tpu.memory_space<vmem>>
      %dma_start3A_211 = tpu.memref_slice %arg4[%add3A, %mul3A_207] : memref<32x10496xi32, #tpu.memory_space<hbm>> -> memref<1x128xi32, #tpu.memory_space<hbm>>
      %dma_start3A_212 = tpu.memref_squeeze %dma_start3A_211 : memref<1x128xi32, #tpu.memory_space<hbm>> -> memref<128xi32, #tpu.memory_space<hbm>>
      %dma_start3A_213 = arith.constant 0 : i32
      %dma_start3A_214 = tpu.memref_slice %arg7[%while3A_94, %dma_start3A_213] : memref<2x128xi32, #tpu.memory_space<vmem>> -> memref<1x128xi32, #tpu.memory_space<vmem>>
      %dma_start3A_215 = tpu.memref_squeeze %dma_start3A_214 : memref<1x128xi32, #tpu.memory_space<vmem>> -> memref<128xi32, #tpu.memory_space<vmem>>
      %dma_start3A_216 = tpu.memref_slice %arg4[%add3A, %mul3A_207] : memref<32x10496xi32, #tpu.memory_space<hbm>> -> memref<1x128xi32, #tpu.memory_space<hbm>>
      %dma_start3A_217 = tpu.memref_squeeze %dma_start3A_216 : memref<1x128xi32, #tpu.memory_space<hbm>> -> memref<128xi32, #tpu.memory_space<hbm>>
      tpu.enqueue_dma source(%dma_start3A_217 : memref<128xi32, #tpu.memory_space<hbm>>) target(%dma_start3A_215 : memref<128xi32, #tpu.memory_space<vmem>>) target_semaphore(%arg13 : memref<!tpu.dma_semaphore, #tpu.memory_space<semaphore_mem>>)
      %add3A_218 = arith.constant 2 : i32
      %add3A_219 = arith.addi %mul3A_185, %add3A_218 : i32
      %mul3A_220 = arith.constant 128 : i32
      %mul3A_221 = arith.muli %add3A_219, %mul3A_220 : i32
      %dma_start3A_222 = tpu.memref_slice %arg6[%mul3A_221] : memref<10496xi32, #tpu.memory_space<vmem>> -> memref<128xi32, #tpu.memory_space<vmem>>
      %dma_start3A_223 = arith.constant 0 : i32
      %dma_start3A_224 = arith.constant 0 : i32
      %dma_start3A_225 = tpu.memref_slice %arg2[%dma_start3A_223, %dma_start3A_224] : memref<10000x128xf32, #tpu.memory_space<hbm>> -> memref<10000x128xf32, #tpu.memory_space<hbm>>
      tpu.enqueue_indirect_dma source(%dma_start3A_225 : memref<10000x128xf32, #tpu.memory_space<hbm>>) target(%arg8 : memref<128x128xf32, #tpu.memory_space<vmem>>) offsets(%dma_start3A_222 : memref<128xi32, #tpu.memory_space<vmem>>) semaphore(%arg11 : memref<!tpu.dma_semaphore, #tpu.memory_space<semaphore_mem>>)
      %add3A_226 = arith.constant 1 : i32
      %add3A_227 = arith.addi %mul3A_185, %add3A_226 : i32
      %mul3A_228 = arith.constant 128 : i32
      %mul3A_229 = arith.muli %add3A_227, %mul3A_228 : i32
      %dma_wait3A_230 = tpu.memref_slice %arg6[%mul3A_229] : memref<10496xi32, #tpu.memory_space<vmem>> -> memref<128xi32, #tpu.memory_space<vmem>>
      %dma_wait3A_231 = arith.constant 0 : i32
      %dma_wait3A_232 = arith.constant 0 : i32
      %dma_wait3A_233 = tpu.memref_slice %arg2[%dma_wait3A_231, %dma_wait3A_232] : memref<10000x128xf32, #tpu.memory_space<hbm>> -> memref<10000x128xf32, #tpu.memory_space<hbm>>
      tpu.wait_indirect_dma semaphore(%arg12 : memref<!tpu.dma_semaphore, #tpu.memory_space<semaphore_mem>>) src(%dma_wait3A_233 : memref<10000x128xf32, #tpu.memory_space<hbm>>) dst(%arg9 : memref<128x128xf32, #tpu.memory_space<vmem>>)
      %mul3A_234 = arith.constant 128 : i32
      %mul3A_235 = arith.muli %add3A_227, %mul3A_234 : i32
      %dma_wait3A_236 = arith.constant 0 : i32
      %dma_wait3A_237 = tpu.memref_slice %arg7[%while3A_95, %dma_wait3A_236] : memref<2x128xi32, #tpu.memory_space<vmem>> -> memref<1x128xi32, #tpu.memory_space<vmem>>
      %dma_wait3A_238 = tpu.memref_squeeze %dma_wait3A_237 : memref<1x128xi32, #tpu.memory_space<vmem>> -> memref<128xi32, #tpu.memory_space<vmem>>
      %dma_wait3A_239 = tpu.memref_slice %arg4[%add3A, %mul3A_235] : memref<32x10496xi32, #tpu.memory_space<hbm>> -> memref<1x128xi32, #tpu.memory_space<hbm>>
      %dma_wait3A_240 = tpu.memref_squeeze %dma_wait3A_239 : memref<1x128xi32, #tpu.memory_space<hbm>> -> memref<128xi32, #tpu.memory_space<hbm>>
      %dma_wait3A_241 = arith.constant 0 : i32
      %dma_wait3A_242 = tpu.memref_slice %arg7[%while3A_95, %dma_wait3A_241] : memref<2x128xi32, #tpu.memory_space<vmem>> -> memref<1x128xi32, #tpu.memory_space<vmem>>
      %dma_wait3A_243 = tpu.memref_squeeze %dma_wait3A_242 : memref<1x128xi32, #tpu.memory_space<vmem>> -> memref<128xi32, #tpu.memory_space<vmem>>
      %dma_wait3A_244 = tpu.memref_slice %arg4[%add3A, %mul3A_235] : memref<32x10496xi32, #tpu.memory_space<hbm>> -> memref<1x128xi32, #tpu.memory_space<hbm>>
      %dma_wait3A_245 = tpu.memref_squeeze %dma_wait3A_244 : memref<1x128xi32, #tpu.memory_space<hbm>> -> memref<128xi32, #tpu.memory_space<hbm>>
      tpu.wait_dma2 semaphore(%arg14 : memref<!tpu.dma_semaphore, #tpu.memory_space<semaphore_mem>>) src(%dma_wait3A_245 : memref<128xi32, #tpu.memory_space<hbm>>) dst(%dma_wait3A_243 : memref<128xi32, #tpu.memory_space<vmem>>)
      "tpu.region"() ({
        %run_scoped3A = tpu.sem_alloc : memref<!tpu.dma_semaphore, #tpu.memory_space<semaphore_mem>>
        %dma_start3A_268 = arith.constant 0 : i32
        %dma_start3A_269 = tpu.memref_slice %arg7[%while3A_95, %dma_start3A_268] : memref<2x128xi32, #tpu.memory_space<vmem>> -> memref<1x128xi32, #tpu.memory_space<vmem>>
        %dma_start3A_270 = tpu.memref_squeeze %dma_start3A_269 : memref<1x128xi32, #tpu.memory_space<vmem>> -> memref<128xi32, #tpu.memory_space<vmem>>
        %dma_start3A_271 = arith.constant 0 : i32
        %dma_start3A_272 = arith.constant 0 : i32
        %dma_start3A_273 = tpu.memref_slice %arg10[%dma_start3A_271, %dma_start3A_272] : memref<10240x128xf32, #tpu.memory_space<vmem_shared>> -> memref<10240x128xf32, #tpu.memory_space<vmem_shared>>
        tpu.enqueue_indirect_dma source(%arg9 : memref<128x128xf32, #tpu.memory_space<vmem>>) target(%dma_start3A_273 : memref<10240x128xf32, #tpu.memory_space<vmem_shared>>) offsets(%dma_start3A_270 : memref<128xi32, #tpu.memory_space<vmem>>) semaphore(%run_scoped3A : memref<!tpu.dma_semaphore, #tpu.memory_space<semaphore_mem>>) {add = true}
        %dma_wait3A_274 = arith.constant 0 : i32
        %dma_wait3A_275 = tpu.memref_slice %arg7[%while3A_95, %dma_wait3A_274] : memref<2x128xi32, #tpu.memory_space<vmem>> -> memref<1x128xi32, #tpu.memory_space<vmem>>
        %dma_wait3A_276 = tpu.memref_squeeze %dma_wait3A_275 : memref<1x128xi32, #tpu.memory_space<vmem>> -> memref<128xi32, #tpu.memory_space<vmem>>
        %dma_wait3A_277 = arith.constant 0 : i32
        %dma_wait3A_278 = arith.constant 0 : i32
        %dma_wait3A_279 = tpu.memref_slice %arg10[%dma_wait3A_277, %dma_wait3A_278] : memref<10240x128xf32, #tpu.memory_space<vmem_shared>> -> memref<10240x128xf32, #tpu.memory_space<vmem_shared>>
        tpu.wait_indirect_dma semaphore(%run_scoped3A : memref<!tpu.dma_semaphore, #tpu.memory_space<semaphore_mem>>) src(%arg9 : memref<128x128xf32, #tpu.memory_space<vmem>>) dst(%dma_wait3A_279 : memref<10240x128xf32, #tpu.memory_space<vmem_shared>>)
        tpu.yield
      }) : () -> ()
      %add3A_246 = arith.constant 2 : i32
      %add3A_247 = arith.addi %add3A_227, %add3A_246 : i32
      %mul3A_248 = arith.constant 128 : i32
      %mul3A_249 = arith.muli %add3A_247, %mul3A_248 : i32
      %dma_start3A_250 = arith.constant 0 : i32
      %dma_start3A_251 = tpu.memref_slice %arg7[%while3A_95, %dma_start3A_250] : memref<2x128xi32, #tpu.memory_space<vmem>> -> memref<1x128xi32, #tpu.memory_space<vmem>>
      %dma_start3A_252 = tpu.memref_squeeze %dma_start3A_251 : memref<1x128xi32, #tpu.memory_space<vmem>> -> memref<128xi32, #tpu.memory_space<vmem>>
      %dma_start3A_253 = tpu.memref_slice %arg4[%add3A, %mul3A_249] : memref<32x10496xi32, #tpu.memory_space<hbm>> -> memref<1x128xi32, #tpu.memory_space<hbm>>
      %dma_start3A_254 = tpu.memref_squeeze %dma_start3A_253 : memref<1x128xi32, #tpu.memory_space<hbm>> -> memref<128xi32, #tpu.memory_space<hbm>>
      %dma_start3A_255 = arith.constant 0 : i32
      %dma_start3A_256 = tpu.memref_slice %arg7[%while3A_95, %dma_start3A_255] : memref<2x128xi32, #tpu.memory_space<vmem>> -> memref<1x128xi32, #tpu.memory_space<vmem>>
      %dma_start3A_257 = tpu.memref_squeeze %dma_start3A_256 : memref<1x128xi32, #tpu.memory_space<vmem>> -> memref<128xi32, #tpu.memory_space<vmem>>
      %dma_start3A_258 = tpu.memref_slice %arg4[%add3A, %mul3A_249] : memref<32x10496xi32, #tpu.memory_space<hbm>> -> memref<1x128xi32, #tpu.memory_space<hbm>>
      %dma_start3A_259 = tpu.memref_squeeze %dma_start3A_258 : memref<1x128xi32, #tpu.memory_space<hbm>> -> memref<128xi32, #tpu.memory_space<hbm>>
      tpu.enqueue_dma source(%dma_start3A_259 : memref<128xi32, #tpu.memory_space<hbm>>) target(%dma_start3A_257 : memref<128xi32, #tpu.memory_space<vmem>>) target_semaphore(%arg14 : memref<!tpu.dma_semaphore, #tpu.memory_space<semaphore_mem>>)
      %add3A_260 = arith.constant 2 : i32
      %add3A_261 = arith.addi %add3A_227, %add3A_260 : i32
      %mul3A_262 = arith.constant 128 : i32
      %mul3A_263 = arith.muli %add3A_261, %mul3A_262 : i32
      %dma_start3A_264 = tpu.memref_slice %arg6[%mul3A_263] : memref<10496xi32, #tpu.memory_space<vmem>> -> memref<128xi32, #tpu.memory_space<vmem>>
      %dma_start3A_265 = arith.constant 0 : i32
      %dma_start3A_266 = arith.constant 0 : i32
      %dma_start3A_267 = tpu.memref_slice %arg2[%dma_start3A_265, %dma_start3A_266] : memref<10000x128xf32, #tpu.memory_space<hbm>> -> memref<10000x128xf32, #tpu.memory_space<hbm>>
      tpu.enqueue_indirect_dma source(%dma_start3A_267 : memref<10000x128xf32, #tpu.memory_space<hbm>>) target(%arg9 : memref<128x128xf32, #tpu.memory_space<vmem>>) offsets(%dma_start3A_264 : memref<128xi32, #tpu.memory_space<vmem>>) semaphore(%arg12 : memref<!tpu.dma_semaphore, #tpu.memory_space<semaphore_mem>>)
    }
    %mul3A_106 = arith.constant 80 : i32
    %mul3A_107 = arith.constant 128 : i32
    %mul3A_108 = arith.muli %mul3A_106, %mul3A_107 : i32
    %dma_wait3A = tpu.memref_slice %arg6[%mul3A_108] : memref<10496xi32, #tpu.memory_space<vmem>> -> memref<128xi32, #tpu.memory_space<vmem>>
    %dma_wait3A_109 = arith.constant 0 : i32
    %dma_wait3A_110 = arith.constant 0 : i32
    %dma_wait3A_111 = tpu.memref_slice %arg2[%dma_wait3A_109, %dma_wait3A_110] : memref<10000x128xf32, #tpu.memory_space<hbm>> -> memref<10000x128xf32, #tpu.memory_space<hbm>>
    tpu.wait_indirect_dma semaphore(%arg11 : memref<!tpu.dma_semaphore, #tpu.memory_space<semaphore_mem>>) src(%dma_wait3A_111 : memref<10000x128xf32, #tpu.memory_space<hbm>>) dst(%arg8 : memref<128x128xf32, #tpu.memory_space<vmem>>)
    %mul3A_112 = arith.constant 81 : i32
    %mul3A_113 = arith.constant 128 : i32
    %mul3A_114 = arith.muli %mul3A_112, %mul3A_113 : i32
    %dma_wait3A_115 = tpu.memref_slice %arg6[%mul3A_114] : memref<10496xi32, #tpu.memory_space<vmem>> -> memref<128xi32, #tpu.memory_space<vmem>>
    %dma_wait3A_116 = arith.constant 0 : i32
    %dma_wait3A_117 = arith.constant 0 : i32
    %dma_wait3A_118 = tpu.memref_slice %arg2[%dma_wait3A_116, %dma_wait3A_117] : memref<10000x128xf32, #tpu.memory_space<hbm>> -> memref<10000x128xf32, #tpu.memory_space<hbm>>
    tpu.wait_indirect_dma semaphore(%arg12 : memref<!tpu.dma_semaphore, #tpu.memory_space<semaphore_mem>>) src(%dma_wait3A_118 : memref<10000x128xf32, #tpu.memory_space<hbm>>) dst(%arg9 : memref<128x128xf32, #tpu.memory_space<vmem>>)
    %mul3A_119 = arith.constant 80 : i32
    %mul3A_120 = arith.constant 128 : i32
    %mul3A_121 = arith.muli %mul3A_119, %mul3A_120 : i32
    %dma_wait3A_122 = arith.constant 0 : i32
    %dma_wait3A_123 = arith.constant 0 : i32
    %dma_wait3A_124 = tpu.memref_slice %arg7[%dma_wait3A_122, %dma_wait3A_123] : memref<2x128xi32, #tpu.memory_space<vmem>> -> memref<1x128xi32, #tpu.memory_space<vmem>>
    %dma_wait3A_125 = tpu.memref_squeeze %dma_wait3A_124 : memref<1x128xi32, #tpu.memory_space<vmem>> -> memref<128xi32, #tpu.memory_space<vmem>>
    %dma_wait3A_126 = tpu.memref_slice %arg4[%add3A, %mul3A_121] : memref<32x10496xi32, #tpu.memory_space<hbm>> -> memref<1x128xi32, #tpu.memory_space<hbm>>
    %dma_wait3A_127 = tpu.memref_squeeze %dma_wait3A_126 : memref<1x128xi32, #tpu.memory_space<hbm>> -> memref<128xi32, #tpu.memory_space<hbm>>
    %dma_wait3A_128 = arith.constant 0 : i32
    %dma_wait3A_129 = tpu.memref_slice %arg7[%dma_wait3A_122, %dma_wait3A_128] : memref<2x128xi32, #tpu.memory_space<vmem>> -> memref<1x128xi32, #tpu.memory_space<vmem>>
    %dma_wait3A_130 = tpu.memref_squeeze %dma_wait3A_129 : memref<1x128xi32, #tpu.memory_space<vmem>> -> memref<128xi32, #tpu.memory_space<vmem>>
    %dma_wait3A_131 = tpu.memref_slice %arg4[%add3A, %mul3A_121] : memref<32x10496xi32, #tpu.memory_space<hbm>> -> memref<1x128xi32, #tpu.memory_space<hbm>>
    %dma_wait3A_132 = tpu.memref_squeeze %dma_wait3A_131 : memref<1x128xi32, #tpu.memory_space<hbm>> -> memref<128xi32, #tpu.memory_space<hbm>>
    tpu.wait_dma2 semaphore(%arg13 : memref<!tpu.dma_semaphore, #tpu.memory_space<semaphore_mem>>) src(%dma_wait3A_132 : memref<128xi32, #tpu.memory_space<hbm>>) dst(%dma_wait3A_130 : memref<128xi32, #tpu.memory_space<vmem>>)
    %mul3A_133 = arith.constant 81 : i32
    %mul3A_134 = arith.constant 128 : i32
    %mul3A_135 = arith.muli %mul3A_133, %mul3A_134 : i32
    %dma_wait3A_136 = arith.constant 1 : i32
    %dma_wait3A_137 = arith.constant 0 : i32
    %dma_wait3A_138 = tpu.memref_slice %arg7[%dma_wait3A_136, %dma_wait3A_137] : memref<2x128xi32, #tpu.memory_space<vmem>> -> memref<1x128xi32, #tpu.memory_space<vmem>>
    %dma_wait3A_139 = tpu.memref_squeeze %dma_wait3A_138 : memref<1x128xi32, #tpu.memory_space<vmem>> -> memref<128xi32, #tpu.memory_space<vmem>>
    %dma_wait3A_140 = tpu.memref_slice %arg4[%add3A, %mul3A_135] : memref<32x10496xi32, #tpu.memory_space<hbm>> -> memref<1x128xi32, #tpu.memory_space<hbm>>
    %dma_wait3A_141 = tpu.memref_squeeze %dma_wait3A_140 : memref<1x128xi32, #tpu.memory_space<hbm>> -> memref<128xi32, #tpu.memory_space<hbm>>
    %dma_wait3A_142 = arith.constant 0 : i32
    %dma_wait3A_143 = tpu.memref_slice %arg7[%dma_wait3A_136, %dma_wait3A_142] : memref<2x128xi32, #tpu.memory_space<vmem>> -> memref<1x128xi32, #tpu.memory_space<vmem>>
    %dma_wait3A_144 = tpu.memref_squeeze %dma_wait3A_143 : memref<1x128xi32, #tpu.memory_space<vmem>> -> memref<128xi32, #tpu.memory_space<vmem>>
    %dma_wait3A_145 = tpu.memref_slice %arg4[%add3A, %mul3A_135] : memref<32x10496xi32, #tpu.memory_space<hbm>> -> memref<1x128xi32, #tpu.memory_space<hbm>>
    %dma_wait3A_146 = tpu.memref_squeeze %dma_wait3A_145 : memref<1x128xi32, #tpu.memory_space<hbm>> -> memref<128xi32, #tpu.memory_space<hbm>>
    tpu.wait_dma2 semaphore(%arg14 : memref<!tpu.dma_semaphore, #tpu.memory_space<semaphore_mem>>) src(%dma_wait3A_146 : memref<128xi32, #tpu.memory_space<hbm>>) dst(%dma_wait3A_144 : memref<128xi32, #tpu.memory_space<vmem>>)
    %barrier3A_147 = arith.constant 0 : index
    tpu.barrier barrier_id(%barrier3A_147)
    %mul3A_148 = arith.constant 10240 : i32
    %mul3A_149 = arith.muli %arg0, %mul3A_148 : i32
    %mul3A_150 = arith.constant 640 : i32
    %mul3A_151 = arith.muli %arg1, %mul3A_150 : i32
    %add3A_152 = arith.addi %mul3A_149, %mul3A_151 : i32
    %mul3A_153 = arith.constant 640 : i32
    %mul3A_154 = arith.muli %arg1, %mul3A_153 : i32
    %add3A_155 = arith.constant 0 : i32
    %add3A_156 = arith.addi %mul3A_154, %add3A_155 : i32
    %add3A_157 = arith.constant 0 : i32
    %add3A_158 = arith.addi %add3A_152, %add3A_157 : i32
    "tpu.region"() ({
      %run_scoped3A = tpu.sem_alloc : memref<!tpu.dma_semaphore, #tpu.memory_space<semaphore_mem>>
      %dma_start3A_183 = arith.constant 0 : i32
      %dma_start3A_184 = tpu.memref_slice %arg5[%add3A_158, %dma_start3A_183] : memref<20480x128xf32, #tpu.memory_space<hbm>> -> memref<128x128xf32, #tpu.memory_space<hbm>>
      %dma_start3A_185 = arith.constant 0 : i32
      %dma_start3A_186 = tpu.memref_slice %arg10[%add3A_156, %dma_start3A_185] : memref<10240x128xf32, #tpu.memory_space<vmem_shared>> -> memref<128x128xf32, #tpu.memory_space<vmem_shared>>
      tpu.enqueue_dma source(%dma_start3A_186 : memref<128x128xf32, #tpu.memory_space<vmem_shared>>) target(%dma_start3A_184 : memref<128x128xf32, #tpu.memory_space<hbm>>) target_semaphore(%run_scoped3A : memref<!tpu.dma_semaphore, #tpu.memory_space<semaphore_mem>>)
      %dma_wait3A_187 = arith.constant 0 : i32
      %dma_wait3A_188 = tpu.memref_slice %arg5[%add3A_158, %dma_wait3A_187] : memref<20480x128xf32, #tpu.memory_space<hbm>> -> memref<128x128xf32, #tpu.memory_space<hbm>>
      %dma_wait3A_189 = arith.constant 0 : i32
      %dma_wait3A_190 = tpu.memref_slice %arg10[%add3A_156, %dma_wait3A_189] : memref<10240x128xf32, #tpu.memory_space<vmem_shared>> -> memref<128x128xf32, #tpu.memory_space<vmem_shared>>
      tpu.wait_dma2 semaphore(%run_scoped3A : memref<!tpu.dma_semaphore, #tpu.memory_space<semaphore_mem>>) src(%dma_wait3A_190 : memref<128x128xf32, #tpu.memory_space<vmem_shared>>) dst(%dma_wait3A_188 : memref<128x128xf32, #tpu.memory_space<hbm>>)
      tpu.yield
    }) : () -> ()
    %mul3A_159 = arith.constant 640 : i32
    %mul3A_160 = arith.muli %arg1, %mul3A_159 : i32
    %add3A_161 = arith.constant 128 : i32
    %add3A_162 = arith.addi %mul3A_160, %add3A_161 : i32
    %add3A_163 = arith.constant 128 : i32
    %add3A_164 = arith.addi %add3A_152, %add3A_163 : i32
    "tpu.region"() ({
      %run_scoped3A = tpu.sem_alloc : memref<!tpu.dma_semaphore, #tpu.memory_space<semaphore_mem>>
      %dma_start3A_183 = arith.constant 0 : i32
      %dma_start3A_184 = tpu.memref_slice %arg5[%add3A_164, %dma_start3A_183] : memref<20480x128xf32, #tpu.memory_space<hbm>> -> memref<128x128xf32, #tpu.memory_space<hbm>>
      %dma_start3A_185 = arith.constant 0 : i32
      %dma_start3A_186 = tpu.memref_slice %arg10[%add3A_162, %dma_start3A_185] : memref<10240x128xf32, #tpu.memory_space<vmem_shared>> -> memref<128x128xf32, #tpu.memory_space<vmem_shared>>
      tpu.enqueue_dma source(%dma_start3A_186 : memref<128x128xf32, #tpu.memory_space<vmem_shared>>) target(%dma_start3A_184 : memref<128x128xf32, #tpu.memory_space<hbm>>) target_semaphore(%run_scoped3A : memref<!tpu.dma_semaphore, #tpu.memory_space<semaphore_mem>>)
      %dma_wait3A_187 = arith.constant 0 : i32
      %dma_wait3A_188 = tpu.memref_slice %arg5[%add3A_164, %dma_wait3A_187] : memref<20480x128xf32, #tpu.memory_space<hbm>> -> memref<128x128xf32, #tpu.memory_space<hbm>>
      %dma_wait3A_189 = arith.constant 0 : i32
      %dma_wait3A_190 = tpu.memref_slice %arg10[%add3A_162, %dma_wait3A_189] : memref<10240x128xf32, #tpu.memory_space<vmem_shared>> -> memref<128x128xf32, #tpu.memory_space<vmem_shared>>
      tpu.wait_dma2 semaphore(%run_scoped3A : memref<!tpu.dma_semaphore, #tpu.memory_space<semaphore_mem>>) src(%dma_wait3A_190 : memref<128x128xf32, #tpu.memory_space<vmem_shared>>) dst(%dma_wait3A_188 : memref<128x128xf32, #tpu.memory_space<hbm>>)
      tpu.yield
    }) : () -> ()
    %mul3A_165 = arith.constant 640 : i32
    %mul3A_166 = arith.muli %arg1, %mul3A_165 : i32
    %add3A_167 = arith.constant 256 : i32
    %add3A_168 = arith.addi %mul3A_166, %add3A_167 : i32
    %add3A_169 = arith.constant 256 : i32
    %add3A_170 = arith.addi %add3A_152, %add3A_169 : i32
    "tpu.region"() ({
      %run_scoped3A = tpu.sem_alloc : memref<!tpu.dma_semaphore, #tpu.memory_space<semaphore_mem>>
      %dma_start3A_183 = arith.constant 0 : i32
      %dma_start3A_184 = tpu.memref_slice %arg5[%add3A_170, %dma_start3A_183] : memref<20480x128xf32, #tpu.memory_space<hbm>> -> memref<128x128xf32, #tpu.memory_space<hbm>>
      %dma_start3A_185 = arith.constant 0 : i32
      %dma_start3A_186 = tpu.memref_slice %arg10[%add3A_168, %dma_start3A_185] : memref<10240x128xf32, #tpu.memory_space<vmem_shared>> -> memref<128x128xf32, #tpu.memory_space<vmem_shared>>
      tpu.enqueue_dma source(%dma_start3A_186 : memref<128x128xf32, #tpu.memory_space<vmem_shared>>) target(%dma_start3A_184 : memref<128x128xf32, #tpu.memory_space<hbm>>) target_semaphore(%run_scoped3A : memref<!tpu.dma_semaphore, #tpu.memory_space<semaphore_mem>>)
      %dma_wait3A_187 = arith.constant 0 : i32
      %dma_wait3A_188 = tpu.memref_slice %arg5[%add3A_170, %dma_wait3A_187] : memref<20480x128xf32, #tpu.memory_space<hbm>> -> memref<128x128xf32, #tpu.memory_space<hbm>>
      %dma_wait3A_189 = arith.constant 0 : i32
      %dma_wait3A_190 = tpu.memref_slice %arg10[%add3A_168, %dma_wait3A_189] : memref<10240x128xf32, #tpu.memory_space<vmem_shared>> -> memref<128x128xf32, #tpu.memory_space<vmem_shared>>
      tpu.wait_dma2 semaphore(%run_scoped3A : memref<!tpu.dma_semaphore, #tpu.memory_space<semaphore_mem>>) src(%dma_wait3A_190 : memref<128x128xf32, #tpu.memory_space<vmem_shared>>) dst(%dma_wait3A_188 : memref<128x128xf32, #tpu.memory_space<hbm>>)
      tpu.yield
    }) : () -> ()
    %mul3A_171 = arith.constant 640 : i32
    %mul3A_172 = arith.muli %arg1, %mul3A_171 : i32
    %add3A_173 = arith.constant 384 : i32
    %add3A_174 = arith.addi %mul3A_172, %add3A_173 : i32
    %add3A_175 = arith.constant 384 : i32
    %add3A_176 = arith.addi %add3A_152, %add3A_175 : i32
    "tpu.region"() ({
      %run_scoped3A = tpu.sem_alloc : memref<!tpu.dma_semaphore, #tpu.memory_space<semaphore_mem>>
      %dma_start3A_183 = arith.constant 0 : i32
      %dma_start3A_184 = tpu.memref_slice %arg5[%add3A_176, %dma_start3A_183] : memref<20480x128xf32, #tpu.memory_space<hbm>> -> memref<128x128xf32, #tpu.memory_space<hbm>>
      %dma_start3A_185 = arith.constant 0 : i32
      %dma_start3A_186 = tpu.memref_slice %arg10[%add3A_174, %dma_start3A_185] : memref<10240x128xf32, #tpu.memory_space<vmem_shared>> -> memref<128x128xf32, #tpu.memory_space<vmem_shared>>
      tpu.enqueue_dma source(%dma_start3A_186 : memref<128x128xf32, #tpu.memory_space<vmem_shared>>) target(%dma_start3A_184 : memref<128x128xf32, #tpu.memory_space<hbm>>) target_semaphore(%run_scoped3A : memref<!tpu.dma_semaphore, #tpu.memory_space<semaphore_mem>>)
      %dma_wait3A_187 = arith.constant 0 : i32
      %dma_wait3A_188 = tpu.memref_slice %arg5[%add3A_176, %dma_wait3A_187] : memref<20480x128xf32, #tpu.memory_space<hbm>> -> memref<128x128xf32, #tpu.memory_space<hbm>>
      %dma_wait3A_189 = arith.constant 0 : i32
      %dma_wait3A_190 = tpu.memref_slice %arg10[%add3A_174, %dma_wait3A_189] : memref<10240x128xf32, #tpu.memory_space<vmem_shared>> -> memref<128x128xf32, #tpu.memory_space<vmem_shared>>
      tpu.wait_dma2 semaphore(%run_scoped3A : memref<!tpu.dma_semaphore, #tpu.memory_space<semaphore_mem>>) src(%dma_wait3A_190 : memref<128x128xf32, #tpu.memory_space<vmem_shared>>) dst(%dma_wait3A_188 : memref<128x128xf32, #tpu.memory_space<hbm>>)
      tpu.yield
    }) : () -> ()
    %mul3A_177 = arith.constant 640 : i32
    %mul3A_178 = arith.muli %arg1, %mul3A_177 : i32
    %add3A_179 = arith.constant 512 : i32
    %add3A_180 = arith.addi %mul3A_178, %add3A_179 : i32
    %add3A_181 = arith.constant 512 : i32
    %add3A_182 = arith.addi %add3A_152, %add3A_181 : i32
    "tpu.region"() ({
      %run_scoped3A = tpu.sem_alloc : memref<!tpu.dma_semaphore, #tpu.memory_space<semaphore_mem>>
      %dma_start3A_183 = arith.constant 0 : i32
      %dma_start3A_184 = tpu.memref_slice %arg5[%add3A_182, %dma_start3A_183] : memref<20480x128xf32, #tpu.memory_space<hbm>> -> memref<128x128xf32, #tpu.memory_space<hbm>>
      %dma_start3A_185 = arith.constant 0 : i32
      %dma_start3A_186 = tpu.memref_slice %arg10[%add3A_180, %dma_start3A_185] : memref<10240x128xf32, #tpu.memory_space<vmem_shared>> -> memref<128x128xf32, #tpu.memory_space<vmem_shared>>
      tpu.enqueue_dma source(%dma_start3A_186 : memref<128x128xf32, #tpu.memory_space<vmem_shared>>) target(%dma_start3A_184 : memref<128x128xf32, #tpu.memory_space<hbm>>) target_semaphore(%run_scoped3A : memref<!tpu.dma_semaphore, #tpu.memory_space<semaphore_mem>>)
      %dma_wait3A_187 = arith.constant 0 : i32
      %dma_wait3A_188 = tpu.memref_slice %arg5[%add3A_182, %dma_wait3A_187] : memref<20480x128xf32, #tpu.memory_space<hbm>> -> memref<128x128xf32, #tpu.memory_space<hbm>>
      %dma_wait3A_189 = arith.constant 0 : i32
      %dma_wait3A_190 = tpu.memref_slice %arg10[%add3A_180, %dma_wait3A_189] : memref<10240x128xf32, #tpu.memory_space<vmem_shared>> -> memref<128x128xf32, #tpu.memory_space<vmem_shared>>
      tpu.wait_dma2 semaphore(%run_scoped3A : memref<!tpu.dma_semaphore, #tpu.memory_space<semaphore_mem>>) src(%dma_wait3A_190 : memref<128x128xf32, #tpu.memory_space<vmem_shared>>) dst(%dma_wait3A_188 : memref<128x128xf32, #tpu.memory_space<hbm>>)
      tpu.yield
    }) : () -> ()
    return
  }
}

module attributes {stable_mosaic.version = 14 : i64} {
  func.func @_tc_entry_body(%arg0: i32, %arg1: memref<2000x128xf32, #tpu.memory_space<vmem>>, %arg2: memref<128x128xf32, #tpu.memory_space<vmem>>, %arg3: memref<2000x1xf32, #tpu.memory_space<vmem>>, %arg4: memref<2000x128xf32, #tpu.memory_space<vmem>>) attributes {dimension_semantics = [#tpu.dimension_semantics<arbitrary>], iteration_bounds = array<i64: 5>, scalar_prefetch = 0 : i64, scratch_operands = 0 : i64, tpu.core_type = #tpu.core_type<tc>, window_params = [{transform_indices = @transform_0, window_bounds = array<i64: 2000, 128>}, {pipeline_mode = #tpu.pipeline_mode<synchronous>, transform_indices = @transform_1, window_bounds = array<i64: 128, 128>}, {transform_indices = @transform_2, window_bounds = array<i64: 2000, 1>}, {transform_indices = @transform_3, window_bounds = array<i64: 2000, 128>}]} {
    %get3A = arith.constant 0 : index
    %get3A_0 = arith.constant 0 : index
    %get3A_1 = vector.load %arg1[%get3A, %get3A_0] : memref<2000x128xf32, #tpu.memory_space<vmem>>, vector<2000x128xf32>
    %get3A_2 = arith.constant 0 : index
    %get3A_3 = arith.constant 0 : index
    %get3A_4 = vector.load %arg2[%get3A_2, %get3A_3] : memref<128x128xf32, #tpu.memory_space<vmem>>, vector<128x128xf32>
    %dot_general3A = arith.constant dense<0.000000e+00> : vector<2000x128xf32>
    %dot_general3A_5 = tpu.matmul %get3A_1, %get3A_4, %dot_general3A {dimension_numbers = #tpu.dot_dimension_numbers<[1], [0], [0], [1], [0, 0, 1, 1], [], []>, transpose_lhs_hint = false} : vector<2000x128xf32>, vector<128x128xf32>, vector<2000x128xf32> -> vector<2000x128xf32>
    %get3A_6 = arith.constant 0 : index
    %get3A_7 = arith.constant 0 : index
    %get3A_8 = vector.load %arg3[%get3A_6, %get3A_7] : memref<2000x1xf32, #tpu.memory_space<vmem>>, vector<2000x1xf32>
    %mul3A = vector.broadcast %get3A_8 : vector<2000x1xf32> to vector<2000x128xf32>
    %mul3A_9 = arith.mulf %dot_general3A_5, %mul3A : vector<2000x128xf32>
    %swap3A = arith.constant 0 : index
    %swap3A_10 = arith.constant 0 : index
    %swap3A_11 = vector.load %arg4[%swap3A, %swap3A_10] : memref<2000x128xf32, #tpu.memory_space<vmem>>, vector<2000x128xf32>
    tpu.vector_store %arg4[%swap3A, %swap3A_10], %mul3A_9 {strides = array<i32>} : memref<2000x128xf32, #tpu.memory_space<vmem>>, vector<2000x128xf32>,
    return
  }
  func.func @transform_0(%arg0: i32) -> (i32, i32) {
    %c0_i32 = arith.constant 0 : i32
    %c0_i32_0 = arith.constant 0 : i32
    return %arg0, %c0_i32 : i32, i32
  }
  func.func @transform_1(%arg0: i32) -> (i32, i32) {
    %c0_i32 = arith.constant 0 : i32
    %c0_i32_0 = arith.constant 0 : i32
    %c0_i32_1 = arith.constant 0 : i32
    return %c0_i32, %c0_i32_0 : i32, i32
  }
  func.func @transform_2(%arg0: i32) -> (i32, i32) {
    %c0_i32 = arith.constant 0 : i32
    %c0_i32_0 = arith.constant 0 : i32
    return %arg0, %c0_i32 : i32, i32
  }
  func.func @transform_3(%arg0: i32) -> (i32, i32) {
    %c0_i32 = arith.constant 0 : i32
    %c0_i32_0 = arith.constant 0 : i32
    return %arg0, %c0_i32 : i32, i32
  }
}

module attributes {stable_mosaic.version = 14 : i64} {
  func.func @_tc_mid_body(%arg0: i32, %arg1: memref<2x2000x128xf32, #tpu.memory_space<vmem>>, %arg2: memref<2000x128xf32, #tpu.memory_space<vmem>>, %arg3: memref<2000x1xf32, #tpu.memory_space<vmem>>, %arg4: memref<1x128xf32, #tpu.memory_space<vmem>>, %arg5: memref<128x128xf32, #tpu.memory_space<vmem>>, %arg6: memref<2000x128xf32, #tpu.memory_space<vmem>>) attributes {dimension_semantics = [#tpu.dimension_semantics<arbitrary>], iteration_bounds = array<i64: 5>, scalar_prefetch = 0 : i64, scratch_operands = 0 : i64, tpu.core_type = #tpu.core_type<tc>, window_params = [{transform_indices = @transform_0, window_bounds = array<i64: 2, 2000, 128>}, {transform_indices = @transform_1, window_bounds = array<i64: 2000, 128>}, {transform_indices = @transform_2, window_bounds = array<i64: 2000, 1>}, {pipeline_mode = #tpu.pipeline_mode<synchronous>, transform_indices = @transform_3, window_bounds = array<i64: 1, 128>}, {pipeline_mode = #tpu.pipeline_mode<synchronous>, transform_indices = @transform_4, window_bounds = array<i64: 128, 128>}, {transform_indices = @transform_5, window_bounds = array<i64: 2000, 128>}]} {
    %get3A = arith.constant 0 : index
    %get3A_0 = arith.constant 0 : index
    %get3A_1 = arith.constant 0 : index
    %get3A_2 = vector.load %arg1[%get3A, %get3A_0, %get3A_1] : memref<2x2000x128xf32, #tpu.memory_space<vmem>>, vector<1x2000x128xf32>
    %get3A_3 = vector.shape_cast %get3A_2 : vector<1x2000x128xf32> to vector<2000x128xf32>
    %get3A_4 = arith.constant 1 : index
    %get3A_5 = arith.constant 0 : index
    %get3A_6 = arith.constant 0 : index
    %get3A_7 = vector.load %arg1[%get3A_4, %get3A_5, %get3A_6] : memref<2x2000x128xf32, #tpu.memory_space<vmem>>, vector<1x2000x128xf32>
    %get3A_8 = vector.shape_cast %get3A_7 : vector<1x2000x128xf32> to vector<2000x128xf32>
    %add3A = arith.addf %get3A_3, %get3A_8 : vector<2000x128xf32>
    %get3A_9 = arith.constant 0 : index
    %get3A_10 = arith.constant 0 : index
    %get3A_11 = vector.load %arg2[%get3A_9, %get3A_10] : memref<2000x128xf32, #tpu.memory_space<vmem>>, vector<2000x128xf32>
    %add3A_12 = arith.addf %add3A, %get3A_11 : vector<2000x128xf32>
    %get3A_13 = arith.constant 0 : index
    %get3A_14 = arith.constant 0 : index
    %get3A_15 = vector.load %arg3[%get3A_13, %get3A_14] : memref<2000x1xf32, #tpu.memory_space<vmem>>, vector<2000x1xf32>
    %mul3A = vector.broadcast %get3A_15 : vector<2000x1xf32> to vector<2000x128xf32>
    %mul3A_16 = arith.mulf %add3A_12, %mul3A : vector<2000x128xf32>
    %get3A_17 = arith.constant 0 : index
    %get3A_18 = arith.constant 0 : index
    %get3A_19 = vector.load %arg4[%get3A_17, %get3A_18] : memref<1x128xf32, #tpu.memory_space<vmem>>, vector<1x128xf32>
    %add3A_20 = vector.broadcast %get3A_19 : vector<1x128xf32> to vector<2000x128xf32>
    %add3A_21 = arith.addf %mul3A_16, %add3A_20 : vector<2000x128xf32>
    %max3A = arith.constant 0.000000e+00 : f32
    %max3A_22 = vector.broadcast %max3A : f32 to vector<2000x128xf32>
    %max3A_23 = arith.maximumf %add3A_21, %max3A_22 : vector<2000x128xf32>
    %get3A_24 = arith.constant 0 : index
    %get3A_25 = arith.constant 0 : index
    %get3A_26 = vector.load %arg5[%get3A_24, %get3A_25] : memref<128x128xf32, #tpu.memory_space<vmem>>, vector<128x128xf32>
    %dot_general3A = arith.constant dense<0.000000e+00> : vector<2000x128xf32>
    %dot_general3A_27 = tpu.matmul %max3A_23, %get3A_26, %dot_general3A {dimension_numbers = #tpu.dot_dimension_numbers<[1], [0], [0], [1], [0, 0, 1, 1], [], []>, transpose_lhs_hint = false} : vector<2000x128xf32>, vector<128x128xf32>, vector<2000x128xf32> -> vector<2000x128xf32>
    %get3A_28 = arith.constant 0 : index
    %get3A_29 = arith.constant 0 : index
    %get3A_30 = vector.load %arg3[%get3A_28, %get3A_29] : memref<2000x1xf32, #tpu.memory_space<vmem>>, vector<2000x1xf32>
    %mul3A_31 = vector.broadcast %get3A_30 : vector<2000x1xf32> to vector<2000x128xf32>
    %mul3A_32 = arith.mulf %dot_general3A_27, %mul3A_31 : vector<2000x128xf32>
    %swap3A = arith.constant 0 : index
    %swap3A_33 = arith.constant 0 : index
    %swap3A_34 = vector.load %arg6[%swap3A, %swap3A_33] : memref<2000x128xf32, #tpu.memory_space<vmem>>, vector<2000x128xf32>
    tpu.vector_store %arg6[%swap3A, %swap3A_33], %mul3A_32 {strides = array<i32>} : memref<2000x128xf32, #tpu.memory_space<vmem>>, vector<2000x128xf32>,
    return
  }
  func.func @transform_0(%arg0: i32) -> (i32, i32, i32) {
    %c0_i32 = arith.constant 0 : i32
    %c0_i32_0 = arith.constant 0 : i32
    %c0_i32_1 = arith.constant 0 : i32
    return %c0_i32, %arg0, %c0_i32_0 : i32, i32, i32
  }
  func.func @transform_1(%arg0: i32) -> (i32, i32) {
    %c0_i32 = arith.constant 0 : i32
    %c0_i32_0 = arith.constant 0 : i32
    return %arg0, %c0_i32 : i32, i32
  }
  func.func @transform_2(%arg0: i32) -> (i32, i32) {
    %c0_i32 = arith.constant 0 : i32
    %c0_i32_0 = arith.constant 0 : i32
    return %arg0, %c0_i32 : i32, i32
  }
  func.func @transform_3(%arg0: i32) -> (i32, i32) {
    %c0_i32 = arith.constant 0 : i32
    %c0_i32_0 = arith.constant 0 : i32
    %c0_i32_1 = arith.constant 0 : i32
    return %c0_i32, %c0_i32_0 : i32, i32
  }
  func.func @transform_4(%arg0: i32) -> (i32, i32) {
    %c0_i32 = arith.constant 0 : i32
    %c0_i32_0 = arith.constant 0 : i32
    %c0_i32_1 = arith.constant 0 : i32
    return %c0_i32, %c0_i32_0 : i32, i32
  }
  func.func @transform_5(%arg0: i32) -> (i32, i32) {
    %c0_i32 = arith.constant 0 : i32
    %c0_i32_0 = arith.constant 0 : i32
    return %arg0, %c0_i32 : i32, i32
  }
}

module attributes {stable_mosaic.version = 14 : i64} {
  func.func @_tc_exit_body(%arg0: i32, %arg1: memref<2x2000x128xf32, #tpu.memory_space<vmem>>, %arg2: memref<2000x128xf32, #tpu.memory_space<vmem>>, %arg3: memref<2000x1xf32, #tpu.memory_space<vmem>>, %arg4: memref<1x128xf32, #tpu.memory_space<vmem>>, %arg5: memref<2000x128xf32, #tpu.memory_space<vmem>>) attributes {dimension_semantics = [#tpu.dimension_semantics<arbitrary>], iteration_bounds = array<i64: 5>, scalar_prefetch = 0 : i64, scratch_operands = 0 : i64, tpu.core_type = #tpu.core_type<tc>, window_params = [{transform_indices = @transform_0, window_bounds = array<i64: 2, 2000, 128>}, {transform_indices = @transform_1, window_bounds = array<i64: 2000, 128>}, {transform_indices = @transform_2, window_bounds = array<i64: 2000, 1>}, {pipeline_mode = #tpu.pipeline_mode<synchronous>, transform_indices = @transform_3, window_bounds = array<i64: 1, 128>}, {transform_indices = @transform_4, window_bounds = array<i64: 2000, 128>}]} {
    %get3A = arith.constant 0 : index
    %get3A_0 = arith.constant 0 : index
    %get3A_1 = arith.constant 0 : index
    %get3A_2 = vector.load %arg1[%get3A, %get3A_0, %get3A_1] : memref<2x2000x128xf32, #tpu.memory_space<vmem>>, vector<1x2000x128xf32>
    %get3A_3 = vector.shape_cast %get3A_2 : vector<1x2000x128xf32> to vector<2000x128xf32>
    %get3A_4 = arith.constant 1 : index
    %get3A_5 = arith.constant 0 : index
    %get3A_6 = arith.constant 0 : index
    %get3A_7 = vector.load %arg1[%get3A_4, %get3A_5, %get3A_6] : memref<2x2000x128xf32, #tpu.memory_space<vmem>>, vector<1x2000x128xf32>
    %get3A_8 = vector.shape_cast %get3A_7 : vector<1x2000x128xf32> to vector<2000x128xf32>
    %add3A = arith.addf %get3A_3, %get3A_8 : vector<2000x128xf32>
    %get3A_9 = arith.constant 0 : index
    %get3A_10 = arith.constant 0 : index
    %get3A_11 = vector.load %arg2[%get3A_9, %get3A_10] : memref<2000x128xf32, #tpu.memory_space<vmem>>, vector<2000x128xf32>
    %add3A_12 = arith.addf %add3A, %get3A_11 : vector<2000x128xf32>
    %get3A_13 = arith.constant 0 : index
    %get3A_14 = arith.constant 0 : index
    %get3A_15 = vector.load %arg3[%get3A_13, %get3A_14] : memref<2000x1xf32, #tpu.memory_space<vmem>>, vector<2000x1xf32>
    %mul3A = vector.broadcast %get3A_15 : vector<2000x1xf32> to vector<2000x128xf32>
    %mul3A_16 = arith.mulf %add3A_12, %mul3A : vector<2000x128xf32>
    %get3A_17 = arith.constant 0 : index
    %get3A_18 = arith.constant 0 : index
    %get3A_19 = vector.load %arg4[%get3A_17, %get3A_18] : memref<1x128xf32, #tpu.memory_space<vmem>>, vector<1x128xf32>
    %add3A_20 = vector.broadcast %get3A_19 : vector<1x128xf32> to vector<2000x128xf32>
    %add3A_21 = arith.addf %mul3A_16, %add3A_20 : vector<2000x128xf32>
    %swap3A = arith.constant 0 : index
    %swap3A_22 = arith.constant 0 : index
    %swap3A_23 = vector.load %arg5[%swap3A, %swap3A_22] : memref<2000x128xf32, #tpu.memory_space<vmem>>, vector<2000x128xf32>
    tpu.vector_store %arg5[%swap3A, %swap3A_22], %add3A_21 {strides = array<i32>} : memref<2000x128xf32, #tpu.memory_space<vmem>>, vector<2000x128xf32>,
    return
  }
  func.func @transform_0(%arg0: i32) -> (i32, i32, i32) {
    %c0_i32 = arith.constant 0 : i32
    %c0_i32_0 = arith.constant 0 : i32
    %c0_i32_1 = arith.constant 0 : i32
    return %c0_i32, %arg0, %c0_i32_0 : i32, i32, i32
  }
  func.func @transform_1(%arg0: i32) -> (i32, i32) {
    %c0_i32 = arith.constant 0 : i32
    %c0_i32_0 = arith.constant 0 : i32
    return %arg0, %c0_i32 : i32, i32
  }
  func.func @transform_2(%arg0: i32) -> (i32, i32) {
    %c0_i32 = arith.constant 0 : i32
    %c0_i32_0 = arith.constant 0 : i32
    return %arg0, %c0_i32 : i32, i32
  }
  func.func @transform_3(%arg0: i32) -> (i32, i32) {
    %c0_i32 = arith.constant 0 : i32
    %c0_i32_0 = arith.constant 0 : i32
    %c0_i32_1 = arith.constant 0 : i32
    return %c0_i32, %c0_i32_0 : i32, i32
  }
  func.func @transform_4(%arg0: i32) -> (i32, i32) {
    %c0_i32 = arith.constant 0 : i32
    %c0_i32_0 = arith.constant 0 : i32
    return %arg0, %c0_i32 : i32, i32
  }
}

</mosaic_0001>

<sc_bundles>
// kernel: kernel.10.cloned.1.call-start
scs
__scs_entry_jumppad:
0x0: {  	(pc) =	sbr.rel $0x88, $3  }
0x1: {  	(tag) =	ssettag $0x0;
	lr =	simm.s32 $0x1  }
0x2: {  	[smem:$0x3F99] =	sst lr;
	_ =	strace $0xD0000000  }
0x3: {  	_ = 	snop  }
0x4: {  	_ = 	snop  }
0x5: {  	_ = 	snop  }
0x6: {  	_ = 	snop  }
0x7: {  	_ = 	snop  }
__scs_overlays_trampoline_lowered:
0x8: {  	[smem:$0x3FA8] =	sst s0  }
0x9: {  	[smem:$0x3FA9] =	sst s1  }
0xa: {  	[smem:$0x3FAA] =	sst s2  }
0xb: {  	[smem:$0x3FAB] =	sst s3  }
0xc: {  	[smem:$0x3FAC] =	sst s4  }
0xd: {  	[smem:$0x3FAD] =	sst s5  }
0xe: {  	[smem:$0x3FAE] =	sst s6  }
0xf: {  	[smem:$0x3FAF] =	sst s7  }
0x10: {  	[smem:$0x3FB0] =	sst s8  }
0x11: {  	[smem:$0x3FB1] =	sst s9;
	s0 =	simm.s32 @!p0 $0x0  }
0x12: {  	s1 =	sld [smem:$0x3F97];
	s0 =	simm.s32 @p0 $0x1  }
0x13: {  	[smem:$0x3FB2] =	sst s0;
	s0 =	simm.s32 @!p1 $0x0  }
0x14: {  	s2 =	sld [smem:$0x3F96];
	s0 =	simm.s32 @p1 $0x1  }
0x15: {  	[smem:$0x3FB3] =	sst s0;
	s0 =	simm.s32 @!p2 $0x0  }
0x16: {  	s3 =	sld [smem:$0x3FDB];
	s0 =	simm.s32 @p2 $0x1  }
0x17: {  	s4 =	simm.s32 $0x1BF5;
	[smem:$0x3FB5] =	sst s0  }
0x18: {  	s0 =	sld [smem:$0x3F98];
	_ =	swait.ge [sflag:s4], $0x0  }
0x19: {  	s7 =	sld [smem:$0x3F99]  }
0x1a: {  	s8 =	sadd.s32 $0xFFFFE003, lr  }
0x1b: {  	s9 =	sadd.s32 $0xFFFFFEF7, lr;
	s5 =	simm.s32 $0xFFFFFFFF;
	p2 =	slt.u32 s8, $0xFFFFF086  }
0x1c: {  	p1 =	slt.u32 s9, $0xF7A;
	s5 =	simm.s32 @!p2 $0x0  }
0x1d: {  	s5 =	simm.s32 @p1 $0x1;
	p0 =	seq.s32 s7, s2  }
0x1e: {  	s7 =	smul.u32 @!p0 $0xF7A, s2;
	p2 =	seq.s32 @!p0 s5, $0x0  }
0x1f: {  	s9 =	smul.u32 $0xF7A, s1;
	s8 =	simm.s32 @!p0 $0x1BF5;
	p2 =	por !p2, p0  }
0x20: {  	[sflag:s8] =	ssyncset.s32 @!p0 $0xFFFFF086;
	s6 =	sadd.s32 @!p0 s3, s7;
	s7 =	simm.s32 @!p0 $0x108  }
0x21: {  	s3 =	sadd.s32 s3, s9;
	s6 =	sadd.s32 @!p0 $0x88, s6;
	s7 =	simm.s32 @p2 $0x1082  }
0x22: {  	[simem:s7], [sflag:s8] =	dma.local @!p0 [hbm:s6], $0xF7A  }
0x23: {  	s9 =	sor.u32 $0xD0000000, s2;
	s6 =	simm.s32 $0x108;
	_ =	swait.ge @!p0 [sflag:s8], $0x0  }
0x24: {  	s3 =	sadd.s32 $0x88, s3;
	s6 =	simm.s32 @!p1 $0x1082;
	[sflag:s4] =	ssyncset.s32 $0xFFFFF086  }
0x25: {  	[simem:s6], [sflag:s4] =	dma.local [hbm:s3], $0xF7A  }
0x26: {  	[smem:$0x3F99] =	sst s1;
	(tag) =	ssettag s2;
	_ =	strace s9  }
0x27: {  	s1 =	sld [smem:$0x3FA9]  }
0x28: {  	s2 =	sld [smem:$0x3FAA]  }
0x29: {  	s4 =	sld [smem:$0x3FAC]  }
0x2a: {  	p0 =	seq.s32 s5, $0x0;
	s5 =	sld [smem:$0x3FAD]  }
0x2b: {  	s6 =	sld [smem:$0x3FAE]  }
0x2c: {  	s7 =	sld [smem:$0x3FAF]  }
0x2d: {  	s3 =	simm.s32 $0x108;
	s8 =	sld [smem:$0x3FB0]  }
0x2e: {  	s3 =	simm.s32 @!p0 $0x1082;
	s9 =	sld [smem:$0x3FB1]  }
0x2f: {  	lr =	sadd.s32 s0, s3;
	s0 =	sld [smem:$0x3FA8]  }
0x30: {  	s3 =	sld [smem:$0x3FAB]  }
0x31: {  	[smem:$0x3FB4] =	sst s10  }
0x32: {  	s10 =	sld [smem:$0x3FB2];
	_ =	sdelay $0x3  }
0x33: {  	p0 =	seq.s32 s10, $0x1;
	s10 =	sld [smem:$0x3FB4];
	_ =	sdelay $0x3  }
0x34: {  	[smem:$0x3FB4] =	sst s10  }
0x35: {  	s10 =	sld [smem:$0x3FB3];
	_ =	sdelay $0x3  }
0x36: {  	p1 =	seq.s32 s10, $0x1;
	s10 =	sld [smem:$0x3FB4];
	_ =	sdelay $0x3  }
0x37: {  	[smem:$0x3FB4] =	sst s10  }
0x38: {  	s10 =	sld [smem:$0x3FB5]  }
0x39: {  	_ = 	snop;
	(pc) =	sbr.ind lr, $3  }
0x3a: {  	_ = 	snop  }
0x3b: {  	_ = 	snop  }
0x3c: {  	p2 =	seq.s32 s10, $0x1;
	s10 =	sld [smem:$0x3FB4]  }
0x3d: {  	_ =	shalt  }
0x3e: {  	_ =	shalt  }
0x3f: {  	_ =	shalt  }
0x40: {  	_ =	shalt  }
0x41: {  	_ =	shalt  }
0x42: {  	_ =	shalt  }
0x43: {  	_ =	shalt  }
0x44: {  	_ =	shalt  }
0x45: {  	_ =	shalt  }
0x46: {  	_ =	shalt  }
0x47: {  	_ =	shalt  }
0x48: {  	_ =	shalt  }
0x49: {  	_ =	shalt  }
0x4a: {  	_ =	shalt  }
0x4b: {  	_ =	shalt  }
0x4c: {  	_ =	shalt  }
0x4d: {  	_ =	shalt  }
0x4e: {  	_ =	shalt  }
0x4f: {  	_ =	shalt  }
0x50: {  	_ =	shalt  }
0x51: {  	_ =	shalt  }
0x52: {  	_ =	shalt  }
0x53: {  	_ =	shalt  }
0x54: {  	_ =	shalt  }
0x55: {  	_ =	shalt  }
0x56: {  	_ =	shalt  }
0x57: {  	_ =	shalt  }
0x58: {  	_ =	shalt  }
0x59: {  	_ =	shalt  }
0x5a: {  	_ =	shalt  }
0x5b: {  	_ =	shalt  }
0x5c: {  	_ =	shalt  }
0x5d: {  	_ =	shalt  }
0x5e: {  	_ =	shalt  }
0x5f: {  	_ =	shalt  }
0x60: {  	_ =	shalt  }
0x61: {  	_ =	shalt  }
0x62: {  	_ =	shalt  }
0x63: {  	_ =	shalt  }
0x64: {  	_ =	shalt  }
0x65: {  	_ =	shalt  }
0x66: {  	_ =	shalt  }
0x67: {  	_ =	shalt  }
0x68: {  	_ =	shalt  }
0x69: {  	_ =	shalt  }
0x6a: {  	_ =	shalt  }
0x6b: {  	_ =	shalt  }
0x6c: {  	_ =	shalt  }
0x6d: {  	_ =	shalt  }
0x6e: {  	_ =	shalt  }
0x6f: {  	_ =	shalt  }
0x70: {  	_ =	shalt  }
0x71: {  	_ =	shalt  }
0x72: {  	_ =	shalt  }
0x73: {  	_ =	shalt  }
0x74: {  	_ =	shalt  }
0x75: {  	_ =	shalt  }
0x76: {  	_ =	shalt  }
0x77: {  	_ =	shalt  }
0x78: {  	_ =	shalt  }
0x79: {  	_ =	shalt  }
0x7a: {  	_ =	shalt  }
0x7b: {  	_ =	shalt  }
0x7c: {  	_ =	shalt  }
0x7d: {  	_ =	shalt  }
0x7e: {  	_ =	shalt  }
0x7f: {  	_ =	shalt  }
0x80: {  	_ =	shalt  }
0x81: {  	_ =	shalt  }
0x82: {  	_ =	shalt  }
0x83: {  	_ =	shalt  }
0x84: {  	_ =	shalt  }
0x85: {  	_ =	shalt  }
0x86: {  	_ =	shalt  }
0x87: {  	_ =	shalt  }
.Lfunc_end0:
.L_simem_size_0:
called_computation_lowered:
.L_overlay_start_0:
0x88: {  	s2 =	sld [smem:$0x3FD9]  }
0x89: {  	s3 =	sld [smem:$0x3FFE];
	_ =	sdelay $0x1  }
0x8a: {  	s1 =	srdreg.scid  }
0x8b: {  	s0 =	sand.u32 $0x1, s1  }
0x8c: {  	s17 =	sshll.u32 s0, $0xA;
	s2 =	sadd.s32 s3, s2  }
0x8d: {  	s2 =	sadd.s32 s2, s17  }
0x8e: {  	[smem:$0x3FC0] =	sst s2  }
0x8f: {  	_ = 	snop  }
0x90: {  	s2 =	sld [smem:$0x3FD0];
	(tm) =	ssettm $0x1  }
0x91: {  	s18 =	sld [smem:$0x3FFB];
	_ =	sdelay $0x3  }
0x92: {  	_ =	strace s18  }
0x93: {  	s3 =	sld [smem:$0x3FFC];
	_ =	sdelay $0x3  }
0x94: {  	_ =	strace s3  }
0x95: {  	s3 =	sld [smem:$0x3FFD];
	_ =	sdelay $0x3  }
0x96: {  	_ =	strace s3  }
0x97: {  	_ =	strace $0x8FFFFFFF  }
0x98: {  	s19 =	sld [smem:$0x3FDB];
	_ =	sdelay $0x1  }
0x99: {  	s4 =	simm.s32 $_scs_section_size  }
0x9a: {  	s5 =	simm.s32 $_size__tile_overlayer_lowered;
	s6 =	simm.s32 $_tile_overlayer_lowered  }
0x9b: {  	s22 =	simm.s32 $0x1BFF;
	s21 =	sshll.u32 s6, $0x1;
	s3 =	sadd.s32 s4, s19  }
0x9c: {  	s7 =	simm.s32 $0x0;
	s20 =	sshll.u32 s5, $0x1;
	s5 =	sadd.s32 s21, s3  }
0x9d: {  	[timem:s7], [sflag:s22] =	dma.local [hbm:s5], s20  }
0x9e: {  	_ =	swait.ge [sflag:s22], s20  }
0x9f: {  	s4 =	ssub.s32 $0x0, s20;
	[sflag:s22] =	ssyncset.done $0x0  }
0xa0: {  	[sflag:s22] =	ssyncadd.s32 s4;
	_ =	sdelay $0x1  }
0xa1: {  	s23 =	simm.s32 $0x1B8B  }
0xa2: {  	_ =	swait.ge [sflag:s23], $0x1  }
0xa3: {  	[sflag:s23] =	ssyncset.done $0x0  }
0xa4: {  	s25 =	simm.s32 $0x1B8E;
	s24 =	sld [smem:$0x3FFE];
	[sflag:s23] =	ssyncadd.s32 $0xFFFFFFFF  }
0xa5: {  	s26 =	simm.s32 $execute0_lowered;
	[smem:$0x3FD2] =	sst s25  }
0xa6: {  	s5 =	sshll.u32 s26, $0x1;
	_ =	strace $0x80000046;
	[dreg:$0x1] =	wrdreg $0xFFFFFFFF  }
0xa7: {  	s28 =	simm.s32 $_size_execute0_lowered;
	s3 =	sadd.s32 s3, s5;
	[dreg:$0x0] =	wrdreg $0x0  }
0xa8: {  	s5 =	sshll.u32 s28, $0x1;
	[dreg:$0x2] =	wrdreg s3  }
0xa9: {  	[dreg:$0x3] =	wrdreg s5  }
0xaa: {  	[dreg:$0x4] =	wrdreg $0xC0  }
0xab: {  	_ =	task [dreg:s7], $0x5FFFF  }
0xac: {  	[dreg:$0x1] =	wrdreg $0xFFFFFFFF  }
0xad: {  	[dreg:$0x0] =	wrdreg $0x60  }
0xae: {  	[dreg:$0x2] =	wrdreg s2  }
0xaf: {  	[dreg:$0x3] =	wrdreg s24  }
0xb0: {  	[dreg:$0x4] =	wrdreg $0x8C000  }
0xb1: {  	[dreg:$0x5] =	wrdreg $0x9  }
0xb2: {  	_ =	task.clear_ibuf [dreg:s7], $0x6FFFF;
	_ =	strace $0x90000046  }
0xb3: {  	s29 =	simm.s32 $0x9;
	_ =	strace $0x80000048  }
0xb4: {  	_ =	swait.ge [sflag:s29], $0x1  }
0xb5: {  	[sflag:s29] =	ssyncadd.s32 $0xFFFFFFFF  }
0xb6: {  	_ =	strace $0x90000048  }
0xb7: {  	_ =	sfence  }
0xb8: {  	s30 =	sld [smem:$0x0];
	_ =	sdelay $0x2  }
0xb9: {  	s31 =	sshll.u32 s1, $0xD;
	s1 =	sshrl.u32 s1, $0x2  }
0xba: {  	s3 =	sand.u32 $0x4000, s31;
	s1 =	sadd.s32 s1, s30  }
0xbb: {  	s0 =	sor.u32 s3, s0;
	s1 =	sshll.u32 s1, $0x11  }
0xbc: {  	s0 =	sor.u32 s1, s0  }
0xbd: {  	s0 =	sadd.s32 $0x8F2B, s0  }
0xbe: {  	[sflag:s0] =	ssyncadd.remote.s32 $0x1  }
0xbf: {  	_ =	sfence.sel $0xFFFF  }
0xc0: {  	[dreg:$0x0] =	wrdreg $0xFFFFFFFF;
	(pc) =	sbr.abs _section_cstart, $3  }
0xc1: {  	[dreg:$0x1] =	wrdreg $0xFFFFFFFF  }
0xc2: {  	_ =	task.clear_ibuf [dreg:s7], $0x2FFFF;
	_ =	strace $0x9FFFFFFF  }
0xc3: {  	(tm) =	ssettm $0x7FFFFFFF  }
tec
execute0_lowered:
.L_overlay_start_1:
0x0: {  	(tag) =	ssettag $0x1  }
0x1: {  	s5 =	rddreg [dreg:$0x0]  }
0x2: {  	s4 =	rddreg [dreg:$0x1]  }
0x3: {  	s2 =	rddreg [dreg:$0x2]  }
0x4: {  	s0 =	rddreg [dreg:$0x3]  }
0x5: {  	s6 =	srdreg.scid;
	s1 =	stileid.u32  }
0x6: {  	s3 =	simm.s32 $0x0;
	s21 =	simm.s32 $0x1;
	s22 =	simm.s32 $0x6C00  }
0x7: {  	s23 =	simm.s32 $0x80;
	s24 =	simm.s32 $0x2C00;
	s7 =	smul.u32 $0x280, s1  }
0x8: {  	s6 =	sand.u32 $0x1, s6;
	[smem:$0x7FF] =	sst s3;
	s9 =	smul.u32 $0x50000, s1  }
0x9: {  	s8 =	smul.u32 $0x2800, s6;
	s31 =	sshll.u32 s6, $0x4;
	s6 =	ssub.s32 $0x2, s6  }
0xa: {  	s25 =	simm.s32 $0x0;
	_ =	strace $0x80000047;
	s10 =	sshrl.u32 s6, $0x1  }
0xb: {  	s9 =	sshrl.u32 s9, $0x2;
	s7 =	sadd.s32 s7, s8;
	s8 =	sor.u32 s1, s31  }
0xc: {  	s20 =	ssub.s32 s6, s10;
	s7 =	sshll.u32 s7, $0x4;
	s8 =	smul.u32 $0x580, s8  }
0xd: {  	s20 =	smax.u32 s20, $0x1;
	s19 =	sadd.s32 s7, s4;
	s4 =	sadd.s32 s9, s2  }
0xe: {  	s5 =	sadd.s32 s5, s8;
	s6 =	sadd.s32 $0x2000, s4;
	s7 =	sadd.s32 $0x4000, s4  }
0xf: {  	s8 =	sadd.s32 $0x6000, s4;
	s9 =	sadd.s32 $0x8000, s4;
	s10 =	sadd.s32 $0xA000, s4  }
0x10: {  	s11 =	sadd.s32 $0xC000, s4;
	s12 =	sadd.s32 $0xE000, s4;
	s13 =	sadd.s32 $0x10000, s4  }
0x11: {  	s14 =	sadd.s32 $0x12000, s4;
	s15 =	sadd.s32 $0xCA00, s19;
	s16 =	sadd.s32 $0xD200, s19  }
0x12: {  	v0 =	vimm.f32 $1.000000000e+00;
	v1 =	vimm.f32 $0.0e+00;
	s17 =	sadd.s32 $0xDA00, s19;
	s18 =	sadd.s32 $0xE200, s19;
	s19 =	sadd.s32 $0xEA00, s19  }
.LBB2_1:
0x13: {  	[tilespmem:s3], [sflag:$0x1] =	stream.linear.gather [hbm4b:s5+s3], $0x2900, $0x38;
	[tilespmem:$0x1CC00] =	vst v63  }
0x14: {  	_ =	swait.ge [sflag:s21], $0x2900  }
0x15: {  	[sflag:s21] =	ssyncset.done $0x0  }
0x16: {  	s26 =	simm.s32 $0x0;
	s28 =	simm.s32 $0x200;
	[sflag:s21] =	ssyncadd.s32 $0xFFFFD700  }
.LBB2_2:
0x17: {  	p0 =	sne.s32 s28, $0xFE00;
	[tilespmem:s26+$0x2C70] =	vst v0  }
0x18: {  	[tilespmem:s26+$0x2C00] =	vst v0  }
0x19: {  	[tilespmem:s26+$0x2C10] =	vst v0  }
.Ltmp0:
0x1a: {  	[tilespmem:s26+$0x2C20] =	vst v0;
	(pc) =	sbr.rel @p0 .LBB2_2-.Ltmp0, $4  }
0x1b: {  	[tilespmem:s26+$0x2C30] =	vst v0  }
0x1c: {  	[tilespmem:s26+$0x2C40] =	vst v0  }
0x1d: {  	[tilespmem:s26+$0x2C50] =	vst v0  }
0x1e: {  	[tilespmem:s26+$0x2C60] =	vst v0;
	s26 =	sshra.s32 s28, $0x2;
	s28 =	sadd.s32 $0x200, s28  }
0x1f: {  	[tilespmem:s26+$0x2C70] =	vst v0  }
0x20: {  	[tilespmem:s26+$0x2C00] =	vst v0  }
0x21: {  	[tilespmem:s26+$0x2C10] =	vst v0  }
0x22: {  	[tilespmem:s26+$0x2C20] =	vst v0  }
0x23: {  	[tilespmem:s26+$0x2C30] =	vst v0  }
0x24: {  	[tilespmem:s26+$0x2C40] =	vst v0  }
0x25: {  	[tilespmem:s26+$0x2C50] =	vst v0  }
0x26: {  	[tilespmem:s26+$0x2C60] =	vst v0;
	s26 =	simm.s32 $0x0;
	s28 =	simm.s32 $0x200  }
.LBB2_4:
0x27: {  	p0 =	sne.s32 s28, $0x7E00;
	[tilespmem:s26+$0x6C70] =	vst v1  }
0x28: {  	[tilespmem:s26+$0x6C00] =	vst v1  }
0x29: {  	[tilespmem:s26+$0x6C10] =	vst v1  }
.Ltmp1:
0x2a: {  	[tilespmem:s26+$0x6C20] =	vst v1;
	(pc) =	sbr.rel @p0 .LBB2_4-.Ltmp1, $4  }
0x2b: {  	[tilespmem:s26+$0x6C30] =	vst v1  }
0x2c: {  	[tilespmem:s26+$0x6C40] =	vst v1  }
0x2d: {  	[tilespmem:s26+$0x6C50] =	vst v1  }
0x2e: {  	[tilespmem:s26+$0x6C60] =	vst v1;
	s26 =	sshra.s32 s28, $0x2;
	s28 =	sadd.s32 $0x200, s28  }
0x2f: {  	[tilespmem:s26+$0x6C70] =	vst v1  }
0x30: {  	[tilespmem:s26+$0x6C00] =	vst v1  }
0x31: {  	[tilespmem:s26+$0x6C10] =	vst v1  }
0x32: {  	[tilespmem:s26+$0x6C20] =	vst v1  }
0x33: {  	[tilespmem:s26+$0x6C30] =	vst v1  }
0x34: {  	[tilespmem:s26+$0x6C40] =	vst v1  }
0x35: {  	[tilespmem:s26+$0x6C50] =	vst v1  }
0x36: {  	[tilespmem:s26+$0x6C60] =	vst v1  }
0x37: {  	[spmem:s4] =	stream.linear.scatter [tilespmem:s22], [sflag:$0x1], $0x2000, $0x38;
	[tilespmem:$0x1CC00] =	vst v63  }
0x38: {  	_ =	swait.ge [sflag:s21], $0x2000  }
0x39: {  	[sflag:s21] =	ssyncset.done $0x0  }
0x3a: {  	[sflag:s21] =	ssyncadd.s32 $0xFFFFE000  }
0x3b: {  	[spmem:s6] =	stream.linear.scatter [tilespmem:s22], [sflag:$0x1], $0x2000, $0x38;
	[tilespmem:$0x1CC00] =	vst v63  }
0x3c: {  	_ =	swait.ge [sflag:s21], $0x2000  }
0x3d: {  	[sflag:s21] =	ssyncset.done $0x0  }
0x3e: {  	[sflag:s21] =	ssyncadd.s32 $0xFFFFE000  }
0x3f: {  	[spmem:s7] =	stream.linear.scatter [tilespmem:s22], [sflag:$0x1], $0x2000, $0x38;
	[tilespmem:$0x1CC00] =	vst v63  }
0x40: {  	_ =	swait.ge [sflag:s21], $0x2000  }
0x41: {  	[sflag:s21] =	ssyncset.done $0x0  }
0x42: {  	[sflag:s21] =	ssyncadd.s32 $0xFFFFE000  }
0x43: {  	[spmem:s8] =	stream.linear.scatter [tilespmem:s22], [sflag:$0x1], $0x2000, $0x38;
	[tilespmem:$0x1CC00] =	vst v63  }
0x44: {  	_ =	swait.ge [sflag:s21], $0x2000  }
0x45: {  	[sflag:s21] =	ssyncset.done $0x0  }
0x46: {  	[sflag:s21] =	ssyncadd.s32 $0xFFFFE000  }
0x47: {  	[spmem:s9] =	stream.linear.scatter [tilespmem:s22], [sflag:$0x1], $0x2000, $0x38;
	[tilespmem:$0x1CC00] =	vst v63  }
0x48: {  	_ =	swait.ge [sflag:s21], $0x2000  }
0x49: {  	[sflag:s21] =	ssyncset.done $0x0  }
0x4a: {  	[sflag:s21] =	ssyncadd.s32 $0xFFFFE000  }
0x4b: {  	[spmem:s10] =	stream.linear.scatter [tilespmem:s22], [sflag:$0x1], $0x2000, $0x38;
	[tilespmem:$0x1CC00] =	vst v63  }
0x4c: {  	_ =	swait.ge [sflag:s21], $0x2000  }
0x4d: {  	[sflag:s21] =	ssyncset.done $0x0  }
0x4e: {  	[sflag:s21] =	ssyncadd.s32 $0xFFFFE000  }
0x4f: {  	[spmem:s11] =	stream.linear.scatter [tilespmem:s22], [sflag:$0x1], $0x2000, $0x38;
	[tilespmem:$0x1CC00] =	vst v63  }
0x50: {  	_ =	swait.ge [sflag:s21], $0x2000  }
0x51: {  	[sflag:s21] =	ssyncset.done $0x0  }
0x52: {  	[sflag:s21] =	ssyncadd.s32 $0xFFFFE000  }
0x53: {  	[spmem:s12] =	stream.linear.scatter [tilespmem:s22], [sflag:$0x1], $0x2000, $0x38;
	[tilespmem:$0x1CC00] =	vst v63  }
0x54: {  	_ =	swait.ge [sflag:s21], $0x2000  }
0x55: {  	[sflag:s21] =	ssyncset.done $0x0  }
0x56: {  	[sflag:s21] =	ssyncadd.s32 $0xFFFFE000  }
0x57: {  	[spmem:s13] =	stream.linear.scatter [tilespmem:s22], [sflag:$0x1], $0x2000, $0x38;
	[tilespmem:$0x1CC00] =	vst v63  }
0x58: {  	_ =	swait.ge [sflag:s21], $0x2000  }
0x59: {  	[sflag:s21] =	ssyncset.done $0x0  }
0x5a: {  	[sflag:s21] =	ssyncadd.s32 $0xFFFFE000  }
0x5b: {  	[spmem:s14] =	stream.linear.scatter [tilespmem:s22], [sflag:$0x1], $0x2000, $0x38;
	[tilespmem:$0x1CC00] =	vst v63  }
0x5c: {  	_ =	swait.ge [sflag:s21], $0x2000  }
0x5d: {  	[sflag:s21] =	ssyncset.done $0x0  }
0x5e: {  	[sflag:s21] =	ssyncadd.s32 $0xFFFFE000  }
0x5f: {  	s31 =	simm.s32 $0x0;
	[bflag:$0x0] =	sbarrier.arrive $0xFFFF  }
0x60: {  	[spmem:s2] =	stream.indirect.scatter.add.f32 [tilespmem:s24], [sflag:$0x1], $0x80, s31, s23, $0xb8;
	[tilespmem:$0x1CC00] =	vst v63  }
0x61: {  	_ =	swait.ge [sflag:s21], $0x4000  }
0x62: {  	s26 =	simm.s32 $0x200;
	[sflag:s21] =	ssyncset.done $0x0  }
.LBB2_6:
0x63: {  	s28 =	sshra.s32 s26, $0x2;
	[sflag:s21] =	ssyncadd.s32 $0xFFFFC000;
	p0 =	sne.s32 s26, $0xA200  }
0x64: {  	[spmem:s2] =	stream.indirect.scatter.add.f32 [tilespmem:s24], [sflag:$0x1], $0x80, s28, s23, $0xb8;
	[tilespmem:$0x1CC00] =	vst v63  }
.Ltmp2:
0x65: {  	_ = 	snop;
	(pc) =	sbr.rel @p0 .LBB2_6-.Ltmp2, $4  }
0x66: {  	_ = 	snop  }
0x67: {  	s26 =	sadd.s32 $0x200, s26  }
0x68: {  	_ =	swait.ge [sflag:s21], $0x4000  }
0x69: {  	[sflag:s21] =	ssyncset.done $0x0  }
0x6a: {  	[sflag:s21] =	ssyncadd.s32 $0xFFFFC000;
	s26 =	sshll.u32 s1, $0x6  }
0x6b: {  	s28 =	sshrl.u32 s4, $0x3;
	[bflag:$0x0] =	sbarrier.arrive $0xFFFF;
	s26 =	sor.u32 $0x1C01, s26  }
0x6c: {  	[hbm:s15], [sflag:s26] =	dma.local [spmem:s28], $0x800  }
0x6d: {  	_ =	swait.ge [sflag:s21], $0x800  }
0x6e: {  	[sflag:s21] =	ssyncset.done $0x0  }
0x6f: {  	s31 =	sshrl.u32 s7, $0x3;
	[sflag:s21] =	ssyncadd.s32 $0xFFFFF800  }
0x70: {  	[hbm:s16], [sflag:s26] =	dma.local [spmem:s31], $0x800  }
0x71: {  	_ =	swait.ge [sflag:s21], $0x800  }
0x72: {  	[sflag:s21] =	ssyncset.done $0x0  }
0x73: {  	s29 =	sshrl.u32 s9, $0x3;
	[sflag:s21] =	ssyncadd.s32 $0xFFFFF800  }
0x74: {  	[hbm:s17], [sflag:s26] =	dma.local [spmem:s29], $0x800  }
0x75: {  	_ =	swait.ge [sflag:s21], $0x800  }
0x76: {  	[sflag:s21] =	ssyncset.done $0x0  }
0x77: {  	s30 =	sshrl.u32 s11, $0x3;
	[sflag:s21] =	ssyncadd.s32 $0xFFFFF800  }
0x78: {  	[hbm:s18], [sflag:s26] =	dma.local [spmem:s30], $0x800  }
0x79: {  	s25 =	sadd.s32 $0x1, s25;
	_ =	swait.ge [sflag:s21], $0x800  }
0x7a: {  	p0 =	sne.s32 s25, s20;
	[sflag:s21] =	ssyncset.done $0x0  }
.Ltmp3:
0x7b: {  	s31 =	sshrl.u32 s13, $0x3;
	[sflag:s21] =	ssyncadd.s32 $0xFFFFF800;
	(pc) =	sbr.rel @p0 .LBB2_1-.Ltmp3, $4  }
0x7c: {  	[hbm:s19], [sflag:s26] =	dma.local [spmem:s31], $0x800  }
0x7d: {  	_ =	swait.ge [sflag:s21], $0x800  }
0x7e: {  	[sflag:s21] =	ssyncset.done $0x0  }
0x7f: {  	[sflag:s21] =	ssyncadd.s32 $0xFFFFF800  }
0x80: {  	_ =	sfence.sel $0x180000  }
0x81: {  	[bflag:$0x0] =	sbarrier.arrive $0xFFFF  }
0x82: {  	p0 =	sne.s32 s1, $0x0;
	_ =	strace $0x90000047  }
0x83: {  	s0 =	sadd.s32 @!p0 $0x100000, s0;
	[bflag:$0x2] =	sbarrier.arrive $0xFFFF  }
0x84: {  	[sflag:s0] =	ssyncadd.tile.s32 @!p0 $0x1;
	_ =	shalt  }
.Lfunc_end2:
_tile_overlayer_lowered:
.L_overlay_start_2:
0x85: {  	(tag) =	ssettag $0x2  }
0x86: {  	s0 =	rddreg [dreg:$0x0];
	s2 =	stileid.u32  }
0x87: {  	s1 =	rddreg [dreg:$0x1];
	p0 =	sne.s32 s2, $0x0  }
0x88: {  	s3 =	rddreg [dreg:$0x2];
	[bflag:$0x3] =	sbarrier.arrive $0xFFFF;
	s2 =	simm.s32 @!p0 $0x1C01  }
0x89: {  	[timem:s3], [sflag:s2] =	dma.local @!p0 [hbm:s0], s1  }
0x8a: {  	s0 =	simm.s32 @!p0 $0x1  }
0x8b: {  	_ =	swait.ge @!p0 [sflag:s0], s1  }
0x8c: {  	s1 =	ssub.s32 @!p0 $0x0, s1;
	[sflag:s0] =	ssyncset.done @!p0 $0x0  }
0x8d: {  	[sflag:s0] =	ssyncadd.s32 @!p0 s1  }
0x8e: {  	[bflag:$0x3] =	sbarrier.arrive $0xFFFF  }
0x8f: {  	_ =	shalt  }

// kernel: kernel.13.cloned.1.call-start
scs
__scs_entry_jumppad:
0x0: {  	(pc) =	sbr.rel $0x88, $3  }
0x1: {  	(tag) =	ssettag $0x0;
	lr =	simm.s32 $0x1  }
0x2: {  	[smem:$0x3F99] =	sst lr;
	_ =	strace $0xD0000000  }
0x3: {  	_ = 	snop  }
0x4: {  	_ = 	snop  }
0x5: {  	_ = 	snop  }
0x6: {  	_ = 	snop  }
0x7: {  	_ = 	snop  }
__scs_overlays_trampoline_lowered:
0x8: {  	[smem:$0x3FA8] =	sst s0  }
0x9: {  	[smem:$0x3FA9] =	sst s1  }
0xa: {  	[smem:$0x3FAA] =	sst s2  }
0xb: {  	[smem:$0x3FAB] =	sst s3  }
0xc: {  	[smem:$0x3FAC] =	sst s4  }
0xd: {  	[smem:$0x3FAD] =	sst s5  }
0xe: {  	[smem:$0x3FAE] =	sst s6  }
0xf: {  	[smem:$0x3FAF] =	sst s7  }
0x10: {  	[smem:$0x3FB0] =	sst s8  }
0x11: {  	[smem:$0x3FB1] =	sst s9;
	s0 =	simm.s32 @!p0 $0x0  }
0x12: {  	s1 =	sld [smem:$0x3F97];
	s0 =	simm.s32 @p0 $0x1  }
0x13: {  	[smem:$0x3FB2] =	sst s0;
	s0 =	simm.s32 @!p1 $0x0  }
0x14: {  	s2 =	sld [smem:$0x3F96];
	s0 =	simm.s32 @p1 $0x1  }
0x15: {  	[smem:$0x3FB3] =	sst s0;
	s0 =	simm.s32 @!p2 $0x0  }
0x16: {  	s3 =	sld [smem:$0x3FDB];
	s0 =	simm.s32 @p2 $0x1  }
0x17: {  	s4 =	simm.s32 $0x1BF5;
	[smem:$0x3FB5] =	sst s0  }
0x18: {  	s0 =	sld [smem:$0x3F98];
	_ =	swait.ge [sflag:s4], $0x0  }
0x19: {  	s7 =	sld [smem:$0x3F99]  }
0x1a: {  	s8 =	sadd.s32 $0xFFFFE003, lr  }
0x1b: {  	s9 =	sadd.s32 $0xFFFFFEF7, lr;
	s5 =	simm.s32 $0xFFFFFFFF;
	p2 =	slt.u32 s8, $0xFFFFF086  }
0x1c: {  	p1 =	slt.u32 s9, $0xF7A;
	s5 =	simm.s32 @!p2 $0x0  }
0x1d: {  	s5 =	simm.s32 @p1 $0x1;
	p0 =	seq.s32 s7, s2  }
0x1e: {  	s7 =	smul.u32 @!p0 $0xF7A, s2;
	p2 =	seq.s32 @!p0 s5, $0x0  }
0x1f: {  	s9 =	smul.u32 $0xF7A, s1;
	s8 =	simm.s32 @!p0 $0x1BF5;
	p2 =	por !p2, p0  }
0x20: {  	[sflag:s8] =	ssyncset.s32 @!p0 $0xFFFFF086;
	s6 =	sadd.s32 @!p0 s3, s7;
	s7 =	simm.s32 @!p0 $0x108  }
0x21: {  	s3 =	sadd.s32 s3, s9;
	s6 =	sadd.s32 @!p0 $0x88, s6;
	s7 =	simm.s32 @p2 $0x1082  }
0x22: {  	[simem:s7], [sflag:s8] =	dma.local @!p0 [hbm:s6], $0xF7A  }
0x23: {  	s9 =	sor.u32 $0xD0000000, s2;
	s6 =	simm.s32 $0x108;
	_ =	swait.ge @!p0 [sflag:s8], $0x0  }
0x24: {  	s3 =	sadd.s32 $0x88, s3;
	s6 =	simm.s32 @!p1 $0x1082;
	[sflag:s4] =	ssyncset.s32 $0xFFFFF086  }
0x25: {  	[simem:s6], [sflag:s4] =	dma.local [hbm:s3], $0xF7A  }
0x26: {  	[smem:$0x3F99] =	sst s1;
	(tag) =	ssettag s2;
	_ =	strace s9  }
0x27: {  	s1 =	sld [smem:$0x3FA9]  }
0x28: {  	s2 =	sld [smem:$0x3FAA]  }
0x29: {  	s4 =	sld [smem:$0x3FAC]  }
0x2a: {  	p0 =	seq.s32 s5, $0x0;
	s5 =	sld [smem:$0x3FAD]  }
0x2b: {  	s6 =	sld [smem:$0x3FAE]  }
0x2c: {  	s7 =	sld [smem:$0x3FAF]  }
0x2d: {  	s3 =	simm.s32 $0x108;
	s8 =	sld [smem:$0x3FB0]  }
0x2e: {  	s3 =	simm.s32 @!p0 $0x1082;
	s9 =	sld [smem:$0x3FB1]  }
0x2f: {  	lr =	sadd.s32 s0, s3;
	s0 =	sld [smem:$0x3FA8]  }
0x30: {  	s3 =	sld [smem:$0x3FAB]  }
0x31: {  	[smem:$0x3FB4] =	sst s10  }
0x32: {  	s10 =	sld [smem:$0x3FB2];
	_ =	sdelay $0x3  }
0x33: {  	p0 =	seq.s32 s10, $0x1;
	s10 =	sld [smem:$0x3FB4];
	_ =	sdelay $0x3  }
0x34: {  	[smem:$0x3FB4] =	sst s10  }
0x35: {  	s10 =	sld [smem:$0x3FB3];
	_ =	sdelay $0x3  }
0x36: {  	p1 =	seq.s32 s10, $0x1;
	s10 =	sld [smem:$0x3FB4];
	_ =	sdelay $0x3  }
0x37: {  	[smem:$0x3FB4] =	sst s10  }
0x38: {  	s10 =	sld [smem:$0x3FB5]  }
0x39: {  	_ = 	snop;
	(pc) =	sbr.ind lr, $3  }
0x3a: {  	_ = 	snop  }
0x3b: {  	_ = 	snop  }
0x3c: {  	p2 =	seq.s32 s10, $0x1;
	s10 =	sld [smem:$0x3FB4]  }
0x3d: {  	_ =	shalt  }
0x3e: {  	_ =	shalt  }
0x3f: {  	_ =	shalt  }
0x40: {  	_ =	shalt  }
0x41: {  	_ =	shalt  }
0x42: {  	_ =	shalt  }
0x43: {  	_ =	shalt  }
0x44: {  	_ =	shalt  }
0x45: {  	_ =	shalt  }
0x46: {  	_ =	shalt  }
0x47: {  	_ =	shalt  }
0x48: {  	_ =	shalt  }
0x49: {  	_ =	shalt  }
0x4a: {  	_ =	shalt  }
0x4b: {  	_ =	shalt  }
0x4c: {  	_ =	shalt  }
0x4d: {  	_ =	shalt  }
0x4e: {  	_ =	shalt  }
0x4f: {  	_ =	shalt  }
0x50: {  	_ =	shalt  }
0x51: {  	_ =	shalt  }
0x52: {  	_ =	shalt  }
0x53: {  	_ =	shalt  }
0x54: {  	_ =	shalt  }
0x55: {  	_ =	shalt  }
0x56: {  	_ =	shalt  }
0x57: {  	_ =	shalt  }
0x58: {  	_ =	shalt  }
0x59: {  	_ =	shalt  }
0x5a: {  	_ =	shalt  }
0x5b: {  	_ =	shalt  }
0x5c: {  	_ =	shalt  }
0x5d: {  	_ =	shalt  }
0x5e: {  	_ =	shalt  }
0x5f: {  	_ =	shalt  }
0x60: {  	_ =	shalt  }
0x61: {  	_ =	shalt  }
0x62: {  	_ =	shalt  }
0x63: {  	_ =	shalt  }
0x64: {  	_ =	shalt  }
0x65: {  	_ =	shalt  }
0x66: {  	_ =	shalt  }
0x67: {  	_ =	shalt  }
0x68: {  	_ =	shalt  }
0x69: {  	_ =	shalt  }
0x6a: {  	_ =	shalt  }
0x6b: {  	_ =	shalt  }
0x6c: {  	_ =	shalt  }
0x6d: {  	_ =	shalt  }
0x6e: {  	_ =	shalt  }
0x6f: {  	_ =	shalt  }
0x70: {  	_ =	shalt  }
0x71: {  	_ =	shalt  }
0x72: {  	_ =	shalt  }
0x73: {  	_ =	shalt  }
0x74: {  	_ =	shalt  }
0x75: {  	_ =	shalt  }
0x76: {  	_ =	shalt  }
0x77: {  	_ =	shalt  }
0x78: {  	_ =	shalt  }
0x79: {  	_ =	shalt  }
0x7a: {  	_ =	shalt  }
0x7b: {  	_ =	shalt  }
0x7c: {  	_ =	shalt  }
0x7d: {  	_ =	shalt  }
0x7e: {  	_ =	shalt  }
0x7f: {  	_ =	shalt  }
0x80: {  	_ =	shalt  }
0x81: {  	_ =	shalt  }
0x82: {  	_ =	shalt  }
0x83: {  	_ =	shalt  }
0x84: {  	_ =	shalt  }
0x85: {  	_ =	shalt  }
0x86: {  	_ =	shalt  }
0x87: {  	_ =	shalt  }
.Lfunc_end0:
.L_simem_size_0:
called_computation.1_lowered:
.L_overlay_start_0:
0x88: {  	s2 =	sld [smem:$0x3FD9]  }
0x89: {  	s3 =	sld [smem:$0x3FFE];
	_ =	sdelay $0x1  }
0x8a: {  	s1 =	srdreg.scid  }
0x8b: {  	s0 =	sand.u32 $0x1, s1  }
0x8c: {  	s17 =	sshll.u32 s0, $0xA;
	s2 =	sadd.s32 s3, s2  }
0x8d: {  	s2 =	sadd.s32 s2, s17  }
0x8e: {  	[smem:$0x3FC0] =	sst s2  }
0x8f: {  	_ = 	snop  }
0x90: {  	s2 =	sld [smem:$0x3FD0];
	(tm) =	ssettm $0x1  }
0x91: {  	s18 =	sld [smem:$0x3FFB];
	_ =	sdelay $0x3  }
0x92: {  	_ =	strace s18  }
0x93: {  	s3 =	sld [smem:$0x3FFC];
	_ =	sdelay $0x3  }
0x94: {  	_ =	strace s3  }
0x95: {  	s3 =	sld [smem:$0x3FFD];
	_ =	sdelay $0x3  }
0x96: {  	_ =	strace s3  }
0x97: {  	_ =	strace $0x8FFFFFFF  }
0x98: {  	s19 =	sld [smem:$0x3FDB];
	_ =	sdelay $0x1  }
0x99: {  	s4 =	simm.s32 $_scs_section_size  }
0x9a: {  	s5 =	simm.s32 $_size__tile_overlayer_lowered;
	s6 =	simm.s32 $_tile_overlayer_lowered  }
0x9b: {  	s22 =	simm.s32 $0x1BFF;
	s21 =	sshll.u32 s6, $0x1;
	s3 =	sadd.s32 s4, s19  }
0x9c: {  	s7 =	simm.s32 $0x0;
	s20 =	sshll.u32 s5, $0x1;
	s5 =	sadd.s32 s21, s3  }
0x9d: {  	[timem:s7], [sflag:s22] =	dma.local [hbm:s5], s20  }
0x9e: {  	_ =	swait.ge [sflag:s22], s20  }
0x9f: {  	s4 =	ssub.s32 $0x0, s20;
	[sflag:s22] =	ssyncset.done $0x0  }
0xa0: {  	[sflag:s22] =	ssyncadd.s32 s4;
	_ =	sdelay $0x1  }
0xa1: {  	s23 =	simm.s32 $0x1B8B  }
0xa2: {  	_ =	swait.ge [sflag:s23], $0x1  }
0xa3: {  	[sflag:s23] =	ssyncset.done $0x0  }
0xa4: {  	s25 =	simm.s32 $0x1B8E;
	s24 =	sld [smem:$0x3FFE];
	[sflag:s23] =	ssyncadd.s32 $0xFFFFFFFF  }
0xa5: {  	s26 =	simm.s32 $execute0_lowered;
	[smem:$0x3FD2] =	sst s25  }
0xa6: {  	s5 =	sshll.u32 s26, $0x1;
	_ =	strace $0x80000049;
	[dreg:$0x1] =	wrdreg $0xFFFFFFFF  }
0xa7: {  	s28 =	simm.s32 $_size_execute0_lowered;
	s3 =	sadd.s32 s3, s5;
	[dreg:$0x0] =	wrdreg $0x0  }
0xa8: {  	s5 =	sshll.u32 s28, $0x1;
	[dreg:$0x2] =	wrdreg s3  }
0xa9: {  	[dreg:$0x3] =	wrdreg s5  }
0xaa: {  	[dreg:$0x4] =	wrdreg $0xC0  }
0xab: {  	_ =	task [dreg:s7], $0x5FFFF  }
0xac: {  	[dreg:$0x1] =	wrdreg $0xFFFFFFFF  }
0xad: {  	[dreg:$0x0] =	wrdreg $0x60  }
0xae: {  	[dreg:$0x2] =	wrdreg s2  }
0xaf: {  	[dreg:$0x3] =	wrdreg s24  }
0xb0: {  	[dreg:$0x4] =	wrdreg $0xAA000  }
0xb1: {  	[dreg:$0x5] =	wrdreg $0x9  }
0xb2: {  	_ =	task.clear_ibuf [dreg:s7], $0x6FFFF;
	_ =	strace $0x90000049  }
0xb3: {  	s29 =	simm.s32 $0x9;
	_ =	strace $0x8000004B  }
0xb4: {  	_ =	swait.ge [sflag:s29], $0x1  }
0xb5: {  	[sflag:s29] =	ssyncadd.s32 $0xFFFFFFFF  }
0xb6: {  	_ =	strace $0x9000004B  }
0xb7: {  	_ =	sfence  }
0xb8: {  	s30 =	sld [smem:$0x0];
	_ =	sdelay $0x2  }
0xb9: {  	s31 =	sshll.u32 s1, $0xD;
	s1 =	sshrl.u32 s1, $0x2  }
0xba: {  	s3 =	sand.u32 $0x4000, s31;
	s1 =	sadd.s32 s1, s30  }
0xbb: {  	s0 =	sor.u32 s3, s0;
	s1 =	sshll.u32 s1, $0x11  }
0xbc: {  	s0 =	sor.u32 s1, s0  }
0xbd: {  	s0 =	sadd.s32 $0x8F2B, s0  }
0xbe: {  	[sflag:s0] =	ssyncadd.remote.s32 $0x1  }
0xbf: {  	_ =	sfence.sel $0xFFFF  }
0xc0: {  	[dreg:$0x0] =	wrdreg $0xFFFFFFFF;
	(pc) =	sbr.abs _section_cstart, $3  }
0xc1: {  	[dreg:$0x1] =	wrdreg $0xFFFFFFFF  }
0xc2: {  	_ =	task.clear_ibuf [dreg:s7], $0x2FFFF;
	_ =	strace $0x9FFFFFFF  }
0xc3: {  	(tm) =	ssettm $0x7FFFFFFF  }
tec
execute0_lowered:
.L_overlay_start_1:
0x0: {  	(tag) =	ssettag $0x1  }
0x1: {  	s1 =	rddreg [dreg:$0x0]  }
0x2: {  	s0 =	srdreg.scid;
	s5 =	rddreg [dreg:$0x1]  }
0x3: {  	s8 =	stileid.u32;
	s3 =	rddreg [dreg:$0x2]  }
0x4: {  	s4 =	simm.s32 $0x0;
	s28 =	simm.s32 $0x2A00;
	s0 =	sand.u32 $0x1, s0  }
0x5: {  	s29 =	simm.s32 $0x6A00;
	s30 =	simm.s32 $0x2900;
	s2 =	sshll.u32 s0, $0x4  }
0x6: {  	s31 =	simm.s32 $0x2980;
	s7 =	smul.u32 $0x280, s8;
	s2 =	sor.u32 s8, s2  }
0x7: {  	s6 =	sshll.u32 s8, $0x7;
	s19 =	smul.u32 $0x2800, s0;
	s2 =	sshrl.u32 s2, $0x3  }
0x8: {  	[smem:$0x7FF] =	sst s4;
	s0 =	ssub.s32 $0x2, s0;
	s2 =	smul.u32 $0x14800, s2  }
0x9: {  	s6 =	sand.u32 $0x380, s6;
	s8 =	smul.u32 $0x50000, s8;
	s20 =	sshrl.u32 s0, $0x1  }
0xa: {  	_ =	strace $0x8000004A;
	s0 =	ssub.s32 s0, s20;
	s2 =	sor.u32 s6, s2  }
0xb: {  	s8 =	sshrl.u32 s8, $0x2;
	s6 =	sadd.s32 s7, s19;
	s2 =	sshrl.u32 s2, $0x3  }
0xc: {  	s7 =	simm.s32 $0x0;
	s6 =	sshll.u32 s6, $0x4;
	s2 =	sadd.s32 s2, s5  }
0xd: {  	s6 =	sadd.s32 s6, s5;
	s5 =	sadd.s32 s8, s3;
	s21 =	sadd.s32 $0x5CA00, s2  }
0xe: {  	s22 =	sadd.s32 $0x2000, s5;
	s8 =	sadd.s32 $0x4000, s5;
	[dreg:$0x4] =	wrdreg s21  }
0xf: {  	s23 =	sadd.s32 $0x6000, s5;
	s10 =	sadd.s32 $0x8000, s5;
	[dreg:$0x5] =	wrdreg s22  }
0x10: {  	s24 =	sadd.s32 $0xA000, s5;
	s12 =	sadd.s32 $0xC000, s5;
	[dreg:$0x6] =	wrdreg s23  }
0x11: {  	s25 =	sadd.s32 $0xE000, s5;
	s14 =	sadd.s32 $0x10000, s5;
	[dreg:$0x7] =	wrdreg s24  }
0x12: {  	s26 =	sadd.s32 $0x12000, s5;
	s16 =	sadd.s32 $0x2600, s2;
	[dreg:$0x8] =	wrdreg s25  }
0x13: {  	s2 =	sadd.s32 $0x2680, s2;
	s18 =	sadd.s32 $0xCA00, s6;
	[dreg:$0x9] =	wrdreg s26  }
0x14: {  	s19 =	sadd.s32 $0xD200, s6;
	s20 =	sadd.s32 $0xDA00, s6;
	[dreg:$0xa] =	wrdreg s2  }
0x15: {  	s21 =	sadd.s32 $0xE200, s6;
	s22 =	sadd.s32 $0xEA00, s6;
	s23 =	smax.u32 s0, $0x1  }
0x16: {  	s24 =	simm.s32 $0x80;
	s26 =	simm.s32 $0x5;
	s2 =	simm.s32 $0x1  }
0x17: {  	v0 =	vimm.f32 $0.0e+00;
	s0 =	simm.s32 $0x3;
	s25 =	simm.s32 $0x2;
	s6 =	simm.s32 $0x4  }
.LBB2_1:
0x18: {  	s9 =	rddreg [dreg:$0x4];
	s11 =	simm.s32 $0x400  }
0x19: {  	[tilespmem:s4], [sflag:$0x5] =	stream.strided.gather [hbm4b:s9+s24], $0x2900, s11, s24, $0x38;
	[tilespmem:$0x1EA00] =	vst v63  }
0x1a: {  	_ =	swait.ge [sflag:s26], $0x2900  }
0x1b: {  	[sflag:s26] =	ssyncset.done $0x0  }
0x1c: {  	s9 =	simm.s32 $0x0;
	s11 =	simm.s32 $0x200;
	[sflag:s26] =	ssyncadd.s32 $0xFFFFD700  }
.LBB2_2:
0x1d: {  	p0 =	sne.s32 s11, $0x7E00;
	[tilespmem:s9+$0x2A70] =	vst v0  }
0x1e: {  	[tilespmem:s9+$0x2A00] =	vst v0  }
0x1f: {  	[tilespmem:s9+$0x2A10] =	vst v0  }
.Ltmp0:
0x20: {  	[tilespmem:s9+$0x2A20] =	vst v0;
	(pc) =	sbr.rel @p0 .LBB2_2-.Ltmp0, $4  }
0x21: {  	[tilespmem:s9+$0x2A30] =	vst v0  }
0x22: {  	[tilespmem:s9+$0x2A40] =	vst v0  }
0x23: {  	[tilespmem:s9+$0x2A50] =	vst v0  }
0x24: {  	[tilespmem:s9+$0x2A60] =	vst v0;
	s9 =	sshra.s32 s11, $0x2;
	s11 =	sadd.s32 $0x200, s11  }
0x25: {  	[tilespmem:s9+$0x2A70] =	vst v0  }
0x26: {  	[tilespmem:s9+$0x2A00] =	vst v0  }
0x27: {  	[tilespmem:s9+$0x2A10] =	vst v0  }
0x28: {  	[tilespmem:s9+$0x2A20] =	vst v0  }
0x29: {  	[tilespmem:s9+$0x2A30] =	vst v0  }
0x2a: {  	[tilespmem:s9+$0x2A40] =	vst v0  }
0x2b: {  	[tilespmem:s9+$0x2A50] =	vst v0  }
0x2c: {  	[tilespmem:s9+$0x2A60] =	vst v0  }
0x2d: {  	[spmem:s5] =	stream.linear.scatter [tilespmem:s28], [sflag:$0x5], $0x2000, $0x38;
	[tilespmem:$0x1EA00] =	vst v63  }
0x2e: {  	_ =	swait.ge [sflag:s26], $0x2000  }
0x2f: {  	[sflag:s26] =	ssyncset.done $0x0  }
0x30: {  	s11 =	rddreg [dreg:$0x5];
	[sflag:s26] =	ssyncadd.s32 $0xFFFFE000  }
0x31: {  	[spmem:s11] =	stream.linear.scatter [tilespmem:s28], [sflag:$0x5], $0x2000, $0x38;
	[tilespmem:$0x1EA00] =	vst v63  }
0x32: {  	_ =	swait.ge [sflag:s26], $0x2000  }
0x33: {  	[sflag:s26] =	ssyncset.done $0x0  }
0x34: {  	[sflag:s26] =	ssyncadd.s32 $0xFFFFE000  }
0x35: {  	[spmem:s8] =	stream.linear.scatter [tilespmem:s28], [sflag:$0x5], $0x2000, $0x38;
	[tilespmem:$0x1EA00] =	vst v63  }
0x36: {  	_ =	swait.ge [sflag:s26], $0x2000  }
0x37: {  	[sflag:s26] =	ssyncset.done $0x0  }
0x38: {  	s13 =	rddreg [dreg:$0x6];
	[sflag:s26] =	ssyncadd.s32 $0xFFFFE000  }
0x39: {  	[spmem:s13] =	stream.linear.scatter [tilespmem:s28], [sflag:$0x5], $0x2000, $0x38;
	[tilespmem:$0x1EA00] =	vst v63  }
0x3a: {  	_ =	swait.ge [sflag:s26], $0x2000  }
0x3b: {  	[sflag:s26] =	ssyncset.done $0x0  }
0x3c: {  	[sflag:s26] =	ssyncadd.s32 $0xFFFFE000  }
0x3d: {  	[spmem:s10] =	stream.linear.scatter [tilespmem:s28], [sflag:$0x5], $0x2000, $0x38;
	[tilespmem:$0x1EA00] =	vst v63  }
0x3e: {  	_ =	swait.ge [sflag:s26], $0x2000  }
0x3f: {  	[sflag:s26] =	ssyncset.done $0x0  }
0x40: {  	s15 =	rddreg [dreg:$0x7];
	[sflag:s26] =	ssyncadd.s32 $0xFFFFE000  }
0x41: {  	[spmem:s15] =	stream.linear.scatter [tilespmem:s28], [sflag:$0x5], $0x2000, $0x38;
	[tilespmem:$0x1EA00] =	vst v63  }
0x42: {  	_ =	swait.ge [sflag:s26], $0x2000  }
0x43: {  	[sflag:s26] =	ssyncset.done $0x0  }
0x44: {  	[sflag:s26] =	ssyncadd.s32 $0xFFFFE000  }
0x45: {  	[spmem:s12] =	stream.linear.scatter [tilespmem:s28], [sflag:$0x5], $0x2000, $0x38;
	[tilespmem:$0x1EA00] =	vst v63  }
0x46: {  	_ =	swait.ge [sflag:s26], $0x2000  }
0x47: {  	[sflag:s26] =	ssyncset.done $0x0  }
0x48: {  	s17 =	rddreg [dreg:$0x8];
	[sflag:s26] =	ssyncadd.s32 $0xFFFFE000  }
0x49: {  	[spmem:s17] =	stream.linear.scatter [tilespmem:s28], [sflag:$0x5], $0x2000, $0x38;
	[tilespmem:$0x1EA00] =	vst v63  }
0x4a: {  	_ =	swait.ge [sflag:s26], $0x2000  }
0x4b: {  	[sflag:s26] =	ssyncset.done $0x0  }
0x4c: {  	[sflag:s26] =	ssyncadd.s32 $0xFFFFE000  }
0x4d: {  	[spmem:s14] =	stream.linear.scatter [tilespmem:s28], [sflag:$0x5], $0x2000, $0x38;
	[tilespmem:$0x1EA00] =	vst v63  }
0x4e: {  	_ =	swait.ge [sflag:s26], $0x2000  }
0x4f: {  	[sflag:s26] =	ssyncset.done $0x0  }
0x50: {  	s11 =	rddreg [dreg:$0x9];
	[sflag:s26] =	ssyncadd.s32 $0xFFFFE000  }
0x51: {  	[spmem:s11] =	stream.linear.scatter [tilespmem:s28], [sflag:$0x5], $0x2000, $0x38;
	[tilespmem:$0x1EA00] =	vst v63  }
0x52: {  	_ =	swait.ge [sflag:s26], $0x2000  }
0x53: {  	[sflag:s26] =	ssyncset.done $0x0  }
0x54: {  	[sflag:s26] =	ssyncadd.s32 $0xFFFFE000  }
0x55: {  	[bflag:$0x0] =	sbarrier.arrive $0xFFFF  }
0x56: {  	[tilespmem:s28], [sflag:$0x1] =	stream.indirect.gather [hbm4b:s1+s24], $0x80, s4, s24, $0xb8;
	[tilespmem:$0x1EA00] =	vst v63  }
0x57: {  	_ = 	snop  }
0x58: {  	[tilespmem:s29], [sflag:$0x2] =	stream.indirect.gather [hbm4b:s1+s24], $0x80, s24, s24, $0xb8;
	[tilespmem:$0x1EA00] =	vst v63  }
0x59: {  	_ = 	snop  }
0x5a: {  	[tilespmem:s30], [sflag:$0x3] =	stream.linear.gather [hbm4b:s16+s4], $0x80, $0x38;
	[tilespmem:$0x1EA00] =	vst v63  }
0x5b: {  	s13 =	rddreg [dreg:$0xa]  }
0x5c: {  	[tilespmem:s31], [sflag:$0x4] =	stream.linear.gather [hbm4b:s13+s4], $0x80, $0x38;
	[tilespmem:$0x1EA00] =	vst v63  }
0x5d: {  	_ =	swait.ge [sflag:s2], $0x4000  }
0x5e: {  	[sflag:s2] =	ssyncset.done $0x0  }
0x5f: {  	[sflag:s2] =	ssyncadd.s32 $0xFFFFC000  }
0x60: {  	_ =	swait.ge [sflag:s0], $0x80  }
0x61: {  	[sflag:s0] =	ssyncset.done $0x0  }
0x62: {  	[sflag:s0] =	ssyncadd.s32 $0xFFFFFF80  }
0x63: {  	[spmem:s3] =	stream.indirect.scatter.add.f32 [tilespmem:s28], [sflag:$0x5], $0x80, s30, s24, $0xb8;
	[tilespmem:$0x1EA00] =	vst v63  }
0x64: {  	_ =	swait.ge [sflag:s26], $0x4000  }
0x65: {  	s15 =	sadd.s32 $0xFFFFD800, s16;
	[sflag:s26] =	ssyncset.done $0x0  }
0x66: {  	s11 =	sadd.s32 $0x2900, s15;
	[sflag:s26] =	ssyncadd.s32 $0xFFFFC000  }
0x67: {  	[tilespmem:s30], [sflag:$0x3] =	stream.linear.gather [hbm4b:s11+s4], $0x80, $0x38;
	[tilespmem:$0x1EA00] =	vst v63  }
0x68: {  	s17 =	simm.s32 $0x100  }
0x69: {  	[tilespmem:s28], [sflag:$0x1] =	stream.indirect.gather [hbm4b:s1+s24], $0x80, s17, s24, $0xb8;
	[tilespmem:$0x1EA00] =	vst v63  }
0x6a: {  	_ =	swait.ge [sflag:s25], $0x4000  }
0x6b: {  	[sflag:s25] =	ssyncset.done $0x0  }
0x6c: {  	[sflag:s25] =	ssyncadd.s32 $0xFFFFC000  }
0x6d: {  	_ =	swait.ge [sflag:s6], $0x80  }
0x6e: {  	[sflag:s6] =	ssyncset.done $0x0  }
0x6f: {  	[sflag:s6] =	ssyncadd.s32 $0xFFFFFF80  }
0x70: {  	[spmem:s3] =	stream.indirect.scatter.add.f32 [tilespmem:s29], [sflag:$0x5], $0x80, s31, s24, $0xb8;
	[tilespmem:$0x1EA00] =	vst v63  }
0x71: {  	_ =	swait.ge [sflag:s26], $0x4000  }
0x72: {  	[sflag:s26] =	ssyncset.done $0x0  }
0x73: {  	s9 =	sadd.s32 $0x2980, s15;
	[sflag:s26] =	ssyncadd.s32 $0xFFFFC000  }
0x74: {  	[tilespmem:s31], [sflag:$0x4] =	stream.linear.gather [hbm4b:s9+s4], $0x80, $0x38;
	[tilespmem:$0x1EA00] =	vst v63  }
0x75: {  	s13 =	simm.s32 $0x280;
	s11 =	simm.s32 $0xFFFFD900;
	s9 =	simm.s32 $0x180  }
.LBB2_4:
0x76: {  	[tilespmem:s29], [sflag:$0x2] =	stream.indirect.gather [hbm4b:s1+s24], $0x80, s9, s24, $0xb8;
	[tilespmem:$0x1EA00] =	vst v63  }
0x77: {  	s15 =	smov.u32 s11;
	s9 =	smov.u32 s13  }
0x78: {  	p0 =	sne.s32 s11, $0xFFFFFF00;
	s11 =	sadd.s32 $0x100, s11;
	_ =	swait.ge [sflag:s2], $0x4000  }
0x79: {  	[sflag:s2] =	ssyncset.done $0x0  }
0x7a: {  	[sflag:s2] =	ssyncadd.s32 $0xFFFFC000  }
0x7b: {  	_ =	swait.ge [sflag:s0], $0x80  }
0x7c: {  	[sflag:s0] =	ssyncset.done $0x0  }
0x7d: {  	[sflag:s0] =	ssyncadd.s32 $0xFFFFFF80  }
0x7e: {  	[spmem:s3] =	stream.indirect.scatter.add.f32 [tilespmem:s28], [sflag:$0x5], $0x80, s30, s24, $0xb8;
	[tilespmem:$0x1EA00] =	vst v63  }
0x7f: {  	_ =	swait.ge [sflag:s26], $0x4000  }
0x80: {  	s15 =	sadd.s32 s15, s16;
	[sflag:s26] =	ssyncset.done $0x0  }
0x81: {  	s17 =	sadd.s32 $0x2900, s15;
	[sflag:s26] =	ssyncadd.s32 $0xFFFFC000  }
0x82: {  	[tilespmem:s30], [sflag:$0x3] =	stream.linear.gather [hbm4b:s17+s4], $0x80, $0x38;
	[tilespmem:$0x1EA00] =	vst v63  }
0x83: {  	s17 =	sadd.s32 $0xFFFFFF80, s13  }
0x84: {  	[tilespmem:s28], [sflag:$0x1] =	stream.indirect.gather [hbm4b:s1+s24], $0x80, s17, s24, $0xb8;
	[tilespmem:$0x1EA00] =	vst v63  }
0x85: {  	_ =	swait.ge [sflag:s25], $0x4000  }
0x86: {  	[sflag:s25] =	ssyncset.done $0x0  }
0x87: {  	[sflag:s25] =	ssyncadd.s32 $0xFFFFC000  }
0x88: {  	_ =	swait.ge [sflag:s6], $0x80  }
0x89: {  	[sflag:s6] =	ssyncset.done $0x0  }
0x8a: {  	[sflag:s6] =	ssyncadd.s32 $0xFFFFFF80  }
0x8b: {  	[spmem:s3] =	stream.indirect.scatter.add.f32 [tilespmem:s29], [sflag:$0x5], $0x80, s31, s24, $0xb8;
	[tilespmem:$0x1EA00] =	vst v63  }
.Ltmp1:
0x8c: {  	_ =	swait.ge [sflag:s26], $0x4000;
	(pc) =	sbr.rel @p0 .LBB2_4-.Ltmp1, $4  }
0x8d: {  	[sflag:s26] =	ssyncset.done $0x0  }
0x8e: {  	s15 =	sadd.s32 $0x2980, s15;
	[sflag:s26] =	ssyncadd.s32 $0xFFFFC000  }
0x8f: {  	[tilespmem:s31], [sflag:$0x4] =	stream.linear.gather [hbm4b:s15+s4], $0x80, $0x38;
	[tilespmem:$0x1EA00] =	vst v63  }
0x90: {  	s13 =	sadd.s32 $0x100, s13  }
0x91: {  	[tilespmem:s29], [sflag:$0x2] =	stream.indirect.gather [hbm4b:s1+s24], $0x80, s9, s24, $0xb8;
	[tilespmem:$0x1EA00] =	vst v63  }
0x92: {  	_ =	swait.ge [sflag:s2], $0x4000  }
0x93: {  	[sflag:s2] =	ssyncset.done $0x0  }
0x94: {  	[sflag:s2] =	ssyncadd.s32 $0xFFFFC000  }
0x95: {  	_ =	swait.ge [sflag:s25], $0x4000  }
0x96: {  	[sflag:s25] =	ssyncset.done $0x0  }
0x97: {  	[sflag:s25] =	ssyncadd.s32 $0xFFFFC000  }
0x98: {  	_ =	swait.ge [sflag:s0], $0x80  }
0x99: {  	[sflag:s0] =	ssyncset.done $0x0  }
0x9a: {  	[sflag:s0] =	ssyncadd.s32 $0xFFFFFF80  }
0x9b: {  	_ =	swait.ge [sflag:s6], $0x80  }
0x9c: {  	s15 =	stileid.u32;
	[sflag:s6] =	ssyncset.done $0x0  }
0x9d: {  	s9 =	sshll.u32 s15, $0x6;
	[sflag:s6] =	ssyncadd.s32 $0xFFFFFF80  }
0x9e: {  	s11 =	sshrl.u32 s5, $0x3;
	s9 =	sor.u32 $0x1C05, s9;
	[bflag:$0x0] =	sbarrier.arrive $0xFFFF  }
0x9f: {  	[hbm:s18], [sflag:s9] =	dma.local [spmem:s11], $0x800  }
0xa0: {  	_ =	swait.ge [sflag:s26], $0x800  }
0xa1: {  	[sflag:s26] =	ssyncset.done $0x0  }
0xa2: {  	s17 =	sshrl.u32 s8, $0x3;
	[sflag:s26] =	ssyncadd.s32 $0xFFFFF800  }
0xa3: {  	[hbm:s19], [sflag:s9] =	dma.local [spmem:s17], $0x800  }
0xa4: {  	_ =	swait.ge [sflag:s26], $0x800  }
0xa5: {  	[sflag:s26] =	ssyncset.done $0x0  }
0xa6: {  	s13 =	sshrl.u32 s10, $0x3;
	[sflag:s26] =	ssyncadd.s32 $0xFFFFF800  }
0xa7: {  	[hbm:s20], [sflag:s9] =	dma.local [spmem:s13], $0x800  }
0xa8: {  	_ =	swait.ge [sflag:s26], $0x800  }
0xa9: {  	[sflag:s26] =	ssyncset.done $0x0  }
0xaa: {  	s15 =	sshrl.u32 s12, $0x3;
	[sflag:s26] =	ssyncadd.s32 $0xFFFFF800  }
0xab: {  	[hbm:s21], [sflag:s9] =	dma.local [spmem:s15], $0x800  }
0xac: {  	s7 =	sadd.s32 $0x1, s7;
	_ =	swait.ge [sflag:s26], $0x800  }
0xad: {  	p0 =	sne.s32 s7, s23;
	[sflag:s26] =	ssyncset.done $0x0  }
.Ltmp2:
0xae: {  	s17 =	sshrl.u32 s14, $0x3;
	[sflag:s26] =	ssyncadd.s32 $0xFFFFF800;
	(pc) =	sbr.rel @p0 .LBB2_1-.Ltmp2, $4  }
0xaf: {  	[hbm:s22], [sflag:s9] =	dma.local [spmem:s17], $0x800  }
0xb0: {  	_ =	swait.ge [sflag:s26], $0x800  }
0xb1: {  	[sflag:s26] =	ssyncset.done $0x0  }
0xb2: {  	[sflag:s26] =	ssyncadd.s32 $0xFFFFF800  }
0xb3: {  	_ =	sfence.sel $0x180000  }
0xb4: {  	[bflag:$0x0] =	sbarrier.arrive $0xFFFF  }
0xb5: {  	_ =	strace $0x9000004A  }
0xb6: {  	s0 =	stileid.u32;
	[bflag:$0x2] =	sbarrier.arrive $0xFFFF  }
0xb7: {  	p0 =	sne.s32 s0, $0x0;
	s0 =	rddreg [dreg:$0x3]  }
0xb8: {  	s0 =	sadd.s32 @!p0 $0x100000, s0  }
0xb9: {  	[sflag:s0] =	ssyncadd.tile.s32 @!p0 $0x1;
	_ =	shalt  }
.Lfunc_end2:
_tile_overlayer_lowered:
.L_overlay_start_2:
0xba: {  	(tag) =	ssettag $0x2  }
0xbb: {  	s0 =	rddreg [dreg:$0x0];
	s2 =	stileid.u32  }
0xbc: {  	s1 =	rddreg [dreg:$0x1];
	p0 =	sne.s32 s2, $0x0  }
0xbd: {  	s3 =	rddreg [dreg:$0x2];
	[bflag:$0x3] =	sbarrier.arrive $0xFFFF;
	s2 =	simm.s32 @!p0 $0x1C05  }
0xbe: {  	[timem:s3], [sflag:s2] =	dma.local @!p0 [hbm:s0], s1  }
0xbf: {  	s0 =	simm.s32 @!p0 $0x5  }
0xc0: {  	_ =	swait.ge @!p0 [sflag:s0], s1  }
0xc1: {  	s1 =	ssub.s32 @!p0 $0x0, s1;
	[sflag:s0] =	ssyncset.done @!p0 $0x0  }
0xc2: {  	[sflag:s0] =	ssyncadd.s32 @!p0 s1  }
0xc3: {  	[bflag:$0x3] =	sbarrier.arrive $0xFFFF  }
0xc4: {  	_ =	shalt  }

// kernel: kernel.16.cloned.1.call-start
scs
__scs_entry_jumppad:
0x0: {  	(pc) =	sbr.rel $0x88, $3  }
0x1: {  	(tag) =	ssettag $0x0;
	lr =	simm.s32 $0x1  }
0x2: {  	[smem:$0x3F99] =	sst lr;
	_ =	strace $0xD0000000  }
0x3: {  	_ = 	snop  }
0x4: {  	_ = 	snop  }
0x5: {  	_ = 	snop  }
0x6: {  	_ = 	snop  }
0x7: {  	_ = 	snop  }
__scs_overlays_trampoline_lowered:
0x8: {  	[smem:$0x3FA8] =	sst s0  }
0x9: {  	[smem:$0x3FA9] =	sst s1  }
0xa: {  	[smem:$0x3FAA] =	sst s2  }
0xb: {  	[smem:$0x3FAB] =	sst s3  }
0xc: {  	[smem:$0x3FAC] =	sst s4  }
0xd: {  	[smem:$0x3FAD] =	sst s5  }
0xe: {  	[smem:$0x3FAE] =	sst s6  }
0xf: {  	[smem:$0x3FAF] =	sst s7  }
0x10: {  	[smem:$0x3FB0] =	sst s8  }
0x11: {  	[smem:$0x3FB1] =	sst s9;
	s0 =	simm.s32 @!p0 $0x0  }
0x12: {  	s1 =	sld [smem:$0x3F97];
	s0 =	simm.s32 @p0 $0x1  }
0x13: {  	[smem:$0x3FB2] =	sst s0;
	s0 =	simm.s32 @!p1 $0x0  }
0x14: {  	s2 =	sld [smem:$0x3F96];
	s0 =	simm.s32 @p1 $0x1  }
0x15: {  	[smem:$0x3FB3] =	sst s0;
	s0 =	simm.s32 @!p2 $0x0  }
0x16: {  	s3 =	sld [smem:$0x3FDB];
	s0 =	simm.s32 @p2 $0x1  }
0x17: {  	s4 =	simm.s32 $0x1BF5;
	[smem:$0x3FB5] =	sst s0  }
0x18: {  	s0 =	sld [smem:$0x3F98];
	_ =	swait.ge [sflag:s4], $0x0  }
0x19: {  	s7 =	sld [smem:$0x3F99]  }
0x1a: {  	s8 =	sadd.s32 $0xFFFFE003, lr  }
0x1b: {  	s9 =	sadd.s32 $0xFFFFFEF7, lr;
	s5 =	simm.s32 $0xFFFFFFFF;
	p2 =	slt.u32 s8, $0xFFFFF086  }
0x1c: {  	p1 =	slt.u32 s9, $0xF7A;
	s5 =	simm.s32 @!p2 $0x0  }
0x1d: {  	s5 =	simm.s32 @p1 $0x1;
	p0 =	seq.s32 s7, s2  }
0x1e: {  	s7 =	smul.u32 @!p0 $0xF7A, s2;
	p2 =	seq.s32 @!p0 s5, $0x0  }
0x1f: {  	s9 =	smul.u32 $0xF7A, s1;
	s8 =	simm.s32 @!p0 $0x1BF5;
	p2 =	por !p2, p0  }
0x20: {  	[sflag:s8] =	ssyncset.s32 @!p0 $0xFFFFF086;
	s6 =	sadd.s32 @!p0 s3, s7;
	s7 =	simm.s32 @!p0 $0x108  }
0x21: {  	s3 =	sadd.s32 s3, s9;
	s6 =	sadd.s32 @!p0 $0x88, s6;
	s7 =	simm.s32 @p2 $0x1082  }
0x22: {  	[simem:s7], [sflag:s8] =	dma.local @!p0 [hbm:s6], $0xF7A  }
0x23: {  	s9 =	sor.u32 $0xD0000000, s2;
	s6 =	simm.s32 $0x108;
	_ =	swait.ge @!p0 [sflag:s8], $0x0  }
0x24: {  	s3 =	sadd.s32 $0x88, s3;
	s6 =	simm.s32 @!p1 $0x1082;
	[sflag:s4] =	ssyncset.s32 $0xFFFFF086  }
0x25: {  	[simem:s6], [sflag:s4] =	dma.local [hbm:s3], $0xF7A  }
0x26: {  	[smem:$0x3F99] =	sst s1;
	(tag) =	ssettag s2;
	_ =	strace s9  }
0x27: {  	s1 =	sld [smem:$0x3FA9]  }
0x28: {  	s2 =	sld [smem:$0x3FAA]  }
0x29: {  	s4 =	sld [smem:$0x3FAC]  }
0x2a: {  	p0 =	seq.s32 s5, $0x0;
	s5 =	sld [smem:$0x3FAD]  }
0x2b: {  	s6 =	sld [smem:$0x3FAE]  }
0x2c: {  	s7 =	sld [smem:$0x3FAF]  }
0x2d: {  	s3 =	simm.s32 $0x108;
	s8 =	sld [smem:$0x3FB0]  }
0x2e: {  	s3 =	simm.s32 @!p0 $0x1082;
	s9 =	sld [smem:$0x3FB1]  }
0x2f: {  	lr =	sadd.s32 s0, s3;
	s0 =	sld [smem:$0x3FA8]  }
0x30: {  	s3 =	sld [smem:$0x3FAB]  }
0x31: {  	[smem:$0x3FB4] =	sst s10  }
0x32: {  	s10 =	sld [smem:$0x3FB2];
	_ =	sdelay $0x3  }
0x33: {  	p0 =	seq.s32 s10, $0x1;
	s10 =	sld [smem:$0x3FB4];
	_ =	sdelay $0x3  }
0x34: {  	[smem:$0x3FB4] =	sst s10  }
0x35: {  	s10 =	sld [smem:$0x3FB3];
	_ =	sdelay $0x3  }
0x36: {  	p1 =	seq.s32 s10, $0x1;
	s10 =	sld [smem:$0x3FB4];
	_ =	sdelay $0x3  }
0x37: {  	[smem:$0x3FB4] =	sst s10  }
0x38: {  	s10 =	sld [smem:$0x3FB5]  }
0x39: {  	_ = 	snop;
	(pc) =	sbr.ind lr, $3  }
0x3a: {  	_ = 	snop  }
0x3b: {  	_ = 	snop  }
0x3c: {  	p2 =	seq.s32 s10, $0x1;
	s10 =	sld [smem:$0x3FB4]  }
0x3d: {  	_ =	shalt  }
0x3e: {  	_ =	shalt  }
0x3f: {  	_ =	shalt  }
0x40: {  	_ =	shalt  }
0x41: {  	_ =	shalt  }
0x42: {  	_ =	shalt  }
0x43: {  	_ =	shalt  }
0x44: {  	_ =	shalt  }
0x45: {  	_ =	shalt  }
0x46: {  	_ =	shalt  }
0x47: {  	_ =	shalt  }
0x48: {  	_ =	shalt  }
0x49: {  	_ =	shalt  }
0x4a: {  	_ =	shalt  }
0x4b: {  	_ =	shalt  }
0x4c: {  	_ =	shalt  }
0x4d: {  	_ =	shalt  }
0x4e: {  	_ =	shalt  }
0x4f: {  	_ =	shalt  }
0x50: {  	_ =	shalt  }
0x51: {  	_ =	shalt  }
0x52: {  	_ =	shalt  }
0x53: {  	_ =	shalt  }
0x54: {  	_ =	shalt  }
0x55: {  	_ =	shalt  }
0x56: {  	_ =	shalt  }
0x57: {  	_ =	shalt  }
0x58: {  	_ =	shalt  }
0x59: {  	_ =	shalt  }
0x5a: {  	_ =	shalt  }
0x5b: {  	_ =	shalt  }
0x5c: {  	_ =	shalt  }
0x5d: {  	_ =	shalt  }
0x5e: {  	_ =	shalt  }
0x5f: {  	_ =	shalt  }
0x60: {  	_ =	shalt  }
0x61: {  	_ =	shalt  }
0x62: {  	_ =	shalt  }
0x63: {  	_ =	shalt  }
0x64: {  	_ =	shalt  }
0x65: {  	_ =	shalt  }
0x66: {  	_ =	shalt  }
0x67: {  	_ =	shalt  }
0x68: {  	_ =	shalt  }
0x69: {  	_ =	shalt  }
0x6a: {  	_ =	shalt  }
0x6b: {  	_ =	shalt  }
0x6c: {  	_ =	shalt  }
0x6d: {  	_ =	shalt  }
0x6e: {  	_ =	shalt  }
0x6f: {  	_ =	shalt  }
0x70: {  	_ =	shalt  }
0x71: {  	_ =	shalt  }
0x72: {  	_ =	shalt  }
0x73: {  	_ =	shalt  }
0x74: {  	_ =	shalt  }
0x75: {  	_ =	shalt  }
0x76: {  	_ =	shalt  }
0x77: {  	_ =	shalt  }
0x78: {  	_ =	shalt  }
0x79: {  	_ =	shalt  }
0x7a: {  	_ =	shalt  }
0x7b: {  	_ =	shalt  }
0x7c: {  	_ =	shalt  }
0x7d: {  	_ =	shalt  }
0x7e: {  	_ =	shalt  }
0x7f: {  	_ =	shalt  }
0x80: {  	_ =	shalt  }
0x81: {  	_ =	shalt  }
0x82: {  	_ =	shalt  }
0x83: {  	_ =	shalt  }
0x84: {  	_ =	shalt  }
0x85: {  	_ =	shalt  }
0x86: {  	_ =	shalt  }
0x87: {  	_ =	shalt  }
.Lfunc_end0:
.L_simem_size_0:
called_computation.2_lowered:
.L_overlay_start_0:
0x88: {  	s2 =	sld [smem:$0x3FD9]  }
0x89: {  	s3 =	sld [smem:$0x3FFE];
	_ =	sdelay $0x1  }
0x8a: {  	s1 =	srdreg.scid  }
0x8b: {  	s0 =	sand.u32 $0x1, s1  }
0x8c: {  	s17 =	sshll.u32 s0, $0xA;
	s2 =	sadd.s32 s3, s2  }
0x8d: {  	s2 =	sadd.s32 s2, s17  }
0x8e: {  	[smem:$0x3FC0] =	sst s2  }
0x8f: {  	_ = 	snop  }
0x90: {  	s2 =	sld [smem:$0x3FD0];
	(tm) =	ssettm $0x1  }
0x91: {  	s18 =	sld [smem:$0x3FFB];
	_ =	sdelay $0x3  }
0x92: {  	_ =	strace s18  }
0x93: {  	s3 =	sld [smem:$0x3FFC];
	_ =	sdelay $0x3  }
0x94: {  	_ =	strace s3  }
0x95: {  	s3 =	sld [smem:$0x3FFD];
	_ =	sdelay $0x3  }
0x96: {  	_ =	strace s3  }
0x97: {  	_ =	strace $0x8FFFFFFF  }
0x98: {  	s19 =	sld [smem:$0x3FDB];
	_ =	sdelay $0x1  }
0x99: {  	s4 =	simm.s32 $_scs_section_size  }
0x9a: {  	s5 =	simm.s32 $_size__tile_overlayer_lowered;
	s6 =	simm.s32 $_tile_overlayer_lowered  }
0x9b: {  	s22 =	simm.s32 $0x1BFF;
	s21 =	sshll.u32 s6, $0x1;
	s3 =	sadd.s32 s4, s19  }
0x9c: {  	s7 =	simm.s32 $0x0;
	s20 =	sshll.u32 s5, $0x1;
	s5 =	sadd.s32 s21, s3  }
0x9d: {  	[timem:s7], [sflag:s22] =	dma.local [hbm:s5], s20  }
0x9e: {  	_ =	swait.ge [sflag:s22], s20  }
0x9f: {  	s4 =	ssub.s32 $0x0, s20;
	[sflag:s22] =	ssyncset.done $0x0  }
0xa0: {  	[sflag:s22] =	ssyncadd.s32 s4;
	_ =	sdelay $0x1  }
0xa1: {  	s23 =	simm.s32 $0x1B8B  }
0xa2: {  	_ =	swait.ge [sflag:s23], $0x1  }
0xa3: {  	[sflag:s23] =	ssyncset.done $0x0  }
0xa4: {  	s25 =	simm.s32 $0x1B8E;
	s24 =	sld [smem:$0x3FFE];
	[sflag:s23] =	ssyncadd.s32 $0xFFFFFFFF  }
0xa5: {  	s26 =	simm.s32 $execute0_lowered;
	[smem:$0x3FD2] =	sst s25  }
0xa6: {  	s5 =	sshll.u32 s26, $0x1;
	_ =	strace $0x8000004C;
	[dreg:$0x1] =	wrdreg $0xFFFFFFFF  }
0xa7: {  	s28 =	simm.s32 $_size_execute0_lowered;
	s3 =	sadd.s32 s3, s5;
	[dreg:$0x0] =	wrdreg $0x0  }
0xa8: {  	s5 =	sshll.u32 s28, $0x1;
	[dreg:$0x2] =	wrdreg s3  }
0xa9: {  	[dreg:$0x3] =	wrdreg s5  }
0xaa: {  	[dreg:$0x4] =	wrdreg $0xC0  }
0xab: {  	_ =	task [dreg:s7], $0x5FFFF  }
0xac: {  	[dreg:$0x1] =	wrdreg $0xFFFFFFFF  }
0xad: {  	[dreg:$0x0] =	wrdreg $0x60  }
0xae: {  	[dreg:$0x2] =	wrdreg s2  }
0xaf: {  	[dreg:$0x3] =	wrdreg s24  }
0xb0: {  	[dreg:$0x4] =	wrdreg $0xAA000  }
0xb1: {  	[dreg:$0x5] =	wrdreg $0x9  }
0xb2: {  	_ =	task.clear_ibuf [dreg:s7], $0x6FFFF;
	_ =	strace $0x9000004C  }
0xb3: {  	s29 =	simm.s32 $0x9;
	_ =	strace $0x8000004E  }
0xb4: {  	_ =	swait.ge [sflag:s29], $0x1  }
0xb5: {  	[sflag:s29] =	ssyncadd.s32 $0xFFFFFFFF  }
0xb6: {  	_ =	strace $0x9000004E  }
0xb7: {  	_ =	sfence  }
0xb8: {  	s30 =	sld [smem:$0x0];
	_ =	sdelay $0x2  }
0xb9: {  	s31 =	sshll.u32 s1, $0xD;
	s1 =	sshrl.u32 s1, $0x2  }
0xba: {  	s3 =	sand.u32 $0x4000, s31;
	s1 =	sadd.s32 s1, s30  }
0xbb: {  	s0 =	sor.u32 s3, s0;
	s1 =	sshll.u32 s1, $0x11  }
0xbc: {  	s0 =	sor.u32 s1, s0  }
0xbd: {  	s0 =	sadd.s32 $0x8F2B, s0  }
0xbe: {  	[sflag:s0] =	ssyncadd.remote.s32 $0x1  }
0xbf: {  	_ =	sfence.sel $0xFFFF  }
0xc0: {  	[dreg:$0x0] =	wrdreg $0xFFFFFFFF;
	(pc) =	sbr.abs _section_cstart, $3  }
0xc1: {  	[dreg:$0x1] =	wrdreg $0xFFFFFFFF  }
0xc2: {  	_ =	task.clear_ibuf [dreg:s7], $0x2FFFF;
	_ =	strace $0x9FFFFFFF  }
0xc3: {  	(tm) =	ssettm $0x7FFFFFFF  }
tec
execute0_lowered:
.L_overlay_start_1:
0x0: {  	(tag) =	ssettag $0x1  }
0x1: {  	s1 =	rddreg [dreg:$0x0]  }
0x2: {  	s0 =	srdreg.scid;
	s5 =	rddreg [dreg:$0x1]  }
0x3: {  	s8 =	stileid.u32;
	s3 =	rddreg [dreg:$0x2]  }
0x4: {  	s4 =	simm.s32 $0x0;
	s28 =	simm.s32 $0x2A00;
	s0 =	sand.u32 $0x1, s0  }
0x5: {  	s29 =	simm.s32 $0x6A00;
	s30 =	simm.s32 $0x2900;
	s2 =	sshll.u32 s0, $0x4  }
0x6: {  	s31 =	simm.s32 $0x2980;
	s7 =	smul.u32 $0x280, s8;
	s2 =	sor.u32 s8, s2  }
0x7: {  	s6 =	sshll.u32 s8, $0x7;
	s19 =	smul.u32 $0x2800, s0;
	s2 =	sshrl.u32 s2, $0x3  }
0x8: {  	[smem:$0x7FF] =	sst s4;
	s0 =	ssub.s32 $0x2, s0;
	s2 =	smul.u32 $0x14800, s2  }
0x9: {  	s6 =	sand.u32 $0x380, s6;
	s8 =	smul.u32 $0x50000, s8;
	s20 =	sshrl.u32 s0, $0x1  }
0xa: {  	_ =	strace $0x8000004D;
	s0 =	ssub.s32 s0, s20;
	s2 =	sor.u32 s6, s2  }
0xb: {  	s8 =	sshrl.u32 s8, $0x2;
	s6 =	sadd.s32 s7, s19;
	s2 =	sshrl.u32 s2, $0x3  }
0xc: {  	s7 =	simm.s32 $0x0;
	s6 =	sshll.u32 s6, $0x4;
	s2 =	sadd.s32 s2, s5  }
0xd: {  	s6 =	sadd.s32 s6, s5;
	s5 =	sadd.s32 s8, s3;
	s21 =	sadd.s32 $0x5CA00, s2  }
0xe: {  	s22 =	sadd.s32 $0x2000, s5;
	s8 =	sadd.s32 $0x4000, s5;
	[dreg:$0x4] =	wrdreg s21  }
0xf: {  	s23 =	sadd.s32 $0x6000, s5;
	s10 =	sadd.s32 $0x8000, s5;
	[dreg:$0x5] =	wrdreg s22  }
0x10: {  	s24 =	sadd.s32 $0xA000, s5;
	s12 =	sadd.s32 $0xC000, s5;
	[dreg:$0x6] =	wrdreg s23  }
0x11: {  	s25 =	sadd.s32 $0xE000, s5;
	s14 =	sadd.s32 $0x10000, s5;
	[dreg:$0x7] =	wrdreg s24  }
0x12: {  	s26 =	sadd.s32 $0x12000, s5;
	s16 =	sadd.s32 $0x2600, s2;
	[dreg:$0x8] =	wrdreg s25  }
0x13: {  	s2 =	sadd.s32 $0x2680, s2;
	s18 =	sadd.s32 $0xCA00, s6;
	[dreg:$0x9] =	wrdreg s26  }
0x14: {  	s19 =	sadd.s32 $0xD200, s6;
	s20 =	sadd.s32 $0xDA00, s6;
	[dreg:$0xa] =	wrdreg s2  }
0x15: {  	s21 =	sadd.s32 $0xE200, s6;
	s22 =	sadd.s32 $0xEA00, s6;
	s23 =	smax.u32 s0, $0x1  }
0x16: {  	s24 =	simm.s32 $0x80;
	s26 =	simm.s32 $0x5;
	s2 =	simm.s32 $0x1  }
0x17: {  	v0 =	vimm.f32 $0.0e+00;
	s0 =	simm.s32 $0x3;
	s25 =	simm.s32 $0x2;
	s6 =	simm.s32 $0x4  }
.LBB2_1:
0x18: {  	s9 =	rddreg [dreg:$0x4];
	s11 =	simm.s32 $0x400  }
0x19: {  	[tilespmem:s4], [sflag:$0x5] =	stream.strided.gather [hbm4b:s9+s24], $0x2900, s11, s24, $0x38;
	[tilespmem:$0x1EA00] =	vst v63  }
0x1a: {  	_ =	swait.ge [sflag:s26], $0x2900  }
0x1b: {  	[sflag:s26] =	ssyncset.done $0x0  }
0x1c: {  	s9 =	simm.s32 $0x0;
	s11 =	simm.s32 $0x200;
	[sflag:s26] =	ssyncadd.s32 $0xFFFFD700  }
.LBB2_2:
0x1d: {  	p0 =	sne.s32 s11, $0x7E00;
	[tilespmem:s9+$0x2A70] =	vst v0  }
0x1e: {  	[tilespmem:s9+$0x2A00] =	vst v0  }
0x1f: {  	[tilespmem:s9+$0x2A10] =	vst v0  }
.Ltmp0:
0x20: {  	[tilespmem:s9+$0x2A20] =	vst v0;
	(pc) =	sbr.rel @p0 .LBB2_2-.Ltmp0, $4  }
0x21: {  	[tilespmem:s9+$0x2A30] =	vst v0  }
0x22: {  	[tilespmem:s9+$0x2A40] =	vst v0  }
0x23: {  	[tilespmem:s9+$0x2A50] =	vst v0  }
0x24: {  	[tilespmem:s9+$0x2A60] =	vst v0;
	s9 =	sshra.s32 s11, $0x2;
	s11 =	sadd.s32 $0x200, s11  }
0x25: {  	[tilespmem:s9+$0x2A70] =	vst v0  }
0x26: {  	[tilespmem:s9+$0x2A00] =	vst v0  }
0x27: {  	[tilespmem:s9+$0x2A10] =	vst v0  }
0x28: {  	[tilespmem:s9+$0x2A20] =	vst v0  }
0x29: {  	[tilespmem:s9+$0x2A30] =	vst v0  }
0x2a: {  	[tilespmem:s9+$0x2A40] =	vst v0  }
0x2b: {  	[tilespmem:s9+$0x2A50] =	vst v0  }
0x2c: {  	[tilespmem:s9+$0x2A60] =	vst v0  }
0x2d: {  	[spmem:s5] =	stream.linear.scatter [tilespmem:s28], [sflag:$0x5], $0x2000, $0x38;
	[tilespmem:$0x1EA00] =	vst v63  }
0x2e: {  	_ =	swait.ge [sflag:s26], $0x2000  }
0x2f: {  	[sflag:s26] =	ssyncset.done $0x0  }
0x30: {  	s11 =	rddreg [dreg:$0x5];
	[sflag:s26] =	ssyncadd.s32 $0xFFFFE000  }
0x31: {  	[spmem:s11] =	stream.linear.scatter [tilespmem:s28], [sflag:$0x5], $0x2000, $0x38;
	[tilespmem:$0x1EA00] =	vst v63  }
0x32: {  	_ =	swait.ge [sflag:s26], $0x2000  }
0x33: {  	[sflag:s26] =	ssyncset.done $0x0  }
0x34: {  	[sflag:s26] =	ssyncadd.s32 $0xFFFFE000  }
0x35: {  	[spmem:s8] =	stream.linear.scatter [tilespmem:s28], [sflag:$0x5], $0x2000, $0x38;
	[tilespmem:$0x1EA00] =	vst v63  }
0x36: {  	_ =	swait.ge [sflag:s26], $0x2000  }
0x37: {  	[sflag:s26] =	ssyncset.done $0x0  }
0x38: {  	s13 =	rddreg [dreg:$0x6];
	[sflag:s26] =	ssyncadd.s32 $0xFFFFE000  }
0x39: {  	[spmem:s13] =	stream.linear.scatter [tilespmem:s28], [sflag:$0x5], $0x2000, $0x38;
	[tilespmem:$0x1EA00] =	vst v63  }
0x3a: {  	_ =	swait.ge [sflag:s26], $0x2000  }
0x3b: {  	[sflag:s26] =	ssyncset.done $0x0  }
0x3c: {  	[sflag:s26] =	ssyncadd.s32 $0xFFFFE000  }
0x3d: {  	[spmem:s10] =	stream.linear.scatter [tilespmem:s28], [sflag:$0x5], $0x2000, $0x38;
	[tilespmem:$0x1EA00] =	vst v63  }
0x3e: {  	_ =	swait.ge [sflag:s26], $0x2000  }
0x3f: {  	[sflag:s26] =	ssyncset.done $0x0  }
0x40: {  	s15 =	rddreg [dreg:$0x7];
	[sflag:s26] =	ssyncadd.s32 $0xFFFFE000  }
0x41: {  	[spmem:s15] =	stream.linear.scatter [tilespmem:s28], [sflag:$0x5], $0x2000, $0x38;
	[tilespmem:$0x1EA00] =	vst v63  }
0x42: {  	_ =	swait.ge [sflag:s26], $0x2000  }
0x43: {  	[sflag:s26] =	ssyncset.done $0x0  }
0x44: {  	[sflag:s26] =	ssyncadd.s32 $0xFFFFE000  }
0x45: {  	[spmem:s12] =	stream.linear.scatter [tilespmem:s28], [sflag:$0x5], $0x2000, $0x38;
	[tilespmem:$0x1EA00] =	vst v63  }
0x46: {  	_ =	swait.ge [sflag:s26], $0x2000  }
0x47: {  	[sflag:s26] =	ssyncset.done $0x0  }
0x48: {  	s17 =	rddreg [dreg:$0x8];
	[sflag:s26] =	ssyncadd.s32 $0xFFFFE000  }
0x49: {  	[spmem:s17] =	stream.linear.scatter [tilespmem:s28], [sflag:$0x5], $0x2000, $0x38;
	[tilespmem:$0x1EA00] =	vst v63  }
0x4a: {  	_ =	swait.ge [sflag:s26], $0x2000  }
0x4b: {  	[sflag:s26] =	ssyncset.done $0x0  }
0x4c: {  	[sflag:s26] =	ssyncadd.s32 $0xFFFFE000  }
0x4d: {  	[spmem:s14] =	stream.linear.scatter [tilespmem:s28], [sflag:$0x5], $0x2000, $0x38;
	[tilespmem:$0x1EA00] =	vst v63  }
0x4e: {  	_ =	swait.ge [sflag:s26], $0x2000  }
0x4f: {  	[sflag:s26] =	ssyncset.done $0x0  }
0x50: {  	s11 =	rddreg [dreg:$0x9];
	[sflag:s26] =	ssyncadd.s32 $0xFFFFE000  }
0x51: {  	[spmem:s11] =	stream.linear.scatter [tilespmem:s28], [sflag:$0x5], $0x2000, $0x38;
	[tilespmem:$0x1EA00] =	vst v63  }
0x52: {  	_ =	swait.ge [sflag:s26], $0x2000  }
0x53: {  	[sflag:s26] =	ssyncset.done $0x0  }
0x54: {  	[sflag:s26] =	ssyncadd.s32 $0xFFFFE000  }
0x55: {  	[bflag:$0x0] =	sbarrier.arrive $0xFFFF  }
0x56: {  	[tilespmem:s28], [sflag:$0x1] =	stream.indirect.gather [hbm4b:s1+s24], $0x80, s4, s24, $0xb8;
	[tilespmem:$0x1EA00] =	vst v63  }
0x57: {  	_ = 	snop  }
0x58: {  	[tilespmem:s29], [sflag:$0x2] =	stream.indirect.gather [hbm4b:s1+s24], $0x80, s24, s24, $0xb8;
	[tilespmem:$0x1EA00] =	vst v63  }
0x59: {  	_ = 	snop  }
0x5a: {  	[tilespmem:s30], [sflag:$0x3] =	stream.linear.gather [hbm4b:s16+s4], $0x80, $0x38;
	[tilespmem:$0x1EA00] =	vst v63  }
0x5b: {  	s13 =	rddreg [dreg:$0xa]  }
0x5c: {  	[tilespmem:s31], [sflag:$0x4] =	stream.linear.gather [hbm4b:s13+s4], $0x80, $0x38;
	[tilespmem:$0x1EA00] =	vst v63  }
0x5d: {  	_ =	swait.ge [sflag:s2], $0x4000  }
0x5e: {  	[sflag:s2] =	ssyncset.done $0x0  }
0x5f: {  	[sflag:s2] =	ssyncadd.s32 $0xFFFFC000  }
0x60: {  	_ =	swait.ge [sflag:s0], $0x80  }
0x61: {  	[sflag:s0] =	ssyncset.done $0x0  }
0x62: {  	[sflag:s0] =	ssyncadd.s32 $0xFFFFFF80  }
0x63: {  	[spmem:s3] =	stream.indirect.scatter.add.f32 [tilespmem:s28], [sflag:$0x5], $0x80, s30, s24, $0xb8;
	[tilespmem:$0x1EA00] =	vst v63  }
0x64: {  	_ =	swait.ge [sflag:s26], $0x4000  }
0x65: {  	s15 =	sadd.s32 $0xFFFFD800, s16;
	[sflag:s26] =	ssyncset.done $0x0  }
0x66: {  	s11 =	sadd.s32 $0x2900, s15;
	[sflag:s26] =	ssyncadd.s32 $0xFFFFC000  }
0x67: {  	[tilespmem:s30], [sflag:$0x3] =	stream.linear.gather [hbm4b:s11+s4], $0x80, $0x38;
	[tilespmem:$0x1EA00] =	vst v63  }
0x68: {  	s17 =	simm.s32 $0x100  }
0x69: {  	[tilespmem:s28], [sflag:$0x1] =	stream.indirect.gather [hbm4b:s1+s24], $0x80, s17, s24, $0xb8;
	[tilespmem:$0x1EA00] =	vst v63  }
0x6a: {  	_ =	swait.ge [sflag:s25], $0x4000  }
0x6b: {  	[sflag:s25] =	ssyncset.done $0x0  }
0x6c: {  	[sflag:s25] =	ssyncadd.s32 $0xFFFFC000  }
0x6d: {  	_ =	swait.ge [sflag:s6], $0x80  }
0x6e: {  	[sflag:s6] =	ssyncset.done $0x0  }
0x6f: {  	[sflag:s6] =	ssyncadd.s32 $0xFFFFFF80  }
0x70: {  	[spmem:s3] =	stream.indirect.scatter.add.f32 [tilespmem:s29], [sflag:$0x5], $0x80, s31, s24, $0xb8;
	[tilespmem:$0x1EA00] =	vst v63  }
0x71: {  	_ =	swait.ge [sflag:s26], $0x4000  }
0x72: {  	[sflag:s26] =	ssyncset.done $0x0  }
0x73: {  	s9 =	sadd.s32 $0x2980, s15;
	[sflag:s26] =	ssyncadd.s32 $0xFFFFC000  }
0x74: {  	[tilespmem:s31], [sflag:$0x4] =	stream.linear.gather [hbm4b:s9+s4], $0x80, $0x38;
	[tilespmem:$0x1EA00] =	vst v63  }
0x75: {  	s13 =	simm.s32 $0x280;
	s11 =	simm.s32 $0xFFFFD900;
	s9 =	simm.s32 $0x180  }
.LBB2_4:
0x76: {  	[tilespmem:s29], [sflag:$0x2] =	stream.indirect.gather [hbm4b:s1+s24], $0x80, s9, s24, $0xb8;
	[tilespmem:$0x1EA00] =	vst v63  }
0x77: {  	s15 =	smov.u32 s11;
	s9 =	smov.u32 s13  }
0x78: {  	p0 =	sne.s32 s11, $0xFFFFFF00;
	s11 =	sadd.s32 $0x100, s11;
	_ =	swait.ge [sflag:s2], $0x4000  }
0x79: {  	[sflag:s2] =	ssyncset.done $0x0  }
0x7a: {  	[sflag:s2] =	ssyncadd.s32 $0xFFFFC000  }
0x7b: {  	_ =	swait.ge [sflag:s0], $0x80  }
0x7c: {  	[sflag:s0] =	ssyncset.done $0x0  }
0x7d: {  	[sflag:s0] =	ssyncadd.s32 $0xFFFFFF80  }
0x7e: {  	[spmem:s3] =	stream.indirect.scatter.add.f32 [tilespmem:s28], [sflag:$0x5], $0x80, s30, s24, $0xb8;
	[tilespmem:$0x1EA00] =	vst v63  }
0x7f: {  	_ =	swait.ge [sflag:s26], $0x4000  }
0x80: {  	s15 =	sadd.s32 s15, s16;
	[sflag:s26] =	ssyncset.done $0x0  }
0x81: {  	s17 =	sadd.s32 $0x2900, s15;
	[sflag:s26] =	ssyncadd.s32 $0xFFFFC000  }
0x82: {  	[tilespmem:s30], [sflag:$0x3] =	stream.linear.gather [hbm4b:s17+s4], $0x80, $0x38;
	[tilespmem:$0x1EA00] =	vst v63  }
0x83: {  	s17 =	sadd.s32 $0xFFFFFF80, s13  }
0x84: {  	[tilespmem:s28], [sflag:$0x1] =	stream.indirect.gather [hbm4b:s1+s24], $0x80, s17, s24, $0xb8;
	[tilespmem:$0x1EA00] =	vst v63  }
0x85: {  	_ =	swait.ge [sflag:s25], $0x4000  }
0x86: {  	[sflag:s25] =	ssyncset.done $0x0  }
0x87: {  	[sflag:s25] =	ssyncadd.s32 $0xFFFFC000  }
0x88: {  	_ =	swait.ge [sflag:s6], $0x80  }
0x89: {  	[sflag:s6] =	ssyncset.done $0x0  }
0x8a: {  	[sflag:s6] =	ssyncadd.s32 $0xFFFFFF80  }
0x8b: {  	[spmem:s3] =	stream.indirect.scatter.add.f32 [tilespmem:s29], [sflag:$0x5], $0x80, s31, s24, $0xb8;
	[tilespmem:$0x1EA00] =	vst v63  }
.Ltmp1:
0x8c: {  	_ =	swait.ge [sflag:s26], $0x4000;
	(pc) =	sbr.rel @p0 .LBB2_4-.Ltmp1, $4  }
0x8d: {  	[sflag:s26] =	ssyncset.done $0x0  }
0x8e: {  	s15 =	sadd.s32 $0x2980, s15;
	[sflag:s26] =	ssyncadd.s32 $0xFFFFC000  }
0x8f: {  	[tilespmem:s31], [sflag:$0x4] =	stream.linear.gather [hbm4b:s15+s4], $0x80, $0x38;
	[tilespmem:$0x1EA00] =	vst v63  }
0x90: {  	s13 =	sadd.s32 $0x100, s13  }
0x91: {  	[tilespmem:s29], [sflag:$0x2] =	stream.indirect.gather [hbm4b:s1+s24], $0x80, s9, s24, $0xb8;
	[tilespmem:$0x1EA00] =	vst v63  }
0x92: {  	_ =	swait.ge [sflag:s2], $0x4000  }
0x93: {  	[sflag:s2] =	ssyncset.done $0x0  }
0x94: {  	[sflag:s2] =	ssyncadd.s32 $0xFFFFC000  }
0x95: {  	_ =	swait.ge [sflag:s25], $0x4000  }
0x96: {  	[sflag:s25] =	ssyncset.done $0x0  }
0x97: {  	[sflag:s25] =	ssyncadd.s32 $0xFFFFC000  }
0x98: {  	_ =	swait.ge [sflag:s0], $0x80  }
0x99: {  	[sflag:s0] =	ssyncset.done $0x0  }
0x9a: {  	[sflag:s0] =	ssyncadd.s32 $0xFFFFFF80  }
0x9b: {  	_ =	swait.ge [sflag:s6], $0x80  }
0x9c: {  	s15 =	stileid.u32;
	[sflag:s6] =	ssyncset.done $0x0  }
0x9d: {  	s9 =	sshll.u32 s15, $0x6;
	[sflag:s6] =	ssyncadd.s32 $0xFFFFFF80  }
0x9e: {  	s11 =	sshrl.u32 s5, $0x3;
	s9 =	sor.u32 $0x1C05, s9;
	[bflag:$0x0] =	sbarrier.arrive $0xFFFF  }
0x9f: {  	[hbm:s18], [sflag:s9] =	dma.local [spmem:s11], $0x800  }
0xa0: {  	_ =	swait.ge [sflag:s26], $0x800  }
0xa1: {  	[sflag:s26] =	ssyncset.done $0x0  }
0xa2: {  	s17 =	sshrl.u32 s8, $0x3;
	[sflag:s26] =	ssyncadd.s32 $0xFFFFF800  }
0xa3: {  	[hbm:s19], [sflag:s9] =	dma.local [spmem:s17], $0x800  }
0xa4: {  	_ =	swait.ge [sflag:s26], $0x800  }
0xa5: {  	[sflag:s26] =	ssyncset.done $0x0  }
0xa6: {  	s13 =	sshrl.u32 s10, $0x3;
	[sflag:s26] =	ssyncadd.s32 $0xFFFFF800  }
0xa7: {  	[hbm:s20], [sflag:s9] =	dma.local [spmem:s13], $0x800  }
0xa8: {  	_ =	swait.ge [sflag:s26], $0x800  }
0xa9: {  	[sflag:s26] =	ssyncset.done $0x0  }
0xaa: {  	s15 =	sshrl.u32 s12, $0x3;
	[sflag:s26] =	ssyncadd.s32 $0xFFFFF800  }
0xab: {  	[hbm:s21], [sflag:s9] =	dma.local [spmem:s15], $0x800  }
0xac: {  	s7 =	sadd.s32 $0x1, s7;
	_ =	swait.ge [sflag:s26], $0x800  }
0xad: {  	p0 =	sne.s32 s7, s23;
	[sflag:s26] =	ssyncset.done $0x0  }
.Ltmp2:
0xae: {  	s17 =	sshrl.u32 s14, $0x3;
	[sflag:s26] =	ssyncadd.s32 $0xFFFFF800;
	(pc) =	sbr.rel @p0 .LBB2_1-.Ltmp2, $4  }
0xaf: {  	[hbm:s22], [sflag:s9] =	dma.local [spmem:s17], $0x800  }
0xb0: {  	_ =	swait.ge [sflag:s26], $0x800  }
0xb1: {  	[sflag:s26] =	ssyncset.done $0x0  }
0xb2: {  	[sflag:s26] =	ssyncadd.s32 $0xFFFFF800  }
0xb3: {  	_ =	sfence.sel $0x180000  }
0xb4: {  	[bflag:$0x0] =	sbarrier.arrive $0xFFFF  }
0xb5: {  	_ =	strace $0x9000004D  }
0xb6: {  	s0 =	stileid.u32;
	[bflag:$0x2] =	sbarrier.arrive $0xFFFF  }
0xb7: {  	p0 =	sne.s32 s0, $0x0;
	s0 =	rddreg [dreg:$0x3]  }
0xb8: {  	s0 =	sadd.s32 @!p0 $0x100000, s0  }
0xb9: {  	[sflag:s0] =	ssyncadd.tile.s32 @!p0 $0x1;
	_ =	shalt  }
.Lfunc_end2:
_tile_overlayer_lowered:
.L_overlay_start_2:
0xba: {  	(tag) =	ssettag $0x2  }
0xbb: {  	s0 =	rddreg [dreg:$0x0];
	s2 =	stileid.u32  }
0xbc: {  	s1 =	rddreg [dreg:$0x1];
	p0 =	sne.s32 s2, $0x0  }
0xbd: {  	s3 =	rddreg [dreg:$0x2];
	[bflag:$0x3] =	sbarrier.arrive $0xFFFF;
	s2 =	simm.s32 @!p0 $0x1C05  }
0xbe: {  	[timem:s3], [sflag:s2] =	dma.local @!p0 [hbm:s0], s1  }
0xbf: {  	s0 =	simm.s32 @!p0 $0x5  }
0xc0: {  	_ =	swait.ge @!p0 [sflag:s0], s1  }
0xc1: {  	s1 =	ssub.s32 @!p0 $0x0, s1;
	[sflag:s0] =	ssyncset.done @!p0 $0x0  }
0xc2: {  	[sflag:s0] =	ssyncadd.s32 @!p0 s1  }
0xc3: {  	[bflag:$0x3] =	sbarrier.arrive $0xFFFF  }
0xc4: {  	_ =	shalt  }

// kernel: kernel.19.cloned.1.call-start
scs
__scs_entry_jumppad:
0x0: {  	(pc) =	sbr.rel $0x88, $3  }
0x1: {  	(tag) =	ssettag $0x0;
	lr =	simm.s32 $0x1  }
0x2: {  	[smem:$0x3F99] =	sst lr;
	_ =	strace $0xD0000000  }
0x3: {  	_ = 	snop  }
0x4: {  	_ = 	snop  }
0x5: {  	_ = 	snop  }
0x6: {  	_ = 	snop  }
0x7: {  	_ = 	snop  }
__scs_overlays_trampoline_lowered:
0x8: {  	[smem:$0x3FA8] =	sst s0  }
0x9: {  	[smem:$0x3FA9] =	sst s1  }
0xa: {  	[smem:$0x3FAA] =	sst s2  }
0xb: {  	[smem:$0x3FAB] =	sst s3  }
0xc: {  	[smem:$0x3FAC] =	sst s4  }
0xd: {  	[smem:$0x3FAD] =	sst s5  }
0xe: {  	[smem:$0x3FAE] =	sst s6  }
0xf: {  	[smem:$0x3FAF] =	sst s7  }
0x10: {  	[smem:$0x3FB0] =	sst s8  }
0x11: {  	[smem:$0x3FB1] =	sst s9;
	s0 =	simm.s32 @!p0 $0x0  }
0x12: {  	s1 =	sld [smem:$0x3F97];
	s0 =	simm.s32 @p0 $0x1  }
0x13: {  	[smem:$0x3FB2] =	sst s0;
	s0 =	simm.s32 @!p1 $0x0  }
0x14: {  	s2 =	sld [smem:$0x3F96];
	s0 =	simm.s32 @p1 $0x1  }
0x15: {  	[smem:$0x3FB3] =	sst s0;
	s0 =	simm.s32 @!p2 $0x0  }
0x16: {  	s3 =	sld [smem:$0x3FDB];
	s0 =	simm.s32 @p2 $0x1  }
0x17: {  	s4 =	simm.s32 $0x1BF5;
	[smem:$0x3FB5] =	sst s0  }
0x18: {  	s0 =	sld [smem:$0x3F98];
	_ =	swait.ge [sflag:s4], $0x0  }
0x19: {  	s7 =	sld [smem:$0x3F99]  }
0x1a: {  	s8 =	sadd.s32 $0xFFFFE003, lr  }
0x1b: {  	s9 =	sadd.s32 $0xFFFFFEF7, lr;
	s5 =	simm.s32 $0xFFFFFFFF;
	p2 =	slt.u32 s8, $0xFFFFF086  }
0x1c: {  	p1 =	slt.u32 s9, $0xF7A;
	s5 =	simm.s32 @!p2 $0x0  }
0x1d: {  	s5 =	simm.s32 @p1 $0x1;
	p0 =	seq.s32 s7, s2  }
0x1e: {  	s7 =	smul.u32 @!p0 $0xF7A, s2;
	p2 =	seq.s32 @!p0 s5, $0x0  }
0x1f: {  	s9 =	smul.u32 $0xF7A, s1;
	s8 =	simm.s32 @!p0 $0x1BF5;
	p2 =	por !p2, p0  }
0x20: {  	[sflag:s8] =	ssyncset.s32 @!p0 $0xFFFFF086;
	s6 =	sadd.s32 @!p0 s3, s7;
	s7 =	simm.s32 @!p0 $0x108  }
0x21: {  	s3 =	sadd.s32 s3, s9;
	s6 =	sadd.s32 @!p0 $0x88, s6;
	s7 =	simm.s32 @p2 $0x1082  }
0x22: {  	[simem:s7], [sflag:s8] =	dma.local @!p0 [hbm:s6], $0xF7A  }
0x23: {  	s9 =	sor.u32 $0xD0000000, s2;
	s6 =	simm.s32 $0x108;
	_ =	swait.ge @!p0 [sflag:s8], $0x0  }
0x24: {  	s3 =	sadd.s32 $0x88, s3;
	s6 =	simm.s32 @!p1 $0x1082;
	[sflag:s4] =	ssyncset.s32 $0xFFFFF086  }
0x25: {  	[simem:s6], [sflag:s4] =	dma.local [hbm:s3], $0xF7A  }
0x26: {  	[smem:$0x3F99] =	sst s1;
	(tag) =	ssettag s2;
	_ =	strace s9  }
0x27: {  	s1 =	sld [smem:$0x3FA9]  }
0x28: {  	s2 =	sld [smem:$0x3FAA]  }
0x29: {  	s4 =	sld [smem:$0x3FAC]  }
0x2a: {  	p0 =	seq.s32 s5, $0x0;
	s5 =	sld [smem:$0x3FAD]  }
0x2b: {  	s6 =	sld [smem:$0x3FAE]  }
0x2c: {  	s7 =	sld [smem:$0x3FAF]  }
0x2d: {  	s3 =	simm.s32 $0x108;
	s8 =	sld [smem:$0x3FB0]  }
0x2e: {  	s3 =	simm.s32 @!p0 $0x1082;
	s9 =	sld [smem:$0x3FB1]  }
0x2f: {  	lr =	sadd.s32 s0, s3;
	s0 =	sld [smem:$0x3FA8]  }
0x30: {  	s3 =	sld [smem:$0x3FAB]  }
0x31: {  	[smem:$0x3FB4] =	sst s10  }
0x32: {  	s10 =	sld [smem:$0x3FB2];
	_ =	sdelay $0x3  }
0x33: {  	p0 =	seq.s32 s10, $0x1;
	s10 =	sld [smem:$0x3FB4];
	_ =	sdelay $0x3  }
0x34: {  	[smem:$0x3FB4] =	sst s10  }
0x35: {  	s10 =	sld [smem:$0x3FB3];
	_ =	sdelay $0x3  }
0x36: {  	p1 =	seq.s32 s10, $0x1;
	s10 =	sld [smem:$0x3FB4];
	_ =	sdelay $0x3  }
0x37: {  	[smem:$0x3FB4] =	sst s10  }
0x38: {  	s10 =	sld [smem:$0x3FB5]  }
0x39: {  	_ = 	snop;
	(pc) =	sbr.ind lr, $3  }
0x3a: {  	_ = 	snop  }
0x3b: {  	_ = 	snop  }
0x3c: {  	p2 =	seq.s32 s10, $0x1;
	s10 =	sld [smem:$0x3FB4]  }
0x3d: {  	_ =	shalt  }
0x3e: {  	_ =	shalt  }
0x3f: {  	_ =	shalt  }
0x40: {  	_ =	shalt  }
0x41: {  	_ =	shalt  }
0x42: {  	_ =	shalt  }
0x43: {  	_ =	shalt  }
0x44: {  	_ =	shalt  }
0x45: {  	_ =	shalt  }
0x46: {  	_ =	shalt  }
0x47: {  	_ =	shalt  }
0x48: {  	_ =	shalt  }
0x49: {  	_ =	shalt  }
0x4a: {  	_ =	shalt  }
0x4b: {  	_ =	shalt  }
0x4c: {  	_ =	shalt  }
0x4d: {  	_ =	shalt  }
0x4e: {  	_ =	shalt  }
0x4f: {  	_ =	shalt  }
0x50: {  	_ =	shalt  }
0x51: {  	_ =	shalt  }
0x52: {  	_ =	shalt  }
0x53: {  	_ =	shalt  }
0x54: {  	_ =	shalt  }
0x55: {  	_ =	shalt  }
0x56: {  	_ =	shalt  }
0x57: {  	_ =	shalt  }
0x58: {  	_ =	shalt  }
0x59: {  	_ =	shalt  }
0x5a: {  	_ =	shalt  }
0x5b: {  	_ =	shalt  }
0x5c: {  	_ =	shalt  }
0x5d: {  	_ =	shalt  }
0x5e: {  	_ =	shalt  }
0x5f: {  	_ =	shalt  }
0x60: {  	_ =	shalt  }
0x61: {  	_ =	shalt  }
0x62: {  	_ =	shalt  }
0x63: {  	_ =	shalt  }
0x64: {  	_ =	shalt  }
0x65: {  	_ =	shalt  }
0x66: {  	_ =	shalt  }
0x67: {  	_ =	shalt  }
0x68: {  	_ =	shalt  }
0x69: {  	_ =	shalt  }
0x6a: {  	_ =	shalt  }
0x6b: {  	_ =	shalt  }
0x6c: {  	_ =	shalt  }
0x6d: {  	_ =	shalt  }
0x6e: {  	_ =	shalt  }
0x6f: {  	_ =	shalt  }
0x70: {  	_ =	shalt  }
0x71: {  	_ =	shalt  }
0x72: {  	_ =	shalt  }
0x73: {  	_ =	shalt  }
0x74: {  	_ =	shalt  }
0x75: {  	_ =	shalt  }
0x76: {  	_ =	shalt  }
0x77: {  	_ =	shalt  }
0x78: {  	_ =	shalt  }
0x79: {  	_ =	shalt  }
0x7a: {  	_ =	shalt  }
0x7b: {  	_ =	shalt  }
0x7c: {  	_ =	shalt  }
0x7d: {  	_ =	shalt  }
0x7e: {  	_ =	shalt  }
0x7f: {  	_ =	shalt  }
0x80: {  	_ =	shalt  }
0x81: {  	_ =	shalt  }
0x82: {  	_ =	shalt  }
0x83: {  	_ =	shalt  }
0x84: {  	_ =	shalt  }
0x85: {  	_ =	shalt  }
0x86: {  	_ =	shalt  }
0x87: {  	_ =	shalt  }
.Lfunc_end0:
.L_simem_size_0:
called_computation.3_lowered:
.L_overlay_start_0:
0x88: {  	s2 =	sld [smem:$0x3FD9]  }
0x89: {  	s3 =	sld [smem:$0x3FFE];
	_ =	sdelay $0x1  }
0x8a: {  	s1 =	srdreg.scid  }
0x8b: {  	s0 =	sand.u32 $0x1, s1  }
0x8c: {  	s17 =	sshll.u32 s0, $0xA;
	s2 =	sadd.s32 s3, s2  }
0x8d: {  	s2 =	sadd.s32 s2, s17  }
0x8e: {  	[smem:$0x3FC0] =	sst s2  }
0x8f: {  	_ = 	snop  }
0x90: {  	s2 =	sld [smem:$0x3FD0];
	(tm) =	ssettm $0x1  }
0x91: {  	s18 =	sld [smem:$0x3FFB];
	_ =	sdelay $0x3  }
0x92: {  	_ =	strace s18  }
0x93: {  	s3 =	sld [smem:$0x3FFC];
	_ =	sdelay $0x3  }
0x94: {  	_ =	strace s3  }
0x95: {  	s3 =	sld [smem:$0x3FFD];
	_ =	sdelay $0x3  }
0x96: {  	_ =	strace s3  }
0x97: {  	_ =	strace $0x8FFFFFFF  }
0x98: {  	s19 =	sld [smem:$0x3FDB];
	_ =	sdelay $0x1  }
0x99: {  	s4 =	simm.s32 $_scs_section_size  }
0x9a: {  	s5 =	simm.s32 $_size__tile_overlayer_lowered;
	s6 =	simm.s32 $_tile_overlayer_lowered  }
0x9b: {  	s22 =	simm.s32 $0x1BFF;
	s21 =	sshll.u32 s6, $0x1;
	s3 =	sadd.s32 s4, s19  }
0x9c: {  	s7 =	simm.s32 $0x0;
	s20 =	sshll.u32 s5, $0x1;
	s5 =	sadd.s32 s21, s3  }
0x9d: {  	[timem:s7], [sflag:s22] =	dma.local [hbm:s5], s20  }
0x9e: {  	_ =	swait.ge [sflag:s22], s20  }
0x9f: {  	s4 =	ssub.s32 $0x0, s20;
	[sflag:s22] =	ssyncset.done $0x0  }
0xa0: {  	[sflag:s22] =	ssyncadd.s32 s4;
	_ =	sdelay $0x1  }
0xa1: {  	s23 =	simm.s32 $0x1B8B  }
0xa2: {  	_ =	swait.ge [sflag:s23], $0x1  }
0xa3: {  	[sflag:s23] =	ssyncset.done $0x0  }
0xa4: {  	s25 =	simm.s32 $0x1B8E;
	s24 =	sld [smem:$0x3FFE];
	[sflag:s23] =	ssyncadd.s32 $0xFFFFFFFF  }
0xa5: {  	s26 =	simm.s32 $execute0_lowered;
	[smem:$0x3FD2] =	sst s25  }
0xa6: {  	s5 =	sshll.u32 s26, $0x1;
	_ =	strace $0x8000004F;
	[dreg:$0x1] =	wrdreg $0xFFFFFFFF  }
0xa7: {  	s28 =	simm.s32 $_size_execute0_lowered;
	s3 =	sadd.s32 s3, s5;
	[dreg:$0x0] =	wrdreg $0x0  }
0xa8: {  	s5 =	sshll.u32 s28, $0x1;
	[dreg:$0x2] =	wrdreg s3  }
0xa9: {  	[dreg:$0x3] =	wrdreg s5  }
0xaa: {  	[dreg:$0x4] =	wrdreg $0xC0  }
0xab: {  	_ =	task [dreg:s7], $0x5FFFF  }
0xac: {  	[dreg:$0x1] =	wrdreg $0xFFFFFFFF  }
0xad: {  	[dreg:$0x0] =	wrdreg $0x60  }
0xae: {  	[dreg:$0x2] =	wrdreg s2  }
0xaf: {  	[dreg:$0x3] =	wrdreg s24  }
0xb0: {  	[dreg:$0x4] =	wrdreg $0xAA000  }
0xb1: {  	[dreg:$0x5] =	wrdreg $0x9  }
0xb2: {  	_ =	task.clear_ibuf [dreg:s7], $0x6FFFF;
	_ =	strace $0x9000004F  }
0xb3: {  	s29 =	simm.s32 $0x9;
	_ =	strace $0x80000051  }
0xb4: {  	_ =	swait.ge [sflag:s29], $0x1  }
0xb5: {  	[sflag:s29] =	ssyncadd.s32 $0xFFFFFFFF  }
0xb6: {  	_ =	strace $0x90000051  }
0xb7: {  	_ =	sfence  }
0xb8: {  	s30 =	sld [smem:$0x0];
	_ =	sdelay $0x2  }
0xb9: {  	s31 =	sshll.u32 s1, $0xD;
	s1 =	sshrl.u32 s1, $0x2  }
0xba: {  	s3 =	sand.u32 $0x4000, s31;
	s1 =	sadd.s32 s1, s30  }
0xbb: {  	s0 =	sor.u32 s3, s0;
	s1 =	sshll.u32 s1, $0x11  }
0xbc: {  	s0 =	sor.u32 s1, s0  }
0xbd: {  	s0 =	sadd.s32 $0x8F2B, s0  }
0xbe: {  	[sflag:s0] =	ssyncadd.remote.s32 $0x1  }
0xbf: {  	_ =	sfence.sel $0xFFFF  }
0xc0: {  	[dreg:$0x0] =	wrdreg $0xFFFFFFFF;
	(pc) =	sbr.abs _section_cstart, $3  }
0xc1: {  	[dreg:$0x1] =	wrdreg $0xFFFFFFFF  }
0xc2: {  	_ =	task.clear_ibuf [dreg:s7], $0x2FFFF;
	_ =	strace $0x9FFFFFFF  }
0xc3: {  	(tm) =	ssettm $0x7FFFFFFF  }
tec
execute0_lowered:
.L_overlay_start_1:
0x0: {  	(tag) =	ssettag $0x1  }
0x1: {  	s1 =	rddreg [dreg:$0x0]  }
0x2: {  	s0 =	srdreg.scid;
	s5 =	rddreg [dreg:$0x1]  }
0x3: {  	s8 =	stileid.u32;
	s3 =	rddreg [dreg:$0x2]  }
0x4: {  	s4 =	simm.s32 $0x0;
	s28 =	simm.s32 $0x2A00;
	s0 =	sand.u32 $0x1, s0  }
0x5: {  	s29 =	simm.s32 $0x6A00;
	s30 =	simm.s32 $0x2900;
	s2 =	sshll.u32 s0, $0x4  }
0x6: {  	s31 =	simm.s32 $0x2980;
	s7 =	smul.u32 $0x280, s8;
	s2 =	sor.u32 s8, s2  }
0x7: {  	s6 =	sshll.u32 s8, $0x7;
	s19 =	smul.u32 $0x2800, s0;
	s2 =	sshrl.u32 s2, $0x3  }
0x8: {  	[smem:$0x7FF] =	sst s4;
	s0 =	ssub.s32 $0x2, s0;
	s2 =	smul.u32 $0x14800, s2  }
0x9: {  	s6 =	sand.u32 $0x380, s6;
	s8 =	smul.u32 $0x50000, s8;
	s20 =	sshrl.u32 s0, $0x1  }
0xa: {  	_ =	strace $0x80000050;
	s0 =	ssub.s32 s0, s20;
	s2 =	sor.u32 s6, s2  }
0xb: {  	s8 =	sshrl.u32 s8, $0x2;
	s6 =	sadd.s32 s7, s19;
	s2 =	sshrl.u32 s2, $0x3  }
0xc: {  	s7 =	simm.s32 $0x0;
	s6 =	sshll.u32 s6, $0x4;
	s2 =	sadd.s32 s2, s5  }
0xd: {  	s6 =	sadd.s32 s6, s5;
	s5 =	sadd.s32 s8, s3;
	s21 =	sadd.s32 $0x5CA00, s2  }
0xe: {  	s22 =	sadd.s32 $0x2000, s5;
	s8 =	sadd.s32 $0x4000, s5;
	[dreg:$0x4] =	wrdreg s21  }
0xf: {  	s23 =	sadd.s32 $0x6000, s5;
	s10 =	sadd.s32 $0x8000, s5;
	[dreg:$0x5] =	wrdreg s22  }
0x10: {  	s24 =	sadd.s32 $0xA000, s5;
	s12 =	sadd.s32 $0xC000, s5;
	[dreg:$0x6] =	wrdreg s23  }
0x11: {  	s25 =	sadd.s32 $0xE000, s5;
	s14 =	sadd.s32 $0x10000, s5;
	[dreg:$0x7] =	wrdreg s24  }
0x12: {  	s26 =	sadd.s32 $0x12000, s5;
	s16 =	sadd.s32 $0x2600, s2;
	[dreg:$0x8] =	wrdreg s25  }
0x13: {  	s2 =	sadd.s32 $0x2680, s2;
	s18 =	sadd.s32 $0xCA00, s6;
	[dreg:$0x9] =	wrdreg s26  }
0x14: {  	s19 =	sadd.s32 $0xD200, s6;
	s20 =	sadd.s32 $0xDA00, s6;
	[dreg:$0xa] =	wrdreg s2  }
0x15: {  	s21 =	sadd.s32 $0xE200, s6;
	s22 =	sadd.s32 $0xEA00, s6;
	s23 =	smax.u32 s0, $0x1  }
0x16: {  	s24 =	simm.s32 $0x80;
	s26 =	simm.s32 $0x5;
	s2 =	simm.s32 $0x1  }
0x17: {  	v0 =	vimm.f32 $0.0e+00;
	s0 =	simm.s32 $0x3;
	s25 =	simm.s32 $0x2;
	s6 =	simm.s32 $0x4  }
.LBB2_1:
0x18: {  	s9 =	rddreg [dreg:$0x4];
	s11 =	simm.s32 $0x400  }
0x19: {  	[tilespmem:s4], [sflag:$0x5] =	stream.strided.gather [hbm4b:s9+s24], $0x2900, s11, s24, $0x38;
	[tilespmem:$0x1EA00] =	vst v63  }
0x1a: {  	_ =	swait.ge [sflag:s26], $0x2900  }
0x1b: {  	[sflag:s26] =	ssyncset.done $0x0  }
0x1c: {  	s9 =	simm.s32 $0x0;
	s11 =	simm.s32 $0x200;
	[sflag:s26] =	ssyncadd.s32 $0xFFFFD700  }
.LBB2_2:
0x1d: {  	p0 =	sne.s32 s11, $0x7E00;
	[tilespmem:s9+$0x2A70] =	vst v0  }
0x1e: {  	[tilespmem:s9+$0x2A00] =	vst v0  }
0x1f: {  	[tilespmem:s9+$0x2A10] =	vst v0  }
.Ltmp0:
0x20: {  	[tilespmem:s9+$0x2A20] =	vst v0;
	(pc) =	sbr.rel @p0 .LBB2_2-.Ltmp0, $4  }
0x21: {  	[tilespmem:s9+$0x2A30] =	vst v0  }
0x22: {  	[tilespmem:s9+$0x2A40] =	vst v0  }
0x23: {  	[tilespmem:s9+$0x2A50] =	vst v0  }
0x24: {  	[tilespmem:s9+$0x2A60] =	vst v0;
	s9 =	sshra.s32 s11, $0x2;
	s11 =	sadd.s32 $0x200, s11  }
0x25: {  	[tilespmem:s9+$0x2A70] =	vst v0  }
0x26: {  	[tilespmem:s9+$0x2A00] =	vst v0  }
0x27: {  	[tilespmem:s9+$0x2A10] =	vst v0  }
0x28: {  	[tilespmem:s9+$0x2A20] =	vst v0  }
0x29: {  	[tilespmem:s9+$0x2A30] =	vst v0  }
0x2a: {  	[tilespmem:s9+$0x2A40] =	vst v0  }
0x2b: {  	[tilespmem:s9+$0x2A50] =	vst v0  }
0x2c: {  	[tilespmem:s9+$0x2A60] =	vst v0  }
0x2d: {  	[spmem:s5] =	stream.linear.scatter [tilespmem:s28], [sflag:$0x5], $0x2000, $0x38;
	[tilespmem:$0x1EA00] =	vst v63  }
0x2e: {  	_ =	swait.ge [sflag:s26], $0x2000  }
0x2f: {  	[sflag:s26] =	ssyncset.done $0x0  }
0x30: {  	s11 =	rddreg [dreg:$0x5];
	[sflag:s26] =	ssyncadd.s32 $0xFFFFE000  }
0x31: {  	[spmem:s11] =	stream.linear.scatter [tilespmem:s28], [sflag:$0x5], $0x2000, $0x38;
	[tilespmem:$0x1EA00] =	vst v63  }
0x32: {  	_ =	swait.ge [sflag:s26], $0x2000  }
0x33: {  	[sflag:s26] =	ssyncset.done $0x0  }
0x34: {  	[sflag:s26] =	ssyncadd.s32 $0xFFFFE000  }
0x35: {  	[spmem:s8] =	stream.linear.scatter [tilespmem:s28], [sflag:$0x5], $0x2000, $0x38;
	[tilespmem:$0x1EA00] =	vst v63  }
0x36: {  	_ =	swait.ge [sflag:s26], $0x2000  }
0x37: {  	[sflag:s26] =	ssyncset.done $0x0  }
0x38: {  	s13 =	rddreg [dreg:$0x6];
	[sflag:s26] =	ssyncadd.s32 $0xFFFFE000  }
0x39: {  	[spmem:s13] =	stream.linear.scatter [tilespmem:s28], [sflag:$0x5], $0x2000, $0x38;
	[tilespmem:$0x1EA00] =	vst v63  }
0x3a: {  	_ =	swait.ge [sflag:s26], $0x2000  }
0x3b: {  	[sflag:s26] =	ssyncset.done $0x0  }
0x3c: {  	[sflag:s26] =	ssyncadd.s32 $0xFFFFE000  }
0x3d: {  	[spmem:s10] =	stream.linear.scatter [tilespmem:s28], [sflag:$0x5], $0x2000, $0x38;
	[tilespmem:$0x1EA00] =	vst v63  }
0x3e: {  	_ =	swait.ge [sflag:s26], $0x2000  }
0x3f: {  	[sflag:s26] =	ssyncset.done $0x0  }
0x40: {  	s15 =	rddreg [dreg:$0x7];
	[sflag:s26] =	ssyncadd.s32 $0xFFFFE000  }
0x41: {  	[spmem:s15] =	stream.linear.scatter [tilespmem:s28], [sflag:$0x5], $0x2000, $0x38;
	[tilespmem:$0x1EA00] =	vst v63  }
0x42: {  	_ =	swait.ge [sflag:s26], $0x2000  }
0x43: {  	[sflag:s26] =	ssyncset.done $0x0  }
0x44: {  	[sflag:s26] =	ssyncadd.s32 $0xFFFFE000  }
0x45: {  	[spmem:s12] =	stream.linear.scatter [tilespmem:s28], [sflag:$0x5], $0x2000, $0x38;
	[tilespmem:$0x1EA00] =	vst v63  }
0x46: {  	_ =	swait.ge [sflag:s26], $0x2000  }
0x47: {  	[sflag:s26] =	ssyncset.done $0x0  }
0x48: {  	s17 =	rddreg [dreg:$0x8];
	[sflag:s26] =	ssyncadd.s32 $0xFFFFE000  }
0x49: {  	[spmem:s17] =	stream.linear.scatter [tilespmem:s28], [sflag:$0x5], $0x2000, $0x38;
	[tilespmem:$0x1EA00] =	vst v63  }
0x4a: {  	_ =	swait.ge [sflag:s26], $0x2000  }
0x4b: {  	[sflag:s26] =	ssyncset.done $0x0  }
0x4c: {  	[sflag:s26] =	ssyncadd.s32 $0xFFFFE000  }
0x4d: {  	[spmem:s14] =	stream.linear.scatter [tilespmem:s28], [sflag:$0x5], $0x2000, $0x38;
	[tilespmem:$0x1EA00] =	vst v63  }
0x4e: {  	_ =	swait.ge [sflag:s26], $0x2000  }
0x4f: {  	[sflag:s26] =	ssyncset.done $0x0  }
0x50: {  	s11 =	rddreg [dreg:$0x9];
	[sflag:s26] =	ssyncadd.s32 $0xFFFFE000  }
0x51: {  	[spmem:s11] =	stream.linear.scatter [tilespmem:s28], [sflag:$0x5], $0x2000, $0x38;
	[tilespmem:$0x1EA00] =	vst v63  }
0x52: {  	_ =	swait.ge [sflag:s26], $0x2000  }
0x53: {  	[sflag:s26] =	ssyncset.done $0x0  }
0x54: {  	[sflag:s26] =	ssyncadd.s32 $0xFFFFE000  }
0x55: {  	[bflag:$0x0] =	sbarrier.arrive $0xFFFF  }
0x56: {  	[tilespmem:s28], [sflag:$0x1] =	stream.indirect.gather [hbm4b:s1+s24], $0x80, s4, s24, $0xb8;
	[tilespmem:$0x1EA00] =	vst v63  }
0x57: {  	_ = 	snop  }
0x58: {  	[tilespmem:s29], [sflag:$0x2] =	stream.indirect.gather [hbm4b:s1+s24], $0x80, s24, s24, $0xb8;
	[tilespmem:$0x1EA00] =	vst v63  }
0x59: {  	_ = 	snop  }
0x5a: {  	[tilespmem:s30], [sflag:$0x3] =	stream.linear.gather [hbm4b:s16+s4], $0x80, $0x38;
	[tilespmem:$0x1EA00] =	vst v63  }
0x5b: {  	s13 =	rddreg [dreg:$0xa]  }
0x5c: {  	[tilespmem:s31], [sflag:$0x4] =	stream.linear.gather [hbm4b:s13+s4], $0x80, $0x38;
	[tilespmem:$0x1EA00] =	vst v63  }
0x5d: {  	_ =	swait.ge [sflag:s2], $0x4000  }
0x5e: {  	[sflag:s2] =	ssyncset.done $0x0  }
0x5f: {  	[sflag:s2] =	ssyncadd.s32 $0xFFFFC000  }
0x60: {  	_ =	swait.ge [sflag:s0], $0x80  }
0x61: {  	[sflag:s0] =	ssyncset.done $0x0  }
0x62: {  	[sflag:s0] =	ssyncadd.s32 $0xFFFFFF80  }
0x63: {  	[spmem:s3] =	stream.indirect.scatter.add.f32 [tilespmem:s28], [sflag:$0x5], $0x80, s30, s24, $0xb8;
	[tilespmem:$0x1EA00] =	vst v63  }
0x64: {  	_ =	swait.ge [sflag:s26], $0x4000  }
0x65: {  	s15 =	sadd.s32 $0xFFFFD800, s16;
	[sflag:s26] =	ssyncset.done $0x0  }
0x66: {  	s11 =	sadd.s32 $0x2900, s15;
	[sflag:s26] =	ssyncadd.s32 $0xFFFFC000  }
0x67: {  	[tilespmem:s30], [sflag:$0x3] =	stream.linear.gather [hbm4b:s11+s4], $0x80, $0x38;
	[tilespmem:$0x1EA00] =	vst v63  }
0x68: {  	s17 =	simm.s32 $0x100  }
0x69: {  	[tilespmem:s28], [sflag:$0x1] =	stream.indirect.gather [hbm4b:s1+s24], $0x80, s17, s24, $0xb8;
	[tilespmem:$0x1EA00] =	vst v63  }
0x6a: {  	_ =	swait.ge [sflag:s25], $0x4000  }
0x6b: {  	[sflag:s25] =	ssyncset.done $0x0  }
0x6c: {  	[sflag:s25] =	ssyncadd.s32 $0xFFFFC000  }
0x6d: {  	_ =	swait.ge [sflag:s6], $0x80  }
0x6e: {  	[sflag:s6] =	ssyncset.done $0x0  }
0x6f: {  	[sflag:s6] =	ssyncadd.s32 $0xFFFFFF80  }
0x70: {  	[spmem:s3] =	stream.indirect.scatter.add.f32 [tilespmem:s29], [sflag:$0x5], $0x80, s31, s24, $0xb8;
	[tilespmem:$0x1EA00] =	vst v63  }
0x71: {  	_ =	swait.ge [sflag:s26], $0x4000  }
0x72: {  	[sflag:s26] =	ssyncset.done $0x0  }
0x73: {  	s9 =	sadd.s32 $0x2980, s15;
	[sflag:s26] =	ssyncadd.s32 $0xFFFFC000  }
0x74: {  	[tilespmem:s31], [sflag:$0x4] =	stream.linear.gather [hbm4b:s9+s4], $0x80, $0x38;
	[tilespmem:$0x1EA00] =	vst v63  }
0x75: {  	s13 =	simm.s32 $0x280;
	s11 =	simm.s32 $0xFFFFD900;
	s9 =	simm.s32 $0x180  }
.LBB2_4:
0x76: {  	[tilespmem:s29], [sflag:$0x2] =	stream.indirect.gather [hbm4b:s1+s24], $0x80, s9, s24, $0xb8;
	[tilespmem:$0x1EA00] =	vst v63  }
0x77: {  	s15 =	smov.u32 s11;
	s9 =	smov.u32 s13  }
0x78: {  	p0 =	sne.s32 s11, $0xFFFFFF00;
	s11 =	sadd.s32 $0x100, s11;
	_ =	swait.ge [sflag:s2], $0x4000  }
0x79: {  	[sflag:s2] =	ssyncset.done $0x0  }
0x7a: {  	[sflag:s2] =	ssyncadd.s32 $0xFFFFC000  }
0x7b: {  	_ =	swait.ge [sflag:s0], $0x80  }
0x7c: {  	[sflag:s0] =	ssyncset.done $0x0  }
0x7d: {  	[sflag:s0] =	ssyncadd.s32 $0xFFFFFF80  }
0x7e: {  	[spmem:s3] =	stream.indirect.scatter.add.f32 [tilespmem:s28], [sflag:$0x5], $0x80, s30, s24, $0xb8;
	[tilespmem:$0x1EA00] =	vst v63  }
0x7f: {  	_ =	swait.ge [sflag:s26], $0x4000  }
0x80: {  	s15 =	sadd.s32 s15, s16;
	[sflag:s26] =	ssyncset.done $0x0  }
0x81: {  	s17 =	sadd.s32 $0x2900, s15;
	[sflag:s26] =	ssyncadd.s32 $0xFFFFC000  }
0x82: {  	[tilespmem:s30], [sflag:$0x3] =	stream.linear.gather [hbm4b:s17+s4], $0x80, $0x38;
	[tilespmem:$0x1EA00] =	vst v63  }
0x83: {  	s17 =	sadd.s32 $0xFFFFFF80, s13  }
0x84: {  	[tilespmem:s28], [sflag:$0x1] =	stream.indirect.gather [hbm4b:s1+s24], $0x80, s17, s24, $0xb8;
	[tilespmem:$0x1EA00] =	vst v63  }
0x85: {  	_ =	swait.ge [sflag:s25], $0x4000  }
0x86: {  	[sflag:s25] =	ssyncset.done $0x0  }
0x87: {  	[sflag:s25] =	ssyncadd.s32 $0xFFFFC000  }
0x88: {  	_ =	swait.ge [sflag:s6], $0x80  }
0x89: {  	[sflag:s6] =	ssyncset.done $0x0  }
0x8a: {  	[sflag:s6] =	ssyncadd.s32 $0xFFFFFF80  }
0x8b: {  	[spmem:s3] =	stream.indirect.scatter.add.f32 [tilespmem:s29], [sflag:$0x5], $0x80, s31, s24, $0xb8;
	[tilespmem:$0x1EA00] =	vst v63  }
.Ltmp1:
0x8c: {  	_ =	swait.ge [sflag:s26], $0x4000;
	(pc) =	sbr.rel @p0 .LBB2_4-.Ltmp1, $4  }
0x8d: {  	[sflag:s26] =	ssyncset.done $0x0  }
0x8e: {  	s15 =	sadd.s32 $0x2980, s15;
	[sflag:s26] =	ssyncadd.s32 $0xFFFFC000  }
0x8f: {  	[tilespmem:s31], [sflag:$0x4] =	stream.linear.gather [hbm4b:s15+s4], $0x80, $0x38;
	[tilespmem:$0x1EA00] =	vst v63  }
0x90: {  	s13 =	sadd.s32 $0x100, s13  }
0x91: {  	[tilespmem:s29], [sflag:$0x2] =	stream.indirect.gather [hbm4b:s1+s24], $0x80, s9, s24, $0xb8;
	[tilespmem:$0x1EA00] =	vst v63  }
0x92: {  	_ =	swait.ge [sflag:s2], $0x4000  }
0x93: {  	[sflag:s2] =	ssyncset.done $0x0  }
0x94: {  	[sflag:s2] =	ssyncadd.s32 $0xFFFFC000  }
0x95: {  	_ =	swait.ge [sflag:s25], $0x4000  }
0x96: {  	[sflag:s25] =	ssyncset.done $0x0  }
0x97: {  	[sflag:s25] =	ssyncadd.s32 $0xFFFFC000  }
0x98: {  	_ =	swait.ge [sflag:s0], $0x80  }
0x99: {  	[sflag:s0] =	ssyncset.done $0x0  }
0x9a: {  	[sflag:s0] =	ssyncadd.s32 $0xFFFFFF80  }
0x9b: {  	_ =	swait.ge [sflag:s6], $0x80  }
0x9c: {  	s15 =	stileid.u32;
	[sflag:s6] =	ssyncset.done $0x0  }
0x9d: {  	s9 =	sshll.u32 s15, $0x6;
	[sflag:s6] =	ssyncadd.s32 $0xFFFFFF80  }
0x9e: {  	s11 =	sshrl.u32 s5, $0x3;
	s9 =	sor.u32 $0x1C05, s9;
	[bflag:$0x0] =	sbarrier.arrive $0xFFFF  }
0x9f: {  	[hbm:s18], [sflag:s9] =	dma.local [spmem:s11], $0x800  }
0xa0: {  	_ =	swait.ge [sflag:s26], $0x800  }
0xa1: {  	[sflag:s26] =	ssyncset.done $0x0  }
0xa2: {  	s17 =	sshrl.u32 s8, $0x3;
	[sflag:s26] =	ssyncadd.s32 $0xFFFFF800  }
0xa3: {  	[hbm:s19], [sflag:s9] =	dma.local [spmem:s17], $0x800  }
0xa4: {  	_ =	swait.ge [sflag:s26], $0x800  }
0xa5: {  	[sflag:s26] =	ssyncset.done $0x0  }
0xa6: {  	s13 =	sshrl.u32 s10, $0x3;
	[sflag:s26] =	ssyncadd.s32 $0xFFFFF800  }
0xa7: {  	[hbm:s20], [sflag:s9] =	dma.local [spmem:s13], $0x800  }
0xa8: {  	_ =	swait.ge [sflag:s26], $0x800  }
0xa9: {  	[sflag:s26] =	ssyncset.done $0x0  }
0xaa: {  	s15 =	sshrl.u32 s12, $0x3;
	[sflag:s26] =	ssyncadd.s32 $0xFFFFF800  }
0xab: {  	[hbm:s21], [sflag:s9] =	dma.local [spmem:s15], $0x800  }
0xac: {  	s7 =	sadd.s32 $0x1, s7;
	_ =	swait.ge [sflag:s26], $0x800  }
0xad: {  	p0 =	sne.s32 s7, s23;
	[sflag:s26] =	ssyncset.done $0x0  }
.Ltmp2:
0xae: {  	s17 =	sshrl.u32 s14, $0x3;
	[sflag:s26] =	ssyncadd.s32 $0xFFFFF800;
	(pc) =	sbr.rel @p0 .LBB2_1-.Ltmp2, $4  }
0xaf: {  	[hbm:s22], [sflag:s9] =	dma.local [spmem:s17], $0x800  }
0xb0: {  	_ =	swait.ge [sflag:s26], $0x800  }
0xb1: {  	[sflag:s26] =	ssyncset.done $0x0  }
0xb2: {  	[sflag:s26] =	ssyncadd.s32 $0xFFFFF800  }
0xb3: {  	_ =	sfence.sel $0x180000  }
0xb4: {  	[bflag:$0x0] =	sbarrier.arrive $0xFFFF  }
0xb5: {  	_ =	strace $0x90000050  }
0xb6: {  	s0 =	stileid.u32;
	[bflag:$0x2] =	sbarrier.arrive $0xFFFF  }
0xb7: {  	p0 =	sne.s32 s0, $0x0;
	s0 =	rddreg [dreg:$0x3]  }
0xb8: {  	s0 =	sadd.s32 @!p0 $0x100000, s0  }
0xb9: {  	[sflag:s0] =	ssyncadd.tile.s32 @!p0 $0x1;
	_ =	shalt  }
.Lfunc_end2:
_tile_overlayer_lowered:
.L_overlay_start_2:
0xba: {  	(tag) =	ssettag $0x2  }
0xbb: {  	s0 =	rddreg [dreg:$0x0];
	s2 =	stileid.u32  }
0xbc: {  	s1 =	rddreg [dreg:$0x1];
	p0 =	sne.s32 s2, $0x0  }
0xbd: {  	s3 =	rddreg [dreg:$0x2];
	[bflag:$0x3] =	sbarrier.arrive $0xFFFF;
	s2 =	simm.s32 @!p0 $0x1C05  }
0xbe: {  	[timem:s3], [sflag:s2] =	dma.local @!p0 [hbm:s0], s1  }
0xbf: {  	s0 =	simm.s32 @!p0 $0x5  }
0xc0: {  	_ =	swait.ge @!p0 [sflag:s0], s1  }
0xc1: {  	s1 =	ssub.s32 @!p0 $0x0, s1;
	[sflag:s0] =	ssyncset.done @!p0 $0x0  }
0xc2: {  	[sflag:s0] =	ssyncadd.s32 @!p0 s1  }
0xc3: {  	[bflag:$0x3] =	sbarrier.arrive $0xFFFF  }
0xc4: {  	_ =	shalt  }

</sc_bundles>
